<compile_context>
chip_gen: v7x
topology: tpu7x:2x2x1
jax: 0.10.2.dev20260603
libtpu: 0.0.44.dev20260713+nightly
codegen_flags: <defaults>
</compile_context>

<pallas_src>
import functools

import jax
import jax.numpy as jnp
from jax import lax
from jax.experimental import pallas as pl
from jax.experimental.pallas import tpu as pltpu
from jax.experimental.pallas import tpu_sc as plsc

_SUB = 128
_LANES = 16


def _gather_pairs_chunked(table, inv_lin, n_pairs, embed, n):
    info = plsc.get_sparse_core_info()
    nc, ns = info.num_cores, info.num_subcores
    nw = nc * ns
    pairs_per_w = n_pairs // nw
    assert pairs_per_w == 2 * _SUB
    rows_per_j = 2 * n_pairs // _SUB
    w_rows = pairs_per_w // _SUB

    mesh = plsc.VectorSubcoreMesh(core_axis_name="c", subcore_axis_name="s")

    @functools.partial(
        pl.kernel,
        mesh=mesh,
        compiler_params=pltpu.CompilerParams(use_tc_tiling_on_sc=False,
                                             needs_layout_passes=False),
        out_type=jax.ShapeDtypeStruct((n, n_pairs, 2 * embed), jnp.float32),
        scratch_types=[
            pltpu.VMEM((2, n, w_rows, _SUB), jnp.int32),
            pltpu.VMEM((2, 2, pairs_per_w, embed), jnp.float32),
            pltpu.SemaphoreType.DMA,
            pltpu.SemaphoreType.DMA,
            pltpu.SemaphoreType.DMA,
            pltpu.SemaphoreType.DMA,
        ],
    )
    def gather_kernel(table_hbm, inv_hbm, out_hbm, idx_v, bufs,
                      g0, g1, w0, w1):
        wid = lax.axis_index("s") * nc + lax.axis_index("c")
        p0 = wid * pairs_per_w
        gsem = (g0, g1)
        wsem = (w0, w1)
        idx_copies = []
        for b01 in (0, 1):
            for j in range(n):
                src = (j * rows_per_j + b01 * (rows_per_j // 2)
                       + w_rows * wid)
                idx_copies.append(pltpu.async_copy(
                    inv_hbm.at[pl.ds(src, w_rows)], idx_v.at[b01, j], g0))
        for c in idx_copies:
            c.wait()

        def fire(r):
            cur = r % 2
            copies = []
            for par in (0, 1):
                b01, j = divmod(2 * r + par, n)
                for h in (0, 1):
                    copies.append(pltpu.async_copy(
                        table_hbm.at[idx_v.at[b01, j, h]],
                        bufs.at[cur, par, pl.ds(h * _SUB, _SUB)],
                        gsem[cur],
                    ))
            return copies

        def put(r):
            cur = r % 2
            return [
                pltpu.async_copy(
                    bufs.at[cur, par],
                    out_hbm.at[r, pl.ds(p0, pairs_per_w),
                               pl.ds(par * embed, embed)],
                    wsem[cur],
                )
                for par in (0, 1)
            ]

        pending_g = fire(0)
        pending_w = [None, None]
        for r in range(n):
            cur = r % 2
            if r + 1 < n:
                if pending_w[1 - cur] is not None:
                    for c in pending_w[1 - cur]:
                        c.wait()
                next_g = fire(r + 1)
            for c in pending_g:
                c.wait()
            if r + 1 < n:
                pending_g = next_g
            pending_w[cur] = put(r)
        for side in (0, 1):
            for c in pending_w[side]:
                c.wait()

    return gather_kernel(table, inv_lin)


def _mm_body(x_ref, w_ref, b_ref, o_ref):
    n_chunks = x_ref.shape[0]
    acc = None
    for r in range(n_chunks):
        xr = x_ref[r].astype(jnp.bfloat16)
        d = jnp.dot(xr, w_ref[r], preferred_element_type=jnp.float32)
        acc = d if acc is None else acc + d
    acc += b_ref[...]
    half = o_ref.shape[2]
    o_ref[0] = acc[:, :half]
    o_ref[1] = acc[:, half:]


def _matmul_chunks(x9, w9, b2, block_m):
    n_chunks, m, k = x9.shape
    n = w9.shape[2]
    return pl.pallas_call(
        _mm_body,
        grid=(m // block_m,),
        in_specs=[
            pl.BlockSpec((n_chunks, block_m, k), lambda i: (0, i, 0)),
            pl.BlockSpec((n_chunks, k, n), lambda i: (0, 0, 0)),
            pl.BlockSpec((1, n), lambda i: (0, 0)),
        ],
        out_specs=pl.BlockSpec((2, block_m, n // 2), lambda i: (0, i, 0)),
        out_shape=jax.ShapeDtypeStruct((2, m, n // 2), jnp.float32),
    )(x9, w9, b2)


def kernel(inventory, node_embeds, W, b):
    batch, n = inventory.shape
    vocab, embed = node_embeds.shape
    out_dim = W.shape[0]
    n_pairs = batch // 2

    inv_jmaj = inventory.T.reshape(batch * n // _SUB, _SUB)
    x9 = _gather_pairs_chunked(node_embeds, inv_jmaj, n_pairs, embed, n)

    wt = W.T
    blocks = []
    for r in range(n):
        cols = []
        for u in (2 * r, 2 * r + 1):
            b01, j = divmod(u, n)
            piece = wt[j * embed:(j + 1) * embed]
            zero = jnp.zeros_like(piece)
            half = (jnp.concatenate([piece, zero], axis=1) if b01 == 0
                    else jnp.concatenate([zero, piece], axis=1))
            cols.append(half)
        blocks.append(jnp.concatenate(cols, axis=0))
    w9 = jnp.stack(blocks).astype(jnp.bfloat16)
    b2 = jnp.concatenate([b, b]).reshape(1, 2 * out_dim)

    out3 = _matmul_chunks(x9, w9, b2, block_m=2048)
    return out3.reshape(batch, out_dim)

# --- scband reference (transcript-rebuilt; emitter-appended) ---
"""Pipeline reference for scband-linear-inv-block-39204461478204 (READ-ONLY COPY).

The authoritative reference and input builder live on the scoring server;
editing this copy changes nothing except your own understanding.
"""

import jax, jax.numpy as jnp
import numpy as np

BATCH = 16384
VOCAB = 100000
EMBED = 64
N = 9
OUT = 128

def setup_inputs(seed: int = 0) -> dict:
    key = jax.random.key(seed)
    k1, k2, k3, k4 = jax.random.split(key, 4)
    inventory = jax.random.randint(k1, (BATCH, N), 0, VOCAB, dtype=jnp.int32)
    node_embeds = jax.random.normal(k2, (VOCAB, EMBED), dtype=jnp.float32)
    # final_layer params: torch.nn.Linear(n*input_embed_sz, output_size)
    fan_in = N * EMBED
    bound = 1.0 / np.sqrt(fan_in)
    W = jax.random.uniform(k3, (OUT, fan_in), minval=-bound, maxval=bound, dtype=jnp.float32)
    b = jax.random.uniform(k4, (OUT,), minval=-bound, maxval=bound, dtype=jnp.float32)
    return {"inventory": inventory, "node_embeds": node_embeds, "W": W, "b": b}

def reference(inventory, node_embeds, W, b):
    inv = inventory[:, :N]
    inv_flat = inv.reshape(-1)
    embedded_inv = jnp.take(node_embeds, inv_flat, axis=0).reshape(inv.shape[0], -1)
    out = embedded_inv @ W.T + b
    return out

if __name__ == "__main__":
    import jax
    _d = setup_inputs()
    print(jax.jit(kernel)(*tuple(_d.values())))

</pallas_src>

<mosaic_0001>
#map = affine_map<(d0, d1) -> (0, 0)>
#map1 = affine_map<(d0, d1) -> (0, 0, 0)>
module attributes {stable_mosaic.version = 14 : i64} {
  func.func @gather_kernel(%arg0: i32, %arg1: i32, %arg2: memref<100000x64xf32, #tpu.memory_space<hbm>>, %arg3: memref<1152x128xi32, #tpu.memory_space<hbm>>, %arg4: memref<9x8192x128xf32, #tpu.memory_space<hbm>>, %arg5: memref<2x9x2x128xi32, #tpu.memory_space<vmem>>, %arg6: memref<2x2x256x64xf32, #tpu.memory_space<vmem>>, %arg7: memref<!tpu.dma_semaphore, #tpu.memory_space<semaphore_mem>>, %arg8: memref<!tpu.dma_semaphore, #tpu.memory_space<semaphore_mem>>, %arg9: memref<!tpu.dma_semaphore, #tpu.memory_space<semaphore_mem>>, %arg10: memref<!tpu.dma_semaphore, #tpu.memory_space<semaphore_mem>>) attributes {dimension_semantics = [#tpu.dimension_semantics<core_parallel>, #tpu.dimension_semantics<subcore_parallel>], iteration_bounds = array<i64: 2, 16>, scalar_prefetch = 0 : i64, scratch_operands = 6 : i64, tpu.core_type = #tpu.core_type<sc_vector_subcore>, window_params = [{transform_indices = #map}, {transform_indices = #map}, {transform_indices = #map1}]} {
    %mul3A = arith.constant 2 : i32
    %mul3A_0 = arith.muli %arg1, %mul3A : i32
    %add3A = arith.addi %mul3A_0, %arg0 : i32
    %mul3A_1 = arith.constant 256 : i32
    %mul3A_2 = arith.muli %add3A, %mul3A_1 : i32
    %mul3A_3 = arith.constant 2 : i32
    %mul3A_4 = arith.muli %mul3A_3, %add3A : i32
    %add3A_5 = arith.constant 0 : i32
    %add3A_6 = arith.addi %add3A_5, %mul3A_4 : i32
    %dma_start3A = arith.constant 0 : i32
    %dma_start3A_7 = arith.constant 0 : i32
    %dma_start3A_8 = arith.constant 0 : i32
    %dma_start3A_9 = arith.constant 0 : i32
    %dma_start3A_10 = tpu.memref_slice %arg5[%dma_start3A, %dma_start3A_7, %dma_start3A_8, %dma_start3A_9] : memref<2x9x2x128xi32, #tpu.memory_space<vmem>> -> memref<1x1x2x128xi32, #tpu.memory_space<vmem>>
    %dma_start3A_11 = tpu.memref_squeeze %dma_start3A_10 : memref<1x1x2x128xi32, #tpu.memory_space<vmem>> -> memref<2x128xi32, #tpu.memory_space<vmem>>
    %dma_start3A_12 = arith.constant 0 : i32
    %dma_start3A_13 = tpu.memref_slice %arg3[%add3A_6, %dma_start3A_12] : memref<1152x128xi32, #tpu.memory_space<hbm>> -> memref<2x128xi32, #tpu.memory_space<hbm>>
    %dma_start3A_14 = arith.constant 0 : i32
    %dma_start3A_15 = arith.constant 0 : i32
    %dma_start3A_16 = tpu.memref_slice %arg5[%dma_start3A, %dma_start3A_7, %dma_start3A_14, %dma_start3A_15] : memref<2x9x2x128xi32, #tpu.memory_space<vmem>> -> memref<1x1x2x128xi32, #tpu.memory_space<vmem>>
    %dma_start3A_17 = tpu.memref_squeeze %dma_start3A_16 : memref<1x1x2x128xi32, #tpu.memory_space<vmem>> -> memref<2x128xi32, #tpu.memory_space<vmem>>
    %dma_start3A_18 = arith.constant 0 : i32
    %dma_start3A_19 = tpu.memref_slice %arg3[%add3A_6, %dma_start3A_18] : memref<1152x128xi32, #tpu.memory_space<hbm>> -> memref<2x128xi32, #tpu.memory_space<hbm>>
    tpu.enqueue_dma source(%dma_start3A_19 : memref<2x128xi32, #tpu.memory_space<hbm>>) target(%dma_start3A_17 : memref<2x128xi32, #tpu.memory_space<vmem>>) target_semaphore(%arg7 : memref<!tpu.dma_semaphore, #tpu.memory_space<semaphore_mem>>)
    %mul3A_20 = arith.constant 2 : i32
    %mul3A_21 = arith.muli %mul3A_20, %add3A : i32
    %add3A_22 = arith.constant 128 : i32
    %add3A_23 = arith.addi %add3A_22, %mul3A_21 : i32
    %dma_start3A_24 = arith.constant 0 : i32
    %dma_start3A_25 = arith.constant 1 : i32
    %dma_start3A_26 = arith.constant 0 : i32
    %dma_start3A_27 = arith.constant 0 : i32
    %dma_start3A_28 = tpu.memref_slice %arg5[%dma_start3A_24, %dma_start3A_25, %dma_start3A_26, %dma_start3A_27] : memref<2x9x2x128xi32, #tpu.memory_space<vmem>> -> memref<1x1x2x128xi32, #tpu.memory_space<vmem>>
    %dma_start3A_29 = tpu.memref_squeeze %dma_start3A_28 : memref<1x1x2x128xi32, #tpu.memory_space<vmem>> -> memref<2x128xi32, #tpu.memory_space<vmem>>
    %dma_start3A_30 = arith.constant 0 : i32
    %dma_start3A_31 = tpu.memref_slice %arg3[%add3A_23, %dma_start3A_30] : memref<1152x128xi32, #tpu.memory_space<hbm>> -> memref<2x128xi32, #tpu.memory_space<hbm>>
    %dma_start3A_32 = arith.constant 0 : i32
    %dma_start3A_33 = arith.constant 0 : i32
    %dma_start3A_34 = tpu.memref_slice %arg5[%dma_start3A_24, %dma_start3A_25, %dma_start3A_32, %dma_start3A_33] : memref<2x9x2x128xi32, #tpu.memory_space<vmem>> -> memref<1x1x2x128xi32, #tpu.memory_space<vmem>>
    %dma_start3A_35 = tpu.memref_squeeze %dma_start3A_34 : memref<1x1x2x128xi32, #tpu.memory_space<vmem>> -> memref<2x128xi32, #tpu.memory_space<vmem>>
    %dma_start3A_36 = arith.constant 0 : i32
    %dma_start3A_37 = tpu.memref_slice %arg3[%add3A_23, %dma_start3A_36] : memref<1152x128xi32, #tpu.memory_space<hbm>> -> memref<2x128xi32, #tpu.memory_space<hbm>>
    tpu.enqueue_dma source(%dma_start3A_37 : memref<2x128xi32, #tpu.memory_space<hbm>>) target(%dma_start3A_35 : memref<2x128xi32, #tpu.memory_space<vmem>>) target_semaphore(%arg7 : memref<!tpu.dma_semaphore, #tpu.memory_space<semaphore_mem>>)
    %mul3A_38 = arith.constant 2 : i32
    %mul3A_39 = arith.muli %mul3A_38, %add3A : i32
    %add3A_40 = arith.constant 256 : i32
    %add3A_41 = arith.addi %add3A_40, %mul3A_39 : i32
    %dma_start3A_42 = arith.constant 0 : i32
    %dma_start3A_43 = arith.constant 2 : i32
    %dma_start3A_44 = arith.constant 0 : i32
    %dma_start3A_45 = arith.constant 0 : i32
    %dma_start3A_46 = tpu.memref_slice %arg5[%dma_start3A_42, %dma_start3A_43, %dma_start3A_44, %dma_start3A_45] : memref<2x9x2x128xi32, #tpu.memory_space<vmem>> -> memref<1x1x2x128xi32, #tpu.memory_space<vmem>>
    %dma_start3A_47 = tpu.memref_squeeze %dma_start3A_46 : memref<1x1x2x128xi32, #tpu.memory_space<vmem>> -> memref<2x128xi32, #tpu.memory_space<vmem>>
    %dma_start3A_48 = arith.constant 0 : i32
    %dma_start3A_49 = tpu.memref_slice %arg3[%add3A_41, %dma_start3A_48] : memref<1152x128xi32, #tpu.memory_space<hbm>> -> memref<2x128xi32, #tpu.memory_space<hbm>>
    %dma_start3A_50 = arith.constant 0 : i32
    %dma_start3A_51 = arith.constant 0 : i32
    %dma_start3A_52 = tpu.memref_slice %arg5[%dma_start3A_42, %dma_start3A_43, %dma_start3A_50, %dma_start3A_51] : memref<2x9x2x128xi32, #tpu.memory_space<vmem>> -> memref<1x1x2x128xi32, #tpu.memory_space<vmem>>
    %dma_start3A_53 = tpu.memref_squeeze %dma_start3A_52 : memref<1x1x2x128xi32, #tpu.memory_space<vmem>> -> memref<2x128xi32, #tpu.memory_space<vmem>>
    %dma_start3A_54 = arith.constant 0 : i32
    %dma_start3A_55 = tpu.memref_slice %arg3[%add3A_41, %dma_start3A_54] : memref<1152x128xi32, #tpu.memory_space<hbm>> -> memref<2x128xi32, #tpu.memory_space<hbm>>
    tpu.enqueue_dma source(%dma_start3A_55 : memref<2x128xi32, #tpu.memory_space<hbm>>) target(%dma_start3A_53 : memref<2x128xi32, #tpu.memory_space<vmem>>) target_semaphore(%arg7 : memref<!tpu.dma_semaphore, #tpu.memory_space<semaphore_mem>>)
    %mul3A_56 = arith.constant 2 : i32
    %mul3A_57 = arith.muli %mul3A_56, %add3A : i32
    %add3A_58 = arith.constant 384 : i32
    %add3A_59 = arith.addi %add3A_58, %mul3A_57 : i32
    %dma_start3A_60 = arith.constant 0 : i32
    %dma_start3A_61 = arith.constant 3 : i32
    %dma_start3A_62 = arith.constant 0 : i32
    %dma_start3A_63 = arith.constant 0 : i32
    %dma_start3A_64 = tpu.memref_slice %arg5[%dma_start3A_60, %dma_start3A_61, %dma_start3A_62, %dma_start3A_63] : memref<2x9x2x128xi32, #tpu.memory_space<vmem>> -> memref<1x1x2x128xi32, #tpu.memory_space<vmem>>
    %dma_start3A_65 = tpu.memref_squeeze %dma_start3A_64 : memref<1x1x2x128xi32, #tpu.memory_space<vmem>> -> memref<2x128xi32, #tpu.memory_space<vmem>>
    %dma_start3A_66 = arith.constant 0 : i32
    %dma_start3A_67 = tpu.memref_slice %arg3[%add3A_59, %dma_start3A_66] : memref<1152x128xi32, #tpu.memory_space<hbm>> -> memref<2x128xi32, #tpu.memory_space<hbm>>
    %dma_start3A_68 = arith.constant 0 : i32
    %dma_start3A_69 = arith.constant 0 : i32
    %dma_start3A_70 = tpu.memref_slice %arg5[%dma_start3A_60, %dma_start3A_61, %dma_start3A_68, %dma_start3A_69] : memref<2x9x2x128xi32, #tpu.memory_space<vmem>> -> memref<1x1x2x128xi32, #tpu.memory_space<vmem>>
    %dma_start3A_71 = tpu.memref_squeeze %dma_start3A_70 : memref<1x1x2x128xi32, #tpu.memory_space<vmem>> -> memref<2x128xi32, #tpu.memory_space<vmem>>
    %dma_start3A_72 = arith.constant 0 : i32
    %dma_start3A_73 = tpu.memref_slice %arg3[%add3A_59, %dma_start3A_72] : memref<1152x128xi32, #tpu.memory_space<hbm>> -> memref<2x128xi32, #tpu.memory_space<hbm>>
    tpu.enqueue_dma source(%dma_start3A_73 : memref<2x128xi32, #tpu.memory_space<hbm>>) target(%dma_start3A_71 : memref<2x128xi32, #tpu.memory_space<vmem>>) target_semaphore(%arg7 : memref<!tpu.dma_semaphore, #tpu.memory_space<semaphore_mem>>)
    %mul3A_74 = arith.constant 2 : i32
    %mul3A_75 = arith.muli %mul3A_74, %add3A : i32
    %add3A_76 = arith.constant 512 : i32
    %add3A_77 = arith.addi %add3A_76, %mul3A_75 : i32
    %dma_start3A_78 = arith.constant 0 : i32
    %dma_start3A_79 = arith.constant 4 : i32
    %dma_start3A_80 = arith.constant 0 : i32
    %dma_start3A_81 = arith.constant 0 : i32
    %dma_start3A_82 = tpu.memref_slice %arg5[%dma_start3A_78, %dma_start3A_79, %dma_start3A_80, %dma_start3A_81] : memref<2x9x2x128xi32, #tpu.memory_space<vmem>> -> memref<1x1x2x128xi32, #tpu.memory_space<vmem>>
    %dma_start3A_83 = tpu.memref_squeeze %dma_start3A_82 : memref<1x1x2x128xi32, #tpu.memory_space<vmem>> -> memref<2x128xi32, #tpu.memory_space<vmem>>
    %dma_start3A_84 = arith.constant 0 : i32
    %dma_start3A_85 = tpu.memref_slice %arg3[%add3A_77, %dma_start3A_84] : memref<1152x128xi32, #tpu.memory_space<hbm>> -> memref<2x128xi32, #tpu.memory_space<hbm>>
    %dma_start3A_86 = arith.constant 0 : i32
    %dma_start3A_87 = arith.constant 0 : i32
    %dma_start3A_88 = tpu.memref_slice %arg5[%dma_start3A_78, %dma_start3A_79, %dma_start3A_86, %dma_start3A_87] : memref<2x9x2x128xi32, #tpu.memory_space<vmem>> -> memref<1x1x2x128xi32, #tpu.memory_space<vmem>>
    %dma_start3A_89 = tpu.memref_squeeze %dma_start3A_88 : memref<1x1x2x128xi32, #tpu.memory_space<vmem>> -> memref<2x128xi32, #tpu.memory_space<vmem>>
    %dma_start3A_90 = arith.constant 0 : i32
    %dma_start3A_91 = tpu.memref_slice %arg3[%add3A_77, %dma_start3A_90] : memref<1152x128xi32, #tpu.memory_space<hbm>> -> memref<2x128xi32, #tpu.memory_space<hbm>>
    tpu.enqueue_dma source(%dma_start3A_91 : memref<2x128xi32, #tpu.memory_space<hbm>>) target(%dma_start3A_89 : memref<2x128xi32, #tpu.memory_space<vmem>>) target_semaphore(%arg7 : memref<!tpu.dma_semaphore, #tpu.memory_space<semaphore_mem>>)
    %mul3A_92 = arith.constant 2 : i32
    %mul3A_93 = arith.muli %mul3A_92, %add3A : i32
    %add3A_94 = arith.constant 640 : i32
    %add3A_95 = arith.addi %add3A_94, %mul3A_93 : i32
    %dma_start3A_96 = arith.constant 0 : i32
    %dma_start3A_97 = arith.constant 5 : i32
    %dma_start3A_98 = arith.constant 0 : i32
    %dma_start3A_99 = arith.constant 0 : i32
    %dma_start3A_100 = tpu.memref_slice %arg5[%dma_start3A_96, %dma_start3A_97, %dma_start3A_98, %dma_start3A_99] : memref<2x9x2x128xi32, #tpu.memory_space<vmem>> -> memref<1x1x2x128xi32, #tpu.memory_space<vmem>>
    %dma_start3A_101 = tpu.memref_squeeze %dma_start3A_100 : memref<1x1x2x128xi32, #tpu.memory_space<vmem>> -> memref<2x128xi32, #tpu.memory_space<vmem>>
    %dma_start3A_102 = arith.constant 0 : i32
    %dma_start3A_103 = tpu.memref_slice %arg3[%add3A_95, %dma_start3A_102] : memref<1152x128xi32, #tpu.memory_space<hbm>> -> memref<2x128xi32, #tpu.memory_space<hbm>>
    %dma_start3A_104 = arith.constant 0 : i32
    %dma_start3A_105 = arith.constant 0 : i32
    %dma_start3A_106 = tpu.memref_slice %arg5[%dma_start3A_96, %dma_start3A_97, %dma_start3A_104, %dma_start3A_105] : memref<2x9x2x128xi32, #tpu.memory_space<vmem>> -> memref<1x1x2x128xi32, #tpu.memory_space<vmem>>
    %dma_start3A_107 = tpu.memref_squeeze %dma_start3A_106 : memref<1x1x2x128xi32, #tpu.memory_space<vmem>> -> memref<2x128xi32, #tpu.memory_space<vmem>>
    %dma_start3A_108 = arith.constant 0 : i32
    %dma_start3A_109 = tpu.memref_slice %arg3[%add3A_95, %dma_start3A_108] : memref<1152x128xi32, #tpu.memory_space<hbm>> -> memref<2x128xi32, #tpu.memory_space<hbm>>
    tpu.enqueue_dma source(%dma_start3A_109 : memref<2x128xi32, #tpu.memory_space<hbm>>) target(%dma_start3A_107 : memref<2x128xi32, #tpu.memory_space<vmem>>) target_semaphore(%arg7 : memref<!tpu.dma_semaphore, #tpu.memory_space<semaphore_mem>>)
    %mul3A_110 = arith.constant 2 : i32
    %mul3A_111 = arith.muli %mul3A_110, %add3A : i32
    %add3A_112 = arith.constant 768 : i32
    %add3A_113 = arith.addi %add3A_112, %mul3A_111 : i32
    %dma_start3A_114 = arith.constant 0 : i32
    %dma_start3A_115 = arith.constant 6 : i32
    %dma_start3A_116 = arith.constant 0 : i32
    %dma_start3A_117 = arith.constant 0 : i32
    %dma_start3A_118 = tpu.memref_slice %arg5[%dma_start3A_114, %dma_start3A_115, %dma_start3A_116, %dma_start3A_117] : memref<2x9x2x128xi32, #tpu.memory_space<vmem>> -> memref<1x1x2x128xi32, #tpu.memory_space<vmem>>
    %dma_start3A_119 = tpu.memref_squeeze %dma_start3A_118 : memref<1x1x2x128xi32, #tpu.memory_space<vmem>> -> memref<2x128xi32, #tpu.memory_space<vmem>>
    %dma_start3A_120 = arith.constant 0 : i32
    %dma_start3A_121 = tpu.memref_slice %arg3[%add3A_113, %dma_start3A_120] : memref<1152x128xi32, #tpu.memory_space<hbm>> -> memref<2x128xi32, #tpu.memory_space<hbm>>
    %dma_start3A_122 = arith.constant 0 : i32
    %dma_start3A_123 = arith.constant 0 : i32
    %dma_start3A_124 = tpu.memref_slice %arg5[%dma_start3A_114, %dma_start3A_115, %dma_start3A_122, %dma_start3A_123] : memref<2x9x2x128xi32, #tpu.memory_space<vmem>> -> memref<1x1x2x128xi32, #tpu.memory_space<vmem>>
    %dma_start3A_125 = tpu.memref_squeeze %dma_start3A_124 : memref<1x1x2x128xi32, #tpu.memory_space<vmem>> -> memref<2x128xi32, #tpu.memory_space<vmem>>
    %dma_start3A_126 = arith.constant 0 : i32
    %dma_start3A_127 = tpu.memref_slice %arg3[%add3A_113, %dma_start3A_126] : memref<1152x128xi32, #tpu.memory_space<hbm>> -> memref<2x128xi32, #tpu.memory_space<hbm>>
    tpu.enqueue_dma source(%dma_start3A_127 : memref<2x128xi32, #tpu.memory_space<hbm>>) target(%dma_start3A_125 : memref<2x128xi32, #tpu.memory_space<vmem>>) target_semaphore(%arg7 : memref<!tpu.dma_semaphore, #tpu.memory_space<semaphore_mem>>)
    %mul3A_128 = arith.constant 2 : i32
    %mul3A_129 = arith.muli %mul3A_128, %add3A : i32
    %add3A_130 = arith.constant 896 : i32
    %add3A_131 = arith.addi %add3A_130, %mul3A_129 : i32
    %dma_start3A_132 = arith.constant 0 : i32
    %dma_start3A_133 = arith.constant 7 : i32
    %dma_start3A_134 = arith.constant 0 : i32
    %dma_start3A_135 = arith.constant 0 : i32
    %dma_start3A_136 = tpu.memref_slice %arg5[%dma_start3A_132, %dma_start3A_133, %dma_start3A_134, %dma_start3A_135] : memref<2x9x2x128xi32, #tpu.memory_space<vmem>> -> memref<1x1x2x128xi32, #tpu.memory_space<vmem>>
    %dma_start3A_137 = tpu.memref_squeeze %dma_start3A_136 : memref<1x1x2x128xi32, #tpu.memory_space<vmem>> -> memref<2x128xi32, #tpu.memory_space<vmem>>
    %dma_start3A_138 = arith.constant 0 : i32
    %dma_start3A_139 = tpu.memref_slice %arg3[%add3A_131, %dma_start3A_138] : memref<1152x128xi32, #tpu.memory_space<hbm>> -> memref<2x128xi32, #tpu.memory_space<hbm>>
    %dma_start3A_140 = arith.constant 0 : i32
    %dma_start3A_141 = arith.constant 0 : i32
    %dma_start3A_142 = tpu.memref_slice %arg5[%dma_start3A_132, %dma_start3A_133, %dma_start3A_140, %dma_start3A_141] : memref<2x9x2x128xi32, #tpu.memory_space<vmem>> -> memref<1x1x2x128xi32, #tpu.memory_space<vmem>>
    %dma_start3A_143 = tpu.memref_squeeze %dma_start3A_142 : memref<1x1x2x128xi32, #tpu.memory_space<vmem>> -> memref<2x128xi32, #tpu.memory_space<vmem>>
    %dma_start3A_144 = arith.constant 0 : i32
    %dma_start3A_145 = tpu.memref_slice %arg3[%add3A_131, %dma_start3A_144] : memref<1152x128xi32, #tpu.memory_space<hbm>> -> memref<2x128xi32, #tpu.memory_space<hbm>>
    tpu.enqueue_dma source(%dma_start3A_145 : memref<2x128xi32, #tpu.memory_space<hbm>>) target(%dma_start3A_143 : memref<2x128xi32, #tpu.memory_space<vmem>>) target_semaphore(%arg7 : memref<!tpu.dma_semaphore, #tpu.memory_space<semaphore_mem>>)
    %mul3A_146 = arith.constant 2 : i32
    %mul3A_147 = arith.muli %mul3A_146, %add3A : i32
    %add3A_148 = arith.constant 1024 : i32
    %add3A_149 = arith.addi %add3A_148, %mul3A_147 : i32
    %dma_start3A_150 = arith.constant 0 : i32
    %dma_start3A_151 = arith.constant 8 : i32
    %dma_start3A_152 = arith.constant 0 : i32
    %dma_start3A_153 = arith.constant 0 : i32
    %dma_start3A_154 = tpu.memref_slice %arg5[%dma_start3A_150, %dma_start3A_151, %dma_start3A_152, %dma_start3A_153] : memref<2x9x2x128xi32, #tpu.memory_space<vmem>> -> memref<1x1x2x128xi32, #tpu.memory_space<vmem>>
    %dma_start3A_155 = tpu.memref_squeeze %dma_start3A_154 : memref<1x1x2x128xi32, #tpu.memory_space<vmem>> -> memref<2x128xi32, #tpu.memory_space<vmem>>
    %dma_start3A_156 = arith.constant 0 : i32
    %dma_start3A_157 = tpu.memref_slice %arg3[%add3A_149, %dma_start3A_156] : memref<1152x128xi32, #tpu.memory_space<hbm>> -> memref<2x128xi32, #tpu.memory_space<hbm>>
    %dma_start3A_158 = arith.constant 0 : i32
    %dma_start3A_159 = arith.constant 0 : i32
    %dma_start3A_160 = tpu.memref_slice %arg5[%dma_start3A_150, %dma_start3A_151, %dma_start3A_158, %dma_start3A_159] : memref<2x9x2x128xi32, #tpu.memory_space<vmem>> -> memref<1x1x2x128xi32, #tpu.memory_space<vmem>>
    %dma_start3A_161 = tpu.memref_squeeze %dma_start3A_160 : memref<1x1x2x128xi32, #tpu.memory_space<vmem>> -> memref<2x128xi32, #tpu.memory_space<vmem>>
    %dma_start3A_162 = arith.constant 0 : i32
    %dma_start3A_163 = tpu.memref_slice %arg3[%add3A_149, %dma_start3A_162] : memref<1152x128xi32, #tpu.memory_space<hbm>> -> memref<2x128xi32, #tpu.memory_space<hbm>>
    tpu.enqueue_dma source(%dma_start3A_163 : memref<2x128xi32, #tpu.memory_space<hbm>>) target(%dma_start3A_161 : memref<2x128xi32, #tpu.memory_space<vmem>>) target_semaphore(%arg7 : memref<!tpu.dma_semaphore, #tpu.memory_space<semaphore_mem>>)
    %mul3A_164 = arith.constant 2 : i32
    %mul3A_165 = arith.muli %mul3A_164, %add3A : i32
    %add3A_166 = arith.constant 64 : i32
    %add3A_167 = arith.addi %add3A_166, %mul3A_165 : i32
    %dma_start3A_168 = arith.constant 1 : i32
    %dma_start3A_169 = arith.constant 0 : i32
    %dma_start3A_170 = arith.constant 0 : i32
    %dma_start3A_171 = arith.constant 0 : i32
    %dma_start3A_172 = tpu.memref_slice %arg5[%dma_start3A_168, %dma_start3A_169, %dma_start3A_170, %dma_start3A_171] : memref<2x9x2x128xi32, #tpu.memory_space<vmem>> -> memref<1x1x2x128xi32, #tpu.memory_space<vmem>>
    %dma_start3A_173 = tpu.memref_squeeze %dma_start3A_172 : memref<1x1x2x128xi32, #tpu.memory_space<vmem>> -> memref<2x128xi32, #tpu.memory_space<vmem>>
    %dma_start3A_174 = arith.constant 0 : i32
    %dma_start3A_175 = tpu.memref_slice %arg3[%add3A_167, %dma_start3A_174] : memref<1152x128xi32, #tpu.memory_space<hbm>> -> memref<2x128xi32, #tpu.memory_space<hbm>>
    %dma_start3A_176 = arith.constant 0 : i32
    %dma_start3A_177 = arith.constant 0 : i32
    %dma_start3A_178 = tpu.memref_slice %arg5[%dma_start3A_168, %dma_start3A_169, %dma_start3A_176, %dma_start3A_177] : memref<2x9x2x128xi32, #tpu.memory_space<vmem>> -> memref<1x1x2x128xi32, #tpu.memory_space<vmem>>
    %dma_start3A_179 = tpu.memref_squeeze %dma_start3A_178 : memref<1x1x2x128xi32, #tpu.memory_space<vmem>> -> memref<2x128xi32, #tpu.memory_space<vmem>>
    %dma_start3A_180 = arith.constant 0 : i32
    %dma_start3A_181 = tpu.memref_slice %arg3[%add3A_167, %dma_start3A_180] : memref<1152x128xi32, #tpu.memory_space<hbm>> -> memref<2x128xi32, #tpu.memory_space<hbm>>
    tpu.enqueue_dma source(%dma_start3A_181 : memref<2x128xi32, #tpu.memory_space<hbm>>) target(%dma_start3A_179 : memref<2x128xi32, #tpu.memory_space<vmem>>) target_semaphore(%arg7 : memref<!tpu.dma_semaphore, #tpu.memory_space<semaphore_mem>>)
    %mul3A_182 = arith.constant 2 : i32
    %mul3A_183 = arith.muli %mul3A_182, %add3A : i32
    %add3A_184 = arith.constant 192 : i32
    %add3A_185 = arith.addi %add3A_184, %mul3A_183 : i32
    %dma_start3A_186 = arith.constant 1 : i32
    %dma_start3A_187 = arith.constant 1 : i32
    %dma_start3A_188 = arith.constant 0 : i32
    %dma_start3A_189 = arith.constant 0 : i32
    %dma_start3A_190 = tpu.memref_slice %arg5[%dma_start3A_186, %dma_start3A_187, %dma_start3A_188, %dma_start3A_189] : memref<2x9x2x128xi32, #tpu.memory_space<vmem>> -> memref<1x1x2x128xi32, #tpu.memory_space<vmem>>
    %dma_start3A_191 = tpu.memref_squeeze %dma_start3A_190 : memref<1x1x2x128xi32, #tpu.memory_space<vmem>> -> memref<2x128xi32, #tpu.memory_space<vmem>>
    %dma_start3A_192 = arith.constant 0 : i32
    %dma_start3A_193 = tpu.memref_slice %arg3[%add3A_185, %dma_start3A_192] : memref<1152x128xi32, #tpu.memory_space<hbm>> -> memref<2x128xi32, #tpu.memory_space<hbm>>
    %dma_start3A_194 = arith.constant 0 : i32
    %dma_start3A_195 = arith.constant 0 : i32
    %dma_start3A_196 = tpu.memref_slice %arg5[%dma_start3A_186, %dma_start3A_187, %dma_start3A_194, %dma_start3A_195] : memref<2x9x2x128xi32, #tpu.memory_space<vmem>> -> memref<1x1x2x128xi32, #tpu.memory_space<vmem>>
    %dma_start3A_197 = tpu.memref_squeeze %dma_start3A_196 : memref<1x1x2x128xi32, #tpu.memory_space<vmem>> -> memref<2x128xi32, #tpu.memory_space<vmem>>
    %dma_start3A_198 = arith.constant 0 : i32
    %dma_start3A_199 = tpu.memref_slice %arg3[%add3A_185, %dma_start3A_198] : memref<1152x128xi32, #tpu.memory_space<hbm>> -> memref<2x128xi32, #tpu.memory_space<hbm>>
    tpu.enqueue_dma source(%dma_start3A_199 : memref<2x128xi32, #tpu.memory_space<hbm>>) target(%dma_start3A_197 : memref<2x128xi32, #tpu.memory_space<vmem>>) target_semaphore(%arg7 : memref<!tpu.dma_semaphore, #tpu.memory_space<semaphore_mem>>)
    %mul3A_200 = arith.constant 2 : i32
    %mul3A_201 = arith.muli %mul3A_200, %add3A : i32
    %add3A_202 = arith.constant 320 : i32
    %add3A_203 = arith.addi %add3A_202, %mul3A_201 : i32
    %dma_start3A_204 = arith.constant 1 : i32
    %dma_start3A_205 = arith.constant 2 : i32
    %dma_start3A_206 = arith.constant 0 : i32
    %dma_start3A_207 = arith.constant 0 : i32
    %dma_start3A_208 = tpu.memref_slice %arg5[%dma_start3A_204, %dma_start3A_205, %dma_start3A_206, %dma_start3A_207] : memref<2x9x2x128xi32, #tpu.memory_space<vmem>> -> memref<1x1x2x128xi32, #tpu.memory_space<vmem>>
    %dma_start3A_209 = tpu.memref_squeeze %dma_start3A_208 : memref<1x1x2x128xi32, #tpu.memory_space<vmem>> -> memref<2x128xi32, #tpu.memory_space<vmem>>
    %dma_start3A_210 = arith.constant 0 : i32
    %dma_start3A_211 = tpu.memref_slice %arg3[%add3A_203, %dma_start3A_210] : memref<1152x128xi32, #tpu.memory_space<hbm>> -> memref<2x128xi32, #tpu.memory_space<hbm>>
    %dma_start3A_212 = arith.constant 0 : i32
    %dma_start3A_213 = arith.constant 0 : i32
    %dma_start3A_214 = tpu.memref_slice %arg5[%dma_start3A_204, %dma_start3A_205, %dma_start3A_212, %dma_start3A_213] : memref<2x9x2x128xi32, #tpu.memory_space<vmem>> -> memref<1x1x2x128xi32, #tpu.memory_space<vmem>>
    %dma_start3A_215 = tpu.memref_squeeze %dma_start3A_214 : memref<1x1x2x128xi32, #tpu.memory_space<vmem>> -> memref<2x128xi32, #tpu.memory_space<vmem>>
    %dma_start3A_216 = arith.constant 0 : i32
    %dma_start3A_217 = tpu.memref_slice %arg3[%add3A_203, %dma_start3A_216] : memref<1152x128xi32, #tpu.memory_space<hbm>> -> memref<2x128xi32, #tpu.memory_space<hbm>>
    tpu.enqueue_dma source(%dma_start3A_217 : memref<2x128xi32, #tpu.memory_space<hbm>>) target(%dma_start3A_215 : memref<2x128xi32, #tpu.memory_space<vmem>>) target_semaphore(%arg7 : memref<!tpu.dma_semaphore, #tpu.memory_space<semaphore_mem>>)
    %mul3A_218 = arith.constant 2 : i32
    %mul3A_219 = arith.muli %mul3A_218, %add3A : i32
    %add3A_220 = arith.constant 448 : i32
    %add3A_221 = arith.addi %add3A_220, %mul3A_219 : i32
    %dma_start3A_222 = arith.constant 1 : i32
    %dma_start3A_223 = arith.constant 3 : i32
    %dma_start3A_224 = arith.constant 0 : i32
    %dma_start3A_225 = arith.constant 0 : i32
    %dma_start3A_226 = tpu.memref_slice %arg5[%dma_start3A_222, %dma_start3A_223, %dma_start3A_224, %dma_start3A_225] : memref<2x9x2x128xi32, #tpu.memory_space<vmem>> -> memref<1x1x2x128xi32, #tpu.memory_space<vmem>>
    %dma_start3A_227 = tpu.memref_squeeze %dma_start3A_226 : memref<1x1x2x128xi32, #tpu.memory_space<vmem>> -> memref<2x128xi32, #tpu.memory_space<vmem>>
    %dma_start3A_228 = arith.constant 0 : i32
    %dma_start3A_229 = tpu.memref_slice %arg3[%add3A_221, %dma_start3A_228] : memref<1152x128xi32, #tpu.memory_space<hbm>> -> memref<2x128xi32, #tpu.memory_space<hbm>>
    %dma_start3A_230 = arith.constant 0 : i32
    %dma_start3A_231 = arith.constant 0 : i32
    %dma_start3A_232 = tpu.memref_slice %arg5[%dma_start3A_222, %dma_start3A_223, %dma_start3A_230, %dma_start3A_231] : memref<2x9x2x128xi32, #tpu.memory_space<vmem>> -> memref<1x1x2x128xi32, #tpu.memory_space<vmem>>
    %dma_start3A_233 = tpu.memref_squeeze %dma_start3A_232 : memref<1x1x2x128xi32, #tpu.memory_space<vmem>> -> memref<2x128xi32, #tpu.memory_space<vmem>>
    %dma_start3A_234 = arith.constant 0 : i32
    %dma_start3A_235 = tpu.memref_slice %arg3[%add3A_221, %dma_start3A_234] : memref<1152x128xi32, #tpu.memory_space<hbm>> -> memref<2x128xi32, #tpu.memory_space<hbm>>
    tpu.enqueue_dma source(%dma_start3A_235 : memref<2x128xi32, #tpu.memory_space<hbm>>) target(%dma_start3A_233 : memref<2x128xi32, #tpu.memory_space<vmem>>) target_semaphore(%arg7 : memref<!tpu.dma_semaphore, #tpu.memory_space<semaphore_mem>>)
    %mul3A_236 = arith.constant 2 : i32
    %mul3A_237 = arith.muli %mul3A_236, %add3A : i32
    %add3A_238 = arith.constant 576 : i32
    %add3A_239 = arith.addi %add3A_238, %mul3A_237 : i32
    %dma_start3A_240 = arith.constant 1 : i32
    %dma_start3A_241 = arith.constant 4 : i32
    %dma_start3A_242 = arith.constant 0 : i32
    %dma_start3A_243 = arith.constant 0 : i32
    %dma_start3A_244 = tpu.memref_slice %arg5[%dma_start3A_240, %dma_start3A_241, %dma_start3A_242, %dma_start3A_243] : memref<2x9x2x128xi32, #tpu.memory_space<vmem>> -> memref<1x1x2x128xi32, #tpu.memory_space<vmem>>
    %dma_start3A_245 = tpu.memref_squeeze %dma_start3A_244 : memref<1x1x2x128xi32, #tpu.memory_space<vmem>> -> memref<2x128xi32, #tpu.memory_space<vmem>>
    %dma_start3A_246 = arith.constant 0 : i32
    %dma_start3A_247 = tpu.memref_slice %arg3[%add3A_239, %dma_start3A_246] : memref<1152x128xi32, #tpu.memory_space<hbm>> -> memref<2x128xi32, #tpu.memory_space<hbm>>
    %dma_start3A_248 = arith.constant 0 : i32
    %dma_start3A_249 = arith.constant 0 : i32
    %dma_start3A_250 = tpu.memref_slice %arg5[%dma_start3A_240, %dma_start3A_241, %dma_start3A_248, %dma_start3A_249] : memref<2x9x2x128xi32, #tpu.memory_space<vmem>> -> memref<1x1x2x128xi32, #tpu.memory_space<vmem>>
    %dma_start3A_251 = tpu.memref_squeeze %dma_start3A_250 : memref<1x1x2x128xi32, #tpu.memory_space<vmem>> -> memref<2x128xi32, #tpu.memory_space<vmem>>
    %dma_start3A_252 = arith.constant 0 : i32
    %dma_start3A_253 = tpu.memref_slice %arg3[%add3A_239, %dma_start3A_252] : memref<1152x128xi32, #tpu.memory_space<hbm>> -> memref<2x128xi32, #tpu.memory_space<hbm>>
    tpu.enqueue_dma source(%dma_start3A_253 : memref<2x128xi32, #tpu.memory_space<hbm>>) target(%dma_start3A_251 : memref<2x128xi32, #tpu.memory_space<vmem>>) target_semaphore(%arg7 : memref<!tpu.dma_semaphore, #tpu.memory_space<semaphore_mem>>)
    %mul3A_254 = arith.constant 2 : i32
    %mul3A_255 = arith.muli %mul3A_254, %add3A : i32
    %add3A_256 = arith.constant 704 : i32
    %add3A_257 = arith.addi %add3A_256, %mul3A_255 : i32
    %dma_start3A_258 = arith.constant 1 : i32
    %dma_start3A_259 = arith.constant 5 : i32
    %dma_start3A_260 = arith.constant 0 : i32
    %dma_start3A_261 = arith.constant 0 : i32
    %dma_start3A_262 = tpu.memref_slice %arg5[%dma_start3A_258, %dma_start3A_259, %dma_start3A_260, %dma_start3A_261] : memref<2x9x2x128xi32, #tpu.memory_space<vmem>> -> memref<1x1x2x128xi32, #tpu.memory_space<vmem>>
    %dma_start3A_263 = tpu.memref_squeeze %dma_start3A_262 : memref<1x1x2x128xi32, #tpu.memory_space<vmem>> -> memref<2x128xi32, #tpu.memory_space<vmem>>
    %dma_start3A_264 = arith.constant 0 : i32
    %dma_start3A_265 = tpu.memref_slice %arg3[%add3A_257, %dma_start3A_264] : memref<1152x128xi32, #tpu.memory_space<hbm>> -> memref<2x128xi32, #tpu.memory_space<hbm>>
    %dma_start3A_266 = arith.constant 0 : i32
    %dma_start3A_267 = arith.constant 0 : i32
    %dma_start3A_268 = tpu.memref_slice %arg5[%dma_start3A_258, %dma_start3A_259, %dma_start3A_266, %dma_start3A_267] : memref<2x9x2x128xi32, #tpu.memory_space<vmem>> -> memref<1x1x2x128xi32, #tpu.memory_space<vmem>>
    %dma_start3A_269 = tpu.memref_squeeze %dma_start3A_268 : memref<1x1x2x128xi32, #tpu.memory_space<vmem>> -> memref<2x128xi32, #tpu.memory_space<vmem>>
    %dma_start3A_270 = arith.constant 0 : i32
    %dma_start3A_271 = tpu.memref_slice %arg3[%add3A_257, %dma_start3A_270] : memref<1152x128xi32, #tpu.memory_space<hbm>> -> memref<2x128xi32, #tpu.memory_space<hbm>>
    tpu.enqueue_dma source(%dma_start3A_271 : memref<2x128xi32, #tpu.memory_space<hbm>>) target(%dma_start3A_269 : memref<2x128xi32, #tpu.memory_space<vmem>>) target_semaphore(%arg7 : memref<!tpu.dma_semaphore, #tpu.memory_space<semaphore_mem>>)
    %mul3A_272 = arith.constant 2 : i32
    %mul3A_273 = arith.muli %mul3A_272, %add3A : i32
    %add3A_274 = arith.constant 832 : i32
    %add3A_275 = arith.addi %add3A_274, %mul3A_273 : i32
    %dma_start3A_276 = arith.constant 1 : i32
    %dma_start3A_277 = arith.constant 6 : i32
    %dma_start3A_278 = arith.constant 0 : i32
    %dma_start3A_279 = arith.constant 0 : i32
    %dma_start3A_280 = tpu.memref_slice %arg5[%dma_start3A_276, %dma_start3A_277, %dma_start3A_278, %dma_start3A_279] : memref<2x9x2x128xi32, #tpu.memory_space<vmem>> -> memref<1x1x2x128xi32, #tpu.memory_space<vmem>>
    %dma_start3A_281 = tpu.memref_squeeze %dma_start3A_280 : memref<1x1x2x128xi32, #tpu.memory_space<vmem>> -> memref<2x128xi32, #tpu.memory_space<vmem>>
    %dma_start3A_282 = arith.constant 0 : i32
    %dma_start3A_283 = tpu.memref_slice %arg3[%add3A_275, %dma_start3A_282] : memref<1152x128xi32, #tpu.memory_space<hbm>> -> memref<2x128xi32, #tpu.memory_space<hbm>>
    %dma_start3A_284 = arith.constant 0 : i32
    %dma_start3A_285 = arith.constant 0 : i32
    %dma_start3A_286 = tpu.memref_slice %arg5[%dma_start3A_276, %dma_start3A_277, %dma_start3A_284, %dma_start3A_285] : memref<2x9x2x128xi32, #tpu.memory_space<vmem>> -> memref<1x1x2x128xi32, #tpu.memory_space<vmem>>
    %dma_start3A_287 = tpu.memref_squeeze %dma_start3A_286 : memref<1x1x2x128xi32, #tpu.memory_space<vmem>> -> memref<2x128xi32, #tpu.memory_space<vmem>>
    %dma_start3A_288 = arith.constant 0 : i32
    %dma_start3A_289 = tpu.memref_slice %arg3[%add3A_275, %dma_start3A_288] : memref<1152x128xi32, #tpu.memory_space<hbm>> -> memref<2x128xi32, #tpu.memory_space<hbm>>
    tpu.enqueue_dma source(%dma_start3A_289 : memref<2x128xi32, #tpu.memory_space<hbm>>) target(%dma_start3A_287 : memref<2x128xi32, #tpu.memory_space<vmem>>) target_semaphore(%arg7 : memref<!tpu.dma_semaphore, #tpu.memory_space<semaphore_mem>>)
    %mul3A_290 = arith.constant 2 : i32
    %mul3A_291 = arith.muli %mul3A_290, %add3A : i32
    %add3A_292 = arith.constant 960 : i32
    %add3A_293 = arith.addi %add3A_292, %mul3A_291 : i32
    %dma_start3A_294 = arith.constant 1 : i32
    %dma_start3A_295 = arith.constant 7 : i32
    %dma_start3A_296 = arith.constant 0 : i32
    %dma_start3A_297 = arith.constant 0 : i32
    %dma_start3A_298 = tpu.memref_slice %arg5[%dma_start3A_294, %dma_start3A_295, %dma_start3A_296, %dma_start3A_297] : memref<2x9x2x128xi32, #tpu.memory_space<vmem>> -> memref<1x1x2x128xi32, #tpu.memory_space<vmem>>
    %dma_start3A_299 = tpu.memref_squeeze %dma_start3A_298 : memref<1x1x2x128xi32, #tpu.memory_space<vmem>> -> memref<2x128xi32, #tpu.memory_space<vmem>>
    %dma_start3A_300 = arith.constant 0 : i32
    %dma_start3A_301 = tpu.memref_slice %arg3[%add3A_293, %dma_start3A_300] : memref<1152x128xi32, #tpu.memory_space<hbm>> -> memref<2x128xi32, #tpu.memory_space<hbm>>
    %dma_start3A_302 = arith.constant 0 : i32
    %dma_start3A_303 = arith.constant 0 : i32
    %dma_start3A_304 = tpu.memref_slice %arg5[%dma_start3A_294, %dma_start3A_295, %dma_start3A_302, %dma_start3A_303] : memref<2x9x2x128xi32, #tpu.memory_space<vmem>> -> memref<1x1x2x128xi32, #tpu.memory_space<vmem>>
    %dma_start3A_305 = tpu.memref_squeeze %dma_start3A_304 : memref<1x1x2x128xi32, #tpu.memory_space<vmem>> -> memref<2x128xi32, #tpu.memory_space<vmem>>
    %dma_start3A_306 = arith.constant 0 : i32
    %dma_start3A_307 = tpu.memref_slice %arg3[%add3A_293, %dma_start3A_306] : memref<1152x128xi32, #tpu.memory_space<hbm>> -> memref<2x128xi32, #tpu.memory_space<hbm>>
    tpu.enqueue_dma source(%dma_start3A_307 : memref<2x128xi32, #tpu.memory_space<hbm>>) target(%dma_start3A_305 : memref<2x128xi32, #tpu.memory_space<vmem>>) target_semaphore(%arg7 : memref<!tpu.dma_semaphore, #tpu.memory_space<semaphore_mem>>)
    %mul3A_308 = arith.constant 2 : i32
    %mul3A_309 = arith.muli %mul3A_308, %add3A : i32
    %add3A_310 = arith.constant 1088 : i32
    %add3A_311 = arith.addi %add3A_310, %mul3A_309 : i32
    %dma_start3A_312 = arith.constant 1 : i32
    %dma_start3A_313 = arith.constant 8 : i32
    %dma_start3A_314 = arith.constant 0 : i32
    %dma_start3A_315 = arith.constant 0 : i32
    %dma_start3A_316 = tpu.memref_slice %arg5[%dma_start3A_312, %dma_start3A_313, %dma_start3A_314, %dma_start3A_315] : memref<2x9x2x128xi32, #tpu.memory_space<vmem>> -> memref<1x1x2x128xi32, #tpu.memory_space<vmem>>
    %dma_start3A_317 = tpu.memref_squeeze %dma_start3A_316 : memref<1x1x2x128xi32, #tpu.memory_space<vmem>> -> memref<2x128xi32, #tpu.memory_space<vmem>>
    %dma_start3A_318 = arith.constant 0 : i32
    %dma_start3A_319 = tpu.memref_slice %arg3[%add3A_311, %dma_start3A_318] : memref<1152x128xi32, #tpu.memory_space<hbm>> -> memref<2x128xi32, #tpu.memory_space<hbm>>
    %dma_start3A_320 = arith.constant 0 : i32
    %dma_start3A_321 = arith.constant 0 : i32
    %dma_start3A_322 = tpu.memref_slice %arg5[%dma_start3A_312, %dma_start3A_313, %dma_start3A_320, %dma_start3A_321] : memref<2x9x2x128xi32, #tpu.memory_space<vmem>> -> memref<1x1x2x128xi32, #tpu.memory_space<vmem>>
    %dma_start3A_323 = tpu.memref_squeeze %dma_start3A_322 : memref<1x1x2x128xi32, #tpu.memory_space<vmem>> -> memref<2x128xi32, #tpu.memory_space<vmem>>
    %dma_start3A_324 = arith.constant 0 : i32
    %dma_start3A_325 = tpu.memref_slice %arg3[%add3A_311, %dma_start3A_324] : memref<1152x128xi32, #tpu.memory_space<hbm>> -> memref<2x128xi32, #tpu.memory_space<hbm>>
    tpu.enqueue_dma source(%dma_start3A_325 : memref<2x128xi32, #tpu.memory_space<hbm>>) target(%dma_start3A_323 : memref<2x128xi32, #tpu.memory_space<vmem>>) target_semaphore(%arg7 : memref<!tpu.dma_semaphore, #tpu.memory_space<semaphore_mem>>)
    %dma_wait3A = arith.constant 0 : i32
    %dma_wait3A_326 = arith.constant 0 : i32
    %dma_wait3A_327 = arith.constant 0 : i32
    %dma_wait3A_328 = arith.constant 0 : i32
    %dma_wait3A_329 = tpu.memref_slice %arg5[%dma_wait3A, %dma_wait3A_326, %dma_wait3A_327, %dma_wait3A_328] : memref<2x9x2x128xi32, #tpu.memory_space<vmem>> -> memref<1x1x2x128xi32, #tpu.memory_space<vmem>>
    %dma_wait3A_330 = tpu.memref_squeeze %dma_wait3A_329 : memref<1x1x2x128xi32, #tpu.memory_space<vmem>> -> memref<2x128xi32, #tpu.memory_space<vmem>>
    %dma_wait3A_331 = arith.constant 0 : i32
    %dma_wait3A_332 = tpu.memref_slice %arg3[%add3A_6, %dma_wait3A_331] : memref<1152x128xi32, #tpu.memory_space<hbm>> -> memref<2x128xi32, #tpu.memory_space<hbm>>
    %dma_wait3A_333 = arith.constant 0 : i32
    %dma_wait3A_334 = arith.constant 0 : i32
    %dma_wait3A_335 = tpu.memref_slice %arg5[%dma_wait3A, %dma_wait3A_326, %dma_wait3A_333, %dma_wait3A_334] : memref<2x9x2x128xi32, #tpu.memory_space<vmem>> -> memref<1x1x2x128xi32, #tpu.memory_space<vmem>>
    %dma_wait3A_336 = tpu.memref_squeeze %dma_wait3A_335 : memref<1x1x2x128xi32, #tpu.memory_space<vmem>> -> memref<2x128xi32, #tpu.memory_space<vmem>>
    %dma_wait3A_337 = arith.constant 0 : i32
    %dma_wait3A_338 = tpu.memref_slice %arg3[%add3A_6, %dma_wait3A_337] : memref<1152x128xi32, #tpu.memory_space<hbm>> -> memref<2x128xi32, #tpu.memory_space<hbm>>
    tpu.wait_dma2 semaphore(%arg7 : memref<!tpu.dma_semaphore, #tpu.memory_space<semaphore_mem>>) src(%dma_wait3A_338 : memref<2x128xi32, #tpu.memory_space<hbm>>) dst(%dma_wait3A_336 : memref<2x128xi32, #tpu.memory_space<vmem>>)
    %dma_wait3A_339 = arith.constant 0 : i32
    %dma_wait3A_340 = arith.constant 1 : i32
    %dma_wait3A_341 = arith.constant 0 : i32
    %dma_wait3A_342 = arith.constant 0 : i32
    %dma_wait3A_343 = tpu.memref_slice %arg5[%dma_wait3A_339, %dma_wait3A_340, %dma_wait3A_341, %dma_wait3A_342] : memref<2x9x2x128xi32, #tpu.memory_space<vmem>> -> memref<1x1x2x128xi32, #tpu.memory_space<vmem>>
    %dma_wait3A_344 = tpu.memref_squeeze %dma_wait3A_343 : memref<1x1x2x128xi32, #tpu.memory_space<vmem>> -> memref<2x128xi32, #tpu.memory_space<vmem>>
    %dma_wait3A_345 = arith.constant 0 : i32
    %dma_wait3A_346 = tpu.memref_slice %arg3[%add3A_23, %dma_wait3A_345] : memref<1152x128xi32, #tpu.memory_space<hbm>> -> memref<2x128xi32, #tpu.memory_space<hbm>>
    %dma_wait3A_347 = arith.constant 0 : i32
    %dma_wait3A_348 = arith.constant 0 : i32
    %dma_wait3A_349 = tpu.memref_slice %arg5[%dma_wait3A_339, %dma_wait3A_340, %dma_wait3A_347, %dma_wait3A_348] : memref<2x9x2x128xi32, #tpu.memory_space<vmem>> -> memref<1x1x2x128xi32, #tpu.memory_space<vmem>>
    %dma_wait3A_350 = tpu.memref_squeeze %dma_wait3A_349 : memref<1x1x2x128xi32, #tpu.memory_space<vmem>> -> memref<2x128xi32, #tpu.memory_space<vmem>>
    %dma_wait3A_351 = arith.constant 0 : i32
    %dma_wait3A_352 = tpu.memref_slice %arg3[%add3A_23, %dma_wait3A_351] : memref<1152x128xi32, #tpu.memory_space<hbm>> -> memref<2x128xi32, #tpu.memory_space<hbm>>
    tpu.wait_dma2 semaphore(%arg7 : memref<!tpu.dma_semaphore, #tpu.memory_space<semaphore_mem>>) src(%dma_wait3A_352 : memref<2x128xi32, #tpu.memory_space<hbm>>) dst(%dma_wait3A_350 : memref<2x128xi32, #tpu.memory_space<vmem>>)
    %dma_wait3A_353 = arith.constant 0 : i32
    %dma_wait3A_354 = arith.constant 2 : i32
    %dma_wait3A_355 = arith.constant 0 : i32
    %dma_wait3A_356 = arith.constant 0 : i32
    %dma_wait3A_357 = tpu.memref_slice %arg5[%dma_wait3A_353, %dma_wait3A_354, %dma_wait3A_355, %dma_wait3A_356] : memref<2x9x2x128xi32, #tpu.memory_space<vmem>> -> memref<1x1x2x128xi32, #tpu.memory_space<vmem>>
    %dma_wait3A_358 = tpu.memref_squeeze %dma_wait3A_357 : memref<1x1x2x128xi32, #tpu.memory_space<vmem>> -> memref<2x128xi32, #tpu.memory_space<vmem>>
    %dma_wait3A_359 = arith.constant 0 : i32
    %dma_wait3A_360 = tpu.memref_slice %arg3[%add3A_41, %dma_wait3A_359] : memref<1152x128xi32, #tpu.memory_space<hbm>> -> memref<2x128xi32, #tpu.memory_space<hbm>>
    %dma_wait3A_361 = arith.constant 0 : i32
    %dma_wait3A_362 = arith.constant 0 : i32
    %dma_wait3A_363 = tpu.memref_slice %arg5[%dma_wait3A_353, %dma_wait3A_354, %dma_wait3A_361, %dma_wait3A_362] : memref<2x9x2x128xi32, #tpu.memory_space<vmem>> -> memref<1x1x2x128xi32, #tpu.memory_space<vmem>>
    %dma_wait3A_364 = tpu.memref_squeeze %dma_wait3A_363 : memref<1x1x2x128xi32, #tpu.memory_space<vmem>> -> memref<2x128xi32, #tpu.memory_space<vmem>>
    %dma_wait3A_365 = arith.constant 0 : i32
    %dma_wait3A_366 = tpu.memref_slice %arg3[%add3A_41, %dma_wait3A_365] : memref<1152x128xi32, #tpu.memory_space<hbm>> -> memref<2x128xi32, #tpu.memory_space<hbm>>
    tpu.wait_dma2 semaphore(%arg7 : memref<!tpu.dma_semaphore, #tpu.memory_space<semaphore_mem>>) src(%dma_wait3A_366 : memref<2x128xi32, #tpu.memory_space<hbm>>) dst(%dma_wait3A_364 : memref<2x128xi32, #tpu.memory_space<vmem>>)
    %dma_wait3A_367 = arith.constant 0 : i32
    %dma_wait3A_368 = arith.constant 3 : i32
    %dma_wait3A_369 = arith.constant 0 : i32
    %dma_wait3A_370 = arith.constant 0 : i32
    %dma_wait3A_371 = tpu.memref_slice %arg5[%dma_wait3A_367, %dma_wait3A_368, %dma_wait3A_369, %dma_wait3A_370] : memref<2x9x2x128xi32, #tpu.memory_space<vmem>> -> memref<1x1x2x128xi32, #tpu.memory_space<vmem>>
    %dma_wait3A_372 = tpu.memref_squeeze %dma_wait3A_371 : memref<1x1x2x128xi32, #tpu.memory_space<vmem>> -> memref<2x128xi32, #tpu.memory_space<vmem>>
    %dma_wait3A_373 = arith.constant 0 : i32
    %dma_wait3A_374 = tpu.memref_slice %arg3[%add3A_59, %dma_wait3A_373] : memref<1152x128xi32, #tpu.memory_space<hbm>> -> memref<2x128xi32, #tpu.memory_space<hbm>>
    %dma_wait3A_375 = arith.constant 0 : i32
    %dma_wait3A_376 = arith.constant 0 : i32
    %dma_wait3A_377 = tpu.memref_slice %arg5[%dma_wait3A_367, %dma_wait3A_368, %dma_wait3A_375, %dma_wait3A_376] : memref<2x9x2x128xi32, #tpu.memory_space<vmem>> -> memref<1x1x2x128xi32, #tpu.memory_space<vmem>>
    %dma_wait3A_378 = tpu.memref_squeeze %dma_wait3A_377 : memref<1x1x2x128xi32, #tpu.memory_space<vmem>> -> memref<2x128xi32, #tpu.memory_space<vmem>>
    %dma_wait3A_379 = arith.constant 0 : i32
    %dma_wait3A_380 = tpu.memref_slice %arg3[%add3A_59, %dma_wait3A_379] : memref<1152x128xi32, #tpu.memory_space<hbm>> -> memref<2x128xi32, #tpu.memory_space<hbm>>
    tpu.wait_dma2 semaphore(%arg7 : memref<!tpu.dma_semaphore, #tpu.memory_space<semaphore_mem>>) src(%dma_wait3A_380 : memref<2x128xi32, #tpu.memory_space<hbm>>) dst(%dma_wait3A_378 : memref<2x128xi32, #tpu.memory_space<vmem>>)
    %dma_wait3A_381 = arith.constant 0 : i32
    %dma_wait3A_382 = arith.constant 4 : i32
    %dma_wait3A_383 = arith.constant 0 : i32
    %dma_wait3A_384 = arith.constant 0 : i32
    %dma_wait3A_385 = tpu.memref_slice %arg5[%dma_wait3A_381, %dma_wait3A_382, %dma_wait3A_383, %dma_wait3A_384] : memref<2x9x2x128xi32, #tpu.memory_space<vmem>> -> memref<1x1x2x128xi32, #tpu.memory_space<vmem>>
    %dma_wait3A_386 = tpu.memref_squeeze %dma_wait3A_385 : memref<1x1x2x128xi32, #tpu.memory_space<vmem>> -> memref<2x128xi32, #tpu.memory_space<vmem>>
    %dma_wait3A_387 = arith.constant 0 : i32
    %dma_wait3A_388 = tpu.memref_slice %arg3[%add3A_77, %dma_wait3A_387] : memref<1152x128xi32, #tpu.memory_space<hbm>> -> memref<2x128xi32, #tpu.memory_space<hbm>>
    %dma_wait3A_389 = arith.constant 0 : i32
    %dma_wait3A_390 = arith.constant 0 : i32
    %dma_wait3A_391 = tpu.memref_slice %arg5[%dma_wait3A_381, %dma_wait3A_382, %dma_wait3A_389, %dma_wait3A_390] : memref<2x9x2x128xi32, #tpu.memory_space<vmem>> -> memref<1x1x2x128xi32, #tpu.memory_space<vmem>>
    %dma_wait3A_392 = tpu.memref_squeeze %dma_wait3A_391 : memref<1x1x2x128xi32, #tpu.memory_space<vmem>> -> memref<2x128xi32, #tpu.memory_space<vmem>>
    %dma_wait3A_393 = arith.constant 0 : i32
    %dma_wait3A_394 = tpu.memref_slice %arg3[%add3A_77, %dma_wait3A_393] : memref<1152x128xi32, #tpu.memory_space<hbm>> -> memref<2x128xi32, #tpu.memory_space<hbm>>
    tpu.wait_dma2 semaphore(%arg7 : memref<!tpu.dma_semaphore, #tpu.memory_space<semaphore_mem>>) src(%dma_wait3A_394 : memref<2x128xi32, #tpu.memory_space<hbm>>) dst(%dma_wait3A_392 : memref<2x128xi32, #tpu.memory_space<vmem>>)
    %dma_wait3A_395 = arith.constant 0 : i32
    %dma_wait3A_396 = arith.constant 5 : i32
    %dma_wait3A_397 = arith.constant 0 : i32
    %dma_wait3A_398 = arith.constant 0 : i32
    %dma_wait3A_399 = tpu.memref_slice %arg5[%dma_wait3A_395, %dma_wait3A_396, %dma_wait3A_397, %dma_wait3A_398] : memref<2x9x2x128xi32, #tpu.memory_space<vmem>> -> memref<1x1x2x128xi32, #tpu.memory_space<vmem>>
    %dma_wait3A_400 = tpu.memref_squeeze %dma_wait3A_399 : memref<1x1x2x128xi32, #tpu.memory_space<vmem>> -> memref<2x128xi32, #tpu.memory_space<vmem>>
    %dma_wait3A_401 = arith.constant 0 : i32
    %dma_wait3A_402 = tpu.memref_slice %arg3[%add3A_95, %dma_wait3A_401] : memref<1152x128xi32, #tpu.memory_space<hbm>> -> memref<2x128xi32, #tpu.memory_space<hbm>>
    %dma_wait3A_403 = arith.constant 0 : i32
    %dma_wait3A_404 = arith.constant 0 : i32
    %dma_wait3A_405 = tpu.memref_slice %arg5[%dma_wait3A_395, %dma_wait3A_396, %dma_wait3A_403, %dma_wait3A_404] : memref<2x9x2x128xi32, #tpu.memory_space<vmem>> -> memref<1x1x2x128xi32, #tpu.memory_space<vmem>>
    %dma_wait3A_406 = tpu.memref_squeeze %dma_wait3A_405 : memref<1x1x2x128xi32, #tpu.memory_space<vmem>> -> memref<2x128xi32, #tpu.memory_space<vmem>>
    %dma_wait3A_407 = arith.constant 0 : i32
    %dma_wait3A_408 = tpu.memref_slice %arg3[%add3A_95, %dma_wait3A_407] : memref<1152x128xi32, #tpu.memory_space<hbm>> -> memref<2x128xi32, #tpu.memory_space<hbm>>
    tpu.wait_dma2 semaphore(%arg7 : memref<!tpu.dma_semaphore, #tpu.memory_space<semaphore_mem>>) src(%dma_wait3A_408 : memref<2x128xi32, #tpu.memory_space<hbm>>) dst(%dma_wait3A_406 : memref<2x128xi32, #tpu.memory_space<vmem>>)
    %dma_wait3A_409 = arith.constant 0 : i32
    %dma_wait3A_410 = arith.constant 6 : i32
    %dma_wait3A_411 = arith.constant 0 : i32
    %dma_wait3A_412 = arith.constant 0 : i32
    %dma_wait3A_413 = tpu.memref_slice %arg5[%dma_wait3A_409, %dma_wait3A_410, %dma_wait3A_411, %dma_wait3A_412] : memref<2x9x2x128xi32, #tpu.memory_space<vmem>> -> memref<1x1x2x128xi32, #tpu.memory_space<vmem>>
    %dma_wait3A_414 = tpu.memref_squeeze %dma_wait3A_413 : memref<1x1x2x128xi32, #tpu.memory_space<vmem>> -> memref<2x128xi32, #tpu.memory_space<vmem>>
    %dma_wait3A_415 = arith.constant 0 : i32
    %dma_wait3A_416 = tpu.memref_slice %arg3[%add3A_113, %dma_wait3A_415] : memref<1152x128xi32, #tpu.memory_space<hbm>> -> memref<2x128xi32, #tpu.memory_space<hbm>>
    %dma_wait3A_417 = arith.constant 0 : i32
    %dma_wait3A_418 = arith.constant 0 : i32
    %dma_wait3A_419 = tpu.memref_slice %arg5[%dma_wait3A_409, %dma_wait3A_410, %dma_wait3A_417, %dma_wait3A_418] : memref<2x9x2x128xi32, #tpu.memory_space<vmem>> -> memref<1x1x2x128xi32, #tpu.memory_space<vmem>>
    %dma_wait3A_420 = tpu.memref_squeeze %dma_wait3A_419 : memref<1x1x2x128xi32, #tpu.memory_space<vmem>> -> memref<2x128xi32, #tpu.memory_space<vmem>>
    %dma_wait3A_421 = arith.constant 0 : i32
    %dma_wait3A_422 = tpu.memref_slice %arg3[%add3A_113, %dma_wait3A_421] : memref<1152x128xi32, #tpu.memory_space<hbm>> -> memref<2x128xi32, #tpu.memory_space<hbm>>
    tpu.wait_dma2 semaphore(%arg7 : memref<!tpu.dma_semaphore, #tpu.memory_space<semaphore_mem>>) src(%dma_wait3A_422 : memref<2x128xi32, #tpu.memory_space<hbm>>) dst(%dma_wait3A_420 : memref<2x128xi32, #tpu.memory_space<vmem>>)
    %dma_wait3A_423 = arith.constant 0 : i32
    %dma_wait3A_424 = arith.constant 7 : i32
    %dma_wait3A_425 = arith.constant 0 : i32
    %dma_wait3A_426 = arith.constant 0 : i32
    %dma_wait3A_427 = tpu.memref_slice %arg5[%dma_wait3A_423, %dma_wait3A_424, %dma_wait3A_425, %dma_wait3A_426] : memref<2x9x2x128xi32, #tpu.memory_space<vmem>> -> memref<1x1x2x128xi32, #tpu.memory_space<vmem>>
    %dma_wait3A_428 = tpu.memref_squeeze %dma_wait3A_427 : memref<1x1x2x128xi32, #tpu.memory_space<vmem>> -> memref<2x128xi32, #tpu.memory_space<vmem>>
    %dma_wait3A_429 = arith.constant 0 : i32
    %dma_wait3A_430 = tpu.memref_slice %arg3[%add3A_131, %dma_wait3A_429] : memref<1152x128xi32, #tpu.memory_space<hbm>> -> memref<2x128xi32, #tpu.memory_space<hbm>>
    %dma_wait3A_431 = arith.constant 0 : i32
    %dma_wait3A_432 = arith.constant 0 : i32
    %dma_wait3A_433 = tpu.memref_slice %arg5[%dma_wait3A_423, %dma_wait3A_424, %dma_wait3A_431, %dma_wait3A_432] : memref<2x9x2x128xi32, #tpu.memory_space<vmem>> -> memref<1x1x2x128xi32, #tpu.memory_space<vmem>>
    %dma_wait3A_434 = tpu.memref_squeeze %dma_wait3A_433 : memref<1x1x2x128xi32, #tpu.memory_space<vmem>> -> memref<2x128xi32, #tpu.memory_space<vmem>>
    %dma_wait3A_435 = arith.constant 0 : i32
    %dma_wait3A_436 = tpu.memref_slice %arg3[%add3A_131, %dma_wait3A_435] : memref<1152x128xi32, #tpu.memory_space<hbm>> -> memref<2x128xi32, #tpu.memory_space<hbm>>
    tpu.wait_dma2 semaphore(%arg7 : memref<!tpu.dma_semaphore, #tpu.memory_space<semaphore_mem>>) src(%dma_wait3A_436 : memref<2x128xi32, #tpu.memory_space<hbm>>) dst(%dma_wait3A_434 : memref<2x128xi32, #tpu.memory_space<vmem>>)
    %dma_wait3A_437 = arith.constant 0 : i32
    %dma_wait3A_438 = arith.constant 8 : i32
    %dma_wait3A_439 = arith.constant 0 : i32
    %dma_wait3A_440 = arith.constant 0 : i32
    %dma_wait3A_441 = tpu.memref_slice %arg5[%dma_wait3A_437, %dma_wait3A_438, %dma_wait3A_439, %dma_wait3A_440] : memref<2x9x2x128xi32, #tpu.memory_space<vmem>> -> memref<1x1x2x128xi32, #tpu.memory_space<vmem>>
    %dma_wait3A_442 = tpu.memref_squeeze %dma_wait3A_441 : memref<1x1x2x128xi32, #tpu.memory_space<vmem>> -> memref<2x128xi32, #tpu.memory_space<vmem>>
    %dma_wait3A_443 = arith.constant 0 : i32
    %dma_wait3A_444 = tpu.memref_slice %arg3[%add3A_149, %dma_wait3A_443] : memref<1152x128xi32, #tpu.memory_space<hbm>> -> memref<2x128xi32, #tpu.memory_space<hbm>>
    %dma_wait3A_445 = arith.constant 0 : i32
    %dma_wait3A_446 = arith.constant 0 : i32
    %dma_wait3A_447 = tpu.memref_slice %arg5[%dma_wait3A_437, %dma_wait3A_438, %dma_wait3A_445, %dma_wait3A_446] : memref<2x9x2x128xi32, #tpu.memory_space<vmem>> -> memref<1x1x2x128xi32, #tpu.memory_space<vmem>>
    %dma_wait3A_448 = tpu.memref_squeeze %dma_wait3A_447 : memref<1x1x2x128xi32, #tpu.memory_space<vmem>> -> memref<2x128xi32, #tpu.memory_space<vmem>>
    %dma_wait3A_449 = arith.constant 0 : i32
    %dma_wait3A_450 = tpu.memref_slice %arg3[%add3A_149, %dma_wait3A_449] : memref<1152x128xi32, #tpu.memory_space<hbm>> -> memref<2x128xi32, #tpu.memory_space<hbm>>
    tpu.wait_dma2 semaphore(%arg7 : memref<!tpu.dma_semaphore, #tpu.memory_space<semaphore_mem>>) src(%dma_wait3A_450 : memref<2x128xi32, #tpu.memory_space<hbm>>) dst(%dma_wait3A_448 : memref<2x128xi32, #tpu.memory_space<vmem>>)
    %dma_wait3A_451 = arith.constant 1 : i32
    %dma_wait3A_452 = arith.constant 0 : i32
    %dma_wait3A_453 = arith.constant 0 : i32
    %dma_wait3A_454 = arith.constant 0 : i32
    %dma_wait3A_455 = tpu.memref_slice %arg5[%dma_wait3A_451, %dma_wait3A_452, %dma_wait3A_453, %dma_wait3A_454] : memref<2x9x2x128xi32, #tpu.memory_space<vmem>> -> memref<1x1x2x128xi32, #tpu.memory_space<vmem>>
    %dma_wait3A_456 = tpu.memref_squeeze %dma_wait3A_455 : memref<1x1x2x128xi32, #tpu.memory_space<vmem>> -> memref<2x128xi32, #tpu.memory_space<vmem>>
    %dma_wait3A_457 = arith.constant 0 : i32
    %dma_wait3A_458 = tpu.memref_slice %arg3[%add3A_167, %dma_wait3A_457] : memref<1152x128xi32, #tpu.memory_space<hbm>> -> memref<2x128xi32, #tpu.memory_space<hbm>>
    %dma_wait3A_459 = arith.constant 0 : i32
    %dma_wait3A_460 = arith.constant 0 : i32
    %dma_wait3A_461 = tpu.memref_slice %arg5[%dma_wait3A_451, %dma_wait3A_452, %dma_wait3A_459, %dma_wait3A_460] : memref<2x9x2x128xi32, #tpu.memory_space<vmem>> -> memref<1x1x2x128xi32, #tpu.memory_space<vmem>>
    %dma_wait3A_462 = tpu.memref_squeeze %dma_wait3A_461 : memref<1x1x2x128xi32, #tpu.memory_space<vmem>> -> memref<2x128xi32, #tpu.memory_space<vmem>>
    %dma_wait3A_463 = arith.constant 0 : i32
    %dma_wait3A_464 = tpu.memref_slice %arg3[%add3A_167, %dma_wait3A_463] : memref<1152x128xi32, #tpu.memory_space<hbm>> -> memref<2x128xi32, #tpu.memory_space<hbm>>
    tpu.wait_dma2 semaphore(%arg7 : memref<!tpu.dma_semaphore, #tpu.memory_space<semaphore_mem>>) src(%dma_wait3A_464 : memref<2x128xi32, #tpu.memory_space<hbm>>) dst(%dma_wait3A_462 : memref<2x128xi32, #tpu.memory_space<vmem>>)
    %dma_wait3A_465 = arith.constant 1 : i32
    %dma_wait3A_466 = arith.constant 1 : i32
    %dma_wait3A_467 = arith.constant 0 : i32
    %dma_wait3A_468 = arith.constant 0 : i32
    %dma_wait3A_469 = tpu.memref_slice %arg5[%dma_wait3A_465, %dma_wait3A_466, %dma_wait3A_467, %dma_wait3A_468] : memref<2x9x2x128xi32, #tpu.memory_space<vmem>> -> memref<1x1x2x128xi32, #tpu.memory_space<vmem>>
    %dma_wait3A_470 = tpu.memref_squeeze %dma_wait3A_469 : memref<1x1x2x128xi32, #tpu.memory_space<vmem>> -> memref<2x128xi32, #tpu.memory_space<vmem>>
    %dma_wait3A_471 = arith.constant 0 : i32
    %dma_wait3A_472 = tpu.memref_slice %arg3[%add3A_185, %dma_wait3A_471] : memref<1152x128xi32, #tpu.memory_space<hbm>> -> memref<2x128xi32, #tpu.memory_space<hbm>>
    %dma_wait3A_473 = arith.constant 0 : i32
    %dma_wait3A_474 = arith.constant 0 : i32
    %dma_wait3A_475 = tpu.memref_slice %arg5[%dma_wait3A_465, %dma_wait3A_466, %dma_wait3A_473, %dma_wait3A_474] : memref<2x9x2x128xi32, #tpu.memory_space<vmem>> -> memref<1x1x2x128xi32, #tpu.memory_space<vmem>>
    %dma_wait3A_476 = tpu.memref_squeeze %dma_wait3A_475 : memref<1x1x2x128xi32, #tpu.memory_space<vmem>> -> memref<2x128xi32, #tpu.memory_space<vmem>>
    %dma_wait3A_477 = arith.constant 0 : i32
    %dma_wait3A_478 = tpu.memref_slice %arg3[%add3A_185, %dma_wait3A_477] : memref<1152x128xi32, #tpu.memory_space<hbm>> -> memref<2x128xi32, #tpu.memory_space<hbm>>
    tpu.wait_dma2 semaphore(%arg7 : memref<!tpu.dma_semaphore, #tpu.memory_space<semaphore_mem>>) src(%dma_wait3A_478 : memref<2x128xi32, #tpu.memory_space<hbm>>) dst(%dma_wait3A_476 : memref<2x128xi32, #tpu.memory_space<vmem>>)
    %dma_wait3A_479 = arith.constant 1 : i32
    %dma_wait3A_480 = arith.constant 2 : i32
    %dma_wait3A_481 = arith.constant 0 : i32
    %dma_wait3A_482 = arith.constant 0 : i32
    %dma_wait3A_483 = tpu.memref_slice %arg5[%dma_wait3A_479, %dma_wait3A_480, %dma_wait3A_481, %dma_wait3A_482] : memref<2x9x2x128xi32, #tpu.memory_space<vmem>> -> memref<1x1x2x128xi32, #tpu.memory_space<vmem>>
    %dma_wait3A_484 = tpu.memref_squeeze %dma_wait3A_483 : memref<1x1x2x128xi32, #tpu.memory_space<vmem>> -> memref<2x128xi32, #tpu.memory_space<vmem>>
    %dma_wait3A_485 = arith.constant 0 : i32
    %dma_wait3A_486 = tpu.memref_slice %arg3[%add3A_203, %dma_wait3A_485] : memref<1152x128xi32, #tpu.memory_space<hbm>> -> memref<2x128xi32, #tpu.memory_space<hbm>>
    %dma_wait3A_487 = arith.constant 0 : i32
    %dma_wait3A_488 = arith.constant 0 : i32
    %dma_wait3A_489 = tpu.memref_slice %arg5[%dma_wait3A_479, %dma_wait3A_480, %dma_wait3A_487, %dma_wait3A_488] : memref<2x9x2x128xi32, #tpu.memory_space<vmem>> -> memref<1x1x2x128xi32, #tpu.memory_space<vmem>>
    %dma_wait3A_490 = tpu.memref_squeeze %dma_wait3A_489 : memref<1x1x2x128xi32, #tpu.memory_space<vmem>> -> memref<2x128xi32, #tpu.memory_space<vmem>>
    %dma_wait3A_491 = arith.constant 0 : i32
    %dma_wait3A_492 = tpu.memref_slice %arg3[%add3A_203, %dma_wait3A_491] : memref<1152x128xi32, #tpu.memory_space<hbm>> -> memref<2x128xi32, #tpu.memory_space<hbm>>
    tpu.wait_dma2 semaphore(%arg7 : memref<!tpu.dma_semaphore, #tpu.memory_space<semaphore_mem>>) src(%dma_wait3A_492 : memref<2x128xi32, #tpu.memory_space<hbm>>) dst(%dma_wait3A_490 : memref<2x128xi32, #tpu.memory_space<vmem>>)
    %dma_wait3A_493 = arith.constant 1 : i32
    %dma_wait3A_494 = arith.constant 3 : i32
    %dma_wait3A_495 = arith.constant 0 : i32
    %dma_wait3A_496 = arith.constant 0 : i32
    %dma_wait3A_497 = tpu.memref_slice %arg5[%dma_wait3A_493, %dma_wait3A_494, %dma_wait3A_495, %dma_wait3A_496] : memref<2x9x2x128xi32, #tpu.memory_space<vmem>> -> memref<1x1x2x128xi32, #tpu.memory_space<vmem>>
    %dma_wait3A_498 = tpu.memref_squeeze %dma_wait3A_497 : memref<1x1x2x128xi32, #tpu.memory_space<vmem>> -> memref<2x128xi32, #tpu.memory_space<vmem>>
    %dma_wait3A_499 = arith.constant 0 : i32
    %dma_wait3A_500 = tpu.memref_slice %arg3[%add3A_221, %dma_wait3A_499] : memref<1152x128xi32, #tpu.memory_space<hbm>> -> memref<2x128xi32, #tpu.memory_space<hbm>>
    %dma_wait3A_501 = arith.constant 0 : i32
    %dma_wait3A_502 = arith.constant 0 : i32
    %dma_wait3A_503 = tpu.memref_slice %arg5[%dma_wait3A_493, %dma_wait3A_494, %dma_wait3A_501, %dma_wait3A_502] : memref<2x9x2x128xi32, #tpu.memory_space<vmem>> -> memref<1x1x2x128xi32, #tpu.memory_space<vmem>>
    %dma_wait3A_504 = tpu.memref_squeeze %dma_wait3A_503 : memref<1x1x2x128xi32, #tpu.memory_space<vmem>> -> memref<2x128xi32, #tpu.memory_space<vmem>>
    %dma_wait3A_505 = arith.constant 0 : i32
    %dma_wait3A_506 = tpu.memref_slice %arg3[%add3A_221, %dma_wait3A_505] : memref<1152x128xi32, #tpu.memory_space<hbm>> -> memref<2x128xi32, #tpu.memory_space<hbm>>
    tpu.wait_dma2 semaphore(%arg7 : memref<!tpu.dma_semaphore, #tpu.memory_space<semaphore_mem>>) src(%dma_wait3A_506 : memref<2x128xi32, #tpu.memory_space<hbm>>) dst(%dma_wait3A_504 : memref<2x128xi32, #tpu.memory_space<vmem>>)
    %dma_wait3A_507 = arith.constant 1 : i32
    %dma_wait3A_508 = arith.constant 4 : i32
    %dma_wait3A_509 = arith.constant 0 : i32
    %dma_wait3A_510 = arith.constant 0 : i32
    %dma_wait3A_511 = tpu.memref_slice %arg5[%dma_wait3A_507, %dma_wait3A_508, %dma_wait3A_509, %dma_wait3A_510] : memref<2x9x2x128xi32, #tpu.memory_space<vmem>> -> memref<1x1x2x128xi32, #tpu.memory_space<vmem>>
    %dma_wait3A_512 = tpu.memref_squeeze %dma_wait3A_511 : memref<1x1x2x128xi32, #tpu.memory_space<vmem>> -> memref<2x128xi32, #tpu.memory_space<vmem>>
    %dma_wait3A_513 = arith.constant 0 : i32
    %dma_wait3A_514 = tpu.memref_slice %arg3[%add3A_239, %dma_wait3A_513] : memref<1152x128xi32, #tpu.memory_space<hbm>> -> memref<2x128xi32, #tpu.memory_space<hbm>>
    %dma_wait3A_515 = arith.constant 0 : i32
    %dma_wait3A_516 = arith.constant 0 : i32
    %dma_wait3A_517 = tpu.memref_slice %arg5[%dma_wait3A_507, %dma_wait3A_508, %dma_wait3A_515, %dma_wait3A_516] : memref<2x9x2x128xi32, #tpu.memory_space<vmem>> -> memref<1x1x2x128xi32, #tpu.memory_space<vmem>>
    %dma_wait3A_518 = tpu.memref_squeeze %dma_wait3A_517 : memref<1x1x2x128xi32, #tpu.memory_space<vmem>> -> memref<2x128xi32, #tpu.memory_space<vmem>>
    %dma_wait3A_519 = arith.constant 0 : i32
    %dma_wait3A_520 = tpu.memref_slice %arg3[%add3A_239, %dma_wait3A_519] : memref<1152x128xi32, #tpu.memory_space<hbm>> -> memref<2x128xi32, #tpu.memory_space<hbm>>
    tpu.wait_dma2 semaphore(%arg7 : memref<!tpu.dma_semaphore, #tpu.memory_space<semaphore_mem>>) src(%dma_wait3A_520 : memref<2x128xi32, #tpu.memory_space<hbm>>) dst(%dma_wait3A_518 : memref<2x128xi32, #tpu.memory_space<vmem>>)
    %dma_wait3A_521 = arith.constant 1 : i32
    %dma_wait3A_522 = arith.constant 5 : i32
    %dma_wait3A_523 = arith.constant 0 : i32
    %dma_wait3A_524 = arith.constant 0 : i32
    %dma_wait3A_525 = tpu.memref_slice %arg5[%dma_wait3A_521, %dma_wait3A_522, %dma_wait3A_523, %dma_wait3A_524] : memref<2x9x2x128xi32, #tpu.memory_space<vmem>> -> memref<1x1x2x128xi32, #tpu.memory_space<vmem>>
    %dma_wait3A_526 = tpu.memref_squeeze %dma_wait3A_525 : memref<1x1x2x128xi32, #tpu.memory_space<vmem>> -> memref<2x128xi32, #tpu.memory_space<vmem>>
    %dma_wait3A_527 = arith.constant 0 : i32
    %dma_wait3A_528 = tpu.memref_slice %arg3[%add3A_257, %dma_wait3A_527] : memref<1152x128xi32, #tpu.memory_space<hbm>> -> memref<2x128xi32, #tpu.memory_space<hbm>>
    %dma_wait3A_529 = arith.constant 0 : i32
    %dma_wait3A_530 = arith.constant 0 : i32
    %dma_wait3A_531 = tpu.memref_slice %arg5[%dma_wait3A_521, %dma_wait3A_522, %dma_wait3A_529, %dma_wait3A_530] : memref<2x9x2x128xi32, #tpu.memory_space<vmem>> -> memref<1x1x2x128xi32, #tpu.memory_space<vmem>>
    %dma_wait3A_532 = tpu.memref_squeeze %dma_wait3A_531 : memref<1x1x2x128xi32, #tpu.memory_space<vmem>> -> memref<2x128xi32, #tpu.memory_space<vmem>>
    %dma_wait3A_533 = arith.constant 0 : i32
    %dma_wait3A_534 = tpu.memref_slice %arg3[%add3A_257, %dma_wait3A_533] : memref<1152x128xi32, #tpu.memory_space<hbm>> -> memref<2x128xi32, #tpu.memory_space<hbm>>
    tpu.wait_dma2 semaphore(%arg7 : memref<!tpu.dma_semaphore, #tpu.memory_space<semaphore_mem>>) src(%dma_wait3A_534 : memref<2x128xi32, #tpu.memory_space<hbm>>) dst(%dma_wait3A_532 : memref<2x128xi32, #tpu.memory_space<vmem>>)
    %dma_wait3A_535 = arith.constant 1 : i32
    %dma_wait3A_536 = arith.constant 6 : i32
    %dma_wait3A_537 = arith.constant 0 : i32
    %dma_wait3A_538 = arith.constant 0 : i32
    %dma_wait3A_539 = tpu.memref_slice %arg5[%dma_wait3A_535, %dma_wait3A_536, %dma_wait3A_537, %dma_wait3A_538] : memref<2x9x2x128xi32, #tpu.memory_space<vmem>> -> memref<1x1x2x128xi32, #tpu.memory_space<vmem>>
    %dma_wait3A_540 = tpu.memref_squeeze %dma_wait3A_539 : memref<1x1x2x128xi32, #tpu.memory_space<vmem>> -> memref<2x128xi32, #tpu.memory_space<vmem>>
    %dma_wait3A_541 = arith.constant 0 : i32
    %dma_wait3A_542 = tpu.memref_slice %arg3[%add3A_275, %dma_wait3A_541] : memref<1152x128xi32, #tpu.memory_space<hbm>> -> memref<2x128xi32, #tpu.memory_space<hbm>>
    %dma_wait3A_543 = arith.constant 0 : i32
    %dma_wait3A_544 = arith.constant 0 : i32
    %dma_wait3A_545 = tpu.memref_slice %arg5[%dma_wait3A_535, %dma_wait3A_536, %dma_wait3A_543, %dma_wait3A_544] : memref<2x9x2x128xi32, #tpu.memory_space<vmem>> -> memref<1x1x2x128xi32, #tpu.memory_space<vmem>>
    %dma_wait3A_546 = tpu.memref_squeeze %dma_wait3A_545 : memref<1x1x2x128xi32, #tpu.memory_space<vmem>> -> memref<2x128xi32, #tpu.memory_space<vmem>>
    %dma_wait3A_547 = arith.constant 0 : i32
    %dma_wait3A_548 = tpu.memref_slice %arg3[%add3A_275, %dma_wait3A_547] : memref<1152x128xi32, #tpu.memory_space<hbm>> -> memref<2x128xi32, #tpu.memory_space<hbm>>
    tpu.wait_dma2 semaphore(%arg7 : memref<!tpu.dma_semaphore, #tpu.memory_space<semaphore_mem>>) src(%dma_wait3A_548 : memref<2x128xi32, #tpu.memory_space<hbm>>) dst(%dma_wait3A_546 : memref<2x128xi32, #tpu.memory_space<vmem>>)
    %dma_wait3A_549 = arith.constant 1 : i32
    %dma_wait3A_550 = arith.constant 7 : i32
    %dma_wait3A_551 = arith.constant 0 : i32
    %dma_wait3A_552 = arith.constant 0 : i32
    %dma_wait3A_553 = tpu.memref_slice %arg5[%dma_wait3A_549, %dma_wait3A_550, %dma_wait3A_551, %dma_wait3A_552] : memref<2x9x2x128xi32, #tpu.memory_space<vmem>> -> memref<1x1x2x128xi32, #tpu.memory_space<vmem>>
    %dma_wait3A_554 = tpu.memref_squeeze %dma_wait3A_553 : memref<1x1x2x128xi32, #tpu.memory_space<vmem>> -> memref<2x128xi32, #tpu.memory_space<vmem>>
    %dma_wait3A_555 = arith.constant 0 : i32
    %dma_wait3A_556 = tpu.memref_slice %arg3[%add3A_293, %dma_wait3A_555] : memref<1152x128xi32, #tpu.memory_space<hbm>> -> memref<2x128xi32, #tpu.memory_space<hbm>>
    %dma_wait3A_557 = arith.constant 0 : i32
    %dma_wait3A_558 = arith.constant 0 : i32
    %dma_wait3A_559 = tpu.memref_slice %arg5[%dma_wait3A_549, %dma_wait3A_550, %dma_wait3A_557, %dma_wait3A_558] : memref<2x9x2x128xi32, #tpu.memory_space<vmem>> -> memref<1x1x2x128xi32, #tpu.memory_space<vmem>>
    %dma_wait3A_560 = tpu.memref_squeeze %dma_wait3A_559 : memref<1x1x2x128xi32, #tpu.memory_space<vmem>> -> memref<2x128xi32, #tpu.memory_space<vmem>>
    %dma_wait3A_561 = arith.constant 0 : i32
    %dma_wait3A_562 = tpu.memref_slice %arg3[%add3A_293, %dma_wait3A_561] : memref<1152x128xi32, #tpu.memory_space<hbm>> -> memref<2x128xi32, #tpu.memory_space<hbm>>
    tpu.wait_dma2 semaphore(%arg7 : memref<!tpu.dma_semaphore, #tpu.memory_space<semaphore_mem>>) src(%dma_wait3A_562 : memref<2x128xi32, #tpu.memory_space<hbm>>) dst(%dma_wait3A_560 : memref<2x128xi32, #tpu.memory_space<vmem>>)
    %dma_wait3A_563 = arith.constant 1 : i32
    %dma_wait3A_564 = arith.constant 8 : i32
    %dma_wait3A_565 = arith.constant 0 : i32
    %dma_wait3A_566 = arith.constant 0 : i32
    %dma_wait3A_567 = tpu.memref_slice %arg5[%dma_wait3A_563, %dma_wait3A_564, %dma_wait3A_565, %dma_wait3A_566] : memref<2x9x2x128xi32, #tpu.memory_space<vmem>> -> memref<1x1x2x128xi32, #tpu.memory_space<vmem>>
    %dma_wait3A_568 = tpu.memref_squeeze %dma_wait3A_567 : memref<1x1x2x128xi32, #tpu.memory_space<vmem>> -> memref<2x128xi32, #tpu.memory_space<vmem>>
    %dma_wait3A_569 = arith.constant 0 : i32
    %dma_wait3A_570 = tpu.memref_slice %arg3[%add3A_311, %dma_wait3A_569] : memref<1152x128xi32, #tpu.memory_space<hbm>> -> memref<2x128xi32, #tpu.memory_space<hbm>>
    %dma_wait3A_571 = arith.constant 0 : i32
    %dma_wait3A_572 = arith.constant 0 : i32
    %dma_wait3A_573 = tpu.memref_slice %arg5[%dma_wait3A_563, %dma_wait3A_564, %dma_wait3A_571, %dma_wait3A_572] : memref<2x9x2x128xi32, #tpu.memory_space<vmem>> -> memref<1x1x2x128xi32, #tpu.memory_space<vmem>>
    %dma_wait3A_574 = tpu.memref_squeeze %dma_wait3A_573 : memref<1x1x2x128xi32, #tpu.memory_space<vmem>> -> memref<2x128xi32, #tpu.memory_space<vmem>>
    %dma_wait3A_575 = arith.constant 0 : i32
    %dma_wait3A_576 = tpu.memref_slice %arg3[%add3A_311, %dma_wait3A_575] : memref<1152x128xi32, #tpu.memory_space<hbm>> -> memref<2x128xi32, #tpu.memory_space<hbm>>
    tpu.wait_dma2 semaphore(%arg7 : memref<!tpu.dma_semaphore, #tpu.memory_space<semaphore_mem>>) src(%dma_wait3A_576 : memref<2x128xi32, #tpu.memory_space<hbm>>) dst(%dma_wait3A_574 : memref<2x128xi32, #tpu.memory_space<vmem>>)
    %dma_start3A_577 = arith.constant 0 : i32
    %dma_start3A_578 = arith.constant 0 : i32
    %dma_start3A_579 = arith.constant 0 : i32
    %dma_start3A_580 = arith.constant 0 : i32
    %dma_start3A_581 = arith.constant 0 : i32
    %dma_start3A_582 = arith.constant 0 : i32
    %dma_start3A_583 = arith.constant 0 : i32
    %dma_start3A_584 = tpu.memref_slice %arg6[%dma_start3A_580, %dma_start3A_581, %dma_start3A_582, %dma_start3A_583] : memref<2x2x256x64xf32, #tpu.memory_space<vmem>> -> memref<1x1x128x64xf32, #tpu.memory_space<vmem>>
    %dma_start3A_585 = tpu.memref_squeeze %dma_start3A_584 : memref<1x1x128x64xf32, #tpu.memory_space<vmem>> -> memref<128x64xf32, #tpu.memory_space<vmem>>
    %dma_start3A_586 = arith.constant 0 : i32
    %dma_start3A_587 = tpu.memref_slice %arg5[%dma_start3A_577, %dma_start3A_578, %dma_start3A_579, %dma_start3A_586] : memref<2x9x2x128xi32, #tpu.memory_space<vmem>> -> memref<1x1x1x128xi32, #tpu.memory_space<vmem>>
    %dma_start3A_588 = tpu.memref_squeeze %dma_start3A_587 : memref<1x1x1x128xi32, #tpu.memory_space<vmem>> -> memref<128xi32, #tpu.memory_space<vmem>>
    %dma_start3A_589 = arith.constant 0 : i32
    %dma_start3A_590 = arith.constant 0 : i32
    %dma_start3A_591 = tpu.memref_slice %arg2[%dma_start3A_589, %dma_start3A_590] : memref<100000x64xf32, #tpu.memory_space<hbm>> -> memref<100000x64xf32, #tpu.memory_space<hbm>>
    tpu.enqueue_indirect_dma source(%dma_start3A_591 : memref<100000x64xf32, #tpu.memory_space<hbm>>) target(%dma_start3A_585 : memref<128x64xf32, #tpu.memory_space<vmem>>) offsets(%dma_start3A_588 : memref<128xi32, #tpu.memory_space<vmem>>) semaphore(%arg7 : memref<!tpu.dma_semaphore, #tpu.memory_space<semaphore_mem>>)
    %dma_start3A_592 = arith.constant 0 : i32
    %dma_start3A_593 = arith.constant 0 : i32
    %dma_start3A_594 = arith.constant 1 : i32
    %dma_start3A_595 = arith.constant 0 : i32
    %dma_start3A_596 = arith.constant 0 : i32
    %dma_start3A_597 = arith.constant 128 : i32
    %dma_start3A_598 = arith.constant 0 : i32
    %dma_start3A_599 = tpu.memref_slice %arg6[%dma_start3A_595, %dma_start3A_596, %dma_start3A_597, %dma_start3A_598] : memref<2x2x256x64xf32, #tpu.memory_space<vmem>> -> memref<1x1x128x64xf32, #tpu.memory_space<vmem>>
    %dma_start3A_600 = tpu.memref_squeeze %dma_start3A_599 : memref<1x1x128x64xf32, #tpu.memory_space<vmem>> -> memref<128x64xf32, #tpu.memory_space<vmem>>
    %dma_start3A_601 = arith.constant 0 : i32
    %dma_start3A_602 = tpu.memref_slice %arg5[%dma_start3A_592, %dma_start3A_593, %dma_start3A_594, %dma_start3A_601] : memref<2x9x2x128xi32, #tpu.memory_space<vmem>> -> memref<1x1x1x128xi32, #tpu.memory_space<vmem>>
    %dma_start3A_603 = tpu.memref_squeeze %dma_start3A_602 : memref<1x1x1x128xi32, #tpu.memory_space<vmem>> -> memref<128xi32, #tpu.memory_space<vmem>>
    %dma_start3A_604 = arith.constant 0 : i32
    %dma_start3A_605 = arith.constant 0 : i32
    %dma_start3A_606 = tpu.memref_slice %arg2[%dma_start3A_604, %dma_start3A_605] : memref<100000x64xf32, #tpu.memory_space<hbm>> -> memref<100000x64xf32, #tpu.memory_space<hbm>>
    tpu.enqueue_indirect_dma source(%dma_start3A_606 : memref<100000x64xf32, #tpu.memory_space<hbm>>) target(%dma_start3A_600 : memref<128x64xf32, #tpu.memory_space<vmem>>) offsets(%dma_start3A_603 : memref<128xi32, #tpu.memory_space<vmem>>) semaphore(%arg7 : memref<!tpu.dma_semaphore, #tpu.memory_space<semaphore_mem>>)
    %dma_start3A_607 = arith.constant 0 : i32
    %dma_start3A_608 = arith.constant 1 : i32
    %dma_start3A_609 = arith.constant 0 : i32
    %dma_start3A_610 = arith.constant 0 : i32
    %dma_start3A_611 = arith.constant 1 : i32
    %dma_start3A_612 = arith.constant 0 : i32
    %dma_start3A_613 = arith.constant 0 : i32
    %dma_start3A_614 = tpu.memref_slice %arg6[%dma_start3A_610, %dma_start3A_611, %dma_start3A_612, %dma_start3A_613] : memref<2x2x256x64xf32, #tpu.memory_space<vmem>> -> memref<1x1x128x64xf32, #tpu.memory_space<vmem>>
    %dma_start3A_615 = tpu.memref_squeeze %dma_start3A_614 : memref<1x1x128x64xf32, #tpu.memory_space<vmem>> -> memref<128x64xf32, #tpu.memory_space<vmem>>
    %dma_start3A_616 = arith.constant 0 : i32
    %dma_start3A_617 = tpu.memref_slice %arg5[%dma_start3A_607, %dma_start3A_608, %dma_start3A_609, %dma_start3A_616] : memref<2x9x2x128xi32, #tpu.memory_space<vmem>> -> memref<1x1x1x128xi32, #tpu.memory_space<vmem>>
    %dma_start3A_618 = tpu.memref_squeeze %dma_start3A_617 : memref<1x1x1x128xi32, #tpu.memory_space<vmem>> -> memref<128xi32, #tpu.memory_space<vmem>>
    %dma_start3A_619 = arith.constant 0 : i32
    %dma_start3A_620 = arith.constant 0 : i32
    %dma_start3A_621 = tpu.memref_slice %arg2[%dma_start3A_619, %dma_start3A_620] : memref<100000x64xf32, #tpu.memory_space<hbm>> -> memref<100000x64xf32, #tpu.memory_space<hbm>>
    tpu.enqueue_indirect_dma source(%dma_start3A_621 : memref<100000x64xf32, #tpu.memory_space<hbm>>) target(%dma_start3A_615 : memref<128x64xf32, #tpu.memory_space<vmem>>) offsets(%dma_start3A_618 : memref<128xi32, #tpu.memory_space<vmem>>) semaphore(%arg7 : memref<!tpu.dma_semaphore, #tpu.memory_space<semaphore_mem>>)
    %dma_start3A_622 = arith.constant 0 : i32
    %dma_start3A_623 = arith.constant 1 : i32
    %dma_start3A_624 = arith.constant 1 : i32
    %dma_start3A_625 = arith.constant 0 : i32
    %dma_start3A_626 = arith.constant 1 : i32
    %dma_start3A_627 = arith.constant 128 : i32
    %dma_start3A_628 = arith.constant 0 : i32
    %dma_start3A_629 = tpu.memref_slice %arg6[%dma_start3A_625, %dma_start3A_626, %dma_start3A_627, %dma_start3A_628] : memref<2x2x256x64xf32, #tpu.memory_space<vmem>> -> memref<1x1x128x64xf32, #tpu.memory_space<vmem>>
    %dma_start3A_630 = tpu.memref_squeeze %dma_start3A_629 : memref<1x1x128x64xf32, #tpu.memory_space<vmem>> -> memref<128x64xf32, #tpu.memory_space<vmem>>
    %dma_start3A_631 = arith.constant 0 : i32
    %dma_start3A_632 = tpu.memref_slice %arg5[%dma_start3A_622, %dma_start3A_623, %dma_start3A_624, %dma_start3A_631] : memref<2x9x2x128xi32, #tpu.memory_space<vmem>> -> memref<1x1x1x128xi32, #tpu.memory_space<vmem>>
    %dma_start3A_633 = tpu.memref_squeeze %dma_start3A_632 : memref<1x1x1x128xi32, #tpu.memory_space<vmem>> -> memref<128xi32, #tpu.memory_space<vmem>>
    %dma_start3A_634 = arith.constant 0 : i32
    %dma_start3A_635 = arith.constant 0 : i32
    %dma_start3A_636 = tpu.memref_slice %arg2[%dma_start3A_634, %dma_start3A_635] : memref<100000x64xf32, #tpu.memory_space<hbm>> -> memref<100000x64xf32, #tpu.memory_space<hbm>>
    tpu.enqueue_indirect_dma source(%dma_start3A_636 : memref<100000x64xf32, #tpu.memory_space<hbm>>) target(%dma_start3A_630 : memref<128x64xf32, #tpu.memory_space<vmem>>) offsets(%dma_start3A_633 : memref<128xi32, #tpu.memory_space<vmem>>) semaphore(%arg7 : memref<!tpu.dma_semaphore, #tpu.memory_space<semaphore_mem>>)
    %dma_start3A_637 = arith.constant 0 : i32
    %dma_start3A_638 = arith.constant 2 : i32
    %dma_start3A_639 = arith.constant 0 : i32
    %dma_start3A_640 = arith.constant 1 : i32
    %dma_start3A_641 = arith.constant 0 : i32
    %dma_start3A_642 = arith.constant 0 : i32
    %dma_start3A_643 = arith.constant 0 : i32
    %dma_start3A_644 = tpu.memref_slice %arg6[%dma_start3A_640, %dma_start3A_641, %dma_start3A_642, %dma_start3A_643] : memref<2x2x256x64xf32, #tpu.memory_space<vmem>> -> memref<1x1x128x64xf32, #tpu.memory_space<vmem>>
    %dma_start3A_645 = tpu.memref_squeeze %dma_start3A_644 : memref<1x1x128x64xf32, #tpu.memory_space<vmem>> -> memref<128x64xf32, #tpu.memory_space<vmem>>
    %dma_start3A_646 = arith.constant 0 : i32
    %dma_start3A_647 = tpu.memref_slice %arg5[%dma_start3A_637, %dma_start3A_638, %dma_start3A_639, %dma_start3A_646] : memref<2x9x2x128xi32, #tpu.memory_space<vmem>> -> memref<1x1x1x128xi32, #tpu.memory_space<vmem>>
    %dma_start3A_648 = tpu.memref_squeeze %dma_start3A_647 : memref<1x1x1x128xi32, #tpu.memory_space<vmem>> -> memref<128xi32, #tpu.memory_space<vmem>>
    %dma_start3A_649 = arith.constant 0 : i32
    %dma_start3A_650 = arith.constant 0 : i32
    %dma_start3A_651 = tpu.memref_slice %arg2[%dma_start3A_649, %dma_start3A_650] : memref<100000x64xf32, #tpu.memory_space<hbm>> -> memref<100000x64xf32, #tpu.memory_space<hbm>>
    tpu.enqueue_indirect_dma source(%dma_start3A_651 : memref<100000x64xf32, #tpu.memory_space<hbm>>) target(%dma_start3A_645 : memref<128x64xf32, #tpu.memory_space<vmem>>) offsets(%dma_start3A_648 : memref<128xi32, #tpu.memory_space<vmem>>) semaphore(%arg8 : memref<!tpu.dma_semaphore, #tpu.memory_space<semaphore_mem>>)
    %dma_start3A_652 = arith.constant 0 : i32
    %dma_start3A_653 = arith.constant 2 : i32
    %dma_start3A_654 = arith.constant 1 : i32
    %dma_start3A_655 = arith.constant 1 : i32
    %dma_start3A_656 = arith.constant 0 : i32
    %dma_start3A_657 = arith.constant 128 : i32
    %dma_start3A_658 = arith.constant 0 : i32
    %dma_start3A_659 = tpu.memref_slice %arg6[%dma_start3A_655, %dma_start3A_656, %dma_start3A_657, %dma_start3A_658] : memref<2x2x256x64xf32, #tpu.memory_space<vmem>> -> memref<1x1x128x64xf32, #tpu.memory_space<vmem>>
    %dma_start3A_660 = tpu.memref_squeeze %dma_start3A_659 : memref<1x1x128x64xf32, #tpu.memory_space<vmem>> -> memref<128x64xf32, #tpu.memory_space<vmem>>
    %dma_start3A_661 = arith.constant 0 : i32
    %dma_start3A_662 = tpu.memref_slice %arg5[%dma_start3A_652, %dma_start3A_653, %dma_start3A_654, %dma_start3A_661] : memref<2x9x2x128xi32, #tpu.memory_space<vmem>> -> memref<1x1x1x128xi32, #tpu.memory_space<vmem>>
    %dma_start3A_663 = tpu.memref_squeeze %dma_start3A_662 : memref<1x1x1x128xi32, #tpu.memory_space<vmem>> -> memref<128xi32, #tpu.memory_space<vmem>>
    %dma_start3A_664 = arith.constant 0 : i32
    %dma_start3A_665 = arith.constant 0 : i32
    %dma_start3A_666 = tpu.memref_slice %arg2[%dma_start3A_664, %dma_start3A_665] : memref<100000x64xf32, #tpu.memory_space<hbm>> -> memref<100000x64xf32, #tpu.memory_space<hbm>>
    tpu.enqueue_indirect_dma source(%dma_start3A_666 : memref<100000x64xf32, #tpu.memory_space<hbm>>) target(%dma_start3A_660 : memref<128x64xf32, #tpu.memory_space<vmem>>) offsets(%dma_start3A_663 : memref<128xi32, #tpu.memory_space<vmem>>) semaphore(%arg8 : memref<!tpu.dma_semaphore, #tpu.memory_space<semaphore_mem>>)
    %dma_start3A_667 = arith.constant 0 : i32
    %dma_start3A_668 = arith.constant 3 : i32
    %dma_start3A_669 = arith.constant 0 : i32
    %dma_start3A_670 = arith.constant 1 : i32
    %dma_start3A_671 = arith.constant 1 : i32
    %dma_start3A_672 = arith.constant 0 : i32
    %dma_start3A_673 = arith.constant 0 : i32
    %dma_start3A_674 = tpu.memref_slice %arg6[%dma_start3A_670, %dma_start3A_671, %dma_start3A_672, %dma_start3A_673] : memref<2x2x256x64xf32, #tpu.memory_space<vmem>> -> memref<1x1x128x64xf32, #tpu.memory_space<vmem>>
    %dma_start3A_675 = tpu.memref_squeeze %dma_start3A_674 : memref<1x1x128x64xf32, #tpu.memory_space<vmem>> -> memref<128x64xf32, #tpu.memory_space<vmem>>
    %dma_start3A_676 = arith.constant 0 : i32
    %dma_start3A_677 = tpu.memref_slice %arg5[%dma_start3A_667, %dma_start3A_668, %dma_start3A_669, %dma_start3A_676] : memref<2x9x2x128xi32, #tpu.memory_space<vmem>> -> memref<1x1x1x128xi32, #tpu.memory_space<vmem>>
    %dma_start3A_678 = tpu.memref_squeeze %dma_start3A_677 : memref<1x1x1x128xi32, #tpu.memory_space<vmem>> -> memref<128xi32, #tpu.memory_space<vmem>>
    %dma_start3A_679 = arith.constant 0 : i32
    %dma_start3A_680 = arith.constant 0 : i32
    %dma_start3A_681 = tpu.memref_slice %arg2[%dma_start3A_679, %dma_start3A_680] : memref<100000x64xf32, #tpu.memory_space<hbm>> -> memref<100000x64xf32, #tpu.memory_space<hbm>>
    tpu.enqueue_indirect_dma source(%dma_start3A_681 : memref<100000x64xf32, #tpu.memory_space<hbm>>) target(%dma_start3A_675 : memref<128x64xf32, #tpu.memory_space<vmem>>) offsets(%dma_start3A_678 : memref<128xi32, #tpu.memory_space<vmem>>) semaphore(%arg8 : memref<!tpu.dma_semaphore, #tpu.memory_space<semaphore_mem>>)
    %dma_start3A_682 = arith.constant 0 : i32
    %dma_start3A_683 = arith.constant 3 : i32
    %dma_start3A_684 = arith.constant 1 : i32
    %dma_start3A_685 = arith.constant 1 : i32
    %dma_start3A_686 = arith.constant 1 : i32
    %dma_start3A_687 = arith.constant 128 : i32
    %dma_start3A_688 = arith.constant 0 : i32
    %dma_start3A_689 = tpu.memref_slice %arg6[%dma_start3A_685, %dma_start3A_686, %dma_start3A_687, %dma_start3A_688] : memref<2x2x256x64xf32, #tpu.memory_space<vmem>> -> memref<1x1x128x64xf32, #tpu.memory_space<vmem>>
    %dma_start3A_690 = tpu.memref_squeeze %dma_start3A_689 : memref<1x1x128x64xf32, #tpu.memory_space<vmem>> -> memref<128x64xf32, #tpu.memory_space<vmem>>
    %dma_start3A_691 = arith.constant 0 : i32
    %dma_start3A_692 = tpu.memref_slice %arg5[%dma_start3A_682, %dma_start3A_683, %dma_start3A_684, %dma_start3A_691] : memref<2x9x2x128xi32, #tpu.memory_space<vmem>> -> memref<1x1x1x128xi32, #tpu.memory_space<vmem>>
    %dma_start3A_693 = tpu.memref_squeeze %dma_start3A_692 : memref<1x1x1x128xi32, #tpu.memory_space<vmem>> -> memref<128xi32, #tpu.memory_space<vmem>>
    %dma_start3A_694 = arith.constant 0 : i32
    %dma_start3A_695 = arith.constant 0 : i32
    %dma_start3A_696 = tpu.memref_slice %arg2[%dma_start3A_694, %dma_start3A_695] : memref<100000x64xf32, #tpu.memory_space<hbm>> -> memref<100000x64xf32, #tpu.memory_space<hbm>>
    tpu.enqueue_indirect_dma source(%dma_start3A_696 : memref<100000x64xf32, #tpu.memory_space<hbm>>) target(%dma_start3A_690 : memref<128x64xf32, #tpu.memory_space<vmem>>) offsets(%dma_start3A_693 : memref<128xi32, #tpu.memory_space<vmem>>) semaphore(%arg8 : memref<!tpu.dma_semaphore, #tpu.memory_space<semaphore_mem>>)
    %dma_wait3A_697 = arith.constant 0 : i32
    %dma_wait3A_698 = arith.constant 0 : i32
    %dma_wait3A_699 = arith.constant 0 : i32
    %dma_wait3A_700 = arith.constant 0 : i32
    %dma_wait3A_701 = arith.constant 0 : i32
    %dma_wait3A_702 = arith.constant 0 : i32
    %dma_wait3A_703 = arith.constant 0 : i32
    %dma_wait3A_704 = tpu.memref_slice %arg6[%dma_wait3A_700, %dma_wait3A_701, %dma_wait3A_702, %dma_wait3A_703] : memref<2x2x256x64xf32, #tpu.memory_space<vmem>> -> memref<1x1x128x64xf32, #tpu.memory_space<vmem>>
    %dma_wait3A_705 = tpu.memref_squeeze %dma_wait3A_704 : memref<1x1x128x64xf32, #tpu.memory_space<vmem>> -> memref<128x64xf32, #tpu.memory_space<vmem>>
    %dma_wait3A_706 = arith.constant 0 : i32
    %dma_wait3A_707 = tpu.memref_slice %arg5[%dma_wait3A_697, %dma_wait3A_698, %dma_wait3A_699, %dma_wait3A_706] : memref<2x9x2x128xi32, #tpu.memory_space<vmem>> -> memref<1x1x1x128xi32, #tpu.memory_space<vmem>>
    %dma_wait3A_708 = tpu.memref_squeeze %dma_wait3A_707 : memref<1x1x1x128xi32, #tpu.memory_space<vmem>> -> memref<128xi32, #tpu.memory_space<vmem>>
    %dma_wait3A_709 = arith.constant 0 : i32
    %dma_wait3A_710 = arith.constant 0 : i32
    %dma_wait3A_711 = tpu.memref_slice %arg2[%dma_wait3A_709, %dma_wait3A_710] : memref<100000x64xf32, #tpu.memory_space<hbm>> -> memref<100000x64xf32, #tpu.memory_space<hbm>>
    tpu.wait_indirect_dma semaphore(%arg7 : memref<!tpu.dma_semaphore, #tpu.memory_space<semaphore_mem>>) src(%dma_wait3A_711 : memref<100000x64xf32, #tpu.memory_space<hbm>>) dst(%dma_wait3A_705 : memref<128x64xf32, #tpu.memory_space<vmem>>)
    %dma_wait3A_712 = arith.constant 0 : i32
    %dma_wait3A_713 = arith.constant 0 : i32
    %dma_wait3A_714 = arith.constant 1 : i32
    %dma_wait3A_715 = arith.constant 0 : i32
    %dma_wait3A_716 = arith.constant 0 : i32
    %dma_wait3A_717 = arith.constant 128 : i32
    %dma_wait3A_718 = arith.constant 0 : i32
    %dma_wait3A_719 = tpu.memref_slice %arg6[%dma_wait3A_715, %dma_wait3A_716, %dma_wait3A_717, %dma_wait3A_718] : memref<2x2x256x64xf32, #tpu.memory_space<vmem>> -> memref<1x1x128x64xf32, #tpu.memory_space<vmem>>
    %dma_wait3A_720 = tpu.memref_squeeze %dma_wait3A_719 : memref<1x1x128x64xf32, #tpu.memory_space<vmem>> -> memref<128x64xf32, #tpu.memory_space<vmem>>
    %dma_wait3A_721 = arith.constant 0 : i32
    %dma_wait3A_722 = tpu.memref_slice %arg5[%dma_wait3A_712, %dma_wait3A_713, %dma_wait3A_714, %dma_wait3A_721] : memref<2x9x2x128xi32, #tpu.memory_space<vmem>> -> memref<1x1x1x128xi32, #tpu.memory_space<vmem>>
    %dma_wait3A_723 = tpu.memref_squeeze %dma_wait3A_722 : memref<1x1x1x128xi32, #tpu.memory_space<vmem>> -> memref<128xi32, #tpu.memory_space<vmem>>
    %dma_wait3A_724 = arith.constant 0 : i32
    %dma_wait3A_725 = arith.constant 0 : i32
    %dma_wait3A_726 = tpu.memref_slice %arg2[%dma_wait3A_724, %dma_wait3A_725] : memref<100000x64xf32, #tpu.memory_space<hbm>> -> memref<100000x64xf32, #tpu.memory_space<hbm>>
    tpu.wait_indirect_dma semaphore(%arg7 : memref<!tpu.dma_semaphore, #tpu.memory_space<semaphore_mem>>) src(%dma_wait3A_726 : memref<100000x64xf32, #tpu.memory_space<hbm>>) dst(%dma_wait3A_720 : memref<128x64xf32, #tpu.memory_space<vmem>>)
    %dma_wait3A_727 = arith.constant 0 : i32
    %dma_wait3A_728 = arith.constant 1 : i32
    %dma_wait3A_729 = arith.constant 0 : i32
    %dma_wait3A_730 = arith.constant 0 : i32
    %dma_wait3A_731 = arith.constant 1 : i32
    %dma_wait3A_732 = arith.constant 0 : i32
    %dma_wait3A_733 = arith.constant 0 : i32
    %dma_wait3A_734 = tpu.memref_slice %arg6[%dma_wait3A_730, %dma_wait3A_731, %dma_wait3A_732, %dma_wait3A_733] : memref<2x2x256x64xf32, #tpu.memory_space<vmem>> -> memref<1x1x128x64xf32, #tpu.memory_space<vmem>>
    %dma_wait3A_735 = tpu.memref_squeeze %dma_wait3A_734 : memref<1x1x128x64xf32, #tpu.memory_space<vmem>> -> memref<128x64xf32, #tpu.memory_space<vmem>>
    %dma_wait3A_736 = arith.constant 0 : i32
    %dma_wait3A_737 = tpu.memref_slice %arg5[%dma_wait3A_727, %dma_wait3A_728, %dma_wait3A_729, %dma_wait3A_736] : memref<2x9x2x128xi32, #tpu.memory_space<vmem>> -> memref<1x1x1x128xi32, #tpu.memory_space<vmem>>
    %dma_wait3A_738 = tpu.memref_squeeze %dma_wait3A_737 : memref<1x1x1x128xi32, #tpu.memory_space<vmem>> -> memref<128xi32, #tpu.memory_space<vmem>>
    %dma_wait3A_739 = arith.constant 0 : i32
    %dma_wait3A_740 = arith.constant 0 : i32
    %dma_wait3A_741 = tpu.memref_slice %arg2[%dma_wait3A_739, %dma_wait3A_740] : memref<100000x64xf32, #tpu.memory_space<hbm>> -> memref<100000x64xf32, #tpu.memory_space<hbm>>
    tpu.wait_indirect_dma semaphore(%arg7 : memref<!tpu.dma_semaphore, #tpu.memory_space<semaphore_mem>>) src(%dma_wait3A_741 : memref<100000x64xf32, #tpu.memory_space<hbm>>) dst(%dma_wait3A_735 : memref<128x64xf32, #tpu.memory_space<vmem>>)
    %dma_wait3A_742 = arith.constant 0 : i32
    %dma_wait3A_743 = arith.constant 1 : i32
    %dma_wait3A_744 = arith.constant 1 : i32
    %dma_wait3A_745 = arith.constant 0 : i32
    %dma_wait3A_746 = arith.constant 1 : i32
    %dma_wait3A_747 = arith.constant 128 : i32
    %dma_wait3A_748 = arith.constant 0 : i32
    %dma_wait3A_749 = tpu.memref_slice %arg6[%dma_wait3A_745, %dma_wait3A_746, %dma_wait3A_747, %dma_wait3A_748] : memref<2x2x256x64xf32, #tpu.memory_space<vmem>> -> memref<1x1x128x64xf32, #tpu.memory_space<vmem>>
    %dma_wait3A_750 = tpu.memref_squeeze %dma_wait3A_749 : memref<1x1x128x64xf32, #tpu.memory_space<vmem>> -> memref<128x64xf32, #tpu.memory_space<vmem>>
    %dma_wait3A_751 = arith.constant 0 : i32
    %dma_wait3A_752 = tpu.memref_slice %arg5[%dma_wait3A_742, %dma_wait3A_743, %dma_wait3A_744, %dma_wait3A_751] : memref<2x9x2x128xi32, #tpu.memory_space<vmem>> -> memref<1x1x1x128xi32, #tpu.memory_space<vmem>>
    %dma_wait3A_753 = tpu.memref_squeeze %dma_wait3A_752 : memref<1x1x1x128xi32, #tpu.memory_space<vmem>> -> memref<128xi32, #tpu.memory_space<vmem>>
    %dma_wait3A_754 = arith.constant 0 : i32
    %dma_wait3A_755 = arith.constant 0 : i32
    %dma_wait3A_756 = tpu.memref_slice %arg2[%dma_wait3A_754, %dma_wait3A_755] : memref<100000x64xf32, #tpu.memory_space<hbm>> -> memref<100000x64xf32, #tpu.memory_space<hbm>>
    tpu.wait_indirect_dma semaphore(%arg7 : memref<!tpu.dma_semaphore, #tpu.memory_space<semaphore_mem>>) src(%dma_wait3A_756 : memref<100000x64xf32, #tpu.memory_space<hbm>>) dst(%dma_wait3A_750 : memref<128x64xf32, #tpu.memory_space<vmem>>)
    %dma_start3A_757 = arith.constant 0 : i32
    %dma_start3A_758 = arith.constant 0 : i32
    %dma_start3A_759 = arith.constant 0 : i32
    %dma_start3A_760 = arith.constant 0 : i32
    %dma_start3A_761 = arith.constant 0 : i32
    %dma_start3A_762 = tpu.memref_slice %arg6[%dma_start3A_757, %dma_start3A_758, %dma_start3A_760, %dma_start3A_761] : memref<2x2x256x64xf32, #tpu.memory_space<vmem>> -> memref<1x1x256x64xf32, #tpu.memory_space<vmem>>
    %dma_start3A_763 = tpu.memref_squeeze %dma_start3A_762 : memref<1x1x256x64xf32, #tpu.memory_space<vmem>> -> memref<256x64xf32, #tpu.memory_space<vmem>>
    %dma_start3A_764 = arith.constant 0 : i32
    %dma_start3A_765 = tpu.memref_slice %arg4[%dma_start3A_759, %mul3A_2, %dma_start3A_764] : memref<9x8192x128xf32, #tpu.memory_space<hbm>> -> memref<1x256x64xf32, #tpu.memory_space<hbm>>
    %dma_start3A_766 = tpu.memref_squeeze %dma_start3A_765 : memref<1x256x64xf32, #tpu.memory_space<hbm>> -> memref<256x64xf32, #tpu.memory_space<hbm>>
    %dma_start3A_767 = arith.constant 0 : i32
    %dma_start3A_768 = tpu.memref_slice %arg4[%dma_start3A_759, %mul3A_2, %dma_start3A_767] : memref<9x8192x128xf32, #tpu.memory_space<hbm>> -> memref<1x256x64xf32, #tpu.memory_space<hbm>>
    %dma_start3A_769 = tpu.memref_squeeze %dma_start3A_768 : memref<1x256x64xf32, #tpu.memory_space<hbm>> -> memref<256x64xf32, #tpu.memory_space<hbm>>
    %dma_start3A_770 = arith.constant 0 : i32
    %dma_start3A_771 = arith.constant 0 : i32
    %dma_start3A_772 = tpu.memref_slice %arg6[%dma_start3A_757, %dma_start3A_758, %dma_start3A_770, %dma_start3A_771] : memref<2x2x256x64xf32, #tpu.memory_space<vmem>> -> memref<1x1x256x64xf32, #tpu.memory_space<vmem>>
    %dma_start3A_773 = tpu.memref_squeeze %dma_start3A_772 : memref<1x1x256x64xf32, #tpu.memory_space<vmem>> -> memref<256x64xf32, #tpu.memory_space<vmem>>
    tpu.enqueue_dma source(%dma_start3A_773 : memref<256x64xf32, #tpu.memory_space<vmem>>) target(%dma_start3A_769 : memref<256x64xf32, #tpu.memory_space<hbm>>) target_semaphore(%arg9 : memref<!tpu.dma_semaphore, #tpu.memory_space<semaphore_mem>>)
    %dma_start3A_774 = arith.constant 0 : i32
    %dma_start3A_775 = arith.constant 1 : i32
    %dma_start3A_776 = arith.constant 0 : i32
    %dma_start3A_777 = arith.constant 0 : i32
    %dma_start3A_778 = arith.constant 0 : i32
    %dma_start3A_779 = tpu.memref_slice %arg6[%dma_start3A_774, %dma_start3A_775, %dma_start3A_777, %dma_start3A_778] : memref<2x2x256x64xf32, #tpu.memory_space<vmem>> -> memref<1x1x256x64xf32, #tpu.memory_space<vmem>>
    %dma_start3A_780 = tpu.memref_squeeze %dma_start3A_779 : memref<1x1x256x64xf32, #tpu.memory_space<vmem>> -> memref<256x64xf32, #tpu.memory_space<vmem>>
    %dma_start3A_781 = arith.constant 64 : i32
    %dma_start3A_782 = tpu.memref_slice %arg4[%dma_start3A_776, %mul3A_2, %dma_start3A_781] : memref<9x8192x128xf32, #tpu.memory_space<hbm>> -> memref<1x256x64xf32, #tpu.memory_space<hbm>>
    %dma_start3A_783 = tpu.memref_squeeze %dma_start3A_782 : memref<1x256x64xf32, #tpu.memory_space<hbm>> -> memref<256x64xf32, #tpu.memory_space<hbm>>
    %dma_start3A_784 = arith.constant 64 : i32
    %dma_start3A_785 = tpu.memref_slice %arg4[%dma_start3A_776, %mul3A_2, %dma_start3A_784] : memref<9x8192x128xf32, #tpu.memory_space<hbm>> -> memref<1x256x64xf32, #tpu.memory_space<hbm>>
    %dma_start3A_786 = tpu.memref_squeeze %dma_start3A_785 : memref<1x256x64xf32, #tpu.memory_space<hbm>> -> memref<256x64xf32, #tpu.memory_space<hbm>>
    %dma_start3A_787 = arith.constant 0 : i32
    %dma_start3A_788 = arith.constant 0 : i32
    %dma_start3A_789 = tpu.memref_slice %arg6[%dma_start3A_774, %dma_start3A_775, %dma_start3A_787, %dma_start3A_788] : memref<2x2x256x64xf32, #tpu.memory_space<vmem>> -> memref<1x1x256x64xf32, #tpu.memory_space<vmem>>
    %dma_start3A_790 = tpu.memref_squeeze %dma_start3A_789 : memref<1x1x256x64xf32, #tpu.memory_space<vmem>> -> memref<256x64xf32, #tpu.memory_space<vmem>>
    tpu.enqueue_dma source(%dma_start3A_790 : memref<256x64xf32, #tpu.memory_space<vmem>>) target(%dma_start3A_786 : memref<256x64xf32, #tpu.memory_space<hbm>>) target_semaphore(%arg9 : memref<!tpu.dma_semaphore, #tpu.memory_space<semaphore_mem>>)
    %dma_wait3A_791 = arith.constant 0 : i32
    %dma_wait3A_792 = arith.constant 0 : i32
    %dma_wait3A_793 = arith.constant 0 : i32
    %dma_wait3A_794 = arith.constant 0 : i32
    %dma_wait3A_795 = arith.constant 0 : i32
    %dma_wait3A_796 = tpu.memref_slice %arg6[%dma_wait3A_791, %dma_wait3A_792, %dma_wait3A_794, %dma_wait3A_795] : memref<2x2x256x64xf32, #tpu.memory_space<vmem>> -> memref<1x1x256x64xf32, #tpu.memory_space<vmem>>
    %dma_wait3A_797 = tpu.memref_squeeze %dma_wait3A_796 : memref<1x1x256x64xf32, #tpu.memory_space<vmem>> -> memref<256x64xf32, #tpu.memory_space<vmem>>
    %dma_wait3A_798 = arith.constant 0 : i32
    %dma_wait3A_799 = tpu.memref_slice %arg4[%dma_wait3A_793, %mul3A_2, %dma_wait3A_798] : memref<9x8192x128xf32, #tpu.memory_space<hbm>> -> memref<1x256x64xf32, #tpu.memory_space<hbm>>
    %dma_wait3A_800 = tpu.memref_squeeze %dma_wait3A_799 : memref<1x256x64xf32, #tpu.memory_space<hbm>> -> memref<256x64xf32, #tpu.memory_space<hbm>>
    %dma_wait3A_801 = arith.constant 0 : i32
    %dma_wait3A_802 = tpu.memref_slice %arg4[%dma_wait3A_793, %mul3A_2, %dma_wait3A_801] : memref<9x8192x128xf32, #tpu.memory_space<hbm>> -> memref<1x256x64xf32, #tpu.memory_space<hbm>>
    %dma_wait3A_803 = tpu.memref_squeeze %dma_wait3A_802 : memref<1x256x64xf32, #tpu.memory_space<hbm>> -> memref<256x64xf32, #tpu.memory_space<hbm>>
    %dma_wait3A_804 = arith.constant 0 : i32
    %dma_wait3A_805 = arith.constant 0 : i32
    %dma_wait3A_806 = tpu.memref_slice %arg6[%dma_wait3A_791, %dma_wait3A_792, %dma_wait3A_804, %dma_wait3A_805] : memref<2x2x256x64xf32, #tpu.memory_space<vmem>> -> memref<1x1x256x64xf32, #tpu.memory_space<vmem>>
    %dma_wait3A_807 = tpu.memref_squeeze %dma_wait3A_806 : memref<1x1x256x64xf32, #tpu.memory_space<vmem>> -> memref<256x64xf32, #tpu.memory_space<vmem>>
    tpu.wait_dma2 semaphore(%arg9 : memref<!tpu.dma_semaphore, #tpu.memory_space<semaphore_mem>>) src(%dma_wait3A_807 : memref<256x64xf32, #tpu.memory_space<vmem>>) dst(%dma_wait3A_803 : memref<256x64xf32, #tpu.memory_space<hbm>>)
    %dma_wait3A_808 = arith.constant 0 : i32
    %dma_wait3A_809 = arith.constant 1 : i32
    %dma_wait3A_810 = arith.constant 0 : i32
    %dma_wait3A_811 = arith.constant 0 : i32
    %dma_wait3A_812 = arith.constant 0 : i32
    %dma_wait3A_813 = tpu.memref_slice %arg6[%dma_wait3A_808, %dma_wait3A_809, %dma_wait3A_811, %dma_wait3A_812] : memref<2x2x256x64xf32, #tpu.memory_space<vmem>> -> memref<1x1x256x64xf32, #tpu.memory_space<vmem>>
    %dma_wait3A_814 = tpu.memref_squeeze %dma_wait3A_813 : memref<1x1x256x64xf32, #tpu.memory_space<vmem>> -> memref<256x64xf32, #tpu.memory_space<vmem>>
    %dma_wait3A_815 = arith.constant 64 : i32
    %dma_wait3A_816 = tpu.memref_slice %arg4[%dma_wait3A_810, %mul3A_2, %dma_wait3A_815] : memref<9x8192x128xf32, #tpu.memory_space<hbm>> -> memref<1x256x64xf32, #tpu.memory_space<hbm>>
    %dma_wait3A_817 = tpu.memref_squeeze %dma_wait3A_816 : memref<1x256x64xf32, #tpu.memory_space<hbm>> -> memref<256x64xf32, #tpu.memory_space<hbm>>
    %dma_wait3A_818 = arith.constant 64 : i32
    %dma_wait3A_819 = tpu.memref_slice %arg4[%dma_wait3A_810, %mul3A_2, %dma_wait3A_818] : memref<9x8192x128xf32, #tpu.memory_space<hbm>> -> memref<1x256x64xf32, #tpu.memory_space<hbm>>
    %dma_wait3A_820 = tpu.memref_squeeze %dma_wait3A_819 : memref<1x256x64xf32, #tpu.memory_space<hbm>> -> memref<256x64xf32, #tpu.memory_space<hbm>>
    %dma_wait3A_821 = arith.constant 0 : i32
    %dma_wait3A_822 = arith.constant 0 : i32
    %dma_wait3A_823 = tpu.memref_slice %arg6[%dma_wait3A_808, %dma_wait3A_809, %dma_wait3A_821, %dma_wait3A_822] : memref<2x2x256x64xf32, #tpu.memory_space<vmem>> -> memref<1x1x256x64xf32, #tpu.memory_space<vmem>>
    %dma_wait3A_824 = tpu.memref_squeeze %dma_wait3A_823 : memref<1x1x256x64xf32, #tpu.memory_space<vmem>> -> memref<256x64xf32, #tpu.memory_space<vmem>>
    tpu.wait_dma2 semaphore(%arg9 : memref<!tpu.dma_semaphore, #tpu.memory_space<semaphore_mem>>) src(%dma_wait3A_824 : memref<256x64xf32, #tpu.memory_space<vmem>>) dst(%dma_wait3A_820 : memref<256x64xf32, #tpu.memory_space<hbm>>)
    %dma_start3A_825 = arith.constant 0 : i32
    %dma_start3A_826 = arith.constant 4 : i32
    %dma_start3A_827 = arith.constant 0 : i32
    %dma_start3A_828 = arith.constant 0 : i32
    %dma_start3A_829 = arith.constant 0 : i32
    %dma_start3A_830 = arith.constant 0 : i32
    %dma_start3A_831 = arith.constant 0 : i32
    %dma_start3A_832 = tpu.memref_slice %arg6[%dma_start3A_828, %dma_start3A_829, %dma_start3A_830, %dma_start3A_831] : memref<2x2x256x64xf32, #tpu.memory_space<vmem>> -> memref<1x1x128x64xf32, #tpu.memory_space<vmem>>
    %dma_start3A_833 = tpu.memref_squeeze %dma_start3A_832 : memref<1x1x128x64xf32, #tpu.memory_space<vmem>> -> memref<128x64xf32, #tpu.memory_space<vmem>>
    %dma_start3A_834 = arith.constant 0 : i32
    %dma_start3A_835 = tpu.memref_slice %arg5[%dma_start3A_825, %dma_start3A_826, %dma_start3A_827, %dma_start3A_834] : memref<2x9x2x128xi32, #tpu.memory_space<vmem>> -> memref<1x1x1x128xi32, #tpu.memory_space<vmem>>
    %dma_start3A_836 = tpu.memref_squeeze %dma_start3A_835 : memref<1x1x1x128xi32, #tpu.memory_space<vmem>> -> memref<128xi32, #tpu.memory_space<vmem>>
    %dma_start3A_837 = arith.constant 0 : i32
    %dma_start3A_838 = arith.constant 0 : i32
    %dma_start3A_839 = tpu.memref_slice %arg2[%dma_start3A_837, %dma_start3A_838] : memref<100000x64xf32, #tpu.memory_space<hbm>> -> memref<100000x64xf32, #tpu.memory_space<hbm>>
    tpu.enqueue_indirect_dma source(%dma_start3A_839 : memref<100000x64xf32, #tpu.memory_space<hbm>>) target(%dma_start3A_833 : memref<128x64xf32, #tpu.memory_space<vmem>>) offsets(%dma_start3A_836 : memref<128xi32, #tpu.memory_space<vmem>>) semaphore(%arg7 : memref<!tpu.dma_semaphore, #tpu.memory_space<semaphore_mem>>)
    %dma_start3A_840 = arith.constant 0 : i32
    %dma_start3A_841 = arith.constant 4 : i32
    %dma_start3A_842 = arith.constant 1 : i32
    %dma_start3A_843 = arith.constant 0 : i32
    %dma_start3A_844 = arith.constant 0 : i32
    %dma_start3A_845 = arith.constant 128 : i32
    %dma_start3A_846 = arith.constant 0 : i32
    %dma_start3A_847 = tpu.memref_slice %arg6[%dma_start3A_843, %dma_start3A_844, %dma_start3A_845, %dma_start3A_846] : memref<2x2x256x64xf32, #tpu.memory_space<vmem>> -> memref<1x1x128x64xf32, #tpu.memory_space<vmem>>
    %dma_start3A_848 = tpu.memref_squeeze %dma_start3A_847 : memref<1x1x128x64xf32, #tpu.memory_space<vmem>> -> memref<128x64xf32, #tpu.memory_space<vmem>>
    %dma_start3A_849 = arith.constant 0 : i32
    %dma_start3A_850 = tpu.memref_slice %arg5[%dma_start3A_840, %dma_start3A_841, %dma_start3A_842, %dma_start3A_849] : memref<2x9x2x128xi32, #tpu.memory_space<vmem>> -> memref<1x1x1x128xi32, #tpu.memory_space<vmem>>
    %dma_start3A_851 = tpu.memref_squeeze %dma_start3A_850 : memref<1x1x1x128xi32, #tpu.memory_space<vmem>> -> memref<128xi32, #tpu.memory_space<vmem>>
    %dma_start3A_852 = arith.constant 0 : i32
    %dma_start3A_853 = arith.constant 0 : i32
    %dma_start3A_854 = tpu.memref_slice %arg2[%dma_start3A_852, %dma_start3A_853] : memref<100000x64xf32, #tpu.memory_space<hbm>> -> memref<100000x64xf32, #tpu.memory_space<hbm>>
    tpu.enqueue_indirect_dma source(%dma_start3A_854 : memref<100000x64xf32, #tpu.memory_space<hbm>>) target(%dma_start3A_848 : memref<128x64xf32, #tpu.memory_space<vmem>>) offsets(%dma_start3A_851 : memref<128xi32, #tpu.memory_space<vmem>>) semaphore(%arg7 : memref<!tpu.dma_semaphore, #tpu.memory_space<semaphore_mem>>)
    %dma_start3A_855 = arith.constant 0 : i32
    %dma_start3A_856 = arith.constant 5 : i32
    %dma_start3A_857 = arith.constant 0 : i32
    %dma_start3A_858 = arith.constant 0 : i32
    %dma_start3A_859 = arith.constant 1 : i32
    %dma_start3A_860 = arith.constant 0 : i32
    %dma_start3A_861 = arith.constant 0 : i32
    %dma_start3A_862 = tpu.memref_slice %arg6[%dma_start3A_858, %dma_start3A_859, %dma_start3A_860, %dma_start3A_861] : memref<2x2x256x64xf32, #tpu.memory_space<vmem>> -> memref<1x1x128x64xf32, #tpu.memory_space<vmem>>
    %dma_start3A_863 = tpu.memref_squeeze %dma_start3A_862 : memref<1x1x128x64xf32, #tpu.memory_space<vmem>> -> memref<128x64xf32, #tpu.memory_space<vmem>>
    %dma_start3A_864 = arith.constant 0 : i32
    %dma_start3A_865 = tpu.memref_slice %arg5[%dma_start3A_855, %dma_start3A_856, %dma_start3A_857, %dma_start3A_864] : memref<2x9x2x128xi32, #tpu.memory_space<vmem>> -> memref<1x1x1x128xi32, #tpu.memory_space<vmem>>
    %dma_start3A_866 = tpu.memref_squeeze %dma_start3A_865 : memref<1x1x1x128xi32, #tpu.memory_space<vmem>> -> memref<128xi32, #tpu.memory_space<vmem>>
    %dma_start3A_867 = arith.constant 0 : i32
    %dma_start3A_868 = arith.constant 0 : i32
    %dma_start3A_869 = tpu.memref_slice %arg2[%dma_start3A_867, %dma_start3A_868] : memref<100000x64xf32, #tpu.memory_space<hbm>> -> memref<100000x64xf32, #tpu.memory_space<hbm>>
    tpu.enqueue_indirect_dma source(%dma_start3A_869 : memref<100000x64xf32, #tpu.memory_space<hbm>>) target(%dma_start3A_863 : memref<128x64xf32, #tpu.memory_space<vmem>>) offsets(%dma_start3A_866 : memref<128xi32, #tpu.memory_space<vmem>>) semaphore(%arg7 : memref<!tpu.dma_semaphore, #tpu.memory_space<semaphore_mem>>)
    %dma_start3A_870 = arith.constant 0 : i32
    %dma_start3A_871 = arith.constant 5 : i32
    %dma_start3A_872 = arith.constant 1 : i32
    %dma_start3A_873 = arith.constant 0 : i32
    %dma_start3A_874 = arith.constant 1 : i32
    %dma_start3A_875 = arith.constant 128 : i32
    %dma_start3A_876 = arith.constant 0 : i32
    %dma_start3A_877 = tpu.memref_slice %arg6[%dma_start3A_873, %dma_start3A_874, %dma_start3A_875, %dma_start3A_876] : memref<2x2x256x64xf32, #tpu.memory_space<vmem>> -> memref<1x1x128x64xf32, #tpu.memory_space<vmem>>
    %dma_start3A_878 = tpu.memref_squeeze %dma_start3A_877 : memref<1x1x128x64xf32, #tpu.memory_space<vmem>> -> memref<128x64xf32, #tpu.memory_space<vmem>>
    %dma_start3A_879 = arith.constant 0 : i32
    %dma_start3A_880 = tpu.memref_slice %arg5[%dma_start3A_870, %dma_start3A_871, %dma_start3A_872, %dma_start3A_879] : memref<2x9x2x128xi32, #tpu.memory_space<vmem>> -> memref<1x1x1x128xi32, #tpu.memory_space<vmem>>
    %dma_start3A_881 = tpu.memref_squeeze %dma_start3A_880 : memref<1x1x1x128xi32, #tpu.memory_space<vmem>> -> memref<128xi32, #tpu.memory_space<vmem>>
    %dma_start3A_882 = arith.constant 0 : i32
    %dma_start3A_883 = arith.constant 0 : i32
    %dma_start3A_884 = tpu.memref_slice %arg2[%dma_start3A_882, %dma_start3A_883] : memref<100000x64xf32, #tpu.memory_space<hbm>> -> memref<100000x64xf32, #tpu.memory_space<hbm>>
    tpu.enqueue_indirect_dma source(%dma_start3A_884 : memref<100000x64xf32, #tpu.memory_space<hbm>>) target(%dma_start3A_878 : memref<128x64xf32, #tpu.memory_space<vmem>>) offsets(%dma_start3A_881 : memref<128xi32, #tpu.memory_space<vmem>>) semaphore(%arg7 : memref<!tpu.dma_semaphore, #tpu.memory_space<semaphore_mem>>)
    %dma_wait3A_885 = arith.constant 0 : i32
    %dma_wait3A_886 = arith.constant 2 : i32
    %dma_wait3A_887 = arith.constant 0 : i32
    %dma_wait3A_888 = arith.constant 1 : i32
    %dma_wait3A_889 = arith.constant 0 : i32
    %dma_wait3A_890 = arith.constant 0 : i32
    %dma_wait3A_891 = arith.constant 0 : i32
    %dma_wait3A_892 = tpu.memref_slice %arg6[%dma_wait3A_888, %dma_wait3A_889, %dma_wait3A_890, %dma_wait3A_891] : memref<2x2x256x64xf32, #tpu.memory_space<vmem>> -> memref<1x1x128x64xf32, #tpu.memory_space<vmem>>
    %dma_wait3A_893 = tpu.memref_squeeze %dma_wait3A_892 : memref<1x1x128x64xf32, #tpu.memory_space<vmem>> -> memref<128x64xf32, #tpu.memory_space<vmem>>
    %dma_wait3A_894 = arith.constant 0 : i32
    %dma_wait3A_895 = tpu.memref_slice %arg5[%dma_wait3A_885, %dma_wait3A_886, %dma_wait3A_887, %dma_wait3A_894] : memref<2x9x2x128xi32, #tpu.memory_space<vmem>> -> memref<1x1x1x128xi32, #tpu.memory_space<vmem>>
    %dma_wait3A_896 = tpu.memref_squeeze %dma_wait3A_895 : memref<1x1x1x128xi32, #tpu.memory_space<vmem>> -> memref<128xi32, #tpu.memory_space<vmem>>
    %dma_wait3A_897 = arith.constant 0 : i32
    %dma_wait3A_898 = arith.constant 0 : i32
    %dma_wait3A_899 = tpu.memref_slice %arg2[%dma_wait3A_897, %dma_wait3A_898] : memref<100000x64xf32, #tpu.memory_space<hbm>> -> memref<100000x64xf32, #tpu.memory_space<hbm>>
    tpu.wait_indirect_dma semaphore(%arg8 : memref<!tpu.dma_semaphore, #tpu.memory_space<semaphore_mem>>) src(%dma_wait3A_899 : memref<100000x64xf32, #tpu.memory_space<hbm>>) dst(%dma_wait3A_893 : memref<128x64xf32, #tpu.memory_space<vmem>>)
    %dma_wait3A_900 = arith.constant 0 : i32
    %dma_wait3A_901 = arith.constant 2 : i32
    %dma_wait3A_902 = arith.constant 1 : i32
    %dma_wait3A_903 = arith.constant 1 : i32
    %dma_wait3A_904 = arith.constant 0 : i32
    %dma_wait3A_905 = arith.constant 128 : i32
    %dma_wait3A_906 = arith.constant 0 : i32
    %dma_wait3A_907 = tpu.memref_slice %arg6[%dma_wait3A_903, %dma_wait3A_904, %dma_wait3A_905, %dma_wait3A_906] : memref<2x2x256x64xf32, #tpu.memory_space<vmem>> -> memref<1x1x128x64xf32, #tpu.memory_space<vmem>>
    %dma_wait3A_908 = tpu.memref_squeeze %dma_wait3A_907 : memref<1x1x128x64xf32, #tpu.memory_space<vmem>> -> memref<128x64xf32, #tpu.memory_space<vmem>>
    %dma_wait3A_909 = arith.constant 0 : i32
    %dma_wait3A_910 = tpu.memref_slice %arg5[%dma_wait3A_900, %dma_wait3A_901, %dma_wait3A_902, %dma_wait3A_909] : memref<2x9x2x128xi32, #tpu.memory_space<vmem>> -> memref<1x1x1x128xi32, #tpu.memory_space<vmem>>
    %dma_wait3A_911 = tpu.memref_squeeze %dma_wait3A_910 : memref<1x1x1x128xi32, #tpu.memory_space<vmem>> -> memref<128xi32, #tpu.memory_space<vmem>>
    %dma_wait3A_912 = arith.constant 0 : i32
    %dma_wait3A_913 = arith.constant 0 : i32
    %dma_wait3A_914 = tpu.memref_slice %arg2[%dma_wait3A_912, %dma_wait3A_913] : memref<100000x64xf32, #tpu.memory_space<hbm>> -> memref<100000x64xf32, #tpu.memory_space<hbm>>
    tpu.wait_indirect_dma semaphore(%arg8 : memref<!tpu.dma_semaphore, #tpu.memory_space<semaphore_mem>>) src(%dma_wait3A_914 : memref<100000x64xf32, #tpu.memory_space<hbm>>) dst(%dma_wait3A_908 : memref<128x64xf32, #tpu.memory_space<vmem>>)
    %dma_wait3A_915 = arith.constant 0 : i32
    %dma_wait3A_916 = arith.constant 3 : i32
    %dma_wait3A_917 = arith.constant 0 : i32
    %dma_wait3A_918 = arith.constant 1 : i32
    %dma_wait3A_919 = arith.constant 1 : i32
    %dma_wait3A_920 = arith.constant 0 : i32
    %dma_wait3A_921 = arith.constant 0 : i32
    %dma_wait3A_922 = tpu.memref_slice %arg6[%dma_wait3A_918, %dma_wait3A_919, %dma_wait3A_920, %dma_wait3A_921] : memref<2x2x256x64xf32, #tpu.memory_space<vmem>> -> memref<1x1x128x64xf32, #tpu.memory_space<vmem>>
    %dma_wait3A_923 = tpu.memref_squeeze %dma_wait3A_922 : memref<1x1x128x64xf32, #tpu.memory_space<vmem>> -> memref<128x64xf32, #tpu.memory_space<vmem>>
    %dma_wait3A_924 = arith.constant 0 : i32
    %dma_wait3A_925 = tpu.memref_slice %arg5[%dma_wait3A_915, %dma_wait3A_916, %dma_wait3A_917, %dma_wait3A_924] : memref<2x9x2x128xi32, #tpu.memory_space<vmem>> -> memref<1x1x1x128xi32, #tpu.memory_space<vmem>>
    %dma_wait3A_926 = tpu.memref_squeeze %dma_wait3A_925 : memref<1x1x1x128xi32, #tpu.memory_space<vmem>> -> memref<128xi32, #tpu.memory_space<vmem>>
    %dma_wait3A_927 = arith.constant 0 : i32
    %dma_wait3A_928 = arith.constant 0 : i32
    %dma_wait3A_929 = tpu.memref_slice %arg2[%dma_wait3A_927, %dma_wait3A_928] : memref<100000x64xf32, #tpu.memory_space<hbm>> -> memref<100000x64xf32, #tpu.memory_space<hbm>>
    tpu.wait_indirect_dma semaphore(%arg8 : memref<!tpu.dma_semaphore, #tpu.memory_space<semaphore_mem>>) src(%dma_wait3A_929 : memref<100000x64xf32, #tpu.memory_space<hbm>>) dst(%dma_wait3A_923 : memref<128x64xf32, #tpu.memory_space<vmem>>)
    %dma_wait3A_930 = arith.constant 0 : i32
    %dma_wait3A_931 = arith.constant 3 : i32
    %dma_wait3A_932 = arith.constant 1 : i32
    %dma_wait3A_933 = arith.constant 1 : i32
    %dma_wait3A_934 = arith.constant 1 : i32
    %dma_wait3A_935 = arith.constant 128 : i32
    %dma_wait3A_936 = arith.constant 0 : i32
    %dma_wait3A_937 = tpu.memref_slice %arg6[%dma_wait3A_933, %dma_wait3A_934, %dma_wait3A_935, %dma_wait3A_936] : memref<2x2x256x64xf32, #tpu.memory_space<vmem>> -> memref<1x1x128x64xf32, #tpu.memory_space<vmem>>
    %dma_wait3A_938 = tpu.memref_squeeze %dma_wait3A_937 : memref<1x1x128x64xf32, #tpu.memory_space<vmem>> -> memref<128x64xf32, #tpu.memory_space<vmem>>
    %dma_wait3A_939 = arith.constant 0 : i32
    %dma_wait3A_940 = tpu.memref_slice %arg5[%dma_wait3A_930, %dma_wait3A_931, %dma_wait3A_932, %dma_wait3A_939] : memref<2x9x2x128xi32, #tpu.memory_space<vmem>> -> memref<1x1x1x128xi32, #tpu.memory_space<vmem>>
    %dma_wait3A_941 = tpu.memref_squeeze %dma_wait3A_940 : memref<1x1x1x128xi32, #tpu.memory_space<vmem>> -> memref<128xi32, #tpu.memory_space<vmem>>
    %dma_wait3A_942 = arith.constant 0 : i32
    %dma_wait3A_943 = arith.constant 0 : i32
    %dma_wait3A_944 = tpu.memref_slice %arg2[%dma_wait3A_942, %dma_wait3A_943] : memref<100000x64xf32, #tpu.memory_space<hbm>> -> memref<100000x64xf32, #tpu.memory_space<hbm>>
    tpu.wait_indirect_dma semaphore(%arg8 : memref<!tpu.dma_semaphore, #tpu.memory_space<semaphore_mem>>) src(%dma_wait3A_944 : memref<100000x64xf32, #tpu.memory_space<hbm>>) dst(%dma_wait3A_938 : memref<128x64xf32, #tpu.memory_space<vmem>>)
    %dma_start3A_945 = arith.constant 1 : i32
    %dma_start3A_946 = arith.constant 0 : i32
    %dma_start3A_947 = arith.constant 1 : i32
    %dma_start3A_948 = arith.constant 0 : i32
    %dma_start3A_949 = arith.constant 0 : i32
    %dma_start3A_950 = tpu.memref_slice %arg6[%dma_start3A_945, %dma_start3A_946, %dma_start3A_948, %dma_start3A_949] : memref<2x2x256x64xf32, #tpu.memory_space<vmem>> -> memref<1x1x256x64xf32, #tpu.memory_space<vmem>>
    %dma_start3A_951 = tpu.memref_squeeze %dma_start3A_950 : memref<1x1x256x64xf32, #tpu.memory_space<vmem>> -> memref<256x64xf32, #tpu.memory_space<vmem>>
    %dma_start3A_952 = arith.constant 0 : i32
    %dma_start3A_953 = tpu.memref_slice %arg4[%dma_start3A_947, %mul3A_2, %dma_start3A_952] : memref<9x8192x128xf32, #tpu.memory_space<hbm>> -> memref<1x256x64xf32, #tpu.memory_space<hbm>>
    %dma_start3A_954 = tpu.memref_squeeze %dma_start3A_953 : memref<1x256x64xf32, #tpu.memory_space<hbm>> -> memref<256x64xf32, #tpu.memory_space<hbm>>
    %dma_start3A_955 = arith.constant 0 : i32
    %dma_start3A_956 = tpu.memref_slice %arg4[%dma_start3A_947, %mul3A_2, %dma_start3A_955] : memref<9x8192x128xf32, #tpu.memory_space<hbm>> -> memref<1x256x64xf32, #tpu.memory_space<hbm>>
    %dma_start3A_957 = tpu.memref_squeeze %dma_start3A_956 : memref<1x256x64xf32, #tpu.memory_space<hbm>> -> memref<256x64xf32, #tpu.memory_space<hbm>>
    %dma_start3A_958 = arith.constant 0 : i32
    %dma_start3A_959 = arith.constant 0 : i32
    %dma_start3A_960 = tpu.memref_slice %arg6[%dma_start3A_945, %dma_start3A_946, %dma_start3A_958, %dma_start3A_959] : memref<2x2x256x64xf32, #tpu.memory_space<vmem>> -> memref<1x1x256x64xf32, #tpu.memory_space<vmem>>
    %dma_start3A_961 = tpu.memref_squeeze %dma_start3A_960 : memref<1x1x256x64xf32, #tpu.memory_space<vmem>> -> memref<256x64xf32, #tpu.memory_space<vmem>>
    tpu.enqueue_dma source(%dma_start3A_961 : memref<256x64xf32, #tpu.memory_space<vmem>>) target(%dma_start3A_957 : memref<256x64xf32, #tpu.memory_space<hbm>>) target_semaphore(%arg10 : memref<!tpu.dma_semaphore, #tpu.memory_space<semaphore_mem>>)
    %dma_start3A_962 = arith.constant 1 : i32
    %dma_start3A_963 = arith.constant 1 : i32
    %dma_start3A_964 = arith.constant 1 : i32
    %dma_start3A_965 = arith.constant 0 : i32
    %dma_start3A_966 = arith.constant 0 : i32
    %dma_start3A_967 = tpu.memref_slice %arg6[%dma_start3A_962, %dma_start3A_963, %dma_start3A_965, %dma_start3A_966] : memref<2x2x256x64xf32, #tpu.memory_space<vmem>> -> memref<1x1x256x64xf32, #tpu.memory_space<vmem>>
    %dma_start3A_968 = tpu.memref_squeeze %dma_start3A_967 : memref<1x1x256x64xf32, #tpu.memory_space<vmem>> -> memref<256x64xf32, #tpu.memory_space<vmem>>
    %dma_start3A_969 = arith.constant 64 : i32
    %dma_start3A_970 = tpu.memref_slice %arg4[%dma_start3A_964, %mul3A_2, %dma_start3A_969] : memref<9x8192x128xf32, #tpu.memory_space<hbm>> -> memref<1x256x64xf32, #tpu.memory_space<hbm>>
    %dma_start3A_971 = tpu.memref_squeeze %dma_start3A_970 : memref<1x256x64xf32, #tpu.memory_space<hbm>> -> memref<256x64xf32, #tpu.memory_space<hbm>>
    %dma_start3A_972 = arith.constant 64 : i32
    %dma_start3A_973 = tpu.memref_slice %arg4[%dma_start3A_964, %mul3A_2, %dma_start3A_972] : memref<9x8192x128xf32, #tpu.memory_space<hbm>> -> memref<1x256x64xf32, #tpu.memory_space<hbm>>
    %dma_start3A_974 = tpu.memref_squeeze %dma_start3A_973 : memref<1x256x64xf32, #tpu.memory_space<hbm>> -> memref<256x64xf32, #tpu.memory_space<hbm>>
    %dma_start3A_975 = arith.constant 0 : i32
    %dma_start3A_976 = arith.constant 0 : i32
    %dma_start3A_977 = tpu.memref_slice %arg6[%dma_start3A_962, %dma_start3A_963, %dma_start3A_975, %dma_start3A_976] : memref<2x2x256x64xf32, #tpu.memory_space<vmem>> -> memref<1x1x256x64xf32, #tpu.memory_space<vmem>>
    %dma_start3A_978 = tpu.memref_squeeze %dma_start3A_977 : memref<1x1x256x64xf32, #tpu.memory_space<vmem>> -> memref<256x64xf32, #tpu.memory_space<vmem>>
    tpu.enqueue_dma source(%dma_start3A_978 : memref<256x64xf32, #tpu.memory_space<vmem>>) target(%dma_start3A_974 : memref<256x64xf32, #tpu.memory_space<hbm>>) target_semaphore(%arg10 : memref<!tpu.dma_semaphore, #tpu.memory_space<semaphore_mem>>)
    %dma_wait3A_979 = arith.constant 1 : i32
    %dma_wait3A_980 = arith.constant 0 : i32
    %dma_wait3A_981 = arith.constant 1 : i32
    %dma_wait3A_982 = arith.constant 0 : i32
    %dma_wait3A_983 = arith.constant 0 : i32
    %dma_wait3A_984 = tpu.memref_slice %arg6[%dma_wait3A_979, %dma_wait3A_980, %dma_wait3A_982, %dma_wait3A_983] : memref<2x2x256x64xf32, #tpu.memory_space<vmem>> -> memref<1x1x256x64xf32, #tpu.memory_space<vmem>>
    %dma_wait3A_985 = tpu.memref_squeeze %dma_wait3A_984 : memref<1x1x256x64xf32, #tpu.memory_space<vmem>> -> memref<256x64xf32, #tpu.memory_space<vmem>>
    %dma_wait3A_986 = arith.constant 0 : i32
    %dma_wait3A_987 = tpu.memref_slice %arg4[%dma_wait3A_981, %mul3A_2, %dma_wait3A_986] : memref<9x8192x128xf32, #tpu.memory_space<hbm>> -> memref<1x256x64xf32, #tpu.memory_space<hbm>>
    %dma_wait3A_988 = tpu.memref_squeeze %dma_wait3A_987 : memref<1x256x64xf32, #tpu.memory_space<hbm>> -> memref<256x64xf32, #tpu.memory_space<hbm>>
    %dma_wait3A_989 = arith.constant 0 : i32
    %dma_wait3A_990 = tpu.memref_slice %arg4[%dma_wait3A_981, %mul3A_2, %dma_wait3A_989] : memref<9x8192x128xf32, #tpu.memory_space<hbm>> -> memref<1x256x64xf32, #tpu.memory_space<hbm>>
    %dma_wait3A_991 = tpu.memref_squeeze %dma_wait3A_990 : memref<1x256x64xf32, #tpu.memory_space<hbm>> -> memref<256x64xf32, #tpu.memory_space<hbm>>
    %dma_wait3A_992 = arith.constant 0 : i32
    %dma_wait3A_993 = arith.constant 0 : i32
    %dma_wait3A_994 = tpu.memref_slice %arg6[%dma_wait3A_979, %dma_wait3A_980, %dma_wait3A_992, %dma_wait3A_993] : memref<2x2x256x64xf32, #tpu.memory_space<vmem>> -> memref<1x1x256x64xf32, #tpu.memory_space<vmem>>
    %dma_wait3A_995 = tpu.memref_squeeze %dma_wait3A_994 : memref<1x1x256x64xf32, #tpu.memory_space<vmem>> -> memref<256x64xf32, #tpu.memory_space<vmem>>
    tpu.wait_dma2 semaphore(%arg10 : memref<!tpu.dma_semaphore, #tpu.memory_space<semaphore_mem>>) src(%dma_wait3A_995 : memref<256x64xf32, #tpu.memory_space<vmem>>) dst(%dma_wait3A_991 : memref<256x64xf32, #tpu.memory_space<hbm>>)
    %dma_wait3A_996 = arith.constant 1 : i32
    %dma_wait3A_997 = arith.constant 1 : i32
    %dma_wait3A_998 = arith.constant 1 : i32
    %dma_wait3A_999 = arith.constant 0 : i32
    %dma_wait3A_1000 = arith.constant 0 : i32
    %dma_wait3A_1001 = tpu.memref_slice %arg6[%dma_wait3A_996, %dma_wait3A_997, %dma_wait3A_999, %dma_wait3A_1000] : memref<2x2x256x64xf32, #tpu.memory_space<vmem>> -> memref<1x1x256x64xf32, #tpu.memory_space<vmem>>
    %dma_wait3A_1002 = tpu.memref_squeeze %dma_wait3A_1001 : memref<1x1x256x64xf32, #tpu.memory_space<vmem>> -> memref<256x64xf32, #tpu.memory_space<vmem>>
    %dma_wait3A_1003 = arith.constant 64 : i32
    %dma_wait3A_1004 = tpu.memref_slice %arg4[%dma_wait3A_998, %mul3A_2, %dma_wait3A_1003] : memref<9x8192x128xf32, #tpu.memory_space<hbm>> -> memref<1x256x64xf32, #tpu.memory_space<hbm>>
    %dma_wait3A_1005 = tpu.memref_squeeze %dma_wait3A_1004 : memref<1x256x64xf32, #tpu.memory_space<hbm>> -> memref<256x64xf32, #tpu.memory_space<hbm>>
    %dma_wait3A_1006 = arith.constant 64 : i32
    %dma_wait3A_1007 = tpu.memref_slice %arg4[%dma_wait3A_998, %mul3A_2, %dma_wait3A_1006] : memref<9x8192x128xf32, #tpu.memory_space<hbm>> -> memref<1x256x64xf32, #tpu.memory_space<hbm>>
    %dma_wait3A_1008 = tpu.memref_squeeze %dma_wait3A_1007 : memref<1x256x64xf32, #tpu.memory_space<hbm>> -> memref<256x64xf32, #tpu.memory_space<hbm>>
    %dma_wait3A_1009 = arith.constant 0 : i32
    %dma_wait3A_1010 = arith.constant 0 : i32
    %dma_wait3A_1011 = tpu.memref_slice %arg6[%dma_wait3A_996, %dma_wait3A_997, %dma_wait3A_1009, %dma_wait3A_1010] : memref<2x2x256x64xf32, #tpu.memory_space<vmem>> -> memref<1x1x256x64xf32, #tpu.memory_space<vmem>>
    %dma_wait3A_1012 = tpu.memref_squeeze %dma_wait3A_1011 : memref<1x1x256x64xf32, #tpu.memory_space<vmem>> -> memref<256x64xf32, #tpu.memory_space<vmem>>
    tpu.wait_dma2 semaphore(%arg10 : memref<!tpu.dma_semaphore, #tpu.memory_space<semaphore_mem>>) src(%dma_wait3A_1012 : memref<256x64xf32, #tpu.memory_space<vmem>>) dst(%dma_wait3A_1008 : memref<256x64xf32, #tpu.memory_space<hbm>>)
    %dma_start3A_1013 = arith.constant 0 : i32
    %dma_start3A_1014 = arith.constant 6 : i32
    %dma_start3A_1015 = arith.constant 0 : i32
    %dma_start3A_1016 = arith.constant 1 : i32
    %dma_start3A_1017 = arith.constant 0 : i32
    %dma_start3A_1018 = arith.constant 0 : i32
    %dma_start3A_1019 = arith.constant 0 : i32
    %dma_start3A_1020 = tpu.memref_slice %arg6[%dma_start3A_1016, %dma_start3A_1017, %dma_start3A_1018, %dma_start3A_1019] : memref<2x2x256x64xf32, #tpu.memory_space<vmem>> -> memref<1x1x128x64xf32, #tpu.memory_space<vmem>>
    %dma_start3A_1021 = tpu.memref_squeeze %dma_start3A_1020 : memref<1x1x128x64xf32, #tpu.memory_space<vmem>> -> memref<128x64xf32, #tpu.memory_space<vmem>>
    %dma_start3A_1022 = arith.constant 0 : i32
    %dma_start3A_1023 = tpu.memref_slice %arg5[%dma_start3A_1013, %dma_start3A_1014, %dma_start3A_1015, %dma_start3A_1022] : memref<2x9x2x128xi32, #tpu.memory_space<vmem>> -> memref<1x1x1x128xi32, #tpu.memory_space<vmem>>
    %dma_start3A_1024 = tpu.memref_squeeze %dma_start3A_1023 : memref<1x1x1x128xi32, #tpu.memory_space<vmem>> -> memref<128xi32, #tpu.memory_space<vmem>>
    %dma_start3A_1025 = arith.constant 0 : i32
    %dma_start3A_1026 = arith.constant 0 : i32
    %dma_start3A_1027 = tpu.memref_slice %arg2[%dma_start3A_1025, %dma_start3A_1026] : memref<100000x64xf32, #tpu.memory_space<hbm>> -> memref<100000x64xf32, #tpu.memory_space<hbm>>
    tpu.enqueue_indirect_dma source(%dma_start3A_1027 : memref<100000x64xf32, #tpu.memory_space<hbm>>) target(%dma_start3A_1021 : memref<128x64xf32, #tpu.memory_space<vmem>>) offsets(%dma_start3A_1024 : memref<128xi32, #tpu.memory_space<vmem>>) semaphore(%arg8 : memref<!tpu.dma_semaphore, #tpu.memory_space<semaphore_mem>>)
    %dma_start3A_1028 = arith.constant 0 : i32
    %dma_start3A_1029 = arith.constant 6 : i32
    %dma_start3A_1030 = arith.constant 1 : i32
    %dma_start3A_1031 = arith.constant 1 : i32
    %dma_start3A_1032 = arith.constant 0 : i32
    %dma_start3A_1033 = arith.constant 128 : i32
    %dma_start3A_1034 = arith.constant 0 : i32
    %dma_start3A_1035 = tpu.memref_slice %arg6[%dma_start3A_1031, %dma_start3A_1032, %dma_start3A_1033, %dma_start3A_1034] : memref<2x2x256x64xf32, #tpu.memory_space<vmem>> -> memref<1x1x128x64xf32, #tpu.memory_space<vmem>>
    %dma_start3A_1036 = tpu.memref_squeeze %dma_start3A_1035 : memref<1x1x128x64xf32, #tpu.memory_space<vmem>> -> memref<128x64xf32, #tpu.memory_space<vmem>>
    %dma_start3A_1037 = arith.constant 0 : i32
    %dma_start3A_1038 = tpu.memref_slice %arg5[%dma_start3A_1028, %dma_start3A_1029, %dma_start3A_1030, %dma_start3A_1037] : memref<2x9x2x128xi32, #tpu.memory_space<vmem>> -> memref<1x1x1x128xi32, #tpu.memory_space<vmem>>
    %dma_start3A_1039 = tpu.memref_squeeze %dma_start3A_1038 : memref<1x1x1x128xi32, #tpu.memory_space<vmem>> -> memref<128xi32, #tpu.memory_space<vmem>>
    %dma_start3A_1040 = arith.constant 0 : i32
    %dma_start3A_1041 = arith.constant 0 : i32
    %dma_start3A_1042 = tpu.memref_slice %arg2[%dma_start3A_1040, %dma_start3A_1041] : memref<100000x64xf32, #tpu.memory_space<hbm>> -> memref<100000x64xf32, #tpu.memory_space<hbm>>
    tpu.enqueue_indirect_dma source(%dma_start3A_1042 : memref<100000x64xf32, #tpu.memory_space<hbm>>) target(%dma_start3A_1036 : memref<128x64xf32, #tpu.memory_space<vmem>>) offsets(%dma_start3A_1039 : memref<128xi32, #tpu.memory_space<vmem>>) semaphore(%arg8 : memref<!tpu.dma_semaphore, #tpu.memory_space<semaphore_mem>>)
    %dma_start3A_1043 = arith.constant 0 : i32
    %dma_start3A_1044 = arith.constant 7 : i32
    %dma_start3A_1045 = arith.constant 0 : i32
    %dma_start3A_1046 = arith.constant 1 : i32
    %dma_start3A_1047 = arith.constant 1 : i32
    %dma_start3A_1048 = arith.constant 0 : i32
    %dma_start3A_1049 = arith.constant 0 : i32
    %dma_start3A_1050 = tpu.memref_slice %arg6[%dma_start3A_1046, %dma_start3A_1047, %dma_start3A_1048, %dma_start3A_1049] : memref<2x2x256x64xf32, #tpu.memory_space<vmem>> -> memref<1x1x128x64xf32, #tpu.memory_space<vmem>>
    %dma_start3A_1051 = tpu.memref_squeeze %dma_start3A_1050 : memref<1x1x128x64xf32, #tpu.memory_space<vmem>> -> memref<128x64xf32, #tpu.memory_space<vmem>>
    %dma_start3A_1052 = arith.constant 0 : i32
    %dma_start3A_1053 = tpu.memref_slice %arg5[%dma_start3A_1043, %dma_start3A_1044, %dma_start3A_1045, %dma_start3A_1052] : memref<2x9x2x128xi32, #tpu.memory_space<vmem>> -> memref<1x1x1x128xi32, #tpu.memory_space<vmem>>
    %dma_start3A_1054 = tpu.memref_squeeze %dma_start3A_1053 : memref<1x1x1x128xi32, #tpu.memory_space<vmem>> -> memref<128xi32, #tpu.memory_space<vmem>>
    %dma_start3A_1055 = arith.constant 0 : i32
    %dma_start3A_1056 = arith.constant 0 : i32
    %dma_start3A_1057 = tpu.memref_slice %arg2[%dma_start3A_1055, %dma_start3A_1056] : memref<100000x64xf32, #tpu.memory_space<hbm>> -> memref<100000x64xf32, #tpu.memory_space<hbm>>
    tpu.enqueue_indirect_dma source(%dma_start3A_1057 : memref<100000x64xf32, #tpu.memory_space<hbm>>) target(%dma_start3A_1051 : memref<128x64xf32, #tpu.memory_space<vmem>>) offsets(%dma_start3A_1054 : memref<128xi32, #tpu.memory_space<vmem>>) semaphore(%arg8 : memref<!tpu.dma_semaphore, #tpu.memory_space<semaphore_mem>>)
    %dma_start3A_1058 = arith.constant 0 : i32
    %dma_start3A_1059 = arith.constant 7 : i32
    %dma_start3A_1060 = arith.constant 1 : i32
    %dma_start3A_1061 = arith.constant 1 : i32
    %dma_start3A_1062 = arith.constant 1 : i32
    %dma_start3A_1063 = arith.constant 128 : i32
    %dma_start3A_1064 = arith.constant 0 : i32
    %dma_start3A_1065 = tpu.memref_slice %arg6[%dma_start3A_1061, %dma_start3A_1062, %dma_start3A_1063, %dma_start3A_1064] : memref<2x2x256x64xf32, #tpu.memory_space<vmem>> -> memref<1x1x128x64xf32, #tpu.memory_space<vmem>>
    %dma_start3A_1066 = tpu.memref_squeeze %dma_start3A_1065 : memref<1x1x128x64xf32, #tpu.memory_space<vmem>> -> memref<128x64xf32, #tpu.memory_space<vmem>>
    %dma_start3A_1067 = arith.constant 0 : i32
    %dma_start3A_1068 = tpu.memref_slice %arg5[%dma_start3A_1058, %dma_start3A_1059, %dma_start3A_1060, %dma_start3A_1067] : memref<2x9x2x128xi32, #tpu.memory_space<vmem>> -> memref<1x1x1x128xi32, #tpu.memory_space<vmem>>
    %dma_start3A_1069 = tpu.memref_squeeze %dma_start3A_1068 : memref<1x1x1x128xi32, #tpu.memory_space<vmem>> -> memref<128xi32, #tpu.memory_space<vmem>>
    %dma_start3A_1070 = arith.constant 0 : i32
    %dma_start3A_1071 = arith.constant 0 : i32
    %dma_start3A_1072 = tpu.memref_slice %arg2[%dma_start3A_1070, %dma_start3A_1071] : memref<100000x64xf32, #tpu.memory_space<hbm>> -> memref<100000x64xf32, #tpu.memory_space<hbm>>
    tpu.enqueue_indirect_dma source(%dma_start3A_1072 : memref<100000x64xf32, #tpu.memory_space<hbm>>) target(%dma_start3A_1066 : memref<128x64xf32, #tpu.memory_space<vmem>>) offsets(%dma_start3A_1069 : memref<128xi32, #tpu.memory_space<vmem>>) semaphore(%arg8 : memref<!tpu.dma_semaphore, #tpu.memory_space<semaphore_mem>>)
    %dma_wait3A_1073 = arith.constant 0 : i32
    %dma_wait3A_1074 = arith.constant 4 : i32
    %dma_wait3A_1075 = arith.constant 0 : i32
    %dma_wait3A_1076 = arith.constant 0 : i32
    %dma_wait3A_1077 = arith.constant 0 : i32
    %dma_wait3A_1078 = arith.constant 0 : i32
    %dma_wait3A_1079 = arith.constant 0 : i32
    %dma_wait3A_1080 = tpu.memref_slice %arg6[%dma_wait3A_1076, %dma_wait3A_1077, %dma_wait3A_1078, %dma_wait3A_1079] : memref<2x2x256x64xf32, #tpu.memory_space<vmem>> -> memref<1x1x128x64xf32, #tpu.memory_space<vmem>>
    %dma_wait3A_1081 = tpu.memref_squeeze %dma_wait3A_1080 : memref<1x1x128x64xf32, #tpu.memory_space<vmem>> -> memref<128x64xf32, #tpu.memory_space<vmem>>
    %dma_wait3A_1082 = arith.constant 0 : i32
    %dma_wait3A_1083 = tpu.memref_slice %arg5[%dma_wait3A_1073, %dma_wait3A_1074, %dma_wait3A_1075, %dma_wait3A_1082] : memref<2x9x2x128xi32, #tpu.memory_space<vmem>> -> memref<1x1x1x128xi32, #tpu.memory_space<vmem>>
    %dma_wait3A_1084 = tpu.memref_squeeze %dma_wait3A_1083 : memref<1x1x1x128xi32, #tpu.memory_space<vmem>> -> memref<128xi32, #tpu.memory_space<vmem>>
    %dma_wait3A_1085 = arith.constant 0 : i32
    %dma_wait3A_1086 = arith.constant 0 : i32
    %dma_wait3A_1087 = tpu.memref_slice %arg2[%dma_wait3A_1085, %dma_wait3A_1086] : memref<100000x64xf32, #tpu.memory_space<hbm>> -> memref<100000x64xf32, #tpu.memory_space<hbm>>
    tpu.wait_indirect_dma semaphore(%arg7 : memref<!tpu.dma_semaphore, #tpu.memory_space<semaphore_mem>>) src(%dma_wait3A_1087 : memref<100000x64xf32, #tpu.memory_space<hbm>>) dst(%dma_wait3A_1081 : memref<128x64xf32, #tpu.memory_space<vmem>>)
    %dma_wait3A_1088 = arith.constant 0 : i32
    %dma_wait3A_1089 = arith.constant 4 : i32
    %dma_wait3A_1090 = arith.constant 1 : i32
    %dma_wait3A_1091 = arith.constant 0 : i32
    %dma_wait3A_1092 = arith.constant 0 : i32
    %dma_wait3A_1093 = arith.constant 128 : i32
    %dma_wait3A_1094 = arith.constant 0 : i32
    %dma_wait3A_1095 = tpu.memref_slice %arg6[%dma_wait3A_1091, %dma_wait3A_1092, %dma_wait3A_1093, %dma_wait3A_1094] : memref<2x2x256x64xf32, #tpu.memory_space<vmem>> -> memref<1x1x128x64xf32, #tpu.memory_space<vmem>>
    %dma_wait3A_1096 = tpu.memref_squeeze %dma_wait3A_1095 : memref<1x1x128x64xf32, #tpu.memory_space<vmem>> -> memref<128x64xf32, #tpu.memory_space<vmem>>
    %dma_wait3A_1097 = arith.constant 0 : i32
    %dma_wait3A_1098 = tpu.memref_slice %arg5[%dma_wait3A_1088, %dma_wait3A_1089, %dma_wait3A_1090, %dma_wait3A_1097] : memref<2x9x2x128xi32, #tpu.memory_space<vmem>> -> memref<1x1x1x128xi32, #tpu.memory_space<vmem>>
    %dma_wait3A_1099 = tpu.memref_squeeze %dma_wait3A_1098 : memref<1x1x1x128xi32, #tpu.memory_space<vmem>> -> memref<128xi32, #tpu.memory_space<vmem>>
    %dma_wait3A_1100 = arith.constant 0 : i32
    %dma_wait3A_1101 = arith.constant 0 : i32
    %dma_wait3A_1102 = tpu.memref_slice %arg2[%dma_wait3A_1100, %dma_wait3A_1101] : memref<100000x64xf32, #tpu.memory_space<hbm>> -> memref<100000x64xf32, #tpu.memory_space<hbm>>
    tpu.wait_indirect_dma semaphore(%arg7 : memref<!tpu.dma_semaphore, #tpu.memory_space<semaphore_mem>>) src(%dma_wait3A_1102 : memref<100000x64xf32, #tpu.memory_space<hbm>>) dst(%dma_wait3A_1096 : memref<128x64xf32, #tpu.memory_space<vmem>>)
    %dma_wait3A_1103 = arith.constant 0 : i32
    %dma_wait3A_1104 = arith.constant 5 : i32
    %dma_wait3A_1105 = arith.constant 0 : i32
    %dma_wait3A_1106 = arith.constant 0 : i32
    %dma_wait3A_1107 = arith.constant 1 : i32
    %dma_wait3A_1108 = arith.constant 0 : i32
    %dma_wait3A_1109 = arith.constant 0 : i32
    %dma_wait3A_1110 = tpu.memref_slice %arg6[%dma_wait3A_1106, %dma_wait3A_1107, %dma_wait3A_1108, %dma_wait3A_1109] : memref<2x2x256x64xf32, #tpu.memory_space<vmem>> -> memref<1x1x128x64xf32, #tpu.memory_space<vmem>>
    %dma_wait3A_1111 = tpu.memref_squeeze %dma_wait3A_1110 : memref<1x1x128x64xf32, #tpu.memory_space<vmem>> -> memref<128x64xf32, #tpu.memory_space<vmem>>
    %dma_wait3A_1112 = arith.constant 0 : i32
    %dma_wait3A_1113 = tpu.memref_slice %arg5[%dma_wait3A_1103, %dma_wait3A_1104, %dma_wait3A_1105, %dma_wait3A_1112] : memref<2x9x2x128xi32, #tpu.memory_space<vmem>> -> memref<1x1x1x128xi32, #tpu.memory_space<vmem>>
    %dma_wait3A_1114 = tpu.memref_squeeze %dma_wait3A_1113 : memref<1x1x1x128xi32, #tpu.memory_space<vmem>> -> memref<128xi32, #tpu.memory_space<vmem>>
    %dma_wait3A_1115 = arith.constant 0 : i32
    %dma_wait3A_1116 = arith.constant 0 : i32
    %dma_wait3A_1117 = tpu.memref_slice %arg2[%dma_wait3A_1115, %dma_wait3A_1116] : memref<100000x64xf32, #tpu.memory_space<hbm>> -> memref<100000x64xf32, #tpu.memory_space<hbm>>
    tpu.wait_indirect_dma semaphore(%arg7 : memref<!tpu.dma_semaphore, #tpu.memory_space<semaphore_mem>>) src(%dma_wait3A_1117 : memref<100000x64xf32, #tpu.memory_space<hbm>>) dst(%dma_wait3A_1111 : memref<128x64xf32, #tpu.memory_space<vmem>>)
    %dma_wait3A_1118 = arith.constant 0 : i32
    %dma_wait3A_1119 = arith.constant 5 : i32
    %dma_wait3A_1120 = arith.constant 1 : i32
    %dma_wait3A_1121 = arith.constant 0 : i32
    %dma_wait3A_1122 = arith.constant 1 : i32
    %dma_wait3A_1123 = arith.constant 128 : i32
    %dma_wait3A_1124 = arith.constant 0 : i32
    %dma_wait3A_1125 = tpu.memref_slice %arg6[%dma_wait3A_1121, %dma_wait3A_1122, %dma_wait3A_1123, %dma_wait3A_1124] : memref<2x2x256x64xf32, #tpu.memory_space<vmem>> -> memref<1x1x128x64xf32, #tpu.memory_space<vmem>>
    %dma_wait3A_1126 = tpu.memref_squeeze %dma_wait3A_1125 : memref<1x1x128x64xf32, #tpu.memory_space<vmem>> -> memref<128x64xf32, #tpu.memory_space<vmem>>
    %dma_wait3A_1127 = arith.constant 0 : i32
    %dma_wait3A_1128 = tpu.memref_slice %arg5[%dma_wait3A_1118, %dma_wait3A_1119, %dma_wait3A_1120, %dma_wait3A_1127] : memref<2x9x2x128xi32, #tpu.memory_space<vmem>> -> memref<1x1x1x128xi32, #tpu.memory_space<vmem>>
    %dma_wait3A_1129 = tpu.memref_squeeze %dma_wait3A_1128 : memref<1x1x1x128xi32, #tpu.memory_space<vmem>> -> memref<128xi32, #tpu.memory_space<vmem>>
    %dma_wait3A_1130 = arith.constant 0 : i32
    %dma_wait3A_1131 = arith.constant 0 : i32
    %dma_wait3A_1132 = tpu.memref_slice %arg2[%dma_wait3A_1130, %dma_wait3A_1131] : memref<100000x64xf32, #tpu.memory_space<hbm>> -> memref<100000x64xf32, #tpu.memory_space<hbm>>
    tpu.wait_indirect_dma semaphore(%arg7 : memref<!tpu.dma_semaphore, #tpu.memory_space<semaphore_mem>>) src(%dma_wait3A_1132 : memref<100000x64xf32, #tpu.memory_space<hbm>>) dst(%dma_wait3A_1126 : memref<128x64xf32, #tpu.memory_space<vmem>>)
    %dma_start3A_1133 = arith.constant 0 : i32
    %dma_start3A_1134 = arith.constant 0 : i32
    %dma_start3A_1135 = arith.constant 2 : i32
    %dma_start3A_1136 = arith.constant 0 : i32
    %dma_start3A_1137 = arith.constant 0 : i32
    %dma_start3A_1138 = tpu.memref_slice %arg6[%dma_start3A_1133, %dma_start3A_1134, %dma_start3A_1136, %dma_start3A_1137] : memref<2x2x256x64xf32, #tpu.memory_space<vmem>> -> memref<1x1x256x64xf32, #tpu.memory_space<vmem>>
    %dma_start3A_1139 = tpu.memref_squeeze %dma_start3A_1138 : memref<1x1x256x64xf32, #tpu.memory_space<vmem>> -> memref<256x64xf32, #tpu.memory_space<vmem>>
    %dma_start3A_1140 = arith.constant 0 : i32
    %dma_start3A_1141 = tpu.memref_slice %arg4[%dma_start3A_1135, %mul3A_2, %dma_start3A_1140] : memref<9x8192x128xf32, #tpu.memory_space<hbm>> -> memref<1x256x64xf32, #tpu.memory_space<hbm>>
    %dma_start3A_1142 = tpu.memref_squeeze %dma_start3A_1141 : memref<1x256x64xf32, #tpu.memory_space<hbm>> -> memref<256x64xf32, #tpu.memory_space<hbm>>
    %dma_start3A_1143 = arith.constant 0 : i32
    %dma_start3A_1144 = tpu.memref_slice %arg4[%dma_start3A_1135, %mul3A_2, %dma_start3A_1143] : memref<9x8192x128xf32, #tpu.memory_space<hbm>> -> memref<1x256x64xf32, #tpu.memory_space<hbm>>
    %dma_start3A_1145 = tpu.memref_squeeze %dma_start3A_1144 : memref<1x256x64xf32, #tpu.memory_space<hbm>> -> memref<256x64xf32, #tpu.memory_space<hbm>>
    %dma_start3A_1146 = arith.constant 0 : i32
    %dma_start3A_1147 = arith.constant 0 : i32
    %dma_start3A_1148 = tpu.memref_slice %arg6[%dma_start3A_1133, %dma_start3A_1134, %dma_start3A_1146, %dma_start3A_1147] : memref<2x2x256x64xf32, #tpu.memory_space<vmem>> -> memref<1x1x256x64xf32, #tpu.memory_space<vmem>>
    %dma_start3A_1149 = tpu.memref_squeeze %dma_start3A_1148 : memref<1x1x256x64xf32, #tpu.memory_space<vmem>> -> memref<256x64xf32, #tpu.memory_space<vmem>>
    tpu.enqueue_dma source(%dma_start3A_1149 : memref<256x64xf32, #tpu.memory_space<vmem>>) target(%dma_start3A_1145 : memref<256x64xf32, #tpu.memory_space<hbm>>) target_semaphore(%arg9 : memref<!tpu.dma_semaphore, #tpu.memory_space<semaphore_mem>>)
    %dma_start3A_1150 = arith.constant 0 : i32
    %dma_start3A_1151 = arith.constant 1 : i32
    %dma_start3A_1152 = arith.constant 2 : i32
    %dma_start3A_1153 = arith.constant 0 : i32
    %dma_start3A_1154 = arith.constant 0 : i32
    %dma_start3A_1155 = tpu.memref_slice %arg6[%dma_start3A_1150, %dma_start3A_1151, %dma_start3A_1153, %dma_start3A_1154] : memref<2x2x256x64xf32, #tpu.memory_space<vmem>> -> memref<1x1x256x64xf32, #tpu.memory_space<vmem>>
    %dma_start3A_1156 = tpu.memref_squeeze %dma_start3A_1155 : memref<1x1x256x64xf32, #tpu.memory_space<vmem>> -> memref<256x64xf32, #tpu.memory_space<vmem>>
    %dma_start3A_1157 = arith.constant 64 : i32
    %dma_start3A_1158 = tpu.memref_slice %arg4[%dma_start3A_1152, %mul3A_2, %dma_start3A_1157] : memref<9x8192x128xf32, #tpu.memory_space<hbm>> -> memref<1x256x64xf32, #tpu.memory_space<hbm>>
    %dma_start3A_1159 = tpu.memref_squeeze %dma_start3A_1158 : memref<1x256x64xf32, #tpu.memory_space<hbm>> -> memref<256x64xf32, #tpu.memory_space<hbm>>
    %dma_start3A_1160 = arith.constant 64 : i32
    %dma_start3A_1161 = tpu.memref_slice %arg4[%dma_start3A_1152, %mul3A_2, %dma_start3A_1160] : memref<9x8192x128xf32, #tpu.memory_space<hbm>> -> memref<1x256x64xf32, #tpu.memory_space<hbm>>
    %dma_start3A_1162 = tpu.memref_squeeze %dma_start3A_1161 : memref<1x256x64xf32, #tpu.memory_space<hbm>> -> memref<256x64xf32, #tpu.memory_space<hbm>>
    %dma_start3A_1163 = arith.constant 0 : i32
    %dma_start3A_1164 = arith.constant 0 : i32
    %dma_start3A_1165 = tpu.memref_slice %arg6[%dma_start3A_1150, %dma_start3A_1151, %dma_start3A_1163, %dma_start3A_1164] : memref<2x2x256x64xf32, #tpu.memory_space<vmem>> -> memref<1x1x256x64xf32, #tpu.memory_space<vmem>>
    %dma_start3A_1166 = tpu.memref_squeeze %dma_start3A_1165 : memref<1x1x256x64xf32, #tpu.memory_space<vmem>> -> memref<256x64xf32, #tpu.memory_space<vmem>>
    tpu.enqueue_dma source(%dma_start3A_1166 : memref<256x64xf32, #tpu.memory_space<vmem>>) target(%dma_start3A_1162 : memref<256x64xf32, #tpu.memory_space<hbm>>) target_semaphore(%arg9 : memref<!tpu.dma_semaphore, #tpu.memory_space<semaphore_mem>>)
    %dma_wait3A_1167 = arith.constant 0 : i32
    %dma_wait3A_1168 = arith.constant 0 : i32
    %dma_wait3A_1169 = arith.constant 2 : i32
    %dma_wait3A_1170 = arith.constant 0 : i32
    %dma_wait3A_1171 = arith.constant 0 : i32
    %dma_wait3A_1172 = tpu.memref_slice %arg6[%dma_wait3A_1167, %dma_wait3A_1168, %dma_wait3A_1170, %dma_wait3A_1171] : memref<2x2x256x64xf32, #tpu.memory_space<vmem>> -> memref<1x1x256x64xf32, #tpu.memory_space<vmem>>
    %dma_wait3A_1173 = tpu.memref_squeeze %dma_wait3A_1172 : memref<1x1x256x64xf32, #tpu.memory_space<vmem>> -> memref<256x64xf32, #tpu.memory_space<vmem>>
    %dma_wait3A_1174 = arith.constant 0 : i32
    %dma_wait3A_1175 = tpu.memref_slice %arg4[%dma_wait3A_1169, %mul3A_2, %dma_wait3A_1174] : memref<9x8192x128xf32, #tpu.memory_space<hbm>> -> memref<1x256x64xf32, #tpu.memory_space<hbm>>
    %dma_wait3A_1176 = tpu.memref_squeeze %dma_wait3A_1175 : memref<1x256x64xf32, #tpu.memory_space<hbm>> -> memref<256x64xf32, #tpu.memory_space<hbm>>
    %dma_wait3A_1177 = arith.constant 0 : i32
    %dma_wait3A_1178 = tpu.memref_slice %arg4[%dma_wait3A_1169, %mul3A_2, %dma_wait3A_1177] : memref<9x8192x128xf32, #tpu.memory_space<hbm>> -> memref<1x256x64xf32, #tpu.memory_space<hbm>>
    %dma_wait3A_1179 = tpu.memref_squeeze %dma_wait3A_1178 : memref<1x256x64xf32, #tpu.memory_space<hbm>> -> memref<256x64xf32, #tpu.memory_space<hbm>>
    %dma_wait3A_1180 = arith.constant 0 : i32
    %dma_wait3A_1181 = arith.constant 0 : i32
    %dma_wait3A_1182 = tpu.memref_slice %arg6[%dma_wait3A_1167, %dma_wait3A_1168, %dma_wait3A_1180, %dma_wait3A_1181] : memref<2x2x256x64xf32, #tpu.memory_space<vmem>> -> memref<1x1x256x64xf32, #tpu.memory_space<vmem>>
    %dma_wait3A_1183 = tpu.memref_squeeze %dma_wait3A_1182 : memref<1x1x256x64xf32, #tpu.memory_space<vmem>> -> memref<256x64xf32, #tpu.memory_space<vmem>>
    tpu.wait_dma2 semaphore(%arg9 : memref<!tpu.dma_semaphore, #tpu.memory_space<semaphore_mem>>) src(%dma_wait3A_1183 : memref<256x64xf32, #tpu.memory_space<vmem>>) dst(%dma_wait3A_1179 : memref<256x64xf32, #tpu.memory_space<hbm>>)
    %dma_wait3A_1184 = arith.constant 0 : i32
    %dma_wait3A_1185 = arith.constant 1 : i32
    %dma_wait3A_1186 = arith.constant 2 : i32
    %dma_wait3A_1187 = arith.constant 0 : i32
    %dma_wait3A_1188 = arith.constant 0 : i32
    %dma_wait3A_1189 = tpu.memref_slice %arg6[%dma_wait3A_1184, %dma_wait3A_1185, %dma_wait3A_1187, %dma_wait3A_1188] : memref<2x2x256x64xf32, #tpu.memory_space<vmem>> -> memref<1x1x256x64xf32, #tpu.memory_space<vmem>>
    %dma_wait3A_1190 = tpu.memref_squeeze %dma_wait3A_1189 : memref<1x1x256x64xf32, #tpu.memory_space<vmem>> -> memref<256x64xf32, #tpu.memory_space<vmem>>
    %dma_wait3A_1191 = arith.constant 64 : i32
    %dma_wait3A_1192 = tpu.memref_slice %arg4[%dma_wait3A_1186, %mul3A_2, %dma_wait3A_1191] : memref<9x8192x128xf32, #tpu.memory_space<hbm>> -> memref<1x256x64xf32, #tpu.memory_space<hbm>>
    %dma_wait3A_1193 = tpu.memref_squeeze %dma_wait3A_1192 : memref<1x256x64xf32, #tpu.memory_space<hbm>> -> memref<256x64xf32, #tpu.memory_space<hbm>>
    %dma_wait3A_1194 = arith.constant 64 : i32
    %dma_wait3A_1195 = tpu.memref_slice %arg4[%dma_wait3A_1186, %mul3A_2, %dma_wait3A_1194] : memref<9x8192x128xf32, #tpu.memory_space<hbm>> -> memref<1x256x64xf32, #tpu.memory_space<hbm>>
    %dma_wait3A_1196 = tpu.memref_squeeze %dma_wait3A_1195 : memref<1x256x64xf32, #tpu.memory_space<hbm>> -> memref<256x64xf32, #tpu.memory_space<hbm>>
    %dma_wait3A_1197 = arith.constant 0 : i32
    %dma_wait3A_1198 = arith.constant 0 : i32
    %dma_wait3A_1199 = tpu.memref_slice %arg6[%dma_wait3A_1184, %dma_wait3A_1185, %dma_wait3A_1197, %dma_wait3A_1198] : memref<2x2x256x64xf32, #tpu.memory_space<vmem>> -> memref<1x1x256x64xf32, #tpu.memory_space<vmem>>
    %dma_wait3A_1200 = tpu.memref_squeeze %dma_wait3A_1199 : memref<1x1x256x64xf32, #tpu.memory_space<vmem>> -> memref<256x64xf32, #tpu.memory_space<vmem>>
    tpu.wait_dma2 semaphore(%arg9 : memref<!tpu.dma_semaphore, #tpu.memory_space<semaphore_mem>>) src(%dma_wait3A_1200 : memref<256x64xf32, #tpu.memory_space<vmem>>) dst(%dma_wait3A_1196 : memref<256x64xf32, #tpu.memory_space<hbm>>)
    %dma_start3A_1201 = arith.constant 0 : i32
    %dma_start3A_1202 = arith.constant 8 : i32
    %dma_start3A_1203 = arith.constant 0 : i32
    %dma_start3A_1204 = arith.constant 0 : i32
    %dma_start3A_1205 = arith.constant 0 : i32
    %dma_start3A_1206 = arith.constant 0 : i32
    %dma_start3A_1207 = arith.constant 0 : i32
    %dma_start3A_1208 = tpu.memref_slice %arg6[%dma_start3A_1204, %dma_start3A_1205, %dma_start3A_1206, %dma_start3A_1207] : memref<2x2x256x64xf32, #tpu.memory_space<vmem>> -> memref<1x1x128x64xf32, #tpu.memory_space<vmem>>
    %dma_start3A_1209 = tpu.memref_squeeze %dma_start3A_1208 : memref<1x1x128x64xf32, #tpu.memory_space<vmem>> -> memref<128x64xf32, #tpu.memory_space<vmem>>
    %dma_start3A_1210 = arith.constant 0 : i32
    %dma_start3A_1211 = tpu.memref_slice %arg5[%dma_start3A_1201, %dma_start3A_1202, %dma_start3A_1203, %dma_start3A_1210] : memref<2x9x2x128xi32, #tpu.memory_space<vmem>> -> memref<1x1x1x128xi32, #tpu.memory_space<vmem>>
    %dma_start3A_1212 = tpu.memref_squeeze %dma_start3A_1211 : memref<1x1x1x128xi32, #tpu.memory_space<vmem>> -> memref<128xi32, #tpu.memory_space<vmem>>
    %dma_start3A_1213 = arith.constant 0 : i32
    %dma_start3A_1214 = arith.constant 0 : i32
    %dma_start3A_1215 = tpu.memref_slice %arg2[%dma_start3A_1213, %dma_start3A_1214] : memref<100000x64xf32, #tpu.memory_space<hbm>> -> memref<100000x64xf32, #tpu.memory_space<hbm>>
    tpu.enqueue_indirect_dma source(%dma_start3A_1215 : memref<100000x64xf32, #tpu.memory_space<hbm>>) target(%dma_start3A_1209 : memref<128x64xf32, #tpu.memory_space<vmem>>) offsets(%dma_start3A_1212 : memref<128xi32, #tpu.memory_space<vmem>>) semaphore(%arg7 : memref<!tpu.dma_semaphore, #tpu.memory_space<semaphore_mem>>)
    %dma_start3A_1216 = arith.constant 0 : i32
    %dma_start3A_1217 = arith.constant 8 : i32
    %dma_start3A_1218 = arith.constant 1 : i32
    %dma_start3A_1219 = arith.constant 0 : i32
    %dma_start3A_1220 = arith.constant 0 : i32
    %dma_start3A_1221 = arith.constant 128 : i32
    %dma_start3A_1222 = arith.constant 0 : i32
    %dma_start3A_1223 = tpu.memref_slice %arg6[%dma_start3A_1219, %dma_start3A_1220, %dma_start3A_1221, %dma_start3A_1222] : memref<2x2x256x64xf32, #tpu.memory_space<vmem>> -> memref<1x1x128x64xf32, #tpu.memory_space<vmem>>
    %dma_start3A_1224 = tpu.memref_squeeze %dma_start3A_1223 : memref<1x1x128x64xf32, #tpu.memory_space<vmem>> -> memref<128x64xf32, #tpu.memory_space<vmem>>
    %dma_start3A_1225 = arith.constant 0 : i32
    %dma_start3A_1226 = tpu.memref_slice %arg5[%dma_start3A_1216, %dma_start3A_1217, %dma_start3A_1218, %dma_start3A_1225] : memref<2x9x2x128xi32, #tpu.memory_space<vmem>> -> memref<1x1x1x128xi32, #tpu.memory_space<vmem>>
    %dma_start3A_1227 = tpu.memref_squeeze %dma_start3A_1226 : memref<1x1x1x128xi32, #tpu.memory_space<vmem>> -> memref<128xi32, #tpu.memory_space<vmem>>
    %dma_start3A_1228 = arith.constant 0 : i32
    %dma_start3A_1229 = arith.constant 0 : i32
    %dma_start3A_1230 = tpu.memref_slice %arg2[%dma_start3A_1228, %dma_start3A_1229] : memref<100000x64xf32, #tpu.memory_space<hbm>> -> memref<100000x64xf32, #tpu.memory_space<hbm>>
    tpu.enqueue_indirect_dma source(%dma_start3A_1230 : memref<100000x64xf32, #tpu.memory_space<hbm>>) target(%dma_start3A_1224 : memref<128x64xf32, #tpu.memory_space<vmem>>) offsets(%dma_start3A_1227 : memref<128xi32, #tpu.memory_space<vmem>>) semaphore(%arg7 : memref<!tpu.dma_semaphore, #tpu.memory_space<semaphore_mem>>)
    %dma_start3A_1231 = arith.constant 1 : i32
    %dma_start3A_1232 = arith.constant 0 : i32
    %dma_start3A_1233 = arith.constant 0 : i32
    %dma_start3A_1234 = arith.constant 0 : i32
    %dma_start3A_1235 = arith.constant 1 : i32
    %dma_start3A_1236 = arith.constant 0 : i32
    %dma_start3A_1237 = arith.constant 0 : i32
    %dma_start3A_1238 = tpu.memref_slice %arg6[%dma_start3A_1234, %dma_start3A_1235, %dma_start3A_1236, %dma_start3A_1237] : memref<2x2x256x64xf32, #tpu.memory_space<vmem>> -> memref<1x1x128x64xf32, #tpu.memory_space<vmem>>
    %dma_start3A_1239 = tpu.memref_squeeze %dma_start3A_1238 : memref<1x1x128x64xf32, #tpu.memory_space<vmem>> -> memref<128x64xf32, #tpu.memory_space<vmem>>
    %dma_start3A_1240 = arith.constant 0 : i32
    %dma_start3A_1241 = tpu.memref_slice %arg5[%dma_start3A_1231, %dma_start3A_1232, %dma_start3A_1233, %dma_start3A_1240] : memref<2x9x2x128xi32, #tpu.memory_space<vmem>> -> memref<1x1x1x128xi32, #tpu.memory_space<vmem>>
    %dma_start3A_1242 = tpu.memref_squeeze %dma_start3A_1241 : memref<1x1x1x128xi32, #tpu.memory_space<vmem>> -> memref<128xi32, #tpu.memory_space<vmem>>
    %dma_start3A_1243 = arith.constant 0 : i32
    %dma_start3A_1244 = arith.constant 0 : i32
    %dma_start3A_1245 = tpu.memref_slice %arg2[%dma_start3A_1243, %dma_start3A_1244] : memref<100000x64xf32, #tpu.memory_space<hbm>> -> memref<100000x64xf32, #tpu.memory_space<hbm>>
    tpu.enqueue_indirect_dma source(%dma_start3A_1245 : memref<100000x64xf32, #tpu.memory_space<hbm>>) target(%dma_start3A_1239 : memref<128x64xf32, #tpu.memory_space<vmem>>) offsets(%dma_start3A_1242 : memref<128xi32, #tpu.memory_space<vmem>>) semaphore(%arg7 : memref<!tpu.dma_semaphore, #tpu.memory_space<semaphore_mem>>)
    %dma_start3A_1246 = arith.constant 1 : i32
    %dma_start3A_1247 = arith.constant 0 : i32
    %dma_start3A_1248 = arith.constant 1 : i32
    %dma_start3A_1249 = arith.constant 0 : i32
    %dma_start3A_1250 = arith.constant 1 : i32
    %dma_start3A_1251 = arith.constant 128 : i32
    %dma_start3A_1252 = arith.constant 0 : i32
    %dma_start3A_1253 = tpu.memref_slice %arg6[%dma_start3A_1249, %dma_start3A_1250, %dma_start3A_1251, %dma_start3A_1252] : memref<2x2x256x64xf32, #tpu.memory_space<vmem>> -> memref<1x1x128x64xf32, #tpu.memory_space<vmem>>
    %dma_start3A_1254 = tpu.memref_squeeze %dma_start3A_1253 : memref<1x1x128x64xf32, #tpu.memory_space<vmem>> -> memref<128x64xf32, #tpu.memory_space<vmem>>
    %dma_start3A_1255 = arith.constant 0 : i32
    %dma_start3A_1256 = tpu.memref_slice %arg5[%dma_start3A_1246, %dma_start3A_1247, %dma_start3A_1248, %dma_start3A_1255] : memref<2x9x2x128xi32, #tpu.memory_space<vmem>> -> memref<1x1x1x128xi32, #tpu.memory_space<vmem>>
    %dma_start3A_1257 = tpu.memref_squeeze %dma_start3A_1256 : memref<1x1x1x128xi32, #tpu.memory_space<vmem>> -> memref<128xi32, #tpu.memory_space<vmem>>
    %dma_start3A_1258 = arith.constant 0 : i32
    %dma_start3A_1259 = arith.constant 0 : i32
    %dma_start3A_1260 = tpu.memref_slice %arg2[%dma_start3A_1258, %dma_start3A_1259] : memref<100000x64xf32, #tpu.memory_space<hbm>> -> memref<100000x64xf32, #tpu.memory_space<hbm>>
    tpu.enqueue_indirect_dma source(%dma_start3A_1260 : memref<100000x64xf32, #tpu.memory_space<hbm>>) target(%dma_start3A_1254 : memref<128x64xf32, #tpu.memory_space<vmem>>) offsets(%dma_start3A_1257 : memref<128xi32, #tpu.memory_space<vmem>>) semaphore(%arg7 : memref<!tpu.dma_semaphore, #tpu.memory_space<semaphore_mem>>)
    %dma_wait3A_1261 = arith.constant 0 : i32
    %dma_wait3A_1262 = arith.constant 6 : i32
    %dma_wait3A_1263 = arith.constant 0 : i32
    %dma_wait3A_1264 = arith.constant 1 : i32
    %dma_wait3A_1265 = arith.constant 0 : i32
    %dma_wait3A_1266 = arith.constant 0 : i32
    %dma_wait3A_1267 = arith.constant 0 : i32
    %dma_wait3A_1268 = tpu.memref_slice %arg6[%dma_wait3A_1264, %dma_wait3A_1265, %dma_wait3A_1266, %dma_wait3A_1267] : memref<2x2x256x64xf32, #tpu.memory_space<vmem>> -> memref<1x1x128x64xf32, #tpu.memory_space<vmem>>
    %dma_wait3A_1269 = tpu.memref_squeeze %dma_wait3A_1268 : memref<1x1x128x64xf32, #tpu.memory_space<vmem>> -> memref<128x64xf32, #tpu.memory_space<vmem>>
    %dma_wait3A_1270 = arith.constant 0 : i32
    %dma_wait3A_1271 = tpu.memref_slice %arg5[%dma_wait3A_1261, %dma_wait3A_1262, %dma_wait3A_1263, %dma_wait3A_1270] : memref<2x9x2x128xi32, #tpu.memory_space<vmem>> -> memref<1x1x1x128xi32, #tpu.memory_space<vmem>>
    %dma_wait3A_1272 = tpu.memref_squeeze %dma_wait3A_1271 : memref<1x1x1x128xi32, #tpu.memory_space<vmem>> -> memref<128xi32, #tpu.memory_space<vmem>>
    %dma_wait3A_1273 = arith.constant 0 : i32
    %dma_wait3A_1274 = arith.constant 0 : i32
    %dma_wait3A_1275 = tpu.memref_slice %arg2[%dma_wait3A_1273, %dma_wait3A_1274] : memref<100000x64xf32, #tpu.memory_space<hbm>> -> memref<100000x64xf32, #tpu.memory_space<hbm>>
    tpu.wait_indirect_dma semaphore(%arg8 : memref<!tpu.dma_semaphore, #tpu.memory_space<semaphore_mem>>) src(%dma_wait3A_1275 : memref<100000x64xf32, #tpu.memory_space<hbm>>) dst(%dma_wait3A_1269 : memref<128x64xf32, #tpu.memory_space<vmem>>)
    %dma_wait3A_1276 = arith.constant 0 : i32
    %dma_wait3A_1277 = arith.constant 6 : i32
    %dma_wait3A_1278 = arith.constant 1 : i32
    %dma_wait3A_1279 = arith.constant 1 : i32
    %dma_wait3A_1280 = arith.constant 0 : i32
    %dma_wait3A_1281 = arith.constant 128 : i32
    %dma_wait3A_1282 = arith.constant 0 : i32
    %dma_wait3A_1283 = tpu.memref_slice %arg6[%dma_wait3A_1279, %dma_wait3A_1280, %dma_wait3A_1281, %dma_wait3A_1282] : memref<2x2x256x64xf32, #tpu.memory_space<vmem>> -> memref<1x1x128x64xf32, #tpu.memory_space<vmem>>
    %dma_wait3A_1284 = tpu.memref_squeeze %dma_wait3A_1283 : memref<1x1x128x64xf32, #tpu.memory_space<vmem>> -> memref<128x64xf32, #tpu.memory_space<vmem>>
    %dma_wait3A_1285 = arith.constant 0 : i32
    %dma_wait3A_1286 = tpu.memref_slice %arg5[%dma_wait3A_1276, %dma_wait3A_1277, %dma_wait3A_1278, %dma_wait3A_1285] : memref<2x9x2x128xi32, #tpu.memory_space<vmem>> -> memref<1x1x1x128xi32, #tpu.memory_space<vmem>>
    %dma_wait3A_1287 = tpu.memref_squeeze %dma_wait3A_1286 : memref<1x1x1x128xi32, #tpu.memory_space<vmem>> -> memref<128xi32, #tpu.memory_space<vmem>>
    %dma_wait3A_1288 = arith.constant 0 : i32
    %dma_wait3A_1289 = arith.constant 0 : i32
    %dma_wait3A_1290 = tpu.memref_slice %arg2[%dma_wait3A_1288, %dma_wait3A_1289] : memref<100000x64xf32, #tpu.memory_space<hbm>> -> memref<100000x64xf32, #tpu.memory_space<hbm>>
    tpu.wait_indirect_dma semaphore(%arg8 : memref<!tpu.dma_semaphore, #tpu.memory_space<semaphore_mem>>) src(%dma_wait3A_1290 : memref<100000x64xf32, #tpu.memory_space<hbm>>) dst(%dma_wait3A_1284 : memref<128x64xf32, #tpu.memory_space<vmem>>)
    %dma_wait3A_1291 = arith.constant 0 : i32
    %dma_wait3A_1292 = arith.constant 7 : i32
    %dma_wait3A_1293 = arith.constant 0 : i32
    %dma_wait3A_1294 = arith.constant 1 : i32
    %dma_wait3A_1295 = arith.constant 1 : i32
    %dma_wait3A_1296 = arith.constant 0 : i32
    %dma_wait3A_1297 = arith.constant 0 : i32
    %dma_wait3A_1298 = tpu.memref_slice %arg6[%dma_wait3A_1294, %dma_wait3A_1295, %dma_wait3A_1296, %dma_wait3A_1297] : memref<2x2x256x64xf32, #tpu.memory_space<vmem>> -> memref<1x1x128x64xf32, #tpu.memory_space<vmem>>
    %dma_wait3A_1299 = tpu.memref_squeeze %dma_wait3A_1298 : memref<1x1x128x64xf32, #tpu.memory_space<vmem>> -> memref<128x64xf32, #tpu.memory_space<vmem>>
    %dma_wait3A_1300 = arith.constant 0 : i32
    %dma_wait3A_1301 = tpu.memref_slice %arg5[%dma_wait3A_1291, %dma_wait3A_1292, %dma_wait3A_1293, %dma_wait3A_1300] : memref<2x9x2x128xi32, #tpu.memory_space<vmem>> -> memref<1x1x1x128xi32, #tpu.memory_space<vmem>>
    %dma_wait3A_1302 = tpu.memref_squeeze %dma_wait3A_1301 : memref<1x1x1x128xi32, #tpu.memory_space<vmem>> -> memref<128xi32, #tpu.memory_space<vmem>>
    %dma_wait3A_1303 = arith.constant 0 : i32
    %dma_wait3A_1304 = arith.constant 0 : i32
    %dma_wait3A_1305 = tpu.memref_slice %arg2[%dma_wait3A_1303, %dma_wait3A_1304] : memref<100000x64xf32, #tpu.memory_space<hbm>> -> memref<100000x64xf32, #tpu.memory_space<hbm>>
    tpu.wait_indirect_dma semaphore(%arg8 : memref<!tpu.dma_semaphore, #tpu.memory_space<semaphore_mem>>) src(%dma_wait3A_1305 : memref<100000x64xf32, #tpu.memory_space<hbm>>) dst(%dma_wait3A_1299 : memref<128x64xf32, #tpu.memory_space<vmem>>)
    %dma_wait3A_1306 = arith.constant 0 : i32
    %dma_wait3A_1307 = arith.constant 7 : i32
    %dma_wait3A_1308 = arith.constant 1 : i32
    %dma_wait3A_1309 = arith.constant 1 : i32
    %dma_wait3A_1310 = arith.constant 1 : i32
    %dma_wait3A_1311 = arith.constant 128 : i32
    %dma_wait3A_1312 = arith.constant 0 : i32
    %dma_wait3A_1313 = tpu.memref_slice %arg6[%dma_wait3A_1309, %dma_wait3A_1310, %dma_wait3A_1311, %dma_wait3A_1312] : memref<2x2x256x64xf32, #tpu.memory_space<vmem>> -> memref<1x1x128x64xf32, #tpu.memory_space<vmem>>
    %dma_wait3A_1314 = tpu.memref_squeeze %dma_wait3A_1313 : memref<1x1x128x64xf32, #tpu.memory_space<vmem>> -> memref<128x64xf32, #tpu.memory_space<vmem>>
    %dma_wait3A_1315 = arith.constant 0 : i32
    %dma_wait3A_1316 = tpu.memref_slice %arg5[%dma_wait3A_1306, %dma_wait3A_1307, %dma_wait3A_1308, %dma_wait3A_1315] : memref<2x9x2x128xi32, #tpu.memory_space<vmem>> -> memref<1x1x1x128xi32, #tpu.memory_space<vmem>>
    %dma_wait3A_1317 = tpu.memref_squeeze %dma_wait3A_1316 : memref<1x1x1x128xi32, #tpu.memory_space<vmem>> -> memref<128xi32, #tpu.memory_space<vmem>>
    %dma_wait3A_1318 = arith.constant 0 : i32
    %dma_wait3A_1319 = arith.constant 0 : i32
    %dma_wait3A_1320 = tpu.memref_slice %arg2[%dma_wait3A_1318, %dma_wait3A_1319] : memref<100000x64xf32, #tpu.memory_space<hbm>> -> memref<100000x64xf32, #tpu.memory_space<hbm>>
    tpu.wait_indirect_dma semaphore(%arg8 : memref<!tpu.dma_semaphore, #tpu.memory_space<semaphore_mem>>) src(%dma_wait3A_1320 : memref<100000x64xf32, #tpu.memory_space<hbm>>) dst(%dma_wait3A_1314 : memref<128x64xf32, #tpu.memory_space<vmem>>)
    %dma_start3A_1321 = arith.constant 1 : i32
    %dma_start3A_1322 = arith.constant 0 : i32
    %dma_start3A_1323 = arith.constant 3 : i32
    %dma_start3A_1324 = arith.constant 0 : i32
    %dma_start3A_1325 = arith.constant 0 : i32
    %dma_start3A_1326 = tpu.memref_slice %arg6[%dma_start3A_1321, %dma_start3A_1322, %dma_start3A_1324, %dma_start3A_1325] : memref<2x2x256x64xf32, #tpu.memory_space<vmem>> -> memref<1x1x256x64xf32, #tpu.memory_space<vmem>>
    %dma_start3A_1327 = tpu.memref_squeeze %dma_start3A_1326 : memref<1x1x256x64xf32, #tpu.memory_space<vmem>> -> memref<256x64xf32, #tpu.memory_space<vmem>>
    %dma_start3A_1328 = arith.constant 0 : i32
    %dma_start3A_1329 = tpu.memref_slice %arg4[%dma_start3A_1323, %mul3A_2, %dma_start3A_1328] : memref<9x8192x128xf32, #tpu.memory_space<hbm>> -> memref<1x256x64xf32, #tpu.memory_space<hbm>>
    %dma_start3A_1330 = tpu.memref_squeeze %dma_start3A_1329 : memref<1x256x64xf32, #tpu.memory_space<hbm>> -> memref<256x64xf32, #tpu.memory_space<hbm>>
    %dma_start3A_1331 = arith.constant 0 : i32
    %dma_start3A_1332 = tpu.memref_slice %arg4[%dma_start3A_1323, %mul3A_2, %dma_start3A_1331] : memref<9x8192x128xf32, #tpu.memory_space<hbm>> -> memref<1x256x64xf32, #tpu.memory_space<hbm>>
    %dma_start3A_1333 = tpu.memref_squeeze %dma_start3A_1332 : memref<1x256x64xf32, #tpu.memory_space<hbm>> -> memref<256x64xf32, #tpu.memory_space<hbm>>
    %dma_start3A_1334 = arith.constant 0 : i32
    %dma_start3A_1335 = arith.constant 0 : i32
    %dma_start3A_1336 = tpu.memref_slice %arg6[%dma_start3A_1321, %dma_start3A_1322, %dma_start3A_1334, %dma_start3A_1335] : memref<2x2x256x64xf32, #tpu.memory_space<vmem>> -> memref<1x1x256x64xf32, #tpu.memory_space<vmem>>
    %dma_start3A_1337 = tpu.memref_squeeze %dma_start3A_1336 : memref<1x1x256x64xf32, #tpu.memory_space<vmem>> -> memref<256x64xf32, #tpu.memory_space<vmem>>
    tpu.enqueue_dma source(%dma_start3A_1337 : memref<256x64xf32, #tpu.memory_space<vmem>>) target(%dma_start3A_1333 : memref<256x64xf32, #tpu.memory_space<hbm>>) target_semaphore(%arg10 : memref<!tpu.dma_semaphore, #tpu.memory_space<semaphore_mem>>)
    %dma_start3A_1338 = arith.constant 1 : i32
    %dma_start3A_1339 = arith.constant 1 : i32
    %dma_start3A_1340 = arith.constant 3 : i32
    %dma_start3A_1341 = arith.constant 0 : i32
    %dma_start3A_1342 = arith.constant 0 : i32
    %dma_start3A_1343 = tpu.memref_slice %arg6[%dma_start3A_1338, %dma_start3A_1339, %dma_start3A_1341, %dma_start3A_1342] : memref<2x2x256x64xf32, #tpu.memory_space<vmem>> -> memref<1x1x256x64xf32, #tpu.memory_space<vmem>>
    %dma_start3A_1344 = tpu.memref_squeeze %dma_start3A_1343 : memref<1x1x256x64xf32, #tpu.memory_space<vmem>> -> memref<256x64xf32, #tpu.memory_space<vmem>>
    %dma_start3A_1345 = arith.constant 64 : i32
    %dma_start3A_1346 = tpu.memref_slice %arg4[%dma_start3A_1340, %mul3A_2, %dma_start3A_1345] : memref<9x8192x128xf32, #tpu.memory_space<hbm>> -> memref<1x256x64xf32, #tpu.memory_space<hbm>>
    %dma_start3A_1347 = tpu.memref_squeeze %dma_start3A_1346 : memref<1x256x64xf32, #tpu.memory_space<hbm>> -> memref<256x64xf32, #tpu.memory_space<hbm>>
    %dma_start3A_1348 = arith.constant 64 : i32
    %dma_start3A_1349 = tpu.memref_slice %arg4[%dma_start3A_1340, %mul3A_2, %dma_start3A_1348] : memref<9x8192x128xf32, #tpu.memory_space<hbm>> -> memref<1x256x64xf32, #tpu.memory_space<hbm>>
    %dma_start3A_1350 = tpu.memref_squeeze %dma_start3A_1349 : memref<1x256x64xf32, #tpu.memory_space<hbm>> -> memref<256x64xf32, #tpu.memory_space<hbm>>
    %dma_start3A_1351 = arith.constant 0 : i32
    %dma_start3A_1352 = arith.constant 0 : i32
    %dma_start3A_1353 = tpu.memref_slice %arg6[%dma_start3A_1338, %dma_start3A_1339, %dma_start3A_1351, %dma_start3A_1352] : memref<2x2x256x64xf32, #tpu.memory_space<vmem>> -> memref<1x1x256x64xf32, #tpu.memory_space<vmem>>
    %dma_start3A_1354 = tpu.memref_squeeze %dma_start3A_1353 : memref<1x1x256x64xf32, #tpu.memory_space<vmem>> -> memref<256x64xf32, #tpu.memory_space<vmem>>
    tpu.enqueue_dma source(%dma_start3A_1354 : memref<256x64xf32, #tpu.memory_space<vmem>>) target(%dma_start3A_1350 : memref<256x64xf32, #tpu.memory_space<hbm>>) target_semaphore(%arg10 : memref<!tpu.dma_semaphore, #tpu.memory_space<semaphore_mem>>)
    %dma_wait3A_1355 = arith.constant 1 : i32
    %dma_wait3A_1356 = arith.constant 0 : i32
    %dma_wait3A_1357 = arith.constant 3 : i32
    %dma_wait3A_1358 = arith.constant 0 : i32
    %dma_wait3A_1359 = arith.constant 0 : i32
    %dma_wait3A_1360 = tpu.memref_slice %arg6[%dma_wait3A_1355, %dma_wait3A_1356, %dma_wait3A_1358, %dma_wait3A_1359] : memref<2x2x256x64xf32, #tpu.memory_space<vmem>> -> memref<1x1x256x64xf32, #tpu.memory_space<vmem>>
    %dma_wait3A_1361 = tpu.memref_squeeze %dma_wait3A_1360 : memref<1x1x256x64xf32, #tpu.memory_space<vmem>> -> memref<256x64xf32, #tpu.memory_space<vmem>>
    %dma_wait3A_1362 = arith.constant 0 : i32
    %dma_wait3A_1363 = tpu.memref_slice %arg4[%dma_wait3A_1357, %mul3A_2, %dma_wait3A_1362] : memref<9x8192x128xf32, #tpu.memory_space<hbm>> -> memref<1x256x64xf32, #tpu.memory_space<hbm>>
    %dma_wait3A_1364 = tpu.memref_squeeze %dma_wait3A_1363 : memref<1x256x64xf32, #tpu.memory_space<hbm>> -> memref<256x64xf32, #tpu.memory_space<hbm>>
    %dma_wait3A_1365 = arith.constant 0 : i32
    %dma_wait3A_1366 = tpu.memref_slice %arg4[%dma_wait3A_1357, %mul3A_2, %dma_wait3A_1365] : memref<9x8192x128xf32, #tpu.memory_space<hbm>> -> memref<1x256x64xf32, #tpu.memory_space<hbm>>
    %dma_wait3A_1367 = tpu.memref_squeeze %dma_wait3A_1366 : memref<1x256x64xf32, #tpu.memory_space<hbm>> -> memref<256x64xf32, #tpu.memory_space<hbm>>
    %dma_wait3A_1368 = arith.constant 0 : i32
    %dma_wait3A_1369 = arith.constant 0 : i32
    %dma_wait3A_1370 = tpu.memref_slice %arg6[%dma_wait3A_1355, %dma_wait3A_1356, %dma_wait3A_1368, %dma_wait3A_1369] : memref<2x2x256x64xf32, #tpu.memory_space<vmem>> -> memref<1x1x256x64xf32, #tpu.memory_space<vmem>>
    %dma_wait3A_1371 = tpu.memref_squeeze %dma_wait3A_1370 : memref<1x1x256x64xf32, #tpu.memory_space<vmem>> -> memref<256x64xf32, #tpu.memory_space<vmem>>
    tpu.wait_dma2 semaphore(%arg10 : memref<!tpu.dma_semaphore, #tpu.memory_space<semaphore_mem>>) src(%dma_wait3A_1371 : memref<256x64xf32, #tpu.memory_space<vmem>>) dst(%dma_wait3A_1367 : memref<256x64xf32, #tpu.memory_space<hbm>>)
    %dma_wait3A_1372 = arith.constant 1 : i32
    %dma_wait3A_1373 = arith.constant 1 : i32
    %dma_wait3A_1374 = arith.constant 3 : i32
    %dma_wait3A_1375 = arith.constant 0 : i32
    %dma_wait3A_1376 = arith.constant 0 : i32
    %dma_wait3A_1377 = tpu.memref_slice %arg6[%dma_wait3A_1372, %dma_wait3A_1373, %dma_wait3A_1375, %dma_wait3A_1376] : memref<2x2x256x64xf32, #tpu.memory_space<vmem>> -> memref<1x1x256x64xf32, #tpu.memory_space<vmem>>
    %dma_wait3A_1378 = tpu.memref_squeeze %dma_wait3A_1377 : memref<1x1x256x64xf32, #tpu.memory_space<vmem>> -> memref<256x64xf32, #tpu.memory_space<vmem>>
    %dma_wait3A_1379 = arith.constant 64 : i32
    %dma_wait3A_1380 = tpu.memref_slice %arg4[%dma_wait3A_1374, %mul3A_2, %dma_wait3A_1379] : memref<9x8192x128xf32, #tpu.memory_space<hbm>> -> memref<1x256x64xf32, #tpu.memory_space<hbm>>
    %dma_wait3A_1381 = tpu.memref_squeeze %dma_wait3A_1380 : memref<1x256x64xf32, #tpu.memory_space<hbm>> -> memref<256x64xf32, #tpu.memory_space<hbm>>
    %dma_wait3A_1382 = arith.constant 64 : i32
    %dma_wait3A_1383 = tpu.memref_slice %arg4[%dma_wait3A_1374, %mul3A_2, %dma_wait3A_1382] : memref<9x8192x128xf32, #tpu.memory_space<hbm>> -> memref<1x256x64xf32, #tpu.memory_space<hbm>>
    %dma_wait3A_1384 = tpu.memref_squeeze %dma_wait3A_1383 : memref<1x256x64xf32, #tpu.memory_space<hbm>> -> memref<256x64xf32, #tpu.memory_space<hbm>>
    %dma_wait3A_1385 = arith.constant 0 : i32
    %dma_wait3A_1386 = arith.constant 0 : i32
    %dma_wait3A_1387 = tpu.memref_slice %arg6[%dma_wait3A_1372, %dma_wait3A_1373, %dma_wait3A_1385, %dma_wait3A_1386] : memref<2x2x256x64xf32, #tpu.memory_space<vmem>> -> memref<1x1x256x64xf32, #tpu.memory_space<vmem>>
    %dma_wait3A_1388 = tpu.memref_squeeze %dma_wait3A_1387 : memref<1x1x256x64xf32, #tpu.memory_space<vmem>> -> memref<256x64xf32, #tpu.memory_space<vmem>>
    tpu.wait_dma2 semaphore(%arg10 : memref<!tpu.dma_semaphore, #tpu.memory_space<semaphore_mem>>) src(%dma_wait3A_1388 : memref<256x64xf32, #tpu.memory_space<vmem>>) dst(%dma_wait3A_1384 : memref<256x64xf32, #tpu.memory_space<hbm>>)
    %dma_start3A_1389 = arith.constant 1 : i32
    %dma_start3A_1390 = arith.constant 1 : i32
    %dma_start3A_1391 = arith.constant 0 : i32
    %dma_start3A_1392 = arith.constant 1 : i32
    %dma_start3A_1393 = arith.constant 0 : i32
    %dma_start3A_1394 = arith.constant 0 : i32
    %dma_start3A_1395 = arith.constant 0 : i32
    %dma_start3A_1396 = tpu.memref_slice %arg6[%dma_start3A_1392, %dma_start3A_1393, %dma_start3A_1394, %dma_start3A_1395] : memref<2x2x256x64xf32, #tpu.memory_space<vmem>> -> memref<1x1x128x64xf32, #tpu.memory_space<vmem>>
    %dma_start3A_1397 = tpu.memref_squeeze %dma_start3A_1396 : memref<1x1x128x64xf32, #tpu.memory_space<vmem>> -> memref<128x64xf32, #tpu.memory_space<vmem>>
    %dma_start3A_1398 = arith.constant 0 : i32
    %dma_start3A_1399 = tpu.memref_slice %arg5[%dma_start3A_1389, %dma_start3A_1390, %dma_start3A_1391, %dma_start3A_1398] : memref<2x9x2x128xi32, #tpu.memory_space<vmem>> -> memref<1x1x1x128xi32, #tpu.memory_space<vmem>>
    %dma_start3A_1400 = tpu.memref_squeeze %dma_start3A_1399 : memref<1x1x1x128xi32, #tpu.memory_space<vmem>> -> memref<128xi32, #tpu.memory_space<vmem>>
    %dma_start3A_1401 = arith.constant 0 : i32
    %dma_start3A_1402 = arith.constant 0 : i32
    %dma_start3A_1403 = tpu.memref_slice %arg2[%dma_start3A_1401, %dma_start3A_1402] : memref<100000x64xf32, #tpu.memory_space<hbm>> -> memref<100000x64xf32, #tpu.memory_space<hbm>>
    tpu.enqueue_indirect_dma source(%dma_start3A_1403 : memref<100000x64xf32, #tpu.memory_space<hbm>>) target(%dma_start3A_1397 : memref<128x64xf32, #tpu.memory_space<vmem>>) offsets(%dma_start3A_1400 : memref<128xi32, #tpu.memory_space<vmem>>) semaphore(%arg8 : memref<!tpu.dma_semaphore, #tpu.memory_space<semaphore_mem>>)
    %dma_start3A_1404 = arith.constant 1 : i32
    %dma_start3A_1405 = arith.constant 1 : i32
    %dma_start3A_1406 = arith.constant 1 : i32
    %dma_start3A_1407 = arith.constant 1 : i32
    %dma_start3A_1408 = arith.constant 0 : i32
    %dma_start3A_1409 = arith.constant 128 : i32
    %dma_start3A_1410 = arith.constant 0 : i32
    %dma_start3A_1411 = tpu.memref_slice %arg6[%dma_start3A_1407, %dma_start3A_1408, %dma_start3A_1409, %dma_start3A_1410] : memref<2x2x256x64xf32, #tpu.memory_space<vmem>> -> memref<1x1x128x64xf32, #tpu.memory_space<vmem>>
    %dma_start3A_1412 = tpu.memref_squeeze %dma_start3A_1411 : memref<1x1x128x64xf32, #tpu.memory_space<vmem>> -> memref<128x64xf32, #tpu.memory_space<vmem>>
    %dma_start3A_1413 = arith.constant 0 : i32
    %dma_start3A_1414 = tpu.memref_slice %arg5[%dma_start3A_1404, %dma_start3A_1405, %dma_start3A_1406, %dma_start3A_1413] : memref<2x9x2x128xi32, #tpu.memory_space<vmem>> -> memref<1x1x1x128xi32, #tpu.memory_space<vmem>>
    %dma_start3A_1415 = tpu.memref_squeeze %dma_start3A_1414 : memref<1x1x1x128xi32, #tpu.memory_space<vmem>> -> memref<128xi32, #tpu.memory_space<vmem>>
    %dma_start3A_1416 = arith.constant 0 : i32
    %dma_start3A_1417 = arith.constant 0 : i32
    %dma_start3A_1418 = tpu.memref_slice %arg2[%dma_start3A_1416, %dma_start3A_1417] : memref<100000x64xf32, #tpu.memory_space<hbm>> -> memref<100000x64xf32, #tpu.memory_space<hbm>>
    tpu.enqueue_indirect_dma source(%dma_start3A_1418 : memref<100000x64xf32, #tpu.memory_space<hbm>>) target(%dma_start3A_1412 : memref<128x64xf32, #tpu.memory_space<vmem>>) offsets(%dma_start3A_1415 : memref<128xi32, #tpu.memory_space<vmem>>) semaphore(%arg8 : memref<!tpu.dma_semaphore, #tpu.memory_space<semaphore_mem>>)
    %dma_start3A_1419 = arith.constant 1 : i32
    %dma_start3A_1420 = arith.constant 2 : i32
    %dma_start3A_1421 = arith.constant 0 : i32
    %dma_start3A_1422 = arith.constant 1 : i32
    %dma_start3A_1423 = arith.constant 1 : i32
    %dma_start3A_1424 = arith.constant 0 : i32
    %dma_start3A_1425 = arith.constant 0 : i32
    %dma_start3A_1426 = tpu.memref_slice %arg6[%dma_start3A_1422, %dma_start3A_1423, %dma_start3A_1424, %dma_start3A_1425] : memref<2x2x256x64xf32, #tpu.memory_space<vmem>> -> memref<1x1x128x64xf32, #tpu.memory_space<vmem>>
    %dma_start3A_1427 = tpu.memref_squeeze %dma_start3A_1426 : memref<1x1x128x64xf32, #tpu.memory_space<vmem>> -> memref<128x64xf32, #tpu.memory_space<vmem>>
    %dma_start3A_1428 = arith.constant 0 : i32
    %dma_start3A_1429 = tpu.memref_slice %arg5[%dma_start3A_1419, %dma_start3A_1420, %dma_start3A_1421, %dma_start3A_1428] : memref<2x9x2x128xi32, #tpu.memory_space<vmem>> -> memref<1x1x1x128xi32, #tpu.memory_space<vmem>>
    %dma_start3A_1430 = tpu.memref_squeeze %dma_start3A_1429 : memref<1x1x1x128xi32, #tpu.memory_space<vmem>> -> memref<128xi32, #tpu.memory_space<vmem>>
    %dma_start3A_1431 = arith.constant 0 : i32
    %dma_start3A_1432 = arith.constant 0 : i32
    %dma_start3A_1433 = tpu.memref_slice %arg2[%dma_start3A_1431, %dma_start3A_1432] : memref<100000x64xf32, #tpu.memory_space<hbm>> -> memref<100000x64xf32, #tpu.memory_space<hbm>>
    tpu.enqueue_indirect_dma source(%dma_start3A_1433 : memref<100000x64xf32, #tpu.memory_space<hbm>>) target(%dma_start3A_1427 : memref<128x64xf32, #tpu.memory_space<vmem>>) offsets(%dma_start3A_1430 : memref<128xi32, #tpu.memory_space<vmem>>) semaphore(%arg8 : memref<!tpu.dma_semaphore, #tpu.memory_space<semaphore_mem>>)
    %dma_start3A_1434 = arith.constant 1 : i32
    %dma_start3A_1435 = arith.constant 2 : i32
    %dma_start3A_1436 = arith.constant 1 : i32
    %dma_start3A_1437 = arith.constant 1 : i32
    %dma_start3A_1438 = arith.constant 1 : i32
    %dma_start3A_1439 = arith.constant 128 : i32
    %dma_start3A_1440 = arith.constant 0 : i32
    %dma_start3A_1441 = tpu.memref_slice %arg6[%dma_start3A_1437, %dma_start3A_1438, %dma_start3A_1439, %dma_start3A_1440] : memref<2x2x256x64xf32, #tpu.memory_space<vmem>> -> memref<1x1x128x64xf32, #tpu.memory_space<vmem>>
    %dma_start3A_1442 = tpu.memref_squeeze %dma_start3A_1441 : memref<1x1x128x64xf32, #tpu.memory_space<vmem>> -> memref<128x64xf32, #tpu.memory_space<vmem>>
    %dma_start3A_1443 = arith.constant 0 : i32
    %dma_start3A_1444 = tpu.memref_slice %arg5[%dma_start3A_1434, %dma_start3A_1435, %dma_start3A_1436, %dma_start3A_1443] : memref<2x9x2x128xi32, #tpu.memory_space<vmem>> -> memref<1x1x1x128xi32, #tpu.memory_space<vmem>>
    %dma_start3A_1445 = tpu.memref_squeeze %dma_start3A_1444 : memref<1x1x1x128xi32, #tpu.memory_space<vmem>> -> memref<128xi32, #tpu.memory_space<vmem>>
    %dma_start3A_1446 = arith.constant 0 : i32
    %dma_start3A_1447 = arith.constant 0 : i32
    %dma_start3A_1448 = tpu.memref_slice %arg2[%dma_start3A_1446, %dma_start3A_1447] : memref<100000x64xf32, #tpu.memory_space<hbm>> -> memref<100000x64xf32, #tpu.memory_space<hbm>>
    tpu.enqueue_indirect_dma source(%dma_start3A_1448 : memref<100000x64xf32, #tpu.memory_space<hbm>>) target(%dma_start3A_1442 : memref<128x64xf32, #tpu.memory_space<vmem>>) offsets(%dma_start3A_1445 : memref<128xi32, #tpu.memory_space<vmem>>) semaphore(%arg8 : memref<!tpu.dma_semaphore, #tpu.memory_space<semaphore_mem>>)
    %dma_wait3A_1449 = arith.constant 0 : i32
    %dma_wait3A_1450 = arith.constant 8 : i32
    %dma_wait3A_1451 = arith.constant 0 : i32
    %dma_wait3A_1452 = arith.constant 0 : i32
    %dma_wait3A_1453 = arith.constant 0 : i32
    %dma_wait3A_1454 = arith.constant 0 : i32
    %dma_wait3A_1455 = arith.constant 0 : i32
    %dma_wait3A_1456 = tpu.memref_slice %arg6[%dma_wait3A_1452, %dma_wait3A_1453, %dma_wait3A_1454, %dma_wait3A_1455] : memref<2x2x256x64xf32, #tpu.memory_space<vmem>> -> memref<1x1x128x64xf32, #tpu.memory_space<vmem>>
    %dma_wait3A_1457 = tpu.memref_squeeze %dma_wait3A_1456 : memref<1x1x128x64xf32, #tpu.memory_space<vmem>> -> memref<128x64xf32, #tpu.memory_space<vmem>>
    %dma_wait3A_1458 = arith.constant 0 : i32
    %dma_wait3A_1459 = tpu.memref_slice %arg5[%dma_wait3A_1449, %dma_wait3A_1450, %dma_wait3A_1451, %dma_wait3A_1458] : memref<2x9x2x128xi32, #tpu.memory_space<vmem>> -> memref<1x1x1x128xi32, #tpu.memory_space<vmem>>
    %dma_wait3A_1460 = tpu.memref_squeeze %dma_wait3A_1459 : memref<1x1x1x128xi32, #tpu.memory_space<vmem>> -> memref<128xi32, #tpu.memory_space<vmem>>
    %dma_wait3A_1461 = arith.constant 0 : i32
    %dma_wait3A_1462 = arith.constant 0 : i32
    %dma_wait3A_1463 = tpu.memref_slice %arg2[%dma_wait3A_1461, %dma_wait3A_1462] : memref<100000x64xf32, #tpu.memory_space<hbm>> -> memref<100000x64xf32, #tpu.memory_space<hbm>>
    tpu.wait_indirect_dma semaphore(%arg7 : memref<!tpu.dma_semaphore, #tpu.memory_space<semaphore_mem>>) src(%dma_wait3A_1463 : memref<100000x64xf32, #tpu.memory_space<hbm>>) dst(%dma_wait3A_1457 : memref<128x64xf32, #tpu.memory_space<vmem>>)
    %dma_wait3A_1464 = arith.constant 0 : i32
    %dma_wait3A_1465 = arith.constant 8 : i32
    %dma_wait3A_1466 = arith.constant 1 : i32
    %dma_wait3A_1467 = arith.constant 0 : i32
    %dma_wait3A_1468 = arith.constant 0 : i32
    %dma_wait3A_1469 = arith.constant 128 : i32
    %dma_wait3A_1470 = arith.constant 0 : i32
    %dma_wait3A_1471 = tpu.memref_slice %arg6[%dma_wait3A_1467, %dma_wait3A_1468, %dma_wait3A_1469, %dma_wait3A_1470] : memref<2x2x256x64xf32, #tpu.memory_space<vmem>> -> memref<1x1x128x64xf32, #tpu.memory_space<vmem>>
    %dma_wait3A_1472 = tpu.memref_squeeze %dma_wait3A_1471 : memref<1x1x128x64xf32, #tpu.memory_space<vmem>> -> memref<128x64xf32, #tpu.memory_space<vmem>>
    %dma_wait3A_1473 = arith.constant 0 : i32
    %dma_wait3A_1474 = tpu.memref_slice %arg5[%dma_wait3A_1464, %dma_wait3A_1465, %dma_wait3A_1466, %dma_wait3A_1473] : memref<2x9x2x128xi32, #tpu.memory_space<vmem>> -> memref<1x1x1x128xi32, #tpu.memory_space<vmem>>
    %dma_wait3A_1475 = tpu.memref_squeeze %dma_wait3A_1474 : memref<1x1x1x128xi32, #tpu.memory_space<vmem>> -> memref<128xi32, #tpu.memory_space<vmem>>
    %dma_wait3A_1476 = arith.constant 0 : i32
    %dma_wait3A_1477 = arith.constant 0 : i32
    %dma_wait3A_1478 = tpu.memref_slice %arg2[%dma_wait3A_1476, %dma_wait3A_1477] : memref<100000x64xf32, #tpu.memory_space<hbm>> -> memref<100000x64xf32, #tpu.memory_space<hbm>>
    tpu.wait_indirect_dma semaphore(%arg7 : memref<!tpu.dma_semaphore, #tpu.memory_space<semaphore_mem>>) src(%dma_wait3A_1478 : memref<100000x64xf32, #tpu.memory_space<hbm>>) dst(%dma_wait3A_1472 : memref<128x64xf32, #tpu.memory_space<vmem>>)
    %dma_wait3A_1479 = arith.constant 1 : i32
    %dma_wait3A_1480 = arith.constant 0 : i32
    %dma_wait3A_1481 = arith.constant 0 : i32
    %dma_wait3A_1482 = arith.constant 0 : i32
    %dma_wait3A_1483 = arith.constant 1 : i32
    %dma_wait3A_1484 = arith.constant 0 : i32
    %dma_wait3A_1485 = arith.constant 0 : i32
    %dma_wait3A_1486 = tpu.memref_slice %arg6[%dma_wait3A_1482, %dma_wait3A_1483, %dma_wait3A_1484, %dma_wait3A_1485] : memref<2x2x256x64xf32, #tpu.memory_space<vmem>> -> memref<1x1x128x64xf32, #tpu.memory_space<vmem>>
    %dma_wait3A_1487 = tpu.memref_squeeze %dma_wait3A_1486 : memref<1x1x128x64xf32, #tpu.memory_space<vmem>> -> memref<128x64xf32, #tpu.memory_space<vmem>>
    %dma_wait3A_1488 = arith.constant 0 : i32
    %dma_wait3A_1489 = tpu.memref_slice %arg5[%dma_wait3A_1479, %dma_wait3A_1480, %dma_wait3A_1481, %dma_wait3A_1488] : memref<2x9x2x128xi32, #tpu.memory_space<vmem>> -> memref<1x1x1x128xi32, #tpu.memory_space<vmem>>
    %dma_wait3A_1490 = tpu.memref_squeeze %dma_wait3A_1489 : memref<1x1x1x128xi32, #tpu.memory_space<vmem>> -> memref<128xi32, #tpu.memory_space<vmem>>
    %dma_wait3A_1491 = arith.constant 0 : i32
    %dma_wait3A_1492 = arith.constant 0 : i32
    %dma_wait3A_1493 = tpu.memref_slice %arg2[%dma_wait3A_1491, %dma_wait3A_1492] : memref<100000x64xf32, #tpu.memory_space<hbm>> -> memref<100000x64xf32, #tpu.memory_space<hbm>>
    tpu.wait_indirect_dma semaphore(%arg7 : memref<!tpu.dma_semaphore, #tpu.memory_space<semaphore_mem>>) src(%dma_wait3A_1493 : memref<100000x64xf32, #tpu.memory_space<hbm>>) dst(%dma_wait3A_1487 : memref<128x64xf32, #tpu.memory_space<vmem>>)
    %dma_wait3A_1494 = arith.constant 1 : i32
    %dma_wait3A_1495 = arith.constant 0 : i32
    %dma_wait3A_1496 = arith.constant 1 : i32
    %dma_wait3A_1497 = arith.constant 0 : i32
    %dma_wait3A_1498 = arith.constant 1 : i32
    %dma_wait3A_1499 = arith.constant 128 : i32
    %dma_wait3A_1500 = arith.constant 0 : i32
    %dma_wait3A_1501 = tpu.memref_slice %arg6[%dma_wait3A_1497, %dma_wait3A_1498, %dma_wait3A_1499, %dma_wait3A_1500] : memref<2x2x256x64xf32, #tpu.memory_space<vmem>> -> memref<1x1x128x64xf32, #tpu.memory_space<vmem>>
    %dma_wait3A_1502 = tpu.memref_squeeze %dma_wait3A_1501 : memref<1x1x128x64xf32, #tpu.memory_space<vmem>> -> memref<128x64xf32, #tpu.memory_space<vmem>>
    %dma_wait3A_1503 = arith.constant 0 : i32
    %dma_wait3A_1504 = tpu.memref_slice %arg5[%dma_wait3A_1494, %dma_wait3A_1495, %dma_wait3A_1496, %dma_wait3A_1503] : memref<2x9x2x128xi32, #tpu.memory_space<vmem>> -> memref<1x1x1x128xi32, #tpu.memory_space<vmem>>
    %dma_wait3A_1505 = tpu.memref_squeeze %dma_wait3A_1504 : memref<1x1x1x128xi32, #tpu.memory_space<vmem>> -> memref<128xi32, #tpu.memory_space<vmem>>
    %dma_wait3A_1506 = arith.constant 0 : i32
    %dma_wait3A_1507 = arith.constant 0 : i32
    %dma_wait3A_1508 = tpu.memref_slice %arg2[%dma_wait3A_1506, %dma_wait3A_1507] : memref<100000x64xf32, #tpu.memory_space<hbm>> -> memref<100000x64xf32, #tpu.memory_space<hbm>>
    tpu.wait_indirect_dma semaphore(%arg7 : memref<!tpu.dma_semaphore, #tpu.memory_space<semaphore_mem>>) src(%dma_wait3A_1508 : memref<100000x64xf32, #tpu.memory_space<hbm>>) dst(%dma_wait3A_1502 : memref<128x64xf32, #tpu.memory_space<vmem>>)
    %dma_start3A_1509 = arith.constant 0 : i32
    %dma_start3A_1510 = arith.constant 0 : i32
    %dma_start3A_1511 = arith.constant 4 : i32
    %dma_start3A_1512 = arith.constant 0 : i32
    %dma_start3A_1513 = arith.constant 0 : i32
    %dma_start3A_1514 = tpu.memref_slice %arg6[%dma_start3A_1509, %dma_start3A_1510, %dma_start3A_1512, %dma_start3A_1513] : memref<2x2x256x64xf32, #tpu.memory_space<vmem>> -> memref<1x1x256x64xf32, #tpu.memory_space<vmem>>
    %dma_start3A_1515 = tpu.memref_squeeze %dma_start3A_1514 : memref<1x1x256x64xf32, #tpu.memory_space<vmem>> -> memref<256x64xf32, #tpu.memory_space<vmem>>
    %dma_start3A_1516 = arith.constant 0 : i32
    %dma_start3A_1517 = tpu.memref_slice %arg4[%dma_start3A_1511, %mul3A_2, %dma_start3A_1516] : memref<9x8192x128xf32, #tpu.memory_space<hbm>> -> memref<1x256x64xf32, #tpu.memory_space<hbm>>
    %dma_start3A_1518 = tpu.memref_squeeze %dma_start3A_1517 : memref<1x256x64xf32, #tpu.memory_space<hbm>> -> memref<256x64xf32, #tpu.memory_space<hbm>>
    %dma_start3A_1519 = arith.constant 0 : i32
    %dma_start3A_1520 = tpu.memref_slice %arg4[%dma_start3A_1511, %mul3A_2, %dma_start3A_1519] : memref<9x8192x128xf32, #tpu.memory_space<hbm>> -> memref<1x256x64xf32, #tpu.memory_space<hbm>>
    %dma_start3A_1521 = tpu.memref_squeeze %dma_start3A_1520 : memref<1x256x64xf32, #tpu.memory_space<hbm>> -> memref<256x64xf32, #tpu.memory_space<hbm>>
    %dma_start3A_1522 = arith.constant 0 : i32
    %dma_start3A_1523 = arith.constant 0 : i32
    %dma_start3A_1524 = tpu.memref_slice %arg6[%dma_start3A_1509, %dma_start3A_1510, %dma_start3A_1522, %dma_start3A_1523] : memref<2x2x256x64xf32, #tpu.memory_space<vmem>> -> memref<1x1x256x64xf32, #tpu.memory_space<vmem>>
    %dma_start3A_1525 = tpu.memref_squeeze %dma_start3A_1524 : memref<1x1x256x64xf32, #tpu.memory_space<vmem>> -> memref<256x64xf32, #tpu.memory_space<vmem>>
    tpu.enqueue_dma source(%dma_start3A_1525 : memref<256x64xf32, #tpu.memory_space<vmem>>) target(%dma_start3A_1521 : memref<256x64xf32, #tpu.memory_space<hbm>>) target_semaphore(%arg9 : memref<!tpu.dma_semaphore, #tpu.memory_space<semaphore_mem>>)
    %dma_start3A_1526 = arith.constant 0 : i32
    %dma_start3A_1527 = arith.constant 1 : i32
    %dma_start3A_1528 = arith.constant 4 : i32
    %dma_start3A_1529 = arith.constant 0 : i32
    %dma_start3A_1530 = arith.constant 0 : i32
    %dma_start3A_1531 = tpu.memref_slice %arg6[%dma_start3A_1526, %dma_start3A_1527, %dma_start3A_1529, %dma_start3A_1530] : memref<2x2x256x64xf32, #tpu.memory_space<vmem>> -> memref<1x1x256x64xf32, #tpu.memory_space<vmem>>
    %dma_start3A_1532 = tpu.memref_squeeze %dma_start3A_1531 : memref<1x1x256x64xf32, #tpu.memory_space<vmem>> -> memref<256x64xf32, #tpu.memory_space<vmem>>
    %dma_start3A_1533 = arith.constant 64 : i32
    %dma_start3A_1534 = tpu.memref_slice %arg4[%dma_start3A_1528, %mul3A_2, %dma_start3A_1533] : memref<9x8192x128xf32, #tpu.memory_space<hbm>> -> memref<1x256x64xf32, #tpu.memory_space<hbm>>
    %dma_start3A_1535 = tpu.memref_squeeze %dma_start3A_1534 : memref<1x256x64xf32, #tpu.memory_space<hbm>> -> memref<256x64xf32, #tpu.memory_space<hbm>>
    %dma_start3A_1536 = arith.constant 64 : i32
    %dma_start3A_1537 = tpu.memref_slice %arg4[%dma_start3A_1528, %mul3A_2, %dma_start3A_1536] : memref<9x8192x128xf32, #tpu.memory_space<hbm>> -> memref<1x256x64xf32, #tpu.memory_space<hbm>>
    %dma_start3A_1538 = tpu.memref_squeeze %dma_start3A_1537 : memref<1x256x64xf32, #tpu.memory_space<hbm>> -> memref<256x64xf32, #tpu.memory_space<hbm>>
    %dma_start3A_1539 = arith.constant 0 : i32
    %dma_start3A_1540 = arith.constant 0 : i32
    %dma_start3A_1541 = tpu.memref_slice %arg6[%dma_start3A_1526, %dma_start3A_1527, %dma_start3A_1539, %dma_start3A_1540] : memref<2x2x256x64xf32, #tpu.memory_space<vmem>> -> memref<1x1x256x64xf32, #tpu.memory_space<vmem>>
    %dma_start3A_1542 = tpu.memref_squeeze %dma_start3A_1541 : memref<1x1x256x64xf32, #tpu.memory_space<vmem>> -> memref<256x64xf32, #tpu.memory_space<vmem>>
    tpu.enqueue_dma source(%dma_start3A_1542 : memref<256x64xf32, #tpu.memory_space<vmem>>) target(%dma_start3A_1538 : memref<256x64xf32, #tpu.memory_space<hbm>>) target_semaphore(%arg9 : memref<!tpu.dma_semaphore, #tpu.memory_space<semaphore_mem>>)
    %dma_wait3A_1543 = arith.constant 0 : i32
    %dma_wait3A_1544 = arith.constant 0 : i32
    %dma_wait3A_1545 = arith.constant 4 : i32
    %dma_wait3A_1546 = arith.constant 0 : i32
    %dma_wait3A_1547 = arith.constant 0 : i32
    %dma_wait3A_1548 = tpu.memref_slice %arg6[%dma_wait3A_1543, %dma_wait3A_1544, %dma_wait3A_1546, %dma_wait3A_1547] : memref<2x2x256x64xf32, #tpu.memory_space<vmem>> -> memref<1x1x256x64xf32, #tpu.memory_space<vmem>>
    %dma_wait3A_1549 = tpu.memref_squeeze %dma_wait3A_1548 : memref<1x1x256x64xf32, #tpu.memory_space<vmem>> -> memref<256x64xf32, #tpu.memory_space<vmem>>
    %dma_wait3A_1550 = arith.constant 0 : i32
    %dma_wait3A_1551 = tpu.memref_slice %arg4[%dma_wait3A_1545, %mul3A_2, %dma_wait3A_1550] : memref<9x8192x128xf32, #tpu.memory_space<hbm>> -> memref<1x256x64xf32, #tpu.memory_space<hbm>>
    %dma_wait3A_1552 = tpu.memref_squeeze %dma_wait3A_1551 : memref<1x256x64xf32, #tpu.memory_space<hbm>> -> memref<256x64xf32, #tpu.memory_space<hbm>>
    %dma_wait3A_1553 = arith.constant 0 : i32
    %dma_wait3A_1554 = tpu.memref_slice %arg4[%dma_wait3A_1545, %mul3A_2, %dma_wait3A_1553] : memref<9x8192x128xf32, #tpu.memory_space<hbm>> -> memref<1x256x64xf32, #tpu.memory_space<hbm>>
    %dma_wait3A_1555 = tpu.memref_squeeze %dma_wait3A_1554 : memref<1x256x64xf32, #tpu.memory_space<hbm>> -> memref<256x64xf32, #tpu.memory_space<hbm>>
    %dma_wait3A_1556 = arith.constant 0 : i32
    %dma_wait3A_1557 = arith.constant 0 : i32
    %dma_wait3A_1558 = tpu.memref_slice %arg6[%dma_wait3A_1543, %dma_wait3A_1544, %dma_wait3A_1556, %dma_wait3A_1557] : memref<2x2x256x64xf32, #tpu.memory_space<vmem>> -> memref<1x1x256x64xf32, #tpu.memory_space<vmem>>
    %dma_wait3A_1559 = tpu.memref_squeeze %dma_wait3A_1558 : memref<1x1x256x64xf32, #tpu.memory_space<vmem>> -> memref<256x64xf32, #tpu.memory_space<vmem>>
    tpu.wait_dma2 semaphore(%arg9 : memref<!tpu.dma_semaphore, #tpu.memory_space<semaphore_mem>>) src(%dma_wait3A_1559 : memref<256x64xf32, #tpu.memory_space<vmem>>) dst(%dma_wait3A_1555 : memref<256x64xf32, #tpu.memory_space<hbm>>)
    %dma_wait3A_1560 = arith.constant 0 : i32
    %dma_wait3A_1561 = arith.constant 1 : i32
    %dma_wait3A_1562 = arith.constant 4 : i32
    %dma_wait3A_1563 = arith.constant 0 : i32
    %dma_wait3A_1564 = arith.constant 0 : i32
    %dma_wait3A_1565 = tpu.memref_slice %arg6[%dma_wait3A_1560, %dma_wait3A_1561, %dma_wait3A_1563, %dma_wait3A_1564] : memref<2x2x256x64xf32, #tpu.memory_space<vmem>> -> memref<1x1x256x64xf32, #tpu.memory_space<vmem>>
    %dma_wait3A_1566 = tpu.memref_squeeze %dma_wait3A_1565 : memref<1x1x256x64xf32, #tpu.memory_space<vmem>> -> memref<256x64xf32, #tpu.memory_space<vmem>>
    %dma_wait3A_1567 = arith.constant 64 : i32
    %dma_wait3A_1568 = tpu.memref_slice %arg4[%dma_wait3A_1562, %mul3A_2, %dma_wait3A_1567] : memref<9x8192x128xf32, #tpu.memory_space<hbm>> -> memref<1x256x64xf32, #tpu.memory_space<hbm>>
    %dma_wait3A_1569 = tpu.memref_squeeze %dma_wait3A_1568 : memref<1x256x64xf32, #tpu.memory_space<hbm>> -> memref<256x64xf32, #tpu.memory_space<hbm>>
    %dma_wait3A_1570 = arith.constant 64 : i32
    %dma_wait3A_1571 = tpu.memref_slice %arg4[%dma_wait3A_1562, %mul3A_2, %dma_wait3A_1570] : memref<9x8192x128xf32, #tpu.memory_space<hbm>> -> memref<1x256x64xf32, #tpu.memory_space<hbm>>
    %dma_wait3A_1572 = tpu.memref_squeeze %dma_wait3A_1571 : memref<1x256x64xf32, #tpu.memory_space<hbm>> -> memref<256x64xf32, #tpu.memory_space<hbm>>
    %dma_wait3A_1573 = arith.constant 0 : i32
    %dma_wait3A_1574 = arith.constant 0 : i32
    %dma_wait3A_1575 = tpu.memref_slice %arg6[%dma_wait3A_1560, %dma_wait3A_1561, %dma_wait3A_1573, %dma_wait3A_1574] : memref<2x2x256x64xf32, #tpu.memory_space<vmem>> -> memref<1x1x256x64xf32, #tpu.memory_space<vmem>>
    %dma_wait3A_1576 = tpu.memref_squeeze %dma_wait3A_1575 : memref<1x1x256x64xf32, #tpu.memory_space<vmem>> -> memref<256x64xf32, #tpu.memory_space<vmem>>
    tpu.wait_dma2 semaphore(%arg9 : memref<!tpu.dma_semaphore, #tpu.memory_space<semaphore_mem>>) src(%dma_wait3A_1576 : memref<256x64xf32, #tpu.memory_space<vmem>>) dst(%dma_wait3A_1572 : memref<256x64xf32, #tpu.memory_space<hbm>>)
    %dma_start3A_1577 = arith.constant 1 : i32
    %dma_start3A_1578 = arith.constant 3 : i32
    %dma_start3A_1579 = arith.constant 0 : i32
    %dma_start3A_1580 = arith.constant 0 : i32
    %dma_start3A_1581 = arith.constant 0 : i32
    %dma_start3A_1582 = arith.constant 0 : i32
    %dma_start3A_1583 = arith.constant 0 : i32
    %dma_start3A_1584 = tpu.memref_slice %arg6[%dma_start3A_1580, %dma_start3A_1581, %dma_start3A_1582, %dma_start3A_1583] : memref<2x2x256x64xf32, #tpu.memory_space<vmem>> -> memref<1x1x128x64xf32, #tpu.memory_space<vmem>>
    %dma_start3A_1585 = tpu.memref_squeeze %dma_start3A_1584 : memref<1x1x128x64xf32, #tpu.memory_space<vmem>> -> memref<128x64xf32, #tpu.memory_space<vmem>>
    %dma_start3A_1586 = arith.constant 0 : i32
    %dma_start3A_1587 = tpu.memref_slice %arg5[%dma_start3A_1577, %dma_start3A_1578, %dma_start3A_1579, %dma_start3A_1586] : memref<2x9x2x128xi32, #tpu.memory_space<vmem>> -> memref<1x1x1x128xi32, #tpu.memory_space<vmem>>
    %dma_start3A_1588 = tpu.memref_squeeze %dma_start3A_1587 : memref<1x1x1x128xi32, #tpu.memory_space<vmem>> -> memref<128xi32, #tpu.memory_space<vmem>>
    %dma_start3A_1589 = arith.constant 0 : i32
    %dma_start3A_1590 = arith.constant 0 : i32
    %dma_start3A_1591 = tpu.memref_slice %arg2[%dma_start3A_1589, %dma_start3A_1590] : memref<100000x64xf32, #tpu.memory_space<hbm>> -> memref<100000x64xf32, #tpu.memory_space<hbm>>
    tpu.enqueue_indirect_dma source(%dma_start3A_1591 : memref<100000x64xf32, #tpu.memory_space<hbm>>) target(%dma_start3A_1585 : memref<128x64xf32, #tpu.memory_space<vmem>>) offsets(%dma_start3A_1588 : memref<128xi32, #tpu.memory_space<vmem>>) semaphore(%arg7 : memref<!tpu.dma_semaphore, #tpu.memory_space<semaphore_mem>>)
    %dma_start3A_1592 = arith.constant 1 : i32
    %dma_start3A_1593 = arith.constant 3 : i32
    %dma_start3A_1594 = arith.constant 1 : i32
    %dma_start3A_1595 = arith.constant 0 : i32
    %dma_start3A_1596 = arith.constant 0 : i32
    %dma_start3A_1597 = arith.constant 128 : i32
    %dma_start3A_1598 = arith.constant 0 : i32
    %dma_start3A_1599 = tpu.memref_slice %arg6[%dma_start3A_1595, %dma_start3A_1596, %dma_start3A_1597, %dma_start3A_1598] : memref<2x2x256x64xf32, #tpu.memory_space<vmem>> -> memref<1x1x128x64xf32, #tpu.memory_space<vmem>>
    %dma_start3A_1600 = tpu.memref_squeeze %dma_start3A_1599 : memref<1x1x128x64xf32, #tpu.memory_space<vmem>> -> memref<128x64xf32, #tpu.memory_space<vmem>>
    %dma_start3A_1601 = arith.constant 0 : i32
    %dma_start3A_1602 = tpu.memref_slice %arg5[%dma_start3A_1592, %dma_start3A_1593, %dma_start3A_1594, %dma_start3A_1601] : memref<2x9x2x128xi32, #tpu.memory_space<vmem>> -> memref<1x1x1x128xi32, #tpu.memory_space<vmem>>
    %dma_start3A_1603 = tpu.memref_squeeze %dma_start3A_1602 : memref<1x1x1x128xi32, #tpu.memory_space<vmem>> -> memref<128xi32, #tpu.memory_space<vmem>>
    %dma_start3A_1604 = arith.constant 0 : i32
    %dma_start3A_1605 = arith.constant 0 : i32
    %dma_start3A_1606 = tpu.memref_slice %arg2[%dma_start3A_1604, %dma_start3A_1605] : memref<100000x64xf32, #tpu.memory_space<hbm>> -> memref<100000x64xf32, #tpu.memory_space<hbm>>
    tpu.enqueue_indirect_dma source(%dma_start3A_1606 : memref<100000x64xf32, #tpu.memory_space<hbm>>) target(%dma_start3A_1600 : memref<128x64xf32, #tpu.memory_space<vmem>>) offsets(%dma_start3A_1603 : memref<128xi32, #tpu.memory_space<vmem>>) semaphore(%arg7 : memref<!tpu.dma_semaphore, #tpu.memory_space<semaphore_mem>>)
    %dma_start3A_1607 = arith.constant 1 : i32
    %dma_start3A_1608 = arith.constant 4 : i32
    %dma_start3A_1609 = arith.constant 0 : i32
    %dma_start3A_1610 = arith.constant 0 : i32
    %dma_start3A_1611 = arith.constant 1 : i32
    %dma_start3A_1612 = arith.constant 0 : i32
    %dma_start3A_1613 = arith.constant 0 : i32
    %dma_start3A_1614 = tpu.memref_slice %arg6[%dma_start3A_1610, %dma_start3A_1611, %dma_start3A_1612, %dma_start3A_1613] : memref<2x2x256x64xf32, #tpu.memory_space<vmem>> -> memref<1x1x128x64xf32, #tpu.memory_space<vmem>>
    %dma_start3A_1615 = tpu.memref_squeeze %dma_start3A_1614 : memref<1x1x128x64xf32, #tpu.memory_space<vmem>> -> memref<128x64xf32, #tpu.memory_space<vmem>>
    %dma_start3A_1616 = arith.constant 0 : i32
    %dma_start3A_1617 = tpu.memref_slice %arg5[%dma_start3A_1607, %dma_start3A_1608, %dma_start3A_1609, %dma_start3A_1616] : memref<2x9x2x128xi32, #tpu.memory_space<vmem>> -> memref<1x1x1x128xi32, #tpu.memory_space<vmem>>
    %dma_start3A_1618 = tpu.memref_squeeze %dma_start3A_1617 : memref<1x1x1x128xi32, #tpu.memory_space<vmem>> -> memref<128xi32, #tpu.memory_space<vmem>>
    %dma_start3A_1619 = arith.constant 0 : i32
    %dma_start3A_1620 = arith.constant 0 : i32
    %dma_start3A_1621 = tpu.memref_slice %arg2[%dma_start3A_1619, %dma_start3A_1620] : memref<100000x64xf32, #tpu.memory_space<hbm>> -> memref<100000x64xf32, #tpu.memory_space<hbm>>
    tpu.enqueue_indirect_dma source(%dma_start3A_1621 : memref<100000x64xf32, #tpu.memory_space<hbm>>) target(%dma_start3A_1615 : memref<128x64xf32, #tpu.memory_space<vmem>>) offsets(%dma_start3A_1618 : memref<128xi32, #tpu.memory_space<vmem>>) semaphore(%arg7 : memref<!tpu.dma_semaphore, #tpu.memory_space<semaphore_mem>>)
    %dma_start3A_1622 = arith.constant 1 : i32
    %dma_start3A_1623 = arith.constant 4 : i32
    %dma_start3A_1624 = arith.constant 1 : i32
    %dma_start3A_1625 = arith.constant 0 : i32
    %dma_start3A_1626 = arith.constant 1 : i32
    %dma_start3A_1627 = arith.constant 128 : i32
    %dma_start3A_1628 = arith.constant 0 : i32
    %dma_start3A_1629 = tpu.memref_slice %arg6[%dma_start3A_1625, %dma_start3A_1626, %dma_start3A_1627, %dma_start3A_1628] : memref<2x2x256x64xf32, #tpu.memory_space<vmem>> -> memref<1x1x128x64xf32, #tpu.memory_space<vmem>>
    %dma_start3A_1630 = tpu.memref_squeeze %dma_start3A_1629 : memref<1x1x128x64xf32, #tpu.memory_space<vmem>> -> memref<128x64xf32, #tpu.memory_space<vmem>>
    %dma_start3A_1631 = arith.constant 0 : i32
    %dma_start3A_1632 = tpu.memref_slice %arg5[%dma_start3A_1622, %dma_start3A_1623, %dma_start3A_1624, %dma_start3A_1631] : memref<2x9x2x128xi32, #tpu.memory_space<vmem>> -> memref<1x1x1x128xi32, #tpu.memory_space<vmem>>
    %dma_start3A_1633 = tpu.memref_squeeze %dma_start3A_1632 : memref<1x1x1x128xi32, #tpu.memory_space<vmem>> -> memref<128xi32, #tpu.memory_space<vmem>>
    %dma_start3A_1634 = arith.constant 0 : i32
    %dma_start3A_1635 = arith.constant 0 : i32
    %dma_start3A_1636 = tpu.memref_slice %arg2[%dma_start3A_1634, %dma_start3A_1635] : memref<100000x64xf32, #tpu.memory_space<hbm>> -> memref<100000x64xf32, #tpu.memory_space<hbm>>
    tpu.enqueue_indirect_dma source(%dma_start3A_1636 : memref<100000x64xf32, #tpu.memory_space<hbm>>) target(%dma_start3A_1630 : memref<128x64xf32, #tpu.memory_space<vmem>>) offsets(%dma_start3A_1633 : memref<128xi32, #tpu.memory_space<vmem>>) semaphore(%arg7 : memref<!tpu.dma_semaphore, #tpu.memory_space<semaphore_mem>>)
    %dma_wait3A_1637 = arith.constant 1 : i32
    %dma_wait3A_1638 = arith.constant 1 : i32
    %dma_wait3A_1639 = arith.constant 0 : i32
    %dma_wait3A_1640 = arith.constant 1 : i32
    %dma_wait3A_1641 = arith.constant 0 : i32
    %dma_wait3A_1642 = arith.constant 0 : i32
    %dma_wait3A_1643 = arith.constant 0 : i32
    %dma_wait3A_1644 = tpu.memref_slice %arg6[%dma_wait3A_1640, %dma_wait3A_1641, %dma_wait3A_1642, %dma_wait3A_1643] : memref<2x2x256x64xf32, #tpu.memory_space<vmem>> -> memref<1x1x128x64xf32, #tpu.memory_space<vmem>>
    %dma_wait3A_1645 = tpu.memref_squeeze %dma_wait3A_1644 : memref<1x1x128x64xf32, #tpu.memory_space<vmem>> -> memref<128x64xf32, #tpu.memory_space<vmem>>
    %dma_wait3A_1646 = arith.constant 0 : i32
    %dma_wait3A_1647 = tpu.memref_slice %arg5[%dma_wait3A_1637, %dma_wait3A_1638, %dma_wait3A_1639, %dma_wait3A_1646] : memref<2x9x2x128xi32, #tpu.memory_space<vmem>> -> memref<1x1x1x128xi32, #tpu.memory_space<vmem>>
    %dma_wait3A_1648 = tpu.memref_squeeze %dma_wait3A_1647 : memref<1x1x1x128xi32, #tpu.memory_space<vmem>> -> memref<128xi32, #tpu.memory_space<vmem>>
    %dma_wait3A_1649 = arith.constant 0 : i32
    %dma_wait3A_1650 = arith.constant 0 : i32
    %dma_wait3A_1651 = tpu.memref_slice %arg2[%dma_wait3A_1649, %dma_wait3A_1650] : memref<100000x64xf32, #tpu.memory_space<hbm>> -> memref<100000x64xf32, #tpu.memory_space<hbm>>
    tpu.wait_indirect_dma semaphore(%arg8 : memref<!tpu.dma_semaphore, #tpu.memory_space<semaphore_mem>>) src(%dma_wait3A_1651 : memref<100000x64xf32, #tpu.memory_space<hbm>>) dst(%dma_wait3A_1645 : memref<128x64xf32, #tpu.memory_space<vmem>>)
    %dma_wait3A_1652 = arith.constant 1 : i32
    %dma_wait3A_1653 = arith.constant 1 : i32
    %dma_wait3A_1654 = arith.constant 1 : i32
    %dma_wait3A_1655 = arith.constant 1 : i32
    %dma_wait3A_1656 = arith.constant 0 : i32
    %dma_wait3A_1657 = arith.constant 128 : i32
    %dma_wait3A_1658 = arith.constant 0 : i32
    %dma_wait3A_1659 = tpu.memref_slice %arg6[%dma_wait3A_1655, %dma_wait3A_1656, %dma_wait3A_1657, %dma_wait3A_1658] : memref<2x2x256x64xf32, #tpu.memory_space<vmem>> -> memref<1x1x128x64xf32, #tpu.memory_space<vmem>>
    %dma_wait3A_1660 = tpu.memref_squeeze %dma_wait3A_1659 : memref<1x1x128x64xf32, #tpu.memory_space<vmem>> -> memref<128x64xf32, #tpu.memory_space<vmem>>
    %dma_wait3A_1661 = arith.constant 0 : i32
    %dma_wait3A_1662 = tpu.memref_slice %arg5[%dma_wait3A_1652, %dma_wait3A_1653, %dma_wait3A_1654, %dma_wait3A_1661] : memref<2x9x2x128xi32, #tpu.memory_space<vmem>> -> memref<1x1x1x128xi32, #tpu.memory_space<vmem>>
    %dma_wait3A_1663 = tpu.memref_squeeze %dma_wait3A_1662 : memref<1x1x1x128xi32, #tpu.memory_space<vmem>> -> memref<128xi32, #tpu.memory_space<vmem>>
    %dma_wait3A_1664 = arith.constant 0 : i32
    %dma_wait3A_1665 = arith.constant 0 : i32
    %dma_wait3A_1666 = tpu.memref_slice %arg2[%dma_wait3A_1664, %dma_wait3A_1665] : memref<100000x64xf32, #tpu.memory_space<hbm>> -> memref<100000x64xf32, #tpu.memory_space<hbm>>
    tpu.wait_indirect_dma semaphore(%arg8 : memref<!tpu.dma_semaphore, #tpu.memory_space<semaphore_mem>>) src(%dma_wait3A_1666 : memref<100000x64xf32, #tpu.memory_space<hbm>>) dst(%dma_wait3A_1660 : memref<128x64xf32, #tpu.memory_space<vmem>>)
    %dma_wait3A_1667 = arith.constant 1 : i32
    %dma_wait3A_1668 = arith.constant 2 : i32
    %dma_wait3A_1669 = arith.constant 0 : i32
    %dma_wait3A_1670 = arith.constant 1 : i32
    %dma_wait3A_1671 = arith.constant 1 : i32
    %dma_wait3A_1672 = arith.constant 0 : i32
    %dma_wait3A_1673 = arith.constant 0 : i32
    %dma_wait3A_1674 = tpu.memref_slice %arg6[%dma_wait3A_1670, %dma_wait3A_1671, %dma_wait3A_1672, %dma_wait3A_1673] : memref<2x2x256x64xf32, #tpu.memory_space<vmem>> -> memref<1x1x128x64xf32, #tpu.memory_space<vmem>>
    %dma_wait3A_1675 = tpu.memref_squeeze %dma_wait3A_1674 : memref<1x1x128x64xf32, #tpu.memory_space<vmem>> -> memref<128x64xf32, #tpu.memory_space<vmem>>
    %dma_wait3A_1676 = arith.constant 0 : i32
    %dma_wait3A_1677 = tpu.memref_slice %arg5[%dma_wait3A_1667, %dma_wait3A_1668, %dma_wait3A_1669, %dma_wait3A_1676] : memref<2x9x2x128xi32, #tpu.memory_space<vmem>> -> memref<1x1x1x128xi32, #tpu.memory_space<vmem>>
    %dma_wait3A_1678 = tpu.memref_squeeze %dma_wait3A_1677 : memref<1x1x1x128xi32, #tpu.memory_space<vmem>> -> memref<128xi32, #tpu.memory_space<vmem>>
    %dma_wait3A_1679 = arith.constant 0 : i32
    %dma_wait3A_1680 = arith.constant 0 : i32
    %dma_wait3A_1681 = tpu.memref_slice %arg2[%dma_wait3A_1679, %dma_wait3A_1680] : memref<100000x64xf32, #tpu.memory_space<hbm>> -> memref<100000x64xf32, #tpu.memory_space<hbm>>
    tpu.wait_indirect_dma semaphore(%arg8 : memref<!tpu.dma_semaphore, #tpu.memory_space<semaphore_mem>>) src(%dma_wait3A_1681 : memref<100000x64xf32, #tpu.memory_space<hbm>>) dst(%dma_wait3A_1675 : memref<128x64xf32, #tpu.memory_space<vmem>>)
    %dma_wait3A_1682 = arith.constant 1 : i32
    %dma_wait3A_1683 = arith.constant 2 : i32
    %dma_wait3A_1684 = arith.constant 1 : i32
    %dma_wait3A_1685 = arith.constant 1 : i32
    %dma_wait3A_1686 = arith.constant 1 : i32
    %dma_wait3A_1687 = arith.constant 128 : i32
    %dma_wait3A_1688 = arith.constant 0 : i32
    %dma_wait3A_1689 = tpu.memref_slice %arg6[%dma_wait3A_1685, %dma_wait3A_1686, %dma_wait3A_1687, %dma_wait3A_1688] : memref<2x2x256x64xf32, #tpu.memory_space<vmem>> -> memref<1x1x128x64xf32, #tpu.memory_space<vmem>>
    %dma_wait3A_1690 = tpu.memref_squeeze %dma_wait3A_1689 : memref<1x1x128x64xf32, #tpu.memory_space<vmem>> -> memref<128x64xf32, #tpu.memory_space<vmem>>
    %dma_wait3A_1691 = arith.constant 0 : i32
    %dma_wait3A_1692 = tpu.memref_slice %arg5[%dma_wait3A_1682, %dma_wait3A_1683, %dma_wait3A_1684, %dma_wait3A_1691] : memref<2x9x2x128xi32, #tpu.memory_space<vmem>> -> memref<1x1x1x128xi32, #tpu.memory_space<vmem>>
    %dma_wait3A_1693 = tpu.memref_squeeze %dma_wait3A_1692 : memref<1x1x1x128xi32, #tpu.memory_space<vmem>> -> memref<128xi32, #tpu.memory_space<vmem>>
    %dma_wait3A_1694 = arith.constant 0 : i32
    %dma_wait3A_1695 = arith.constant 0 : i32
    %dma_wait3A_1696 = tpu.memref_slice %arg2[%dma_wait3A_1694, %dma_wait3A_1695] : memref<100000x64xf32, #tpu.memory_space<hbm>> -> memref<100000x64xf32, #tpu.memory_space<hbm>>
    tpu.wait_indirect_dma semaphore(%arg8 : memref<!tpu.dma_semaphore, #tpu.memory_space<semaphore_mem>>) src(%dma_wait3A_1696 : memref<100000x64xf32, #tpu.memory_space<hbm>>) dst(%dma_wait3A_1690 : memref<128x64xf32, #tpu.memory_space<vmem>>)
    %dma_start3A_1697 = arith.constant 1 : i32
    %dma_start3A_1698 = arith.constant 0 : i32
    %dma_start3A_1699 = arith.constant 5 : i32
    %dma_start3A_1700 = arith.constant 0 : i32
    %dma_start3A_1701 = arith.constant 0 : i32
    %dma_start3A_1702 = tpu.memref_slice %arg6[%dma_start3A_1697, %dma_start3A_1698, %dma_start3A_1700, %dma_start3A_1701] : memref<2x2x256x64xf32, #tpu.memory_space<vmem>> -> memref<1x1x256x64xf32, #tpu.memory_space<vmem>>
    %dma_start3A_1703 = tpu.memref_squeeze %dma_start3A_1702 : memref<1x1x256x64xf32, #tpu.memory_space<vmem>> -> memref<256x64xf32, #tpu.memory_space<vmem>>
    %dma_start3A_1704 = arith.constant 0 : i32
    %dma_start3A_1705 = tpu.memref_slice %arg4[%dma_start3A_1699, %mul3A_2, %dma_start3A_1704] : memref<9x8192x128xf32, #tpu.memory_space<hbm>> -> memref<1x256x64xf32, #tpu.memory_space<hbm>>
    %dma_start3A_1706 = tpu.memref_squeeze %dma_start3A_1705 : memref<1x256x64xf32, #tpu.memory_space<hbm>> -> memref<256x64xf32, #tpu.memory_space<hbm>>
    %dma_start3A_1707 = arith.constant 0 : i32
    %dma_start3A_1708 = tpu.memref_slice %arg4[%dma_start3A_1699, %mul3A_2, %dma_start3A_1707] : memref<9x8192x128xf32, #tpu.memory_space<hbm>> -> memref<1x256x64xf32, #tpu.memory_space<hbm>>
    %dma_start3A_1709 = tpu.memref_squeeze %dma_start3A_1708 : memref<1x256x64xf32, #tpu.memory_space<hbm>> -> memref<256x64xf32, #tpu.memory_space<hbm>>
    %dma_start3A_1710 = arith.constant 0 : i32
    %dma_start3A_1711 = arith.constant 0 : i32
    %dma_start3A_1712 = tpu.memref_slice %arg6[%dma_start3A_1697, %dma_start3A_1698, %dma_start3A_1710, %dma_start3A_1711] : memref<2x2x256x64xf32, #tpu.memory_space<vmem>> -> memref<1x1x256x64xf32, #tpu.memory_space<vmem>>
    %dma_start3A_1713 = tpu.memref_squeeze %dma_start3A_1712 : memref<1x1x256x64xf32, #tpu.memory_space<vmem>> -> memref<256x64xf32, #tpu.memory_space<vmem>>
    tpu.enqueue_dma source(%dma_start3A_1713 : memref<256x64xf32, #tpu.memory_space<vmem>>) target(%dma_start3A_1709 : memref<256x64xf32, #tpu.memory_space<hbm>>) target_semaphore(%arg10 : memref<!tpu.dma_semaphore, #tpu.memory_space<semaphore_mem>>)
    %dma_start3A_1714 = arith.constant 1 : i32
    %dma_start3A_1715 = arith.constant 1 : i32
    %dma_start3A_1716 = arith.constant 5 : i32
    %dma_start3A_1717 = arith.constant 0 : i32
    %dma_start3A_1718 = arith.constant 0 : i32
    %dma_start3A_1719 = tpu.memref_slice %arg6[%dma_start3A_1714, %dma_start3A_1715, %dma_start3A_1717, %dma_start3A_1718] : memref<2x2x256x64xf32, #tpu.memory_space<vmem>> -> memref<1x1x256x64xf32, #tpu.memory_space<vmem>>
    %dma_start3A_1720 = tpu.memref_squeeze %dma_start3A_1719 : memref<1x1x256x64xf32, #tpu.memory_space<vmem>> -> memref<256x64xf32, #tpu.memory_space<vmem>>
    %dma_start3A_1721 = arith.constant 64 : i32
    %dma_start3A_1722 = tpu.memref_slice %arg4[%dma_start3A_1716, %mul3A_2, %dma_start3A_1721] : memref<9x8192x128xf32, #tpu.memory_space<hbm>> -> memref<1x256x64xf32, #tpu.memory_space<hbm>>
    %dma_start3A_1723 = tpu.memref_squeeze %dma_start3A_1722 : memref<1x256x64xf32, #tpu.memory_space<hbm>> -> memref<256x64xf32, #tpu.memory_space<hbm>>
    %dma_start3A_1724 = arith.constant 64 : i32
    %dma_start3A_1725 = tpu.memref_slice %arg4[%dma_start3A_1716, %mul3A_2, %dma_start3A_1724] : memref<9x8192x128xf32, #tpu.memory_space<hbm>> -> memref<1x256x64xf32, #tpu.memory_space<hbm>>
    %dma_start3A_1726 = tpu.memref_squeeze %dma_start3A_1725 : memref<1x256x64xf32, #tpu.memory_space<hbm>> -> memref<256x64xf32, #tpu.memory_space<hbm>>
    %dma_start3A_1727 = arith.constant 0 : i32
    %dma_start3A_1728 = arith.constant 0 : i32
    %dma_start3A_1729 = tpu.memref_slice %arg6[%dma_start3A_1714, %dma_start3A_1715, %dma_start3A_1727, %dma_start3A_1728] : memref<2x2x256x64xf32, #tpu.memory_space<vmem>> -> memref<1x1x256x64xf32, #tpu.memory_space<vmem>>
    %dma_start3A_1730 = tpu.memref_squeeze %dma_start3A_1729 : memref<1x1x256x64xf32, #tpu.memory_space<vmem>> -> memref<256x64xf32, #tpu.memory_space<vmem>>
    tpu.enqueue_dma source(%dma_start3A_1730 : memref<256x64xf32, #tpu.memory_space<vmem>>) target(%dma_start3A_1726 : memref<256x64xf32, #tpu.memory_space<hbm>>) target_semaphore(%arg10 : memref<!tpu.dma_semaphore, #tpu.memory_space<semaphore_mem>>)
    %dma_wait3A_1731 = arith.constant 1 : i32
    %dma_wait3A_1732 = arith.constant 0 : i32
    %dma_wait3A_1733 = arith.constant 5 : i32
    %dma_wait3A_1734 = arith.constant 0 : i32
    %dma_wait3A_1735 = arith.constant 0 : i32
    %dma_wait3A_1736 = tpu.memref_slice %arg6[%dma_wait3A_1731, %dma_wait3A_1732, %dma_wait3A_1734, %dma_wait3A_1735] : memref<2x2x256x64xf32, #tpu.memory_space<vmem>> -> memref<1x1x256x64xf32, #tpu.memory_space<vmem>>
    %dma_wait3A_1737 = tpu.memref_squeeze %dma_wait3A_1736 : memref<1x1x256x64xf32, #tpu.memory_space<vmem>> -> memref<256x64xf32, #tpu.memory_space<vmem>>
    %dma_wait3A_1738 = arith.constant 0 : i32
    %dma_wait3A_1739 = tpu.memref_slice %arg4[%dma_wait3A_1733, %mul3A_2, %dma_wait3A_1738] : memref<9x8192x128xf32, #tpu.memory_space<hbm>> -> memref<1x256x64xf32, #tpu.memory_space<hbm>>
    %dma_wait3A_1740 = tpu.memref_squeeze %dma_wait3A_1739 : memref<1x256x64xf32, #tpu.memory_space<hbm>> -> memref<256x64xf32, #tpu.memory_space<hbm>>
    %dma_wait3A_1741 = arith.constant 0 : i32
    %dma_wait3A_1742 = tpu.memref_slice %arg4[%dma_wait3A_1733, %mul3A_2, %dma_wait3A_1741] : memref<9x8192x128xf32, #tpu.memory_space<hbm>> -> memref<1x256x64xf32, #tpu.memory_space<hbm>>
    %dma_wait3A_1743 = tpu.memref_squeeze %dma_wait3A_1742 : memref<1x256x64xf32, #tpu.memory_space<hbm>> -> memref<256x64xf32, #tpu.memory_space<hbm>>
    %dma_wait3A_1744 = arith.constant 0 : i32
    %dma_wait3A_1745 = arith.constant 0 : i32
    %dma_wait3A_1746 = tpu.memref_slice %arg6[%dma_wait3A_1731, %dma_wait3A_1732, %dma_wait3A_1744, %dma_wait3A_1745] : memref<2x2x256x64xf32, #tpu.memory_space<vmem>> -> memref<1x1x256x64xf32, #tpu.memory_space<vmem>>
    %dma_wait3A_1747 = tpu.memref_squeeze %dma_wait3A_1746 : memref<1x1x256x64xf32, #tpu.memory_space<vmem>> -> memref<256x64xf32, #tpu.memory_space<vmem>>
    tpu.wait_dma2 semaphore(%arg10 : memref<!tpu.dma_semaphore, #tpu.memory_space<semaphore_mem>>) src(%dma_wait3A_1747 : memref<256x64xf32, #tpu.memory_space<vmem>>) dst(%dma_wait3A_1743 : memref<256x64xf32, #tpu.memory_space<hbm>>)
    %dma_wait3A_1748 = arith.constant 1 : i32
    %dma_wait3A_1749 = arith.constant 1 : i32
    %dma_wait3A_1750 = arith.constant 5 : i32
    %dma_wait3A_1751 = arith.constant 0 : i32
    %dma_wait3A_1752 = arith.constant 0 : i32
    %dma_wait3A_1753 = tpu.memref_slice %arg6[%dma_wait3A_1748, %dma_wait3A_1749, %dma_wait3A_1751, %dma_wait3A_1752] : memref<2x2x256x64xf32, #tpu.memory_space<vmem>> -> memref<1x1x256x64xf32, #tpu.memory_space<vmem>>
    %dma_wait3A_1754 = tpu.memref_squeeze %dma_wait3A_1753 : memref<1x1x256x64xf32, #tpu.memory_space<vmem>> -> memref<256x64xf32, #tpu.memory_space<vmem>>
    %dma_wait3A_1755 = arith.constant 64 : i32
    %dma_wait3A_1756 = tpu.memref_slice %arg4[%dma_wait3A_1750, %mul3A_2, %dma_wait3A_1755] : memref<9x8192x128xf32, #tpu.memory_space<hbm>> -> memref<1x256x64xf32, #tpu.memory_space<hbm>>
    %dma_wait3A_1757 = tpu.memref_squeeze %dma_wait3A_1756 : memref<1x256x64xf32, #tpu.memory_space<hbm>> -> memref<256x64xf32, #tpu.memory_space<hbm>>
    %dma_wait3A_1758 = arith.constant 64 : i32
    %dma_wait3A_1759 = tpu.memref_slice %arg4[%dma_wait3A_1750, %mul3A_2, %dma_wait3A_1758] : memref<9x8192x128xf32, #tpu.memory_space<hbm>> -> memref<1x256x64xf32, #tpu.memory_space<hbm>>
    %dma_wait3A_1760 = tpu.memref_squeeze %dma_wait3A_1759 : memref<1x256x64xf32, #tpu.memory_space<hbm>> -> memref<256x64xf32, #tpu.memory_space<hbm>>
    %dma_wait3A_1761 = arith.constant 0 : i32
    %dma_wait3A_1762 = arith.constant 0 : i32
    %dma_wait3A_1763 = tpu.memref_slice %arg6[%dma_wait3A_1748, %dma_wait3A_1749, %dma_wait3A_1761, %dma_wait3A_1762] : memref<2x2x256x64xf32, #tpu.memory_space<vmem>> -> memref<1x1x256x64xf32, #tpu.memory_space<vmem>>
    %dma_wait3A_1764 = tpu.memref_squeeze %dma_wait3A_1763 : memref<1x1x256x64xf32, #tpu.memory_space<vmem>> -> memref<256x64xf32, #tpu.memory_space<vmem>>
    tpu.wait_dma2 semaphore(%arg10 : memref<!tpu.dma_semaphore, #tpu.memory_space<semaphore_mem>>) src(%dma_wait3A_1764 : memref<256x64xf32, #tpu.memory_space<vmem>>) dst(%dma_wait3A_1760 : memref<256x64xf32, #tpu.memory_space<hbm>>)
    %dma_start3A_1765 = arith.constant 1 : i32
    %dma_start3A_1766 = arith.constant 5 : i32
    %dma_start3A_1767 = arith.constant 0 : i32
    %dma_start3A_1768 = arith.constant 1 : i32
    %dma_start3A_1769 = arith.constant 0 : i32
    %dma_start3A_1770 = arith.constant 0 : i32
    %dma_start3A_1771 = arith.constant 0 : i32
    %dma_start3A_1772 = tpu.memref_slice %arg6[%dma_start3A_1768, %dma_start3A_1769, %dma_start3A_1770, %dma_start3A_1771] : memref<2x2x256x64xf32, #tpu.memory_space<vmem>> -> memref<1x1x128x64xf32, #tpu.memory_space<vmem>>
    %dma_start3A_1773 = tpu.memref_squeeze %dma_start3A_1772 : memref<1x1x128x64xf32, #tpu.memory_space<vmem>> -> memref<128x64xf32, #tpu.memory_space<vmem>>
    %dma_start3A_1774 = arith.constant 0 : i32
    %dma_start3A_1775 = tpu.memref_slice %arg5[%dma_start3A_1765, %dma_start3A_1766, %dma_start3A_1767, %dma_start3A_1774] : memref<2x9x2x128xi32, #tpu.memory_space<vmem>> -> memref<1x1x1x128xi32, #tpu.memory_space<vmem>>
    %dma_start3A_1776 = tpu.memref_squeeze %dma_start3A_1775 : memref<1x1x1x128xi32, #tpu.memory_space<vmem>> -> memref<128xi32, #tpu.memory_space<vmem>>
    %dma_start3A_1777 = arith.constant 0 : i32
    %dma_start3A_1778 = arith.constant 0 : i32
    %dma_start3A_1779 = tpu.memref_slice %arg2[%dma_start3A_1777, %dma_start3A_1778] : memref<100000x64xf32, #tpu.memory_space<hbm>> -> memref<100000x64xf32, #tpu.memory_space<hbm>>
    tpu.enqueue_indirect_dma source(%dma_start3A_1779 : memref<100000x64xf32, #tpu.memory_space<hbm>>) target(%dma_start3A_1773 : memref<128x64xf32, #tpu.memory_space<vmem>>) offsets(%dma_start3A_1776 : memref<128xi32, #tpu.memory_space<vmem>>) semaphore(%arg8 : memref<!tpu.dma_semaphore, #tpu.memory_space<semaphore_mem>>)
    %dma_start3A_1780 = arith.constant 1 : i32
    %dma_start3A_1781 = arith.constant 5 : i32
    %dma_start3A_1782 = arith.constant 1 : i32
    %dma_start3A_1783 = arith.constant 1 : i32
    %dma_start3A_1784 = arith.constant 0 : i32
    %dma_start3A_1785 = arith.constant 128 : i32
    %dma_start3A_1786 = arith.constant 0 : i32
    %dma_start3A_1787 = tpu.memref_slice %arg6[%dma_start3A_1783, %dma_start3A_1784, %dma_start3A_1785, %dma_start3A_1786] : memref<2x2x256x64xf32, #tpu.memory_space<vmem>> -> memref<1x1x128x64xf32, #tpu.memory_space<vmem>>
    %dma_start3A_1788 = tpu.memref_squeeze %dma_start3A_1787 : memref<1x1x128x64xf32, #tpu.memory_space<vmem>> -> memref<128x64xf32, #tpu.memory_space<vmem>>
    %dma_start3A_1789 = arith.constant 0 : i32
    %dma_start3A_1790 = tpu.memref_slice %arg5[%dma_start3A_1780, %dma_start3A_1781, %dma_start3A_1782, %dma_start3A_1789] : memref<2x9x2x128xi32, #tpu.memory_space<vmem>> -> memref<1x1x1x128xi32, #tpu.memory_space<vmem>>
    %dma_start3A_1791 = tpu.memref_squeeze %dma_start3A_1790 : memref<1x1x1x128xi32, #tpu.memory_space<vmem>> -> memref<128xi32, #tpu.memory_space<vmem>>
    %dma_start3A_1792 = arith.constant 0 : i32
    %dma_start3A_1793 = arith.constant 0 : i32
    %dma_start3A_1794 = tpu.memref_slice %arg2[%dma_start3A_1792, %dma_start3A_1793] : memref<100000x64xf32, #tpu.memory_space<hbm>> -> memref<100000x64xf32, #tpu.memory_space<hbm>>
    tpu.enqueue_indirect_dma source(%dma_start3A_1794 : memref<100000x64xf32, #tpu.memory_space<hbm>>) target(%dma_start3A_1788 : memref<128x64xf32, #tpu.memory_space<vmem>>) offsets(%dma_start3A_1791 : memref<128xi32, #tpu.memory_space<vmem>>) semaphore(%arg8 : memref<!tpu.dma_semaphore, #tpu.memory_space<semaphore_mem>>)
    %dma_start3A_1795 = arith.constant 1 : i32
    %dma_start3A_1796 = arith.constant 6 : i32
    %dma_start3A_1797 = arith.constant 0 : i32
    %dma_start3A_1798 = arith.constant 1 : i32
    %dma_start3A_1799 = arith.constant 1 : i32
    %dma_start3A_1800 = arith.constant 0 : i32
    %dma_start3A_1801 = arith.constant 0 : i32
    %dma_start3A_1802 = tpu.memref_slice %arg6[%dma_start3A_1798, %dma_start3A_1799, %dma_start3A_1800, %dma_start3A_1801] : memref<2x2x256x64xf32, #tpu.memory_space<vmem>> -> memref<1x1x128x64xf32, #tpu.memory_space<vmem>>
    %dma_start3A_1803 = tpu.memref_squeeze %dma_start3A_1802 : memref<1x1x128x64xf32, #tpu.memory_space<vmem>> -> memref<128x64xf32, #tpu.memory_space<vmem>>
    %dma_start3A_1804 = arith.constant 0 : i32
    %dma_start3A_1805 = tpu.memref_slice %arg5[%dma_start3A_1795, %dma_start3A_1796, %dma_start3A_1797, %dma_start3A_1804] : memref<2x9x2x128xi32, #tpu.memory_space<vmem>> -> memref<1x1x1x128xi32, #tpu.memory_space<vmem>>
    %dma_start3A_1806 = tpu.memref_squeeze %dma_start3A_1805 : memref<1x1x1x128xi32, #tpu.memory_space<vmem>> -> memref<128xi32, #tpu.memory_space<vmem>>
    %dma_start3A_1807 = arith.constant 0 : i32
    %dma_start3A_1808 = arith.constant 0 : i32
    %dma_start3A_1809 = tpu.memref_slice %arg2[%dma_start3A_1807, %dma_start3A_1808] : memref<100000x64xf32, #tpu.memory_space<hbm>> -> memref<100000x64xf32, #tpu.memory_space<hbm>>
    tpu.enqueue_indirect_dma source(%dma_start3A_1809 : memref<100000x64xf32, #tpu.memory_space<hbm>>) target(%dma_start3A_1803 : memref<128x64xf32, #tpu.memory_space<vmem>>) offsets(%dma_start3A_1806 : memref<128xi32, #tpu.memory_space<vmem>>) semaphore(%arg8 : memref<!tpu.dma_semaphore, #tpu.memory_space<semaphore_mem>>)
    %dma_start3A_1810 = arith.constant 1 : i32
    %dma_start3A_1811 = arith.constant 6 : i32
    %dma_start3A_1812 = arith.constant 1 : i32
    %dma_start3A_1813 = arith.constant 1 : i32
    %dma_start3A_1814 = arith.constant 1 : i32
    %dma_start3A_1815 = arith.constant 128 : i32
    %dma_start3A_1816 = arith.constant 0 : i32
    %dma_start3A_1817 = tpu.memref_slice %arg6[%dma_start3A_1813, %dma_start3A_1814, %dma_start3A_1815, %dma_start3A_1816] : memref<2x2x256x64xf32, #tpu.memory_space<vmem>> -> memref<1x1x128x64xf32, #tpu.memory_space<vmem>>
    %dma_start3A_1818 = tpu.memref_squeeze %dma_start3A_1817 : memref<1x1x128x64xf32, #tpu.memory_space<vmem>> -> memref<128x64xf32, #tpu.memory_space<vmem>>
    %dma_start3A_1819 = arith.constant 0 : i32
    %dma_start3A_1820 = tpu.memref_slice %arg5[%dma_start3A_1810, %dma_start3A_1811, %dma_start3A_1812, %dma_start3A_1819] : memref<2x9x2x128xi32, #tpu.memory_space<vmem>> -> memref<1x1x1x128xi32, #tpu.memory_space<vmem>>
    %dma_start3A_1821 = tpu.memref_squeeze %dma_start3A_1820 : memref<1x1x1x128xi32, #tpu.memory_space<vmem>> -> memref<128xi32, #tpu.memory_space<vmem>>
    %dma_start3A_1822 = arith.constant 0 : i32
    %dma_start3A_1823 = arith.constant 0 : i32
    %dma_start3A_1824 = tpu.memref_slice %arg2[%dma_start3A_1822, %dma_start3A_1823] : memref<100000x64xf32, #tpu.memory_space<hbm>> -> memref<100000x64xf32, #tpu.memory_space<hbm>>
    tpu.enqueue_indirect_dma source(%dma_start3A_1824 : memref<100000x64xf32, #tpu.memory_space<hbm>>) target(%dma_start3A_1818 : memref<128x64xf32, #tpu.memory_space<vmem>>) offsets(%dma_start3A_1821 : memref<128xi32, #tpu.memory_space<vmem>>) semaphore(%arg8 : memref<!tpu.dma_semaphore, #tpu.memory_space<semaphore_mem>>)
    %dma_wait3A_1825 = arith.constant 1 : i32
    %dma_wait3A_1826 = arith.constant 3 : i32
    %dma_wait3A_1827 = arith.constant 0 : i32
    %dma_wait3A_1828 = arith.constant 0 : i32
    %dma_wait3A_1829 = arith.constant 0 : i32
    %dma_wait3A_1830 = arith.constant 0 : i32
    %dma_wait3A_1831 = arith.constant 0 : i32
    %dma_wait3A_1832 = tpu.memref_slice %arg6[%dma_wait3A_1828, %dma_wait3A_1829, %dma_wait3A_1830, %dma_wait3A_1831] : memref<2x2x256x64xf32, #tpu.memory_space<vmem>> -> memref<1x1x128x64xf32, #tpu.memory_space<vmem>>
    %dma_wait3A_1833 = tpu.memref_squeeze %dma_wait3A_1832 : memref<1x1x128x64xf32, #tpu.memory_space<vmem>> -> memref<128x64xf32, #tpu.memory_space<vmem>>
    %dma_wait3A_1834 = arith.constant 0 : i32
    %dma_wait3A_1835 = tpu.memref_slice %arg5[%dma_wait3A_1825, %dma_wait3A_1826, %dma_wait3A_1827, %dma_wait3A_1834] : memref<2x9x2x128xi32, #tpu.memory_space<vmem>> -> memref<1x1x1x128xi32, #tpu.memory_space<vmem>>
    %dma_wait3A_1836 = tpu.memref_squeeze %dma_wait3A_1835 : memref<1x1x1x128xi32, #tpu.memory_space<vmem>> -> memref<128xi32, #tpu.memory_space<vmem>>
    %dma_wait3A_1837 = arith.constant 0 : i32
    %dma_wait3A_1838 = arith.constant 0 : i32
    %dma_wait3A_1839 = tpu.memref_slice %arg2[%dma_wait3A_1837, %dma_wait3A_1838] : memref<100000x64xf32, #tpu.memory_space<hbm>> -> memref<100000x64xf32, #tpu.memory_space<hbm>>
    tpu.wait_indirect_dma semaphore(%arg7 : memref<!tpu.dma_semaphore, #tpu.memory_space<semaphore_mem>>) src(%dma_wait3A_1839 : memref<100000x64xf32, #tpu.memory_space<hbm>>) dst(%dma_wait3A_1833 : memref<128x64xf32, #tpu.memory_space<vmem>>)
    %dma_wait3A_1840 = arith.constant 1 : i32
    %dma_wait3A_1841 = arith.constant 3 : i32
    %dma_wait3A_1842 = arith.constant 1 : i32
    %dma_wait3A_1843 = arith.constant 0 : i32
    %dma_wait3A_1844 = arith.constant 0 : i32
    %dma_wait3A_1845 = arith.constant 128 : i32
    %dma_wait3A_1846 = arith.constant 0 : i32
    %dma_wait3A_1847 = tpu.memref_slice %arg6[%dma_wait3A_1843, %dma_wait3A_1844, %dma_wait3A_1845, %dma_wait3A_1846] : memref<2x2x256x64xf32, #tpu.memory_space<vmem>> -> memref<1x1x128x64xf32, #tpu.memory_space<vmem>>
    %dma_wait3A_1848 = tpu.memref_squeeze %dma_wait3A_1847 : memref<1x1x128x64xf32, #tpu.memory_space<vmem>> -> memref<128x64xf32, #tpu.memory_space<vmem>>
    %dma_wait3A_1849 = arith.constant 0 : i32
    %dma_wait3A_1850 = tpu.memref_slice %arg5[%dma_wait3A_1840, %dma_wait3A_1841, %dma_wait3A_1842, %dma_wait3A_1849] : memref<2x9x2x128xi32, #tpu.memory_space<vmem>> -> memref<1x1x1x128xi32, #tpu.memory_space<vmem>>
    %dma_wait3A_1851 = tpu.memref_squeeze %dma_wait3A_1850 : memref<1x1x1x128xi32, #tpu.memory_space<vmem>> -> memref<128xi32, #tpu.memory_space<vmem>>
    %dma_wait3A_1852 = arith.constant 0 : i32
    %dma_wait3A_1853 = arith.constant 0 : i32
    %dma_wait3A_1854 = tpu.memref_slice %arg2[%dma_wait3A_1852, %dma_wait3A_1853] : memref<100000x64xf32, #tpu.memory_space<hbm>> -> memref<100000x64xf32, #tpu.memory_space<hbm>>
    tpu.wait_indirect_dma semaphore(%arg7 : memref<!tpu.dma_semaphore, #tpu.memory_space<semaphore_mem>>) src(%dma_wait3A_1854 : memref<100000x64xf32, #tpu.memory_space<hbm>>) dst(%dma_wait3A_1848 : memref<128x64xf32, #tpu.memory_space<vmem>>)
    %dma_wait3A_1855 = arith.constant 1 : i32
    %dma_wait3A_1856 = arith.constant 4 : i32
    %dma_wait3A_1857 = arith.constant 0 : i32
    %dma_wait3A_1858 = arith.constant 0 : i32
    %dma_wait3A_1859 = arith.constant 1 : i32
    %dma_wait3A_1860 = arith.constant 0 : i32
    %dma_wait3A_1861 = arith.constant 0 : i32
    %dma_wait3A_1862 = tpu.memref_slice %arg6[%dma_wait3A_1858, %dma_wait3A_1859, %dma_wait3A_1860, %dma_wait3A_1861] : memref<2x2x256x64xf32, #tpu.memory_space<vmem>> -> memref<1x1x128x64xf32, #tpu.memory_space<vmem>>
    %dma_wait3A_1863 = tpu.memref_squeeze %dma_wait3A_1862 : memref<1x1x128x64xf32, #tpu.memory_space<vmem>> -> memref<128x64xf32, #tpu.memory_space<vmem>>
    %dma_wait3A_1864 = arith.constant 0 : i32
    %dma_wait3A_1865 = tpu.memref_slice %arg5[%dma_wait3A_1855, %dma_wait3A_1856, %dma_wait3A_1857, %dma_wait3A_1864] : memref<2x9x2x128xi32, #tpu.memory_space<vmem>> -> memref<1x1x1x128xi32, #tpu.memory_space<vmem>>
    %dma_wait3A_1866 = tpu.memref_squeeze %dma_wait3A_1865 : memref<1x1x1x128xi32, #tpu.memory_space<vmem>> -> memref<128xi32, #tpu.memory_space<vmem>>
    %dma_wait3A_1867 = arith.constant 0 : i32
    %dma_wait3A_1868 = arith.constant 0 : i32
    %dma_wait3A_1869 = tpu.memref_slice %arg2[%dma_wait3A_1867, %dma_wait3A_1868] : memref<100000x64xf32, #tpu.memory_space<hbm>> -> memref<100000x64xf32, #tpu.memory_space<hbm>>
    tpu.wait_indirect_dma semaphore(%arg7 : memref<!tpu.dma_semaphore, #tpu.memory_space<semaphore_mem>>) src(%dma_wait3A_1869 : memref<100000x64xf32, #tpu.memory_space<hbm>>) dst(%dma_wait3A_1863 : memref<128x64xf32, #tpu.memory_space<vmem>>)
    %dma_wait3A_1870 = arith.constant 1 : i32
    %dma_wait3A_1871 = arith.constant 4 : i32
    %dma_wait3A_1872 = arith.constant 1 : i32
    %dma_wait3A_1873 = arith.constant 0 : i32
    %dma_wait3A_1874 = arith.constant 1 : i32
    %dma_wait3A_1875 = arith.constant 128 : i32
    %dma_wait3A_1876 = arith.constant 0 : i32
    %dma_wait3A_1877 = tpu.memref_slice %arg6[%dma_wait3A_1873, %dma_wait3A_1874, %dma_wait3A_1875, %dma_wait3A_1876] : memref<2x2x256x64xf32, #tpu.memory_space<vmem>> -> memref<1x1x128x64xf32, #tpu.memory_space<vmem>>
    %dma_wait3A_1878 = tpu.memref_squeeze %dma_wait3A_1877 : memref<1x1x128x64xf32, #tpu.memory_space<vmem>> -> memref<128x64xf32, #tpu.memory_space<vmem>>
    %dma_wait3A_1879 = arith.constant 0 : i32
    %dma_wait3A_1880 = tpu.memref_slice %arg5[%dma_wait3A_1870, %dma_wait3A_1871, %dma_wait3A_1872, %dma_wait3A_1879] : memref<2x9x2x128xi32, #tpu.memory_space<vmem>> -> memref<1x1x1x128xi32, #tpu.memory_space<vmem>>
    %dma_wait3A_1881 = tpu.memref_squeeze %dma_wait3A_1880 : memref<1x1x1x128xi32, #tpu.memory_space<vmem>> -> memref<128xi32, #tpu.memory_space<vmem>>
    %dma_wait3A_1882 = arith.constant 0 : i32
    %dma_wait3A_1883 = arith.constant 0 : i32
    %dma_wait3A_1884 = tpu.memref_slice %arg2[%dma_wait3A_1882, %dma_wait3A_1883] : memref<100000x64xf32, #tpu.memory_space<hbm>> -> memref<100000x64xf32, #tpu.memory_space<hbm>>
    tpu.wait_indirect_dma semaphore(%arg7 : memref<!tpu.dma_semaphore, #tpu.memory_space<semaphore_mem>>) src(%dma_wait3A_1884 : memref<100000x64xf32, #tpu.memory_space<hbm>>) dst(%dma_wait3A_1878 : memref<128x64xf32, #tpu.memory_space<vmem>>)
    %dma_start3A_1885 = arith.constant 0 : i32
    %dma_start3A_1886 = arith.constant 0 : i32
    %dma_start3A_1887 = arith.constant 6 : i32
    %dma_start3A_1888 = arith.constant 0 : i32
    %dma_start3A_1889 = arith.constant 0 : i32
    %dma_start3A_1890 = tpu.memref_slice %arg6[%dma_start3A_1885, %dma_start3A_1886, %dma_start3A_1888, %dma_start3A_1889] : memref<2x2x256x64xf32, #tpu.memory_space<vmem>> -> memref<1x1x256x64xf32, #tpu.memory_space<vmem>>
    %dma_start3A_1891 = tpu.memref_squeeze %dma_start3A_1890 : memref<1x1x256x64xf32, #tpu.memory_space<vmem>> -> memref<256x64xf32, #tpu.memory_space<vmem>>
    %dma_start3A_1892 = arith.constant 0 : i32
    %dma_start3A_1893 = tpu.memref_slice %arg4[%dma_start3A_1887, %mul3A_2, %dma_start3A_1892] : memref<9x8192x128xf32, #tpu.memory_space<hbm>> -> memref<1x256x64xf32, #tpu.memory_space<hbm>>
    %dma_start3A_1894 = tpu.memref_squeeze %dma_start3A_1893 : memref<1x256x64xf32, #tpu.memory_space<hbm>> -> memref<256x64xf32, #tpu.memory_space<hbm>>
    %dma_start3A_1895 = arith.constant 0 : i32
    %dma_start3A_1896 = tpu.memref_slice %arg4[%dma_start3A_1887, %mul3A_2, %dma_start3A_1895] : memref<9x8192x128xf32, #tpu.memory_space<hbm>> -> memref<1x256x64xf32, #tpu.memory_space<hbm>>
    %dma_start3A_1897 = tpu.memref_squeeze %dma_start3A_1896 : memref<1x256x64xf32, #tpu.memory_space<hbm>> -> memref<256x64xf32, #tpu.memory_space<hbm>>
    %dma_start3A_1898 = arith.constant 0 : i32
    %dma_start3A_1899 = arith.constant 0 : i32
    %dma_start3A_1900 = tpu.memref_slice %arg6[%dma_start3A_1885, %dma_start3A_1886, %dma_start3A_1898, %dma_start3A_1899] : memref<2x2x256x64xf32, #tpu.memory_space<vmem>> -> memref<1x1x256x64xf32, #tpu.memory_space<vmem>>
    %dma_start3A_1901 = tpu.memref_squeeze %dma_start3A_1900 : memref<1x1x256x64xf32, #tpu.memory_space<vmem>> -> memref<256x64xf32, #tpu.memory_space<vmem>>
    tpu.enqueue_dma source(%dma_start3A_1901 : memref<256x64xf32, #tpu.memory_space<vmem>>) target(%dma_start3A_1897 : memref<256x64xf32, #tpu.memory_space<hbm>>) target_semaphore(%arg9 : memref<!tpu.dma_semaphore, #tpu.memory_space<semaphore_mem>>)
    %dma_start3A_1902 = arith.constant 0 : i32
    %dma_start3A_1903 = arith.constant 1 : i32
    %dma_start3A_1904 = arith.constant 6 : i32
    %dma_start3A_1905 = arith.constant 0 : i32
    %dma_start3A_1906 = arith.constant 0 : i32
    %dma_start3A_1907 = tpu.memref_slice %arg6[%dma_start3A_1902, %dma_start3A_1903, %dma_start3A_1905, %dma_start3A_1906] : memref<2x2x256x64xf32, #tpu.memory_space<vmem>> -> memref<1x1x256x64xf32, #tpu.memory_space<vmem>>
    %dma_start3A_1908 = tpu.memref_squeeze %dma_start3A_1907 : memref<1x1x256x64xf32, #tpu.memory_space<vmem>> -> memref<256x64xf32, #tpu.memory_space<vmem>>
    %dma_start3A_1909 = arith.constant 64 : i32
    %dma_start3A_1910 = tpu.memref_slice %arg4[%dma_start3A_1904, %mul3A_2, %dma_start3A_1909] : memref<9x8192x128xf32, #tpu.memory_space<hbm>> -> memref<1x256x64xf32, #tpu.memory_space<hbm>>
    %dma_start3A_1911 = tpu.memref_squeeze %dma_start3A_1910 : memref<1x256x64xf32, #tpu.memory_space<hbm>> -> memref<256x64xf32, #tpu.memory_space<hbm>>
    %dma_start3A_1912 = arith.constant 64 : i32
    %dma_start3A_1913 = tpu.memref_slice %arg4[%dma_start3A_1904, %mul3A_2, %dma_start3A_1912] : memref<9x8192x128xf32, #tpu.memory_space<hbm>> -> memref<1x256x64xf32, #tpu.memory_space<hbm>>
    %dma_start3A_1914 = tpu.memref_squeeze %dma_start3A_1913 : memref<1x256x64xf32, #tpu.memory_space<hbm>> -> memref<256x64xf32, #tpu.memory_space<hbm>>
    %dma_start3A_1915 = arith.constant 0 : i32
    %dma_start3A_1916 = arith.constant 0 : i32
    %dma_start3A_1917 = tpu.memref_slice %arg6[%dma_start3A_1902, %dma_start3A_1903, %dma_start3A_1915, %dma_start3A_1916] : memref<2x2x256x64xf32, #tpu.memory_space<vmem>> -> memref<1x1x256x64xf32, #tpu.memory_space<vmem>>
    %dma_start3A_1918 = tpu.memref_squeeze %dma_start3A_1917 : memref<1x1x256x64xf32, #tpu.memory_space<vmem>> -> memref<256x64xf32, #tpu.memory_space<vmem>>
    tpu.enqueue_dma source(%dma_start3A_1918 : memref<256x64xf32, #tpu.memory_space<vmem>>) target(%dma_start3A_1914 : memref<256x64xf32, #tpu.memory_space<hbm>>) target_semaphore(%arg9 : memref<!tpu.dma_semaphore, #tpu.memory_space<semaphore_mem>>)
    %dma_wait3A_1919 = arith.constant 0 : i32
    %dma_wait3A_1920 = arith.constant 0 : i32
    %dma_wait3A_1921 = arith.constant 6 : i32
    %dma_wait3A_1922 = arith.constant 0 : i32
    %dma_wait3A_1923 = arith.constant 0 : i32
    %dma_wait3A_1924 = tpu.memref_slice %arg6[%dma_wait3A_1919, %dma_wait3A_1920, %dma_wait3A_1922, %dma_wait3A_1923] : memref<2x2x256x64xf32, #tpu.memory_space<vmem>> -> memref<1x1x256x64xf32, #tpu.memory_space<vmem>>
    %dma_wait3A_1925 = tpu.memref_squeeze %dma_wait3A_1924 : memref<1x1x256x64xf32, #tpu.memory_space<vmem>> -> memref<256x64xf32, #tpu.memory_space<vmem>>
    %dma_wait3A_1926 = arith.constant 0 : i32
    %dma_wait3A_1927 = tpu.memref_slice %arg4[%dma_wait3A_1921, %mul3A_2, %dma_wait3A_1926] : memref<9x8192x128xf32, #tpu.memory_space<hbm>> -> memref<1x256x64xf32, #tpu.memory_space<hbm>>
    %dma_wait3A_1928 = tpu.memref_squeeze %dma_wait3A_1927 : memref<1x256x64xf32, #tpu.memory_space<hbm>> -> memref<256x64xf32, #tpu.memory_space<hbm>>
    %dma_wait3A_1929 = arith.constant 0 : i32
    %dma_wait3A_1930 = tpu.memref_slice %arg4[%dma_wait3A_1921, %mul3A_2, %dma_wait3A_1929] : memref<9x8192x128xf32, #tpu.memory_space<hbm>> -> memref<1x256x64xf32, #tpu.memory_space<hbm>>
    %dma_wait3A_1931 = tpu.memref_squeeze %dma_wait3A_1930 : memref<1x256x64xf32, #tpu.memory_space<hbm>> -> memref<256x64xf32, #tpu.memory_space<hbm>>
    %dma_wait3A_1932 = arith.constant 0 : i32
    %dma_wait3A_1933 = arith.constant 0 : i32
    %dma_wait3A_1934 = tpu.memref_slice %arg6[%dma_wait3A_1919, %dma_wait3A_1920, %dma_wait3A_1932, %dma_wait3A_1933] : memref<2x2x256x64xf32, #tpu.memory_space<vmem>> -> memref<1x1x256x64xf32, #tpu.memory_space<vmem>>
    %dma_wait3A_1935 = tpu.memref_squeeze %dma_wait3A_1934 : memref<1x1x256x64xf32, #tpu.memory_space<vmem>> -> memref<256x64xf32, #tpu.memory_space<vmem>>
    tpu.wait_dma2 semaphore(%arg9 : memref<!tpu.dma_semaphore, #tpu.memory_space<semaphore_mem>>) src(%dma_wait3A_1935 : memref<256x64xf32, #tpu.memory_space<vmem>>) dst(%dma_wait3A_1931 : memref<256x64xf32, #tpu.memory_space<hbm>>)
    %dma_wait3A_1936 = arith.constant 0 : i32
    %dma_wait3A_1937 = arith.constant 1 : i32
    %dma_wait3A_1938 = arith.constant 6 : i32
    %dma_wait3A_1939 = arith.constant 0 : i32
    %dma_wait3A_1940 = arith.constant 0 : i32
    %dma_wait3A_1941 = tpu.memref_slice %arg6[%dma_wait3A_1936, %dma_wait3A_1937, %dma_wait3A_1939, %dma_wait3A_1940] : memref<2x2x256x64xf32, #tpu.memory_space<vmem>> -> memref<1x1x256x64xf32, #tpu.memory_space<vmem>>
    %dma_wait3A_1942 = tpu.memref_squeeze %dma_wait3A_1941 : memref<1x1x256x64xf32, #tpu.memory_space<vmem>> -> memref<256x64xf32, #tpu.memory_space<vmem>>
    %dma_wait3A_1943 = arith.constant 64 : i32
    %dma_wait3A_1944 = tpu.memref_slice %arg4[%dma_wait3A_1938, %mul3A_2, %dma_wait3A_1943] : memref<9x8192x128xf32, #tpu.memory_space<hbm>> -> memref<1x256x64xf32, #tpu.memory_space<hbm>>
    %dma_wait3A_1945 = tpu.memref_squeeze %dma_wait3A_1944 : memref<1x256x64xf32, #tpu.memory_space<hbm>> -> memref<256x64xf32, #tpu.memory_space<hbm>>
    %dma_wait3A_1946 = arith.constant 64 : i32
    %dma_wait3A_1947 = tpu.memref_slice %arg4[%dma_wait3A_1938, %mul3A_2, %dma_wait3A_1946] : memref<9x8192x128xf32, #tpu.memory_space<hbm>> -> memref<1x256x64xf32, #tpu.memory_space<hbm>>
    %dma_wait3A_1948 = tpu.memref_squeeze %dma_wait3A_1947 : memref<1x256x64xf32, #tpu.memory_space<hbm>> -> memref<256x64xf32, #tpu.memory_space<hbm>>
    %dma_wait3A_1949 = arith.constant 0 : i32
    %dma_wait3A_1950 = arith.constant 0 : i32
    %dma_wait3A_1951 = tpu.memref_slice %arg6[%dma_wait3A_1936, %dma_wait3A_1937, %dma_wait3A_1949, %dma_wait3A_1950] : memref<2x2x256x64xf32, #tpu.memory_space<vmem>> -> memref<1x1x256x64xf32, #tpu.memory_space<vmem>>
    %dma_wait3A_1952 = tpu.memref_squeeze %dma_wait3A_1951 : memref<1x1x256x64xf32, #tpu.memory_space<vmem>> -> memref<256x64xf32, #tpu.memory_space<vmem>>
    tpu.wait_dma2 semaphore(%arg9 : memref<!tpu.dma_semaphore, #tpu.memory_space<semaphore_mem>>) src(%dma_wait3A_1952 : memref<256x64xf32, #tpu.memory_space<vmem>>) dst(%dma_wait3A_1948 : memref<256x64xf32, #tpu.memory_space<hbm>>)
    %dma_start3A_1953 = arith.constant 1 : i32
    %dma_start3A_1954 = arith.constant 7 : i32
    %dma_start3A_1955 = arith.constant 0 : i32
    %dma_start3A_1956 = arith.constant 0 : i32
    %dma_start3A_1957 = arith.constant 0 : i32
    %dma_start3A_1958 = arith.constant 0 : i32
    %dma_start3A_1959 = arith.constant 0 : i32
    %dma_start3A_1960 = tpu.memref_slice %arg6[%dma_start3A_1956, %dma_start3A_1957, %dma_start3A_1958, %dma_start3A_1959] : memref<2x2x256x64xf32, #tpu.memory_space<vmem>> -> memref<1x1x128x64xf32, #tpu.memory_space<vmem>>
    %dma_start3A_1961 = tpu.memref_squeeze %dma_start3A_1960 : memref<1x1x128x64xf32, #tpu.memory_space<vmem>> -> memref<128x64xf32, #tpu.memory_space<vmem>>
    %dma_start3A_1962 = arith.constant 0 : i32
    %dma_start3A_1963 = tpu.memref_slice %arg5[%dma_start3A_1953, %dma_start3A_1954, %dma_start3A_1955, %dma_start3A_1962] : memref<2x9x2x128xi32, #tpu.memory_space<vmem>> -> memref<1x1x1x128xi32, #tpu.memory_space<vmem>>
    %dma_start3A_1964 = tpu.memref_squeeze %dma_start3A_1963 : memref<1x1x1x128xi32, #tpu.memory_space<vmem>> -> memref<128xi32, #tpu.memory_space<vmem>>
    %dma_start3A_1965 = arith.constant 0 : i32
    %dma_start3A_1966 = arith.constant 0 : i32
    %dma_start3A_1967 = tpu.memref_slice %arg2[%dma_start3A_1965, %dma_start3A_1966] : memref<100000x64xf32, #tpu.memory_space<hbm>> -> memref<100000x64xf32, #tpu.memory_space<hbm>>
    tpu.enqueue_indirect_dma source(%dma_start3A_1967 : memref<100000x64xf32, #tpu.memory_space<hbm>>) target(%dma_start3A_1961 : memref<128x64xf32, #tpu.memory_space<vmem>>) offsets(%dma_start3A_1964 : memref<128xi32, #tpu.memory_space<vmem>>) semaphore(%arg7 : memref<!tpu.dma_semaphore, #tpu.memory_space<semaphore_mem>>)
    %dma_start3A_1968 = arith.constant 1 : i32
    %dma_start3A_1969 = arith.constant 7 : i32
    %dma_start3A_1970 = arith.constant 1 : i32
    %dma_start3A_1971 = arith.constant 0 : i32
    %dma_start3A_1972 = arith.constant 0 : i32
    %dma_start3A_1973 = arith.constant 128 : i32
    %dma_start3A_1974 = arith.constant 0 : i32
    %dma_start3A_1975 = tpu.memref_slice %arg6[%dma_start3A_1971, %dma_start3A_1972, %dma_start3A_1973, %dma_start3A_1974] : memref<2x2x256x64xf32, #tpu.memory_space<vmem>> -> memref<1x1x128x64xf32, #tpu.memory_space<vmem>>
    %dma_start3A_1976 = tpu.memref_squeeze %dma_start3A_1975 : memref<1x1x128x64xf32, #tpu.memory_space<vmem>> -> memref<128x64xf32, #tpu.memory_space<vmem>>
    %dma_start3A_1977 = arith.constant 0 : i32
    %dma_start3A_1978 = tpu.memref_slice %arg5[%dma_start3A_1968, %dma_start3A_1969, %dma_start3A_1970, %dma_start3A_1977] : memref<2x9x2x128xi32, #tpu.memory_space<vmem>> -> memref<1x1x1x128xi32, #tpu.memory_space<vmem>>
    %dma_start3A_1979 = tpu.memref_squeeze %dma_start3A_1978 : memref<1x1x1x128xi32, #tpu.memory_space<vmem>> -> memref<128xi32, #tpu.memory_space<vmem>>
    %dma_start3A_1980 = arith.constant 0 : i32
    %dma_start3A_1981 = arith.constant 0 : i32
    %dma_start3A_1982 = tpu.memref_slice %arg2[%dma_start3A_1980, %dma_start3A_1981] : memref<100000x64xf32, #tpu.memory_space<hbm>> -> memref<100000x64xf32, #tpu.memory_space<hbm>>
    tpu.enqueue_indirect_dma source(%dma_start3A_1982 : memref<100000x64xf32, #tpu.memory_space<hbm>>) target(%dma_start3A_1976 : memref<128x64xf32, #tpu.memory_space<vmem>>) offsets(%dma_start3A_1979 : memref<128xi32, #tpu.memory_space<vmem>>) semaphore(%arg7 : memref<!tpu.dma_semaphore, #tpu.memory_space<semaphore_mem>>)
    %dma_start3A_1983 = arith.constant 1 : i32
    %dma_start3A_1984 = arith.constant 8 : i32
    %dma_start3A_1985 = arith.constant 0 : i32
    %dma_start3A_1986 = arith.constant 0 : i32
    %dma_start3A_1987 = arith.constant 1 : i32
    %dma_start3A_1988 = arith.constant 0 : i32
    %dma_start3A_1989 = arith.constant 0 : i32
    %dma_start3A_1990 = tpu.memref_slice %arg6[%dma_start3A_1986, %dma_start3A_1987, %dma_start3A_1988, %dma_start3A_1989] : memref<2x2x256x64xf32, #tpu.memory_space<vmem>> -> memref<1x1x128x64xf32, #tpu.memory_space<vmem>>
    %dma_start3A_1991 = tpu.memref_squeeze %dma_start3A_1990 : memref<1x1x128x64xf32, #tpu.memory_space<vmem>> -> memref<128x64xf32, #tpu.memory_space<vmem>>
    %dma_start3A_1992 = arith.constant 0 : i32
    %dma_start3A_1993 = tpu.memref_slice %arg5[%dma_start3A_1983, %dma_start3A_1984, %dma_start3A_1985, %dma_start3A_1992] : memref<2x9x2x128xi32, #tpu.memory_space<vmem>> -> memref<1x1x1x128xi32, #tpu.memory_space<vmem>>
    %dma_start3A_1994 = tpu.memref_squeeze %dma_start3A_1993 : memref<1x1x1x128xi32, #tpu.memory_space<vmem>> -> memref<128xi32, #tpu.memory_space<vmem>>
    %dma_start3A_1995 = arith.constant 0 : i32
    %dma_start3A_1996 = arith.constant 0 : i32
    %dma_start3A_1997 = tpu.memref_slice %arg2[%dma_start3A_1995, %dma_start3A_1996] : memref<100000x64xf32, #tpu.memory_space<hbm>> -> memref<100000x64xf32, #tpu.memory_space<hbm>>
    tpu.enqueue_indirect_dma source(%dma_start3A_1997 : memref<100000x64xf32, #tpu.memory_space<hbm>>) target(%dma_start3A_1991 : memref<128x64xf32, #tpu.memory_space<vmem>>) offsets(%dma_start3A_1994 : memref<128xi32, #tpu.memory_space<vmem>>) semaphore(%arg7 : memref<!tpu.dma_semaphore, #tpu.memory_space<semaphore_mem>>)
    %dma_start3A_1998 = arith.constant 1 : i32
    %dma_start3A_1999 = arith.constant 8 : i32
    %dma_start3A_2000 = arith.constant 1 : i32
    %dma_start3A_2001 = arith.constant 0 : i32
    %dma_start3A_2002 = arith.constant 1 : i32
    %dma_start3A_2003 = arith.constant 128 : i32
    %dma_start3A_2004 = arith.constant 0 : i32
    %dma_start3A_2005 = tpu.memref_slice %arg6[%dma_start3A_2001, %dma_start3A_2002, %dma_start3A_2003, %dma_start3A_2004] : memref<2x2x256x64xf32, #tpu.memory_space<vmem>> -> memref<1x1x128x64xf32, #tpu.memory_space<vmem>>
    %dma_start3A_2006 = tpu.memref_squeeze %dma_start3A_2005 : memref<1x1x128x64xf32, #tpu.memory_space<vmem>> -> memref<128x64xf32, #tpu.memory_space<vmem>>
    %dma_start3A_2007 = arith.constant 0 : i32
    %dma_start3A_2008 = tpu.memref_slice %arg5[%dma_start3A_1998, %dma_start3A_1999, %dma_start3A_2000, %dma_start3A_2007] : memref<2x9x2x128xi32, #tpu.memory_space<vmem>> -> memref<1x1x1x128xi32, #tpu.memory_space<vmem>>
    %dma_start3A_2009 = tpu.memref_squeeze %dma_start3A_2008 : memref<1x1x1x128xi32, #tpu.memory_space<vmem>> -> memref<128xi32, #tpu.memory_space<vmem>>
    %dma_start3A_2010 = arith.constant 0 : i32
    %dma_start3A_2011 = arith.constant 0 : i32
    %dma_start3A_2012 = tpu.memref_slice %arg2[%dma_start3A_2010, %dma_start3A_2011] : memref<100000x64xf32, #tpu.memory_space<hbm>> -> memref<100000x64xf32, #tpu.memory_space<hbm>>
    tpu.enqueue_indirect_dma source(%dma_start3A_2012 : memref<100000x64xf32, #tpu.memory_space<hbm>>) target(%dma_start3A_2006 : memref<128x64xf32, #tpu.memory_space<vmem>>) offsets(%dma_start3A_2009 : memref<128xi32, #tpu.memory_space<vmem>>) semaphore(%arg7 : memref<!tpu.dma_semaphore, #tpu.memory_space<semaphore_mem>>)
    %dma_wait3A_2013 = arith.constant 1 : i32
    %dma_wait3A_2014 = arith.constant 5 : i32
    %dma_wait3A_2015 = arith.constant 0 : i32
    %dma_wait3A_2016 = arith.constant 1 : i32
    %dma_wait3A_2017 = arith.constant 0 : i32
    %dma_wait3A_2018 = arith.constant 0 : i32
    %dma_wait3A_2019 = arith.constant 0 : i32
    %dma_wait3A_2020 = tpu.memref_slice %arg6[%dma_wait3A_2016, %dma_wait3A_2017, %dma_wait3A_2018, %dma_wait3A_2019] : memref<2x2x256x64xf32, #tpu.memory_space<vmem>> -> memref<1x1x128x64xf32, #tpu.memory_space<vmem>>
    %dma_wait3A_2021 = tpu.memref_squeeze %dma_wait3A_2020 : memref<1x1x128x64xf32, #tpu.memory_space<vmem>> -> memref<128x64xf32, #tpu.memory_space<vmem>>
    %dma_wait3A_2022 = arith.constant 0 : i32
    %dma_wait3A_2023 = tpu.memref_slice %arg5[%dma_wait3A_2013, %dma_wait3A_2014, %dma_wait3A_2015, %dma_wait3A_2022] : memref<2x9x2x128xi32, #tpu.memory_space<vmem>> -> memref<1x1x1x128xi32, #tpu.memory_space<vmem>>
    %dma_wait3A_2024 = tpu.memref_squeeze %dma_wait3A_2023 : memref<1x1x1x128xi32, #tpu.memory_space<vmem>> -> memref<128xi32, #tpu.memory_space<vmem>>
    %dma_wait3A_2025 = arith.constant 0 : i32
    %dma_wait3A_2026 = arith.constant 0 : i32
    %dma_wait3A_2027 = tpu.memref_slice %arg2[%dma_wait3A_2025, %dma_wait3A_2026] : memref<100000x64xf32, #tpu.memory_space<hbm>> -> memref<100000x64xf32, #tpu.memory_space<hbm>>
    tpu.wait_indirect_dma semaphore(%arg8 : memref<!tpu.dma_semaphore, #tpu.memory_space<semaphore_mem>>) src(%dma_wait3A_2027 : memref<100000x64xf32, #tpu.memory_space<hbm>>) dst(%dma_wait3A_2021 : memref<128x64xf32, #tpu.memory_space<vmem>>)
    %dma_wait3A_2028 = arith.constant 1 : i32
    %dma_wait3A_2029 = arith.constant 5 : i32
    %dma_wait3A_2030 = arith.constant 1 : i32
    %dma_wait3A_2031 = arith.constant 1 : i32
    %dma_wait3A_2032 = arith.constant 0 : i32
    %dma_wait3A_2033 = arith.constant 128 : i32
    %dma_wait3A_2034 = arith.constant 0 : i32
    %dma_wait3A_2035 = tpu.memref_slice %arg6[%dma_wait3A_2031, %dma_wait3A_2032, %dma_wait3A_2033, %dma_wait3A_2034] : memref<2x2x256x64xf32, #tpu.memory_space<vmem>> -> memref<1x1x128x64xf32, #tpu.memory_space<vmem>>
    %dma_wait3A_2036 = tpu.memref_squeeze %dma_wait3A_2035 : memref<1x1x128x64xf32, #tpu.memory_space<vmem>> -> memref<128x64xf32, #tpu.memory_space<vmem>>
    %dma_wait3A_2037 = arith.constant 0 : i32
    %dma_wait3A_2038 = tpu.memref_slice %arg5[%dma_wait3A_2028, %dma_wait3A_2029, %dma_wait3A_2030, %dma_wait3A_2037] : memref<2x9x2x128xi32, #tpu.memory_space<vmem>> -> memref<1x1x1x128xi32, #tpu.memory_space<vmem>>
    %dma_wait3A_2039 = tpu.memref_squeeze %dma_wait3A_2038 : memref<1x1x1x128xi32, #tpu.memory_space<vmem>> -> memref<128xi32, #tpu.memory_space<vmem>>
    %dma_wait3A_2040 = arith.constant 0 : i32
    %dma_wait3A_2041 = arith.constant 0 : i32
    %dma_wait3A_2042 = tpu.memref_slice %arg2[%dma_wait3A_2040, %dma_wait3A_2041] : memref<100000x64xf32, #tpu.memory_space<hbm>> -> memref<100000x64xf32, #tpu.memory_space<hbm>>
    tpu.wait_indirect_dma semaphore(%arg8 : memref<!tpu.dma_semaphore, #tpu.memory_space<semaphore_mem>>) src(%dma_wait3A_2042 : memref<100000x64xf32, #tpu.memory_space<hbm>>) dst(%dma_wait3A_2036 : memref<128x64xf32, #tpu.memory_space<vmem>>)
    %dma_wait3A_2043 = arith.constant 1 : i32
    %dma_wait3A_2044 = arith.constant 6 : i32
    %dma_wait3A_2045 = arith.constant 0 : i32
    %dma_wait3A_2046 = arith.constant 1 : i32
    %dma_wait3A_2047 = arith.constant 1 : i32
    %dma_wait3A_2048 = arith.constant 0 : i32
    %dma_wait3A_2049 = arith.constant 0 : i32
    %dma_wait3A_2050 = tpu.memref_slice %arg6[%dma_wait3A_2046, %dma_wait3A_2047, %dma_wait3A_2048, %dma_wait3A_2049] : memref<2x2x256x64xf32, #tpu.memory_space<vmem>> -> memref<1x1x128x64xf32, #tpu.memory_space<vmem>>
    %dma_wait3A_2051 = tpu.memref_squeeze %dma_wait3A_2050 : memref<1x1x128x64xf32, #tpu.memory_space<vmem>> -> memref<128x64xf32, #tpu.memory_space<vmem>>
    %dma_wait3A_2052 = arith.constant 0 : i32
    %dma_wait3A_2053 = tpu.memref_slice %arg5[%dma_wait3A_2043, %dma_wait3A_2044, %dma_wait3A_2045, %dma_wait3A_2052] : memref<2x9x2x128xi32, #tpu.memory_space<vmem>> -> memref<1x1x1x128xi32, #tpu.memory_space<vmem>>
    %dma_wait3A_2054 = tpu.memref_squeeze %dma_wait3A_2053 : memref<1x1x1x128xi32, #tpu.memory_space<vmem>> -> memref<128xi32, #tpu.memory_space<vmem>>
    %dma_wait3A_2055 = arith.constant 0 : i32
    %dma_wait3A_2056 = arith.constant 0 : i32
    %dma_wait3A_2057 = tpu.memref_slice %arg2[%dma_wait3A_2055, %dma_wait3A_2056] : memref<100000x64xf32, #tpu.memory_space<hbm>> -> memref<100000x64xf32, #tpu.memory_space<hbm>>
    tpu.wait_indirect_dma semaphore(%arg8 : memref<!tpu.dma_semaphore, #tpu.memory_space<semaphore_mem>>) src(%dma_wait3A_2057 : memref<100000x64xf32, #tpu.memory_space<hbm>>) dst(%dma_wait3A_2051 : memref<128x64xf32, #tpu.memory_space<vmem>>)
    %dma_wait3A_2058 = arith.constant 1 : i32
    %dma_wait3A_2059 = arith.constant 6 : i32
    %dma_wait3A_2060 = arith.constant 1 : i32
    %dma_wait3A_2061 = arith.constant 1 : i32
    %dma_wait3A_2062 = arith.constant 1 : i32
    %dma_wait3A_2063 = arith.constant 128 : i32
    %dma_wait3A_2064 = arith.constant 0 : i32
    %dma_wait3A_2065 = tpu.memref_slice %arg6[%dma_wait3A_2061, %dma_wait3A_2062, %dma_wait3A_2063, %dma_wait3A_2064] : memref<2x2x256x64xf32, #tpu.memory_space<vmem>> -> memref<1x1x128x64xf32, #tpu.memory_space<vmem>>
    %dma_wait3A_2066 = tpu.memref_squeeze %dma_wait3A_2065 : memref<1x1x128x64xf32, #tpu.memory_space<vmem>> -> memref<128x64xf32, #tpu.memory_space<vmem>>
    %dma_wait3A_2067 = arith.constant 0 : i32
    %dma_wait3A_2068 = tpu.memref_slice %arg5[%dma_wait3A_2058, %dma_wait3A_2059, %dma_wait3A_2060, %dma_wait3A_2067] : memref<2x9x2x128xi32, #tpu.memory_space<vmem>> -> memref<1x1x1x128xi32, #tpu.memory_space<vmem>>
    %dma_wait3A_2069 = tpu.memref_squeeze %dma_wait3A_2068 : memref<1x1x1x128xi32, #tpu.memory_space<vmem>> -> memref<128xi32, #tpu.memory_space<vmem>>
    %dma_wait3A_2070 = arith.constant 0 : i32
    %dma_wait3A_2071 = arith.constant 0 : i32
    %dma_wait3A_2072 = tpu.memref_slice %arg2[%dma_wait3A_2070, %dma_wait3A_2071] : memref<100000x64xf32, #tpu.memory_space<hbm>> -> memref<100000x64xf32, #tpu.memory_space<hbm>>
    tpu.wait_indirect_dma semaphore(%arg8 : memref<!tpu.dma_semaphore, #tpu.memory_space<semaphore_mem>>) src(%dma_wait3A_2072 : memref<100000x64xf32, #tpu.memory_space<hbm>>) dst(%dma_wait3A_2066 : memref<128x64xf32, #tpu.memory_space<vmem>>)
    %dma_start3A_2073 = arith.constant 1 : i32
    %dma_start3A_2074 = arith.constant 0 : i32
    %dma_start3A_2075 = arith.constant 7 : i32
    %dma_start3A_2076 = arith.constant 0 : i32
    %dma_start3A_2077 = arith.constant 0 : i32
    %dma_start3A_2078 = tpu.memref_slice %arg6[%dma_start3A_2073, %dma_start3A_2074, %dma_start3A_2076, %dma_start3A_2077] : memref<2x2x256x64xf32, #tpu.memory_space<vmem>> -> memref<1x1x256x64xf32, #tpu.memory_space<vmem>>
    %dma_start3A_2079 = tpu.memref_squeeze %dma_start3A_2078 : memref<1x1x256x64xf32, #tpu.memory_space<vmem>> -> memref<256x64xf32, #tpu.memory_space<vmem>>
    %dma_start3A_2080 = arith.constant 0 : i32
    %dma_start3A_2081 = tpu.memref_slice %arg4[%dma_start3A_2075, %mul3A_2, %dma_start3A_2080] : memref<9x8192x128xf32, #tpu.memory_space<hbm>> -> memref<1x256x64xf32, #tpu.memory_space<hbm>>
    %dma_start3A_2082 = tpu.memref_squeeze %dma_start3A_2081 : memref<1x256x64xf32, #tpu.memory_space<hbm>> -> memref<256x64xf32, #tpu.memory_space<hbm>>
    %dma_start3A_2083 = arith.constant 0 : i32
    %dma_start3A_2084 = tpu.memref_slice %arg4[%dma_start3A_2075, %mul3A_2, %dma_start3A_2083] : memref<9x8192x128xf32, #tpu.memory_space<hbm>> -> memref<1x256x64xf32, #tpu.memory_space<hbm>>
    %dma_start3A_2085 = tpu.memref_squeeze %dma_start3A_2084 : memref<1x256x64xf32, #tpu.memory_space<hbm>> -> memref<256x64xf32, #tpu.memory_space<hbm>>
    %dma_start3A_2086 = arith.constant 0 : i32
    %dma_start3A_2087 = arith.constant 0 : i32
    %dma_start3A_2088 = tpu.memref_slice %arg6[%dma_start3A_2073, %dma_start3A_2074, %dma_start3A_2086, %dma_start3A_2087] : memref<2x2x256x64xf32, #tpu.memory_space<vmem>> -> memref<1x1x256x64xf32, #tpu.memory_space<vmem>>
    %dma_start3A_2089 = tpu.memref_squeeze %dma_start3A_2088 : memref<1x1x256x64xf32, #tpu.memory_space<vmem>> -> memref<256x64xf32, #tpu.memory_space<vmem>>
    tpu.enqueue_dma source(%dma_start3A_2089 : memref<256x64xf32, #tpu.memory_space<vmem>>) target(%dma_start3A_2085 : memref<256x64xf32, #tpu.memory_space<hbm>>) target_semaphore(%arg10 : memref<!tpu.dma_semaphore, #tpu.memory_space<semaphore_mem>>)
    %dma_start3A_2090 = arith.constant 1 : i32
    %dma_start3A_2091 = arith.constant 1 : i32
    %dma_start3A_2092 = arith.constant 7 : i32
    %dma_start3A_2093 = arith.constant 0 : i32
    %dma_start3A_2094 = arith.constant 0 : i32
    %dma_start3A_2095 = tpu.memref_slice %arg6[%dma_start3A_2090, %dma_start3A_2091, %dma_start3A_2093, %dma_start3A_2094] : memref<2x2x256x64xf32, #tpu.memory_space<vmem>> -> memref<1x1x256x64xf32, #tpu.memory_space<vmem>>
    %dma_start3A_2096 = tpu.memref_squeeze %dma_start3A_2095 : memref<1x1x256x64xf32, #tpu.memory_space<vmem>> -> memref<256x64xf32, #tpu.memory_space<vmem>>
    %dma_start3A_2097 = arith.constant 64 : i32
    %dma_start3A_2098 = tpu.memref_slice %arg4[%dma_start3A_2092, %mul3A_2, %dma_start3A_2097] : memref<9x8192x128xf32, #tpu.memory_space<hbm>> -> memref<1x256x64xf32, #tpu.memory_space<hbm>>
    %dma_start3A_2099 = tpu.memref_squeeze %dma_start3A_2098 : memref<1x256x64xf32, #tpu.memory_space<hbm>> -> memref<256x64xf32, #tpu.memory_space<hbm>>
    %dma_start3A_2100 = arith.constant 64 : i32
    %dma_start3A_2101 = tpu.memref_slice %arg4[%dma_start3A_2092, %mul3A_2, %dma_start3A_2100] : memref<9x8192x128xf32, #tpu.memory_space<hbm>> -> memref<1x256x64xf32, #tpu.memory_space<hbm>>
    %dma_start3A_2102 = tpu.memref_squeeze %dma_start3A_2101 : memref<1x256x64xf32, #tpu.memory_space<hbm>> -> memref<256x64xf32, #tpu.memory_space<hbm>>
    %dma_start3A_2103 = arith.constant 0 : i32
    %dma_start3A_2104 = arith.constant 0 : i32
    %dma_start3A_2105 = tpu.memref_slice %arg6[%dma_start3A_2090, %dma_start3A_2091, %dma_start3A_2103, %dma_start3A_2104] : memref<2x2x256x64xf32, #tpu.memory_space<vmem>> -> memref<1x1x256x64xf32, #tpu.memory_space<vmem>>
    %dma_start3A_2106 = tpu.memref_squeeze %dma_start3A_2105 : memref<1x1x256x64xf32, #tpu.memory_space<vmem>> -> memref<256x64xf32, #tpu.memory_space<vmem>>
    tpu.enqueue_dma source(%dma_start3A_2106 : memref<256x64xf32, #tpu.memory_space<vmem>>) target(%dma_start3A_2102 : memref<256x64xf32, #tpu.memory_space<hbm>>) target_semaphore(%arg10 : memref<!tpu.dma_semaphore, #tpu.memory_space<semaphore_mem>>)
    %dma_wait3A_2107 = arith.constant 1 : i32
    %dma_wait3A_2108 = arith.constant 7 : i32
    %dma_wait3A_2109 = arith.constant 0 : i32
    %dma_wait3A_2110 = arith.constant 0 : i32
    %dma_wait3A_2111 = arith.constant 0 : i32
    %dma_wait3A_2112 = arith.constant 0 : i32
    %dma_wait3A_2113 = arith.constant 0 : i32
    %dma_wait3A_2114 = tpu.memref_slice %arg6[%dma_wait3A_2110, %dma_wait3A_2111, %dma_wait3A_2112, %dma_wait3A_2113] : memref<2x2x256x64xf32, #tpu.memory_space<vmem>> -> memref<1x1x128x64xf32, #tpu.memory_space<vmem>>
    %dma_wait3A_2115 = tpu.memref_squeeze %dma_wait3A_2114 : memref<1x1x128x64xf32, #tpu.memory_space<vmem>> -> memref<128x64xf32, #tpu.memory_space<vmem>>
    %dma_wait3A_2116 = arith.constant 0 : i32
    %dma_wait3A_2117 = tpu.memref_slice %arg5[%dma_wait3A_2107, %dma_wait3A_2108, %dma_wait3A_2109, %dma_wait3A_2116] : memref<2x9x2x128xi32, #tpu.memory_space<vmem>> -> memref<1x1x1x128xi32, #tpu.memory_space<vmem>>
    %dma_wait3A_2118 = tpu.memref_squeeze %dma_wait3A_2117 : memref<1x1x1x128xi32, #tpu.memory_space<vmem>> -> memref<128xi32, #tpu.memory_space<vmem>>
    %dma_wait3A_2119 = arith.constant 0 : i32
    %dma_wait3A_2120 = arith.constant 0 : i32
    %dma_wait3A_2121 = tpu.memref_slice %arg2[%dma_wait3A_2119, %dma_wait3A_2120] : memref<100000x64xf32, #tpu.memory_space<hbm>> -> memref<100000x64xf32, #tpu.memory_space<hbm>>
    tpu.wait_indirect_dma semaphore(%arg7 : memref<!tpu.dma_semaphore, #tpu.memory_space<semaphore_mem>>) src(%dma_wait3A_2121 : memref<100000x64xf32, #tpu.memory_space<hbm>>) dst(%dma_wait3A_2115 : memref<128x64xf32, #tpu.memory_space<vmem>>)
    %dma_wait3A_2122 = arith.constant 1 : i32
    %dma_wait3A_2123 = arith.constant 7 : i32
    %dma_wait3A_2124 = arith.constant 1 : i32
    %dma_wait3A_2125 = arith.constant 0 : i32
    %dma_wait3A_2126 = arith.constant 0 : i32
    %dma_wait3A_2127 = arith.constant 128 : i32
    %dma_wait3A_2128 = arith.constant 0 : i32
    %dma_wait3A_2129 = tpu.memref_slice %arg6[%dma_wait3A_2125, %dma_wait3A_2126, %dma_wait3A_2127, %dma_wait3A_2128] : memref<2x2x256x64xf32, #tpu.memory_space<vmem>> -> memref<1x1x128x64xf32, #tpu.memory_space<vmem>>
    %dma_wait3A_2130 = tpu.memref_squeeze %dma_wait3A_2129 : memref<1x1x128x64xf32, #tpu.memory_space<vmem>> -> memref<128x64xf32, #tpu.memory_space<vmem>>
    %dma_wait3A_2131 = arith.constant 0 : i32
    %dma_wait3A_2132 = tpu.memref_slice %arg5[%dma_wait3A_2122, %dma_wait3A_2123, %dma_wait3A_2124, %dma_wait3A_2131] : memref<2x9x2x128xi32, #tpu.memory_space<vmem>> -> memref<1x1x1x128xi32, #tpu.memory_space<vmem>>
    %dma_wait3A_2133 = tpu.memref_squeeze %dma_wait3A_2132 : memref<1x1x1x128xi32, #tpu.memory_space<vmem>> -> memref<128xi32, #tpu.memory_space<vmem>>
    %dma_wait3A_2134 = arith.constant 0 : i32
    %dma_wait3A_2135 = arith.constant 0 : i32
    %dma_wait3A_2136 = tpu.memref_slice %arg2[%dma_wait3A_2134, %dma_wait3A_2135] : memref<100000x64xf32, #tpu.memory_space<hbm>> -> memref<100000x64xf32, #tpu.memory_space<hbm>>
    tpu.wait_indirect_dma semaphore(%arg7 : memref<!tpu.dma_semaphore, #tpu.memory_space<semaphore_mem>>) src(%dma_wait3A_2136 : memref<100000x64xf32, #tpu.memory_space<hbm>>) dst(%dma_wait3A_2130 : memref<128x64xf32, #tpu.memory_space<vmem>>)
    %dma_wait3A_2137 = arith.constant 1 : i32
    %dma_wait3A_2138 = arith.constant 8 : i32
    %dma_wait3A_2139 = arith.constant 0 : i32
    %dma_wait3A_2140 = arith.constant 0 : i32
    %dma_wait3A_2141 = arith.constant 1 : i32
    %dma_wait3A_2142 = arith.constant 0 : i32
    %dma_wait3A_2143 = arith.constant 0 : i32
    %dma_wait3A_2144 = tpu.memref_slice %arg6[%dma_wait3A_2140, %dma_wait3A_2141, %dma_wait3A_2142, %dma_wait3A_2143] : memref<2x2x256x64xf32, #tpu.memory_space<vmem>> -> memref<1x1x128x64xf32, #tpu.memory_space<vmem>>
    %dma_wait3A_2145 = tpu.memref_squeeze %dma_wait3A_2144 : memref<1x1x128x64xf32, #tpu.memory_space<vmem>> -> memref<128x64xf32, #tpu.memory_space<vmem>>
    %dma_wait3A_2146 = arith.constant 0 : i32
    %dma_wait3A_2147 = tpu.memref_slice %arg5[%dma_wait3A_2137, %dma_wait3A_2138, %dma_wait3A_2139, %dma_wait3A_2146] : memref<2x9x2x128xi32, #tpu.memory_space<vmem>> -> memref<1x1x1x128xi32, #tpu.memory_space<vmem>>
    %dma_wait3A_2148 = tpu.memref_squeeze %dma_wait3A_2147 : memref<1x1x1x128xi32, #tpu.memory_space<vmem>> -> memref<128xi32, #tpu.memory_space<vmem>>
    %dma_wait3A_2149 = arith.constant 0 : i32
    %dma_wait3A_2150 = arith.constant 0 : i32
    %dma_wait3A_2151 = tpu.memref_slice %arg2[%dma_wait3A_2149, %dma_wait3A_2150] : memref<100000x64xf32, #tpu.memory_space<hbm>> -> memref<100000x64xf32, #tpu.memory_space<hbm>>
    tpu.wait_indirect_dma semaphore(%arg7 : memref<!tpu.dma_semaphore, #tpu.memory_space<semaphore_mem>>) src(%dma_wait3A_2151 : memref<100000x64xf32, #tpu.memory_space<hbm>>) dst(%dma_wait3A_2145 : memref<128x64xf32, #tpu.memory_space<vmem>>)
    %dma_wait3A_2152 = arith.constant 1 : i32
    %dma_wait3A_2153 = arith.constant 8 : i32
    %dma_wait3A_2154 = arith.constant 1 : i32
    %dma_wait3A_2155 = arith.constant 0 : i32
    %dma_wait3A_2156 = arith.constant 1 : i32
    %dma_wait3A_2157 = arith.constant 128 : i32
    %dma_wait3A_2158 = arith.constant 0 : i32
    %dma_wait3A_2159 = tpu.memref_slice %arg6[%dma_wait3A_2155, %dma_wait3A_2156, %dma_wait3A_2157, %dma_wait3A_2158] : memref<2x2x256x64xf32, #tpu.memory_space<vmem>> -> memref<1x1x128x64xf32, #tpu.memory_space<vmem>>
    %dma_wait3A_2160 = tpu.memref_squeeze %dma_wait3A_2159 : memref<1x1x128x64xf32, #tpu.memory_space<vmem>> -> memref<128x64xf32, #tpu.memory_space<vmem>>
    %dma_wait3A_2161 = arith.constant 0 : i32
    %dma_wait3A_2162 = tpu.memref_slice %arg5[%dma_wait3A_2152, %dma_wait3A_2153, %dma_wait3A_2154, %dma_wait3A_2161] : memref<2x9x2x128xi32, #tpu.memory_space<vmem>> -> memref<1x1x1x128xi32, #tpu.memory_space<vmem>>
    %dma_wait3A_2163 = tpu.memref_squeeze %dma_wait3A_2162 : memref<1x1x1x128xi32, #tpu.memory_space<vmem>> -> memref<128xi32, #tpu.memory_space<vmem>>
    %dma_wait3A_2164 = arith.constant 0 : i32
    %dma_wait3A_2165 = arith.constant 0 : i32
    %dma_wait3A_2166 = tpu.memref_slice %arg2[%dma_wait3A_2164, %dma_wait3A_2165] : memref<100000x64xf32, #tpu.memory_space<hbm>> -> memref<100000x64xf32, #tpu.memory_space<hbm>>
    tpu.wait_indirect_dma semaphore(%arg7 : memref<!tpu.dma_semaphore, #tpu.memory_space<semaphore_mem>>) src(%dma_wait3A_2166 : memref<100000x64xf32, #tpu.memory_space<hbm>>) dst(%dma_wait3A_2160 : memref<128x64xf32, #tpu.memory_space<vmem>>)
    %dma_start3A_2167 = arith.constant 0 : i32
    %dma_start3A_2168 = arith.constant 0 : i32
    %dma_start3A_2169 = arith.constant 8 : i32
    %dma_start3A_2170 = arith.constant 0 : i32
    %dma_start3A_2171 = arith.constant 0 : i32
    %dma_start3A_2172 = tpu.memref_slice %arg6[%dma_start3A_2167, %dma_start3A_2168, %dma_start3A_2170, %dma_start3A_2171] : memref<2x2x256x64xf32, #tpu.memory_space<vmem>> -> memref<1x1x256x64xf32, #tpu.memory_space<vmem>>
    %dma_start3A_2173 = tpu.memref_squeeze %dma_start3A_2172 : memref<1x1x256x64xf32, #tpu.memory_space<vmem>> -> memref<256x64xf32, #tpu.memory_space<vmem>>
    %dma_start3A_2174 = arith.constant 0 : i32
    %dma_start3A_2175 = tpu.memref_slice %arg4[%dma_start3A_2169, %mul3A_2, %dma_start3A_2174] : memref<9x8192x128xf32, #tpu.memory_space<hbm>> -> memref<1x256x64xf32, #tpu.memory_space<hbm>>
    %dma_start3A_2176 = tpu.memref_squeeze %dma_start3A_2175 : memref<1x256x64xf32, #tpu.memory_space<hbm>> -> memref<256x64xf32, #tpu.memory_space<hbm>>
    %dma_start3A_2177 = arith.constant 0 : i32
    %dma_start3A_2178 = tpu.memref_slice %arg4[%dma_start3A_2169, %mul3A_2, %dma_start3A_2177] : memref<9x8192x128xf32, #tpu.memory_space<hbm>> -> memref<1x256x64xf32, #tpu.memory_space<hbm>>
    %dma_start3A_2179 = tpu.memref_squeeze %dma_start3A_2178 : memref<1x256x64xf32, #tpu.memory_space<hbm>> -> memref<256x64xf32, #tpu.memory_space<hbm>>
    %dma_start3A_2180 = arith.constant 0 : i32
    %dma_start3A_2181 = arith.constant 0 : i32
    %dma_start3A_2182 = tpu.memref_slice %arg6[%dma_start3A_2167, %dma_start3A_2168, %dma_start3A_2180, %dma_start3A_2181] : memref<2x2x256x64xf32, #tpu.memory_space<vmem>> -> memref<1x1x256x64xf32, #tpu.memory_space<vmem>>
    %dma_start3A_2183 = tpu.memref_squeeze %dma_start3A_2182 : memref<1x1x256x64xf32, #tpu.memory_space<vmem>> -> memref<256x64xf32, #tpu.memory_space<vmem>>
    tpu.enqueue_dma source(%dma_start3A_2183 : memref<256x64xf32, #tpu.memory_space<vmem>>) target(%dma_start3A_2179 : memref<256x64xf32, #tpu.memory_space<hbm>>) target_semaphore(%arg9 : memref<!tpu.dma_semaphore, #tpu.memory_space<semaphore_mem>>)
    %dma_start3A_2184 = arith.constant 0 : i32
    %dma_start3A_2185 = arith.constant 1 : i32
    %dma_start3A_2186 = arith.constant 8 : i32
    %dma_start3A_2187 = arith.constant 0 : i32
    %dma_start3A_2188 = arith.constant 0 : i32
    %dma_start3A_2189 = tpu.memref_slice %arg6[%dma_start3A_2184, %dma_start3A_2185, %dma_start3A_2187, %dma_start3A_2188] : memref<2x2x256x64xf32, #tpu.memory_space<vmem>> -> memref<1x1x256x64xf32, #tpu.memory_space<vmem>>
    %dma_start3A_2190 = tpu.memref_squeeze %dma_start3A_2189 : memref<1x1x256x64xf32, #tpu.memory_space<vmem>> -> memref<256x64xf32, #tpu.memory_space<vmem>>
    %dma_start3A_2191 = arith.constant 64 : i32
    %dma_start3A_2192 = tpu.memref_slice %arg4[%dma_start3A_2186, %mul3A_2, %dma_start3A_2191] : memref<9x8192x128xf32, #tpu.memory_space<hbm>> -> memref<1x256x64xf32, #tpu.memory_space<hbm>>
    %dma_start3A_2193 = tpu.memref_squeeze %dma_start3A_2192 : memref<1x256x64xf32, #tpu.memory_space<hbm>> -> memref<256x64xf32, #tpu.memory_space<hbm>>
    %dma_start3A_2194 = arith.constant 64 : i32
    %dma_start3A_2195 = tpu.memref_slice %arg4[%dma_start3A_2186, %mul3A_2, %dma_start3A_2194] : memref<9x8192x128xf32, #tpu.memory_space<hbm>> -> memref<1x256x64xf32, #tpu.memory_space<hbm>>
    %dma_start3A_2196 = tpu.memref_squeeze %dma_start3A_2195 : memref<1x256x64xf32, #tpu.memory_space<hbm>> -> memref<256x64xf32, #tpu.memory_space<hbm>>
    %dma_start3A_2197 = arith.constant 0 : i32
    %dma_start3A_2198 = arith.constant 0 : i32
    %dma_start3A_2199 = tpu.memref_slice %arg6[%dma_start3A_2184, %dma_start3A_2185, %dma_start3A_2197, %dma_start3A_2198] : memref<2x2x256x64xf32, #tpu.memory_space<vmem>> -> memref<1x1x256x64xf32, #tpu.memory_space<vmem>>
    %dma_start3A_2200 = tpu.memref_squeeze %dma_start3A_2199 : memref<1x1x256x64xf32, #tpu.memory_space<vmem>> -> memref<256x64xf32, #tpu.memory_space<vmem>>
    tpu.enqueue_dma source(%dma_start3A_2200 : memref<256x64xf32, #tpu.memory_space<vmem>>) target(%dma_start3A_2196 : memref<256x64xf32, #tpu.memory_space<hbm>>) target_semaphore(%arg9 : memref<!tpu.dma_semaphore, #tpu.memory_space<semaphore_mem>>)
    %dma_wait3A_2201 = arith.constant 0 : i32
    %dma_wait3A_2202 = arith.constant 0 : i32
    %dma_wait3A_2203 = arith.constant 8 : i32
    %dma_wait3A_2204 = arith.constant 0 : i32
    %dma_wait3A_2205 = arith.constant 0 : i32
    %dma_wait3A_2206 = tpu.memref_slice %arg6[%dma_wait3A_2201, %dma_wait3A_2202, %dma_wait3A_2204, %dma_wait3A_2205] : memref<2x2x256x64xf32, #tpu.memory_space<vmem>> -> memref<1x1x256x64xf32, #tpu.memory_space<vmem>>
    %dma_wait3A_2207 = tpu.memref_squeeze %dma_wait3A_2206 : memref<1x1x256x64xf32, #tpu.memory_space<vmem>> -> memref<256x64xf32, #tpu.memory_space<vmem>>
    %dma_wait3A_2208 = arith.constant 0 : i32
    %dma_wait3A_2209 = tpu.memref_slice %arg4[%dma_wait3A_2203, %mul3A_2, %dma_wait3A_2208] : memref<9x8192x128xf32, #tpu.memory_space<hbm>> -> memref<1x256x64xf32, #tpu.memory_space<hbm>>
    %dma_wait3A_2210 = tpu.memref_squeeze %dma_wait3A_2209 : memref<1x256x64xf32, #tpu.memory_space<hbm>> -> memref<256x64xf32, #tpu.memory_space<hbm>>
    %dma_wait3A_2211 = arith.constant 0 : i32
    %dma_wait3A_2212 = tpu.memref_slice %arg4[%dma_wait3A_2203, %mul3A_2, %dma_wait3A_2211] : memref<9x8192x128xf32, #tpu.memory_space<hbm>> -> memref<1x256x64xf32, #tpu.memory_space<hbm>>
    %dma_wait3A_2213 = tpu.memref_squeeze %dma_wait3A_2212 : memref<1x256x64xf32, #tpu.memory_space<hbm>> -> memref<256x64xf32, #tpu.memory_space<hbm>>
    %dma_wait3A_2214 = arith.constant 0 : i32
    %dma_wait3A_2215 = arith.constant 0 : i32
    %dma_wait3A_2216 = tpu.memref_slice %arg6[%dma_wait3A_2201, %dma_wait3A_2202, %dma_wait3A_2214, %dma_wait3A_2215] : memref<2x2x256x64xf32, #tpu.memory_space<vmem>> -> memref<1x1x256x64xf32, #tpu.memory_space<vmem>>
    %dma_wait3A_2217 = tpu.memref_squeeze %dma_wait3A_2216 : memref<1x1x256x64xf32, #tpu.memory_space<vmem>> -> memref<256x64xf32, #tpu.memory_space<vmem>>
    tpu.wait_dma2 semaphore(%arg9 : memref<!tpu.dma_semaphore, #tpu.memory_space<semaphore_mem>>) src(%dma_wait3A_2217 : memref<256x64xf32, #tpu.memory_space<vmem>>) dst(%dma_wait3A_2213 : memref<256x64xf32, #tpu.memory_space<hbm>>)
    %dma_wait3A_2218 = arith.constant 0 : i32
    %dma_wait3A_2219 = arith.constant 1 : i32
    %dma_wait3A_2220 = arith.constant 8 : i32
    %dma_wait3A_2221 = arith.constant 0 : i32
    %dma_wait3A_2222 = arith.constant 0 : i32
    %dma_wait3A_2223 = tpu.memref_slice %arg6[%dma_wait3A_2218, %dma_wait3A_2219, %dma_wait3A_2221, %dma_wait3A_2222] : memref<2x2x256x64xf32, #tpu.memory_space<vmem>> -> memref<1x1x256x64xf32, #tpu.memory_space<vmem>>
    %dma_wait3A_2224 = tpu.memref_squeeze %dma_wait3A_2223 : memref<1x1x256x64xf32, #tpu.memory_space<vmem>> -> memref<256x64xf32, #tpu.memory_space<vmem>>
    %dma_wait3A_2225 = arith.constant 64 : i32
    %dma_wait3A_2226 = tpu.memref_slice %arg4[%dma_wait3A_2220, %mul3A_2, %dma_wait3A_2225] : memref<9x8192x128xf32, #tpu.memory_space<hbm>> -> memref<1x256x64xf32, #tpu.memory_space<hbm>>
    %dma_wait3A_2227 = tpu.memref_squeeze %dma_wait3A_2226 : memref<1x256x64xf32, #tpu.memory_space<hbm>> -> memref<256x64xf32, #tpu.memory_space<hbm>>
    %dma_wait3A_2228 = arith.constant 64 : i32
    %dma_wait3A_2229 = tpu.memref_slice %arg4[%dma_wait3A_2220, %mul3A_2, %dma_wait3A_2228] : memref<9x8192x128xf32, #tpu.memory_space<hbm>> -> memref<1x256x64xf32, #tpu.memory_space<hbm>>
    %dma_wait3A_2230 = tpu.memref_squeeze %dma_wait3A_2229 : memref<1x256x64xf32, #tpu.memory_space<hbm>> -> memref<256x64xf32, #tpu.memory_space<hbm>>
    %dma_wait3A_2231 = arith.constant 0 : i32
    %dma_wait3A_2232 = arith.constant 0 : i32
    %dma_wait3A_2233 = tpu.memref_slice %arg6[%dma_wait3A_2218, %dma_wait3A_2219, %dma_wait3A_2231, %dma_wait3A_2232] : memref<2x2x256x64xf32, #tpu.memory_space<vmem>> -> memref<1x1x256x64xf32, #tpu.memory_space<vmem>>
    %dma_wait3A_2234 = tpu.memref_squeeze %dma_wait3A_2233 : memref<1x1x256x64xf32, #tpu.memory_space<vmem>> -> memref<256x64xf32, #tpu.memory_space<vmem>>
    tpu.wait_dma2 semaphore(%arg9 : memref<!tpu.dma_semaphore, #tpu.memory_space<semaphore_mem>>) src(%dma_wait3A_2234 : memref<256x64xf32, #tpu.memory_space<vmem>>) dst(%dma_wait3A_2230 : memref<256x64xf32, #tpu.memory_space<hbm>>)
    %dma_wait3A_2235 = arith.constant 1 : i32
    %dma_wait3A_2236 = arith.constant 0 : i32
    %dma_wait3A_2237 = arith.constant 7 : i32
    %dma_wait3A_2238 = arith.constant 0 : i32
    %dma_wait3A_2239 = arith.constant 0 : i32
    %dma_wait3A_2240 = tpu.memref_slice %arg6[%dma_wait3A_2235, %dma_wait3A_2236, %dma_wait3A_2238, %dma_wait3A_2239] : memref<2x2x256x64xf32, #tpu.memory_space<vmem>> -> memref<1x1x256x64xf32, #tpu.memory_space<vmem>>
    %dma_wait3A_2241 = tpu.memref_squeeze %dma_wait3A_2240 : memref<1x1x256x64xf32, #tpu.memory_space<vmem>> -> memref<256x64xf32, #tpu.memory_space<vmem>>
    %dma_wait3A_2242 = arith.constant 0 : i32
    %dma_wait3A_2243 = tpu.memref_slice %arg4[%dma_wait3A_2237, %mul3A_2, %dma_wait3A_2242] : memref<9x8192x128xf32, #tpu.memory_space<hbm>> -> memref<1x256x64xf32, #tpu.memory_space<hbm>>
    %dma_wait3A_2244 = tpu.memref_squeeze %dma_wait3A_2243 : memref<1x256x64xf32, #tpu.memory_space<hbm>> -> memref<256x64xf32, #tpu.memory_space<hbm>>
    %dma_wait3A_2245 = arith.constant 0 : i32
    %dma_wait3A_2246 = tpu.memref_slice %arg4[%dma_wait3A_2237, %mul3A_2, %dma_wait3A_2245] : memref<9x8192x128xf32, #tpu.memory_space<hbm>> -> memref<1x256x64xf32, #tpu.memory_space<hbm>>
    %dma_wait3A_2247 = tpu.memref_squeeze %dma_wait3A_2246 : memref<1x256x64xf32, #tpu.memory_space<hbm>> -> memref<256x64xf32, #tpu.memory_space<hbm>>
    %dma_wait3A_2248 = arith.constant 0 : i32
    %dma_wait3A_2249 = arith.constant 0 : i32
    %dma_wait3A_2250 = tpu.memref_slice %arg6[%dma_wait3A_2235, %dma_wait3A_2236, %dma_wait3A_2248, %dma_wait3A_2249] : memref<2x2x256x64xf32, #tpu.memory_space<vmem>> -> memref<1x1x256x64xf32, #tpu.memory_space<vmem>>
    %dma_wait3A_2251 = tpu.memref_squeeze %dma_wait3A_2250 : memref<1x1x256x64xf32, #tpu.memory_space<vmem>> -> memref<256x64xf32, #tpu.memory_space<vmem>>
    tpu.wait_dma2 semaphore(%arg10 : memref<!tpu.dma_semaphore, #tpu.memory_space<semaphore_mem>>) src(%dma_wait3A_2251 : memref<256x64xf32, #tpu.memory_space<vmem>>) dst(%dma_wait3A_2247 : memref<256x64xf32, #tpu.memory_space<hbm>>)
    %dma_wait3A_2252 = arith.constant 1 : i32
    %dma_wait3A_2253 = arith.constant 1 : i32
    %dma_wait3A_2254 = arith.constant 7 : i32
    %dma_wait3A_2255 = arith.constant 0 : i32
    %dma_wait3A_2256 = arith.constant 0 : i32
    %dma_wait3A_2257 = tpu.memref_slice %arg6[%dma_wait3A_2252, %dma_wait3A_2253, %dma_wait3A_2255, %dma_wait3A_2256] : memref<2x2x256x64xf32, #tpu.memory_space<vmem>> -> memref<1x1x256x64xf32, #tpu.memory_space<vmem>>
    %dma_wait3A_2258 = tpu.memref_squeeze %dma_wait3A_2257 : memref<1x1x256x64xf32, #tpu.memory_space<vmem>> -> memref<256x64xf32, #tpu.memory_space<vmem>>
    %dma_wait3A_2259 = arith.constant 64 : i32
    %dma_wait3A_2260 = tpu.memref_slice %arg4[%dma_wait3A_2254, %mul3A_2, %dma_wait3A_2259] : memref<9x8192x128xf32, #tpu.memory_space<hbm>> -> memref<1x256x64xf32, #tpu.memory_space<hbm>>
    %dma_wait3A_2261 = tpu.memref_squeeze %dma_wait3A_2260 : memref<1x256x64xf32, #tpu.memory_space<hbm>> -> memref<256x64xf32, #tpu.memory_space<hbm>>
    %dma_wait3A_2262 = arith.constant 64 : i32
    %dma_wait3A_2263 = tpu.memref_slice %arg4[%dma_wait3A_2254, %mul3A_2, %dma_wait3A_2262] : memref<9x8192x128xf32, #tpu.memory_space<hbm>> -> memref<1x256x64xf32, #tpu.memory_space<hbm>>
    %dma_wait3A_2264 = tpu.memref_squeeze %dma_wait3A_2263 : memref<1x256x64xf32, #tpu.memory_space<hbm>> -> memref<256x64xf32, #tpu.memory_space<hbm>>
    %dma_wait3A_2265 = arith.constant 0 : i32
    %dma_wait3A_2266 = arith.constant 0 : i32
    %dma_wait3A_2267 = tpu.memref_slice %arg6[%dma_wait3A_2252, %dma_wait3A_2253, %dma_wait3A_2265, %dma_wait3A_2266] : memref<2x2x256x64xf32, #tpu.memory_space<vmem>> -> memref<1x1x256x64xf32, #tpu.memory_space<vmem>>
    %dma_wait3A_2268 = tpu.memref_squeeze %dma_wait3A_2267 : memref<1x1x256x64xf32, #tpu.memory_space<vmem>> -> memref<256x64xf32, #tpu.memory_space<vmem>>
    tpu.wait_dma2 semaphore(%arg10 : memref<!tpu.dma_semaphore, #tpu.memory_space<semaphore_mem>>) src(%dma_wait3A_2268 : memref<256x64xf32, #tpu.memory_space<vmem>>) dst(%dma_wait3A_2264 : memref<256x64xf32, #tpu.memory_space<hbm>>)
    return
  }
}

module attributes {stable_mosaic.version = 14 : i64} {
  func.func @_mm_body(%arg0: i32, %arg1: memref<9x2048x128xf32, #tpu.memory_space<vmem>>, %arg2: memref<9x128x256xbf16, #tpu.memory_space<vmem>>, %arg3: memref<1x256xf32, #tpu.memory_space<vmem>>, %arg4: memref<2x2048x128xf32, #tpu.memory_space<vmem>>) attributes {dimension_semantics = [#tpu.dimension_semantics<arbitrary>], iteration_bounds = array<i64: 4>, scalar_prefetch = 0 : i64, scratch_operands = 0 : i64, tpu.core_type = #tpu.core_type<tc>, window_params = [{transform_indices = @transform_0, window_bounds = array<i64: 9, 2048, 128>}, {pipeline_mode = #tpu.pipeline_mode<synchronous>, transform_indices = @transform_1, window_bounds = array<i64: 9, 128, 256>}, {pipeline_mode = #tpu.pipeline_mode<synchronous>, transform_indices = @transform_2, window_bounds = array<i64: 1, 256>}, {transform_indices = @transform_3, window_bounds = array<i64: 2, 2048, 128>}]} {
    %get3A = arith.constant 0 : index
    %get3A_0 = arith.constant 0 : index
    %get3A_1 = arith.constant 0 : index
    %get3A_2 = vector.load %arg1[%get3A, %get3A_0, %get3A_1] : memref<9x2048x128xf32, #tpu.memory_space<vmem>>, vector<1x2048x128xf32>
    %get3A_3 = vector.shape_cast %get3A_2 : vector<1x2048x128xf32> to vector<2048x128xf32>
    %convert_element_type3A = arith.truncf %get3A_3 : vector<2048x128xf32> to vector<2048x128xbf16>
    %get3A_4 = arith.constant 0 : index
    %get3A_5 = arith.constant 0 : index
    %get3A_6 = arith.constant 0 : index
    %get3A_7 = vector.load %arg2[%get3A_4, %get3A_5, %get3A_6] : memref<9x128x256xbf16, #tpu.memory_space<vmem>>, vector<1x128x256xbf16>
    %get3A_8 = vector.shape_cast %get3A_7 : vector<1x128x256xbf16> to vector<128x256xbf16>
    %dot_general3A = arith.constant dense<0.000000e+00> : vector<2048x256xf32>
    %dot_general3A_9 = tpu.matmul %convert_element_type3A, %get3A_8, %dot_general3A {dimension_numbers = #tpu.dot_dimension_numbers<[1], [0], [0], [1], [0, 0, 1, 1], [], []>, transpose_lhs_hint = false} : vector<2048x128xbf16>, vector<128x256xbf16>, vector<2048x256xf32> -> vector<2048x256xf32>
    %get3A_10 = arith.constant 1 : index
    %get3A_11 = arith.constant 0 : index
    %get3A_12 = arith.constant 0 : index
    %get3A_13 = vector.load %arg1[%get3A_10, %get3A_11, %get3A_12] : memref<9x2048x128xf32, #tpu.memory_space<vmem>>, vector<1x2048x128xf32>
    %get3A_14 = vector.shape_cast %get3A_13 : vector<1x2048x128xf32> to vector<2048x128xf32>
    %convert_element_type3A_15 = arith.truncf %get3A_14 : vector<2048x128xf32> to vector<2048x128xbf16>
    %get3A_16 = arith.constant 1 : index
    %get3A_17 = arith.constant 0 : index
    %get3A_18 = arith.constant 0 : index
    %get3A_19 = vector.load %arg2[%get3A_16, %get3A_17, %get3A_18] : memref<9x128x256xbf16, #tpu.memory_space<vmem>>, vector<1x128x256xbf16>
    %get3A_20 = vector.shape_cast %get3A_19 : vector<1x128x256xbf16> to vector<128x256xbf16>
    %dot_general3A_21 = arith.constant dense<0.000000e+00> : vector<2048x256xf32>
    %dot_general3A_22 = tpu.matmul %convert_element_type3A_15, %get3A_20, %dot_general3A_21 {dimension_numbers = #tpu.dot_dimension_numbers<[1], [0], [0], [1], [0, 0, 1, 1], [], []>, transpose_lhs_hint = false} : vector<2048x128xbf16>, vector<128x256xbf16>, vector<2048x256xf32> -> vector<2048x256xf32>
    %add3A = arith.addf %dot_general3A_9, %dot_general3A_22 : vector<2048x256xf32>
    %get3A_23 = arith.constant 2 : index
    %get3A_24 = arith.constant 0 : index
    %get3A_25 = arith.constant 0 : index
    %get3A_26 = vector.load %arg1[%get3A_23, %get3A_24, %get3A_25] : memref<9x2048x128xf32, #tpu.memory_space<vmem>>, vector<1x2048x128xf32>
    %get3A_27 = vector.shape_cast %get3A_26 : vector<1x2048x128xf32> to vector<2048x128xf32>
    %convert_element_type3A_28 = arith.truncf %get3A_27 : vector<2048x128xf32> to vector<2048x128xbf16>
    %get3A_29 = arith.constant 2 : index
    %get3A_30 = arith.constant 0 : index
    %get3A_31 = arith.constant 0 : index
    %get3A_32 = vector.load %arg2[%get3A_29, %get3A_30, %get3A_31] : memref<9x128x256xbf16, #tpu.memory_space<vmem>>, vector<1x128x256xbf16>
    %get3A_33 = vector.shape_cast %get3A_32 : vector<1x128x256xbf16> to vector<128x256xbf16>
    %dot_general3A_34 = arith.constant dense<0.000000e+00> : vector<2048x256xf32>
    %dot_general3A_35 = tpu.matmul %convert_element_type3A_28, %get3A_33, %dot_general3A_34 {dimension_numbers = #tpu.dot_dimension_numbers<[1], [0], [0], [1], [0, 0, 1, 1], [], []>, transpose_lhs_hint = false} : vector<2048x128xbf16>, vector<128x256xbf16>, vector<2048x256xf32> -> vector<2048x256xf32>
    %add3A_36 = arith.addf %add3A, %dot_general3A_35 : vector<2048x256xf32>
    %get3A_37 = arith.constant 3 : index
    %get3A_38 = arith.constant 0 : index
    %get3A_39 = arith.constant 0 : index
    %get3A_40 = vector.load %arg1[%get3A_37, %get3A_38, %get3A_39] : memref<9x2048x128xf32, #tpu.memory_space<vmem>>, vector<1x2048x128xf32>
    %get3A_41 = vector.shape_cast %get3A_40 : vector<1x2048x128xf32> to vector<2048x128xf32>
    %convert_element_type3A_42 = arith.truncf %get3A_41 : vector<2048x128xf32> to vector<2048x128xbf16>
    %get3A_43 = arith.constant 3 : index
    %get3A_44 = arith.constant 0 : index
    %get3A_45 = arith.constant 0 : index
    %get3A_46 = vector.load %arg2[%get3A_43, %get3A_44, %get3A_45] : memref<9x128x256xbf16, #tpu.memory_space<vmem>>, vector<1x128x256xbf16>
    %get3A_47 = vector.shape_cast %get3A_46 : vector<1x128x256xbf16> to vector<128x256xbf16>
    %dot_general3A_48 = arith.constant dense<0.000000e+00> : vector<2048x256xf32>
    %dot_general3A_49 = tpu.matmul %convert_element_type3A_42, %get3A_47, %dot_general3A_48 {dimension_numbers = #tpu.dot_dimension_numbers<[1], [0], [0], [1], [0, 0, 1, 1], [], []>, transpose_lhs_hint = false} : vector<2048x128xbf16>, vector<128x256xbf16>, vector<2048x256xf32> -> vector<2048x256xf32>
    %add3A_50 = arith.addf %add3A_36, %dot_general3A_49 : vector<2048x256xf32>
    %get3A_51 = arith.constant 4 : index
    %get3A_52 = arith.constant 0 : index
    %get3A_53 = arith.constant 0 : index
    %get3A_54 = vector.load %arg1[%get3A_51, %get3A_52, %get3A_53] : memref<9x2048x128xf32, #tpu.memory_space<vmem>>, vector<1x2048x128xf32>
    %get3A_55 = vector.shape_cast %get3A_54 : vector<1x2048x128xf32> to vector<2048x128xf32>
    %convert_element_type3A_56 = arith.truncf %get3A_55 : vector<2048x128xf32> to vector<2048x128xbf16>
    %get3A_57 = arith.constant 4 : index
    %get3A_58 = arith.constant 0 : index
    %get3A_59 = arith.constant 0 : index
    %get3A_60 = vector.load %arg2[%get3A_57, %get3A_58, %get3A_59] : memref<9x128x256xbf16, #tpu.memory_space<vmem>>, vector<1x128x256xbf16>
    %get3A_61 = vector.shape_cast %get3A_60 : vector<1x128x256xbf16> to vector<128x256xbf16>
    %dot_general3A_62 = arith.constant dense<0.000000e+00> : vector<2048x256xf32>
    %dot_general3A_63 = tpu.matmul %convert_element_type3A_56, %get3A_61, %dot_general3A_62 {dimension_numbers = #tpu.dot_dimension_numbers<[1], [0], [0], [1], [0, 0, 1, 1], [], []>, transpose_lhs_hint = false} : vector<2048x128xbf16>, vector<128x256xbf16>, vector<2048x256xf32> -> vector<2048x256xf32>
    %add3A_64 = arith.addf %add3A_50, %dot_general3A_63 : vector<2048x256xf32>
    %get3A_65 = arith.constant 5 : index
    %get3A_66 = arith.constant 0 : index
    %get3A_67 = arith.constant 0 : index
    %get3A_68 = vector.load %arg1[%get3A_65, %get3A_66, %get3A_67] : memref<9x2048x128xf32, #tpu.memory_space<vmem>>, vector<1x2048x128xf32>
    %get3A_69 = vector.shape_cast %get3A_68 : vector<1x2048x128xf32> to vector<2048x128xf32>
    %convert_element_type3A_70 = arith.truncf %get3A_69 : vector<2048x128xf32> to vector<2048x128xbf16>
    %get3A_71 = arith.constant 5 : index
    %get3A_72 = arith.constant 0 : index
    %get3A_73 = arith.constant 0 : index
    %get3A_74 = vector.load %arg2[%get3A_71, %get3A_72, %get3A_73] : memref<9x128x256xbf16, #tpu.memory_space<vmem>>, vector<1x128x256xbf16>
    %get3A_75 = vector.shape_cast %get3A_74 : vector<1x128x256xbf16> to vector<128x256xbf16>
    %dot_general3A_76 = arith.constant dense<0.000000e+00> : vector<2048x256xf32>
    %dot_general3A_77 = tpu.matmul %convert_element_type3A_70, %get3A_75, %dot_general3A_76 {dimension_numbers = #tpu.dot_dimension_numbers<[1], [0], [0], [1], [0, 0, 1, 1], [], []>, transpose_lhs_hint = false} : vector<2048x128xbf16>, vector<128x256xbf16>, vector<2048x256xf32> -> vector<2048x256xf32>
    %add3A_78 = arith.addf %add3A_64, %dot_general3A_77 : vector<2048x256xf32>
    %get3A_79 = arith.constant 6 : index
    %get3A_80 = arith.constant 0 : index
    %get3A_81 = arith.constant 0 : index
    %get3A_82 = vector.load %arg1[%get3A_79, %get3A_80, %get3A_81] : memref<9x2048x128xf32, #tpu.memory_space<vmem>>, vector<1x2048x128xf32>
    %get3A_83 = vector.shape_cast %get3A_82 : vector<1x2048x128xf32> to vector<2048x128xf32>
    %convert_element_type3A_84 = arith.truncf %get3A_83 : vector<2048x128xf32> to vector<2048x128xbf16>
    %get3A_85 = arith.constant 6 : index
    %get3A_86 = arith.constant 0 : index
    %get3A_87 = arith.constant 0 : index
    %get3A_88 = vector.load %arg2[%get3A_85, %get3A_86, %get3A_87] : memref<9x128x256xbf16, #tpu.memory_space<vmem>>, vector<1x128x256xbf16>
    %get3A_89 = vector.shape_cast %get3A_88 : vector<1x128x256xbf16> to vector<128x256xbf16>
    %dot_general3A_90 = arith.constant dense<0.000000e+00> : vector<2048x256xf32>
    %dot_general3A_91 = tpu.matmul %convert_element_type3A_84, %get3A_89, %dot_general3A_90 {dimension_numbers = #tpu.dot_dimension_numbers<[1], [0], [0], [1], [0, 0, 1, 1], [], []>, transpose_lhs_hint = false} : vector<2048x128xbf16>, vector<128x256xbf16>, vector<2048x256xf32> -> vector<2048x256xf32>
    %add3A_92 = arith.addf %add3A_78, %dot_general3A_91 : vector<2048x256xf32>
    %get3A_93 = arith.constant 7 : index
    %get3A_94 = arith.constant 0 : index
    %get3A_95 = arith.constant 0 : index
    %get3A_96 = vector.load %arg1[%get3A_93, %get3A_94, %get3A_95] : memref<9x2048x128xf32, #tpu.memory_space<vmem>>, vector<1x2048x128xf32>
    %get3A_97 = vector.shape_cast %get3A_96 : vector<1x2048x128xf32> to vector<2048x128xf32>
    %convert_element_type3A_98 = arith.truncf %get3A_97 : vector<2048x128xf32> to vector<2048x128xbf16>
    %get3A_99 = arith.constant 7 : index
    %get3A_100 = arith.constant 0 : index
    %get3A_101 = arith.constant 0 : index
    %get3A_102 = vector.load %arg2[%get3A_99, %get3A_100, %get3A_101] : memref<9x128x256xbf16, #tpu.memory_space<vmem>>, vector<1x128x256xbf16>
    %get3A_103 = vector.shape_cast %get3A_102 : vector<1x128x256xbf16> to vector<128x256xbf16>
    %dot_general3A_104 = arith.constant dense<0.000000e+00> : vector<2048x256xf32>
    %dot_general3A_105 = tpu.matmul %convert_element_type3A_98, %get3A_103, %dot_general3A_104 {dimension_numbers = #tpu.dot_dimension_numbers<[1], [0], [0], [1], [0, 0, 1, 1], [], []>, transpose_lhs_hint = false} : vector<2048x128xbf16>, vector<128x256xbf16>, vector<2048x256xf32> -> vector<2048x256xf32>
    %add3A_106 = arith.addf %add3A_92, %dot_general3A_105 : vector<2048x256xf32>
    %get3A_107 = arith.constant 8 : index
    %get3A_108 = arith.constant 0 : index
    %get3A_109 = arith.constant 0 : index
    %get3A_110 = vector.load %arg1[%get3A_107, %get3A_108, %get3A_109] : memref<9x2048x128xf32, #tpu.memory_space<vmem>>, vector<1x2048x128xf32>
    %get3A_111 = vector.shape_cast %get3A_110 : vector<1x2048x128xf32> to vector<2048x128xf32>
    %convert_element_type3A_112 = arith.truncf %get3A_111 : vector<2048x128xf32> to vector<2048x128xbf16>
    %get3A_113 = arith.constant 8 : index
    %get3A_114 = arith.constant 0 : index
    %get3A_115 = arith.constant 0 : index
    %get3A_116 = vector.load %arg2[%get3A_113, %get3A_114, %get3A_115] : memref<9x128x256xbf16, #tpu.memory_space<vmem>>, vector<1x128x256xbf16>
    %get3A_117 = vector.shape_cast %get3A_116 : vector<1x128x256xbf16> to vector<128x256xbf16>
    %dot_general3A_118 = arith.constant dense<0.000000e+00> : vector<2048x256xf32>
    %dot_general3A_119 = tpu.matmul %convert_element_type3A_112, %get3A_117, %dot_general3A_118 {dimension_numbers = #tpu.dot_dimension_numbers<[1], [0], [0], [1], [0, 0, 1, 1], [], []>, transpose_lhs_hint = false} : vector<2048x128xbf16>, vector<128x256xbf16>, vector<2048x256xf32> -> vector<2048x256xf32>
    %add3A_120 = arith.addf %add3A_106, %dot_general3A_119 : vector<2048x256xf32>
    %get3A_121 = arith.constant 0 : index
    %get3A_122 = arith.constant 0 : index
    %get3A_123 = vector.load %arg3[%get3A_121, %get3A_122] : memref<1x256xf32, #tpu.memory_space<vmem>>, vector<1x256xf32>
    %add3A_124 = vector.broadcast %get3A_123 : vector<1x256xf32> to vector<2048x256xf32>
    %add3A_125 = arith.addf %add3A_120, %add3A_124 : vector<2048x256xf32>
    %slice3A = vector.extract_strided_slice %add3A_125 {offsets = [0, 0], sizes = [2048, 128], strides = [1, 1]} : vector<2048x256xf32> to vector<2048x128xf32>
    %swap3A = arith.constant 0 : index
    %swap3A_126 = arith.constant 0 : index
    %swap3A_127 = arith.constant 0 : index
    %swap3A_128 = vector.load %arg4[%swap3A, %swap3A_126, %swap3A_127] : memref<2x2048x128xf32, #tpu.memory_space<vmem>>, vector<1x2048x128xf32>
    %swap3A_129 = vector.shape_cast %swap3A_128 : vector<1x2048x128xf32> to vector<2048x128xf32>
    %swap3A_130 = vector.shape_cast %slice3A : vector<2048x128xf32> to vector<1x2048x128xf32>
    tpu.vector_store %arg4[%swap3A, %swap3A_126, %swap3A_127], %swap3A_130 {strides = array<i32>} : memref<2x2048x128xf32, #tpu.memory_space<vmem>>, vector<1x2048x128xf32>,
    %slice3A_131 = vector.extract_strided_slice %add3A_125 {offsets = [0, 128], sizes = [2048, 128], strides = [1, 1]} : vector<2048x256xf32> to vector<2048x128xf32>
    %swap3A_132 = arith.constant 1 : index
    %swap3A_133 = arith.constant 0 : index
    %swap3A_134 = arith.constant 0 : index
    %swap3A_135 = vector.load %arg4[%swap3A_132, %swap3A_133, %swap3A_134] : memref<2x2048x128xf32, #tpu.memory_space<vmem>>, vector<1x2048x128xf32>
    %swap3A_136 = vector.shape_cast %swap3A_135 : vector<1x2048x128xf32> to vector<2048x128xf32>
    %swap3A_137 = vector.shape_cast %slice3A_131 : vector<2048x128xf32> to vector<1x2048x128xf32>
    tpu.vector_store %arg4[%swap3A_132, %swap3A_133, %swap3A_134], %swap3A_137 {strides = array<i32>} : memref<2x2048x128xf32, #tpu.memory_space<vmem>>, vector<1x2048x128xf32>,
    return
  }
  func.func @transform_0(%arg0: i32) -> (i32, i32, i32) {
    %c0_i32 = arith.constant 0 : i32
    %c0_i32_0 = arith.constant 0 : i32
    %c0_i32_1 = arith.constant 0 : i32
    return %c0_i32, %arg0, %c0_i32_0 : i32, i32, i32
  }
  func.func @transform_1(%arg0: i32) -> (i32, i32, i32) {
    %c0_i32 = arith.constant 0 : i32
    %c0_i32_0 = arith.constant 0 : i32
    %c0_i32_1 = arith.constant 0 : i32
    %c0_i32_2 = arith.constant 0 : i32
    return %c0_i32, %c0_i32_0, %c0_i32_1 : i32, i32, i32
  }
  func.func @transform_2(%arg0: i32) -> (i32, i32) {
    %c0_i32 = arith.constant 0 : i32
    %c0_i32_0 = arith.constant 0 : i32
    %c0_i32_1 = arith.constant 0 : i32
    return %c0_i32, %c0_i32_0 : i32, i32
  }
  func.func @transform_3(%arg0: i32) -> (i32, i32, i32) {
    %c0_i32 = arith.constant 0 : i32
    %c0_i32_0 = arith.constant 0 : i32
    %c0_i32_1 = arith.constant 0 : i32
    return %c0_i32, %arg0, %c0_i32_0 : i32, i32, i32
  }
}

</mosaic_0001>

<sc_bundles>
// kernel: kernel.4.cloned.1.call-start
scs
__scs_entry_jumppad:
0x0: {  	(pc) =	sbr.rel $0x88, $3  }
0x1: {  	(tag) =	ssettag $0x0;
	lr =	simm.s32 $0x1  }
0x2: {  	[smem:$0x3F9D] =	sst lr;
	_ =	strace $0xD0000000  }
0x3: {  	_ = 	snop  }
0x4: {  	_ = 	snop  }
0x5: {  	_ = 	snop  }
0x6: {  	_ = 	snop  }
0x7: {  	_ = 	snop  }
__scs_overlays_trampoline_lowered:
0x8: {  	[smem:$0x3FAC] =	sst s0  }
0x9: {  	[smem:$0x3FAD] =	sst s1  }
0xa: {  	[smem:$0x3FAE] =	sst s2  }
0xb: {  	[smem:$0x3FAF] =	sst s3  }
0xc: {  	[smem:$0x3FB0] =	sst s4  }
0xd: {  	[smem:$0x3FB1] =	sst s5  }
0xe: {  	[smem:$0x3FB2] =	sst s6  }
0xf: {  	[smem:$0x3FB3] =	sst s7  }
0x10: {  	[smem:$0x3FB4] =	sst s8  }
0x11: {  	[smem:$0x3FB5] =	sst s9;
	s0 =	simm.s32 @!p0 $0x0  }
0x12: {  	s1 =	sld [smem:$0x3F9B];
	s0 =	simm.s32 @p0 $0x1  }
0x13: {  	[smem:$0x3FB6] =	sst s0;
	s0 =	simm.s32 @!p1 $0x0  }
0x14: {  	s2 =	sld [smem:$0x3F9A];
	s0 =	simm.s32 @p1 $0x1  }
0x15: {  	[smem:$0x3FB7] =	sst s0;
	s0 =	simm.s32 @!p2 $0x0  }
0x16: {  	s3 =	sld [smem:$0x3FDB];
	s0 =	simm.s32 @p2 $0x1  }
0x17: {  	s4 =	simm.s32 $0x1BF5;
	[smem:$0x3FB9] =	sst s0  }
0x18: {  	s0 =	sld [smem:$0x3F9C];
	_ =	swait.ge [sflag:s4], $0x0  }
0x19: {  	s7 =	sld [smem:$0x3F9D]  }
0x1a: {  	s8 =	sadd.s32 $0xFFFFE003, lr  }
0x1b: {  	s9 =	sadd.s32 $0xFFFFFEF7, lr;
	s5 =	simm.s32 $0xFFFFFFFF;
	p2 =	slt.u32 s8, $0xFFFFF086  }
0x1c: {  	p1 =	slt.u32 s9, $0xF7A;
	s5 =	simm.s32 @!p2 $0x0  }
0x1d: {  	s5 =	simm.s32 @p1 $0x1;
	p0 =	seq.s32 s7, s2  }
0x1e: {  	s7 =	smul.u32 @!p0 $0xF7A, s2;
	p2 =	seq.s32 @!p0 s5, $0x0  }
0x1f: {  	s9 =	smul.u32 $0xF7A, s1;
	s8 =	simm.s32 @!p0 $0x1BF5;
	p2 =	por !p2, p0  }
0x20: {  	[sflag:s8] =	ssyncset.s32 @!p0 $0xFFFFF086;
	s6 =	sadd.s32 @!p0 s3, s7;
	s7 =	simm.s32 @!p0 $0x108  }
0x21: {  	s3 =	sadd.s32 s3, s9;
	s6 =	sadd.s32 @!p0 $0x88, s6;
	s7 =	simm.s32 @p2 $0x1082  }
0x22: {  	[simem:s7], [sflag:s8] =	dma.local @!p0 [hbm:s6], $0xF7A  }
0x23: {  	s9 =	sor.u32 $0xD0000000, s2;
	s6 =	simm.s32 $0x108;
	_ =	swait.ge @!p0 [sflag:s8], $0x0  }
0x24: {  	s3 =	sadd.s32 $0x88, s3;
	s6 =	simm.s32 @!p1 $0x1082;
	[sflag:s4] =	ssyncset.s32 $0xFFFFF086  }
0x25: {  	[simem:s6], [sflag:s4] =	dma.local [hbm:s3], $0xF7A  }
0x26: {  	[smem:$0x3F9D] =	sst s1;
	(tag) =	ssettag s2;
	_ =	strace s9  }
0x27: {  	s1 =	sld [smem:$0x3FAD]  }
0x28: {  	s2 =	sld [smem:$0x3FAE]  }
0x29: {  	s4 =	sld [smem:$0x3FB0]  }
0x2a: {  	p0 =	seq.s32 s5, $0x0;
	s5 =	sld [smem:$0x3FB1]  }
0x2b: {  	s6 =	sld [smem:$0x3FB2]  }
0x2c: {  	s7 =	sld [smem:$0x3FB3]  }
0x2d: {  	s3 =	simm.s32 $0x108;
	s8 =	sld [smem:$0x3FB4]  }
0x2e: {  	s3 =	simm.s32 @!p0 $0x1082;
	s9 =	sld [smem:$0x3FB5]  }
0x2f: {  	lr =	sadd.s32 s0, s3;
	s0 =	sld [smem:$0x3FAC]  }
0x30: {  	s3 =	sld [smem:$0x3FAF]  }
0x31: {  	[smem:$0x3FB8] =	sst s10  }
0x32: {  	s10 =	sld [smem:$0x3FB6];
	_ =	sdelay $0x3  }
0x33: {  	p0 =	seq.s32 s10, $0x1;
	s10 =	sld [smem:$0x3FB8];
	_ =	sdelay $0x3  }
0x34: {  	[smem:$0x3FB8] =	sst s10  }
0x35: {  	s10 =	sld [smem:$0x3FB7];
	_ =	sdelay $0x3  }
0x36: {  	p1 =	seq.s32 s10, $0x1;
	s10 =	sld [smem:$0x3FB8];
	_ =	sdelay $0x3  }
0x37: {  	[smem:$0x3FB8] =	sst s10  }
0x38: {  	s10 =	sld [smem:$0x3FB9]  }
0x39: {  	_ = 	snop;
	(pc) =	sbr.ind lr, $3  }
0x3a: {  	_ = 	snop  }
0x3b: {  	_ = 	snop  }
0x3c: {  	p2 =	seq.s32 s10, $0x1;
	s10 =	sld [smem:$0x3FB8]  }
0x3d: {  	_ =	shalt  }
0x3e: {  	_ =	shalt  }
0x3f: {  	_ =	shalt  }
0x40: {  	_ =	shalt  }
0x41: {  	_ =	shalt  }
0x42: {  	_ =	shalt  }
0x43: {  	_ =	shalt  }
0x44: {  	_ =	shalt  }
0x45: {  	_ =	shalt  }
0x46: {  	_ =	shalt  }
0x47: {  	_ =	shalt  }
0x48: {  	_ =	shalt  }
0x49: {  	_ =	shalt  }
0x4a: {  	_ =	shalt  }
0x4b: {  	_ =	shalt  }
0x4c: {  	_ =	shalt  }
0x4d: {  	_ =	shalt  }
0x4e: {  	_ =	shalt  }
0x4f: {  	_ =	shalt  }
0x50: {  	_ =	shalt  }
0x51: {  	_ =	shalt  }
0x52: {  	_ =	shalt  }
0x53: {  	_ =	shalt  }
0x54: {  	_ =	shalt  }
0x55: {  	_ =	shalt  }
0x56: {  	_ =	shalt  }
0x57: {  	_ =	shalt  }
0x58: {  	_ =	shalt  }
0x59: {  	_ =	shalt  }
0x5a: {  	_ =	shalt  }
0x5b: {  	_ =	shalt  }
0x5c: {  	_ =	shalt  }
0x5d: {  	_ =	shalt  }
0x5e: {  	_ =	shalt  }
0x5f: {  	_ =	shalt  }
0x60: {  	_ =	shalt  }
0x61: {  	_ =	shalt  }
0x62: {  	_ =	shalt  }
0x63: {  	_ =	shalt  }
0x64: {  	_ =	shalt  }
0x65: {  	_ =	shalt  }
0x66: {  	_ =	shalt  }
0x67: {  	_ =	shalt  }
0x68: {  	_ =	shalt  }
0x69: {  	_ =	shalt  }
0x6a: {  	_ =	shalt  }
0x6b: {  	_ =	shalt  }
0x6c: {  	_ =	shalt  }
0x6d: {  	_ =	shalt  }
0x6e: {  	_ =	shalt  }
0x6f: {  	_ =	shalt  }
0x70: {  	_ =	shalt  }
0x71: {  	_ =	shalt  }
0x72: {  	_ =	shalt  }
0x73: {  	_ =	shalt  }
0x74: {  	_ =	shalt  }
0x75: {  	_ =	shalt  }
0x76: {  	_ =	shalt  }
0x77: {  	_ =	shalt  }
0x78: {  	_ =	shalt  }
0x79: {  	_ =	shalt  }
0x7a: {  	_ =	shalt  }
0x7b: {  	_ =	shalt  }
0x7c: {  	_ =	shalt  }
0x7d: {  	_ =	shalt  }
0x7e: {  	_ =	shalt  }
0x7f: {  	_ =	shalt  }
0x80: {  	_ =	shalt  }
0x81: {  	_ =	shalt  }
0x82: {  	_ =	shalt  }
0x83: {  	_ =	shalt  }
0x84: {  	_ =	shalt  }
0x85: {  	_ =	shalt  }
0x86: {  	_ =	shalt  }
0x87: {  	_ =	shalt  }
.Lfunc_end0:
.L_simem_size_0:
called_computation_lowered:
.L_overlay_start_0:
0x88: {  	s2 =	sld [smem:$0x3FD9]  }
0x89: {  	s3 =	sld [smem:$0x3FFE];
	_ =	sdelay $0x1  }
0x8a: {  	s1 =	srdreg.scid  }
0x8b: {  	s0 =	sand.u32 $0x1, s1  }
0x8c: {  	s17 =	sshll.u32 s0, $0xA;
	s2 =	sadd.s32 s3, s2  }
0x8d: {  	s2 =	sadd.s32 s2, s17  }
0x8e: {  	[smem:$0x3FC4] =	sst s2  }
0x8f: {  	_ = 	snop  }
0x90: {  	s2 =	sld [smem:$0x3FD0];
	(tm) =	ssettm $0x1  }
0x91: {  	s18 =	sld [smem:$0x3FFB];
	_ =	sdelay $0x3  }
0x92: {  	_ =	strace s18  }
0x93: {  	s3 =	sld [smem:$0x3FFC];
	_ =	sdelay $0x3  }
0x94: {  	_ =	strace s3  }
0x95: {  	s3 =	sld [smem:$0x3FFD];
	_ =	sdelay $0x3  }
0x96: {  	_ =	strace s3  }
0x97: {  	_ =	strace $0x8FFFFFFF  }
0x98: {  	s19 =	sld [smem:$0x3FDB];
	_ =	sdelay $0x1  }
0x99: {  	s4 =	simm.s32 $_scs_section_size  }
0x9a: {  	s5 =	simm.s32 $_size__tile_overlayer_lowered;
	s6 =	simm.s32 $_tile_overlayer_lowered  }
0x9b: {  	s22 =	simm.s32 $0x1BFF;
	s21 =	sshll.u32 s6, $0x1;
	s3 =	sadd.s32 s4, s19  }
0x9c: {  	s7 =	simm.s32 $0x0;
	s20 =	sshll.u32 s5, $0x1;
	s5 =	sadd.s32 s21, s3  }
0x9d: {  	[timem:s7], [sflag:s22] =	dma.local [hbm:s5], s20  }
0x9e: {  	_ =	swait.ge [sflag:s22], s20  }
0x9f: {  	s4 =	ssub.s32 $0x0, s20;
	[sflag:s22] =	ssyncset.done $0x0  }
0xa0: {  	[sflag:s22] =	ssyncadd.s32 s4;
	_ =	sdelay $0x1  }
0xa1: {  	s23 =	simm.s32 $0x1B8B  }
0xa2: {  	_ =	swait.ge [sflag:s23], $0x1  }
0xa3: {  	[sflag:s23] =	ssyncset.done $0x0  }
0xa4: {  	s25 =	simm.s32 $0x1B8E;
	s24 =	sld [smem:$0x3FFE];
	[sflag:s23] =	ssyncadd.s32 $0xFFFFFFFF  }
0xa5: {  	s26 =	simm.s32 $execute0_lowered;
	[smem:$0x3FD2] =	sst s25  }
0xa6: {  	s5 =	sshll.u32 s26, $0x1;
	_ =	strace $0x80000046;
	[dreg:$0x1] =	wrdreg $0xFFFFFFFF  }
0xa7: {  	s28 =	simm.s32 $_size_execute0_lowered;
	s3 =	sadd.s32 s3, s5;
	[dreg:$0x0] =	wrdreg $0x0  }
0xa8: {  	s5 =	sshll.u32 s28, $0x1;
	[dreg:$0x2] =	wrdreg s3  }
0xa9: {  	[dreg:$0x3] =	wrdreg s5  }
0xaa: {  	[dreg:$0x4] =	wrdreg $0xC0  }
0xab: {  	_ =	task [dreg:s7], $0x5FFFF  }
0xac: {  	[dreg:$0x1] =	wrdreg $0xFFFFFFFF  }
0xad: {  	[dreg:$0x0] =	wrdreg $0x60  }
0xae: {  	[dreg:$0x2] =	wrdreg s24  }
0xaf: {  	[dreg:$0x3] =	wrdreg s2  }
0xb0: {  	[dreg:$0x4] =	wrdreg $0x9  }
0xb1: {  	_ =	task.clear_ibuf [dreg:s7], $0x5FFFF;
	_ =	strace $0x90000046  }
0xb2: {  	s29 =	simm.s32 $0x9;
	_ =	strace $0x80000048  }
0xb3: {  	_ =	swait.ge [sflag:s29], $0x1  }
0xb4: {  	[sflag:s29] =	ssyncadd.s32 $0xFFFFFFFF  }
0xb5: {  	_ =	strace $0x90000048  }
0xb6: {  	_ =	sfence  }
0xb7: {  	s30 =	sld [smem:$0x0];
	_ =	sdelay $0x2  }
0xb8: {  	s31 =	sshll.u32 s1, $0xD;
	s1 =	sshrl.u32 s1, $0x2  }
0xb9: {  	s3 =	sand.u32 $0x4000, s31;
	s1 =	sadd.s32 s1, s30  }
0xba: {  	s0 =	sor.u32 s3, s0;
	s1 =	sshll.u32 s1, $0x11  }
0xbb: {  	s0 =	sor.u32 s1, s0  }
0xbc: {  	s0 =	sadd.s32 $0x8F2B, s0  }
0xbd: {  	[sflag:s0] =	ssyncadd.remote.s32 $0x1  }
0xbe: {  	_ =	sfence.sel $0xFFFF  }
0xbf: {  	[dreg:$0x0] =	wrdreg $0xFFFFFFFF;
	(pc) =	sbr.abs _section_cstart, $3  }
0xc0: {  	[dreg:$0x1] =	wrdreg $0xFFFFFFFF  }
0xc1: {  	_ =	task.clear_ibuf [dreg:s7], $0x2FFFF;
	_ =	strace $0x9FFFFFFF  }
0xc2: {  	(tm) =	ssettm $0x7FFFFFFF  }
0xc3: {  	_ =	shalt  }
tec
execute0_lowered:
.L_overlay_start_1:
0x0: {  	(tag) =	ssettag $0x1  }
0x1: {  	s1 =	srdreg.scid;
	s2 =	stileid.u32  }
0x2: {  	s1 =	sand.u32 $0x1, s1;
	s2 =	sshll.u32 s2, $0x1  }
0x3: {  	s2 =	sor.u32 s1, s2  }
0x4: {  	s3 =	rddreg [dreg:$0x1];
	s4 =	sshll.u32 s2, $0x5  }
0x5: {  	s0 =	rddreg [dreg:$0x0];
	s25 =	simm.s32 $0x0;
	s12 =	sadd.s32 s3, s4  }
0x6: {  	[smem:$0x7FF] =	sst s25;
	s3 =	sadd.s32 $0x800, s12  }
0x7: {  	_ =	strace $0x80000047;
	s10 =	sadd.s32 $0x1000, s12;
	[dreg:$0x3] =	wrdreg s3  }
0x8: {  	s11 =	sadd.s32 $0x1800, s12;
	[dreg:$0x4] =	wrdreg s10  }
0x9: {  	s13 =	sadd.s32 $0x2000, s12;
	[dreg:$0x5] =	wrdreg s11  }
0xa: {  	s14 =	sadd.s32 $0x2800, s12;
	[dreg:$0x6] =	wrdreg s13  }
0xb: {  	s15 =	sadd.s32 $0x3000, s12;
	[dreg:$0x7] =	wrdreg s14  }
0xc: {  	s16 =	sadd.s32 $0x3800, s12;
	[dreg:$0x8] =	wrdreg s15  }
0xd: {  	s17 =	sadd.s32 $0x4000, s12;
	[dreg:$0x9] =	wrdreg s16  }
0xe: {  	s18 =	sadd.s32 $0x400, s12;
	[dreg:$0xa] =	wrdreg s17  }
0xf: {  	s19 =	sadd.s32 $0xC00, s12;
	[dreg:$0xb] =	wrdreg s18  }
0x10: {  	s20 =	sadd.s32 $0x1400, s12;
	[dreg:$0xc] =	wrdreg s19  }
0x11: {  	s21 =	sadd.s32 $0x1C00, s12;
	[dreg:$0xd] =	wrdreg s20  }
0x12: {  	s22 =	sadd.s32 $0x2400, s12;
	[dreg:$0xe] =	wrdreg s21  }
0x13: {  	s23 =	sadd.s32 $0x2C00, s12;
	[dreg:$0xf] =	wrdreg s22  }
0x14: {  	s24 =	sadd.s32 $0x3400, s12;
	[dreg:$0x10] =	wrdreg s23  }
0x15: {  	s2 =	sshll.u32 s2, $0xC;
	s26 =	sadd.s32 $0x3C00, s12;
	[dreg:$0x11] =	wrdreg s24  }
0x16: {  	s2 =	sadd.s32 s2, s0;
	s4 =	sadd.s32 $0x4400, s12;
	[dreg:$0x12] =	wrdreg s26  }
0x17: {  	s5 =	sadd.s32 $0xC00, s2;
	[dreg:$0x13] =	wrdreg s4  }
0x18: {  	s6 =	sadd.s32 $0xC08, s2;
	[dreg:$0x14] =	wrdreg s5  }
0x19: {  	s7 =	sadd.s32 $0x20C00, s2;
	[dreg:$0x15] =	wrdreg s6  }
0x1a: {  	s8 =	sadd.s32 $0x20C08, s2;
	[dreg:$0x16] =	wrdreg s7  }
0x1b: {  	s9 =	sadd.s32 $0x40C00, s2;
	[dreg:$0x17] =	wrdreg s8  }
0x1c: {  	[dreg:$0x18] =	wrdreg s9;
	s10 =	sadd.s32 $0x40C08, s2  }
0x1d: {  	s11 =	sadd.s32 $0x60C00, s2;
	[dreg:$0x19] =	wrdreg s10  }
0x1e: {  	s13 =	sadd.s32 $0x60C08, s2;
	[dreg:$0x1a] =	wrdreg s11  }
0x1f: {  	s14 =	sadd.s32 $0x80C00, s2;
	[dreg:$0x1b] =	wrdreg s13  }
0x20: {  	s15 =	sadd.s32 $0x80C08, s2;
	[dreg:$0x1c] =	wrdreg s14  }
0x21: {  	s16 =	sadd.s32 $0xA0C00, s2;
	[dreg:$0x1d] =	wrdreg s15  }
0x22: {  	s17 =	sadd.s32 $0xA0C08, s2;
	[dreg:$0x1e] =	wrdreg s16  }
0x23: {  	s30 =	simm.s32 $0x200;
	s18 =	sadd.s32 $0xC0C00, s2;
	[dreg:$0x1f] =	wrdreg s17  }
0x24: {  	s29 =	simm.s32 $0x900;
	s19 =	sadd.s32 $0xC0C08, s2;
	[smem:$0x7E7] =	sst s18  }
0x25: {  	s28 =	simm.s32 $0xD00;
	s20 =	sadd.s32 $0xE0C00, s2;
	[smem:$0x7E8] =	sst s19  }
0x26: {  	p0 =	por $0x0, $0x0;
	s21 =	sadd.s32 $0xE0C08, s2;
	[smem:$0x7E9] =	sst s20  }
0x27: {  	s31 =	simm.s32 $0x7200;
	s22 =	sadd.s32 $0x100C00, s2;
	[smem:$0x7EA] =	sst s21  }
0x28: {  	s1 =	ssub.s32 $0x2, s1;
	s24 =	sadd.s32 $0x100C08, s2;
	[smem:$0x7EB] =	sst s22  }
0x29: {  	s2 =	sadd.s32 $0x187600, s0;
	s0 =	simm.s32 $0x180;
	[smem:$0x7EC] =	sst s24  }
0x2a: {  	s23 =	sshrl.u32 s1, $0x1;
	s3 =	simm.s32 $0x280;
	[smem:$0x7ED] =	sst s0  }
0x2b: {  	s4 =	simm.s32 $0x380;
	s5 =	simm.s32 $0x480;
	[smem:$0x7EE] =	sst s3  }
0x2c: {  	s7 =	simm.s32 $0x580;
	s8 =	simm.s32 $0x680;
	[smem:$0x7EF] =	sst s4  }
0x2d: {  	s9 =	simm.s32 $0x780;
	s26 =	ssub.s32 s1, s23;
	[smem:$0x7F0] =	sst s5  }
0x2e: {  	s10 =	simm.s32 $0x100;
	s13 =	simm.s32 $0x400;
	[smem:$0x7F1] =	sst s7  }
0x2f: {  	s20 =	simm.s32 $0x500;
	s0 =	simm.s32 $0x600;
	[smem:$0x7F2] =	sst s8  }
0x30: {  	s21 =	simm.s32 $0x700;
	[smem:$0x7F3] =	sst s9;
	s11 =	simm.s32 $0x880  }
0x31: {  	s1 =	simm.s32 $0x800;
	s14 =	simm.s32 $0x980;
	[smem:$0x7F4] =	sst s11  }
0x32: {  	s15 =	simm.s32 $0xA80;
	s16 =	simm.s32 $0xB80;
	[smem:$0x7F5] =	sst s14  }
0x33: {  	s17 =	simm.s32 $0xC80;
	s18 =	simm.s32 $0xD80;
	[smem:$0x7F6] =	sst s15  }
0x34: {  	s24 =	simm.s32 $0xE00;
	s19 =	simm.s32 $0xE80;
	[smem:$0x7F7] =	sst s16  }
0x35: {  	s22 =	simm.s32 $0xF80;
	s23 =	simm.s32 $0x1080;
	[smem:$0x7F8] =	sst s17  }
0x36: {  	s5 =	simm.s32 $0x1180;
	s4 =	simm.s32 $0x1;
	[smem:$0x7F9] =	sst s18  }
0x37: {  	s3 =	simm.s32 $0x80;
	s6 =	smax.u32 s26, $0x1;
	[smem:$0x7FA] =	sst s19  }
0x38: {  	s7 =	simm.s32 $0x5200;
	[smem:$0x7FB] =	sst s22;
	p1 =	sne.s32 s6, $0x1  }
.Ltmp0:
0x39: {  	s9 =	simm.s32 $0x40;
	[smem:$0x7FC] =	sst s23;
	(pc) =	sbr.rel @!p1 .LBB2_5-.Ltmp0, $4  }
0x3a: {  	s8 =	simm.s32 $0x3;
	s26 =	simm.s32 $0xC00;
	[smem:$0x7FD] =	sst s5  }
0x3b: {  	s5 =	simm.s32 $0x1200;
	s16 =	simm.s32 $0x3200;
	s23 =	simm.s32 $0x9200  }
0x3c: {  	s22 =	simm.s32 $0xB200;
	s11 =	simm.s32 $0xD200;
	s19 =	simm.s32 $0xF200  }
0x3d: {  	s14 =	simm.s32 $0x2;
	s17 =	sadd.s32 $0xFFFFFFFF, s6;
	s6 =	simm.s32 $0x4  }
0x3e: {  	s18 =	rddreg [dreg:$0x3]  }
0x3f: {  	[tilespmem:s25], [sflag:$0x1] =	stream.linear.gather [hbm4b:s12+s25], $0x100, $0x38;
	[tilespmem:$0x11200] =	vst v63  }
0x40: {  	s11 =	rddreg [dreg:$0x4]  }
0x41: {  	[tilespmem:s10], [sflag:$0x1] =	stream.linear.gather [hbm4b:s18+s25], $0x100, $0x38;
	[tilespmem:$0x11200] =	vst v63  }
0x42: {  	s19 =	rddreg [dreg:$0x5]  }
0x43: {  	[tilespmem:s30], [sflag:$0x1] =	stream.linear.gather [hbm4b:s11+s25], $0x100, $0x38;
	[tilespmem:$0x11200] =	vst v63  }
0x44: {  	s23 =	rddreg [dreg:$0x6];
	s10 =	simm.s32 $0x300  }
0x45: {  	[tilespmem:s10], [sflag:$0x1] =	stream.linear.gather [hbm4b:s19+s25], $0x100, $0x38;
	[tilespmem:$0x11200] =	vst v63  }
0x46: {  	s18 =	rddreg [dreg:$0xf]  }
0x47: {  	[tilespmem:s13], [sflag:$0x1] =	stream.linear.gather [hbm4b:s23+s25], $0x100, $0x38;
	[tilespmem:$0x11200] =	vst v63  }
0x48: {  	s30 =	rddreg [dreg:$0x7]  }
0x49: {  	[tilespmem:s20], [sflag:$0x1] =	stream.linear.gather [hbm4b:s30+s25], $0x100, $0x38;
	[tilespmem:$0x11200] =	vst v63  }
0x4a: {  	s13 =	rddreg [dreg:$0x8]  }
0x4b: {  	[tilespmem:s0], [sflag:$0x1] =	stream.linear.gather [hbm4b:s13+s25], $0x100, $0x38;
	[tilespmem:$0x11200] =	vst v63  }
0x4c: {  	s19 =	rddreg [dreg:$0x9]  }
0x4d: {  	[tilespmem:s21], [sflag:$0x1] =	stream.linear.gather [hbm4b:s19+s25], $0x100, $0x38;
	[tilespmem:$0x11200] =	vst v63  }
0x4e: {  	s20 =	rddreg [dreg:$0xa]  }
0x4f: {  	[tilespmem:s1], [sflag:$0x1] =	stream.linear.gather [hbm4b:s20+s25], $0x100, $0x38;
	[tilespmem:$0x11200] =	vst v63  }
0x50: {  	s23 =	rddreg [dreg:$0xb]  }
0x51: {  	[tilespmem:s29], [sflag:$0x1] =	stream.linear.gather [hbm4b:s23+s25], $0x100, $0x38;
	[tilespmem:$0x11200] =	vst v63  }
0x52: {  	s30 =	rddreg [dreg:$0xc];
	s29 =	simm.s32 $0xA00  }
0x53: {  	[tilespmem:s29], [sflag:$0x1] =	stream.linear.gather [hbm4b:s30+s25], $0x100, $0x38;
	[tilespmem:$0x11200] =	vst v63  }
0x54: {  	s20 =	rddreg [dreg:$0xd];
	s30 =	simm.s32 $0xB00  }
0x55: {  	[tilespmem:s30], [sflag:$0x1] =	stream.linear.gather [hbm4b:s20+s25], $0x100, $0x38;
	[tilespmem:$0x11200] =	vst v63  }
0x56: {  	s21 =	rddreg [dreg:$0xe]  }
0x57: {  	[tilespmem:s26], [sflag:$0x1] =	stream.linear.gather [hbm4b:s21+s25], $0x100, $0x38;
	[tilespmem:$0x11200] =	vst v63  }
0x58: {  	s21 =	rddreg [dreg:$0x10]  }
0x59: {  	[tilespmem:s28], [sflag:$0x1] =	stream.linear.gather [hbm4b:s18+s25], $0x100, $0x38;
	[tilespmem:$0x11200] =	vst v63  }
0x5a: {  	s18 =	rddreg [dreg:$0x11]  }
0x5b: {  	[tilespmem:s24], [sflag:$0x1] =	stream.linear.gather [hbm4b:s21+s25], $0x100, $0x38;
	[tilespmem:$0x11200] =	vst v63  }
0x5c: {  	s21 =	rddreg [dreg:$0x12]  }
0x5d: {  	[smem:$0x7E6] =	sst s21;
	s21 =	simm.s32 $0xF00  }
0x5e: {  	[tilespmem:s21], [sflag:$0x1] =	stream.linear.gather [hbm4b:s18+s25], $0x100, $0x38;
	[tilespmem:$0x11200] =	vst v63  }
0x5f: {  	s21 =	sld [smem:$0x7E6];
	_ =	sdelay $0x1  }
0x60: {  	[smem:$0x7E5] =	sst s12;
	s20 =	simm.s32 $0x1000  }
0x61: {  	[tilespmem:s20], [sflag:$0x1] =	stream.linear.gather [hbm4b:s21+s25], $0x100, $0x38;
	[tilespmem:$0x11200] =	vst v63  }
0x62: {  	s15 =	simm.s32 $0x1100;
	s18 =	rddreg [dreg:$0x13]  }
0x63: {  	[tilespmem:s15], [sflag:$0x1] =	stream.linear.gather [hbm4b:s18+s25], $0x100, $0x38;
	[tilespmem:$0x11200] =	vst v63  }
0x64: {  	_ =	swait.ge [sflag:s4], $0x100  }
0x65: {  	[sflag:s4] =	ssyncset.done $0x0  }
0x66: {  	[sflag:s4] =	ssyncadd.s32 $0xFFFFFF00  }
0x67: {  	_ =	swait.ge [sflag:s4], $0x100  }
0x68: {  	[sflag:s4] =	ssyncset.done $0x0  }
0x69: {  	[sflag:s4] =	ssyncadd.s32 $0xFFFFFF00  }
0x6a: {  	_ =	swait.ge [sflag:s4], $0x100  }
0x6b: {  	[sflag:s4] =	ssyncset.done $0x0  }
0x6c: {  	[sflag:s4] =	ssyncadd.s32 $0xFFFFFF00  }
0x6d: {  	_ =	swait.ge [sflag:s4], $0x100  }
0x6e: {  	[sflag:s4] =	ssyncset.done $0x0  }
0x6f: {  	[sflag:s4] =	ssyncadd.s32 $0xFFFFFF00  }
0x70: {  	_ =	swait.ge [sflag:s4], $0x100  }
0x71: {  	[sflag:s4] =	ssyncset.done $0x0  }
0x72: {  	[sflag:s4] =	ssyncadd.s32 $0xFFFFFF00  }
0x73: {  	_ =	swait.ge [sflag:s4], $0x100  }
0x74: {  	[sflag:s4] =	ssyncset.done $0x0  }
0x75: {  	[sflag:s4] =	ssyncadd.s32 $0xFFFFFF00  }
0x76: {  	_ =	swait.ge [sflag:s4], $0x100  }
0x77: {  	[sflag:s4] =	ssyncset.done $0x0  }
0x78: {  	[sflag:s4] =	ssyncadd.s32 $0xFFFFFF00  }
0x79: {  	_ =	swait.ge [sflag:s4], $0x100  }
0x7a: {  	[sflag:s4] =	ssyncset.done $0x0  }
0x7b: {  	[sflag:s4] =	ssyncadd.s32 $0xFFFFFF00  }
0x7c: {  	_ =	swait.ge [sflag:s4], $0x100  }
0x7d: {  	[sflag:s4] =	ssyncset.done $0x0  }
0x7e: {  	[sflag:s4] =	ssyncadd.s32 $0xFFFFFF00  }
0x7f: {  	_ =	swait.ge [sflag:s4], $0x100  }
0x80: {  	[sflag:s4] =	ssyncset.done $0x0  }
0x81: {  	[sflag:s4] =	ssyncadd.s32 $0xFFFFFF00  }
0x82: {  	_ =	swait.ge [sflag:s4], $0x100  }
0x83: {  	[sflag:s4] =	ssyncset.done $0x0  }
0x84: {  	[sflag:s4] =	ssyncadd.s32 $0xFFFFFF00  }
0x85: {  	_ =	swait.ge [sflag:s4], $0x100  }
0x86: {  	[sflag:s4] =	ssyncset.done $0x0  }
0x87: {  	[sflag:s4] =	ssyncadd.s32 $0xFFFFFF00  }
0x88: {  	_ =	swait.ge [sflag:s4], $0x100  }
0x89: {  	[sflag:s4] =	ssyncset.done $0x0  }
0x8a: {  	[sflag:s4] =	ssyncadd.s32 $0xFFFFFF00  }
0x8b: {  	_ =	swait.ge [sflag:s4], $0x100  }
0x8c: {  	[sflag:s4] =	ssyncset.done $0x0  }
0x8d: {  	[sflag:s4] =	ssyncadd.s32 $0xFFFFFF00  }
0x8e: {  	_ =	swait.ge [sflag:s4], $0x100  }
0x8f: {  	[sflag:s4] =	ssyncset.done $0x0  }
0x90: {  	[sflag:s4] =	ssyncadd.s32 $0xFFFFFF00  }
0x91: {  	_ =	swait.ge [sflag:s4], $0x100  }
0x92: {  	[sflag:s4] =	ssyncset.done $0x0  }
0x93: {  	[sflag:s4] =	ssyncadd.s32 $0xFFFFFF00  }
0x94: {  	_ =	swait.ge [sflag:s4], $0x100  }
0x95: {  	[sflag:s4] =	ssyncset.done $0x0  }
0x96: {  	[sflag:s4] =	ssyncadd.s32 $0xFFFFFF00  }
0x97: {  	_ =	swait.ge [sflag:s4], $0x100  }
0x98: {  	[sflag:s4] =	ssyncset.done $0x0  }
0x99: {  	[sflag:s4] =	ssyncadd.s32 $0xFFFFFF00  }
0x9a: {  	[tilespmem:s5], [sflag:$0x1] =	stream.indirect.gather [hbm4b:s2+s3], $0x40, s25, s3, $0xb8;
	[tilespmem:$0x11200] =	vst v63  }
0x9b: {  	_ = 	snop  }
0x9c: {  	[tilespmem:s16], [sflag:$0x1] =	stream.indirect.gather [hbm4b:s2+s3], $0x40, s3, s3, $0xb8;
	[tilespmem:$0x11200] =	vst v63  }
0x9d: {  	s19 =	simm.s32 $0x100;
	s21 =	sld [smem:$0x7ED]  }
0x9e: {  	[tilespmem:s7], [sflag:$0x1] =	stream.indirect.gather [hbm4b:s2+s3], $0x40, s19, s3, $0xb8;
	[tilespmem:$0x11200] =	vst v63  }
0x9f: {  	_ = 	snop  }
0xa0: {  	[tilespmem:s31], [sflag:$0x1] =	stream.indirect.gather [hbm4b:s2+s3], $0x40, s21, s3, $0xb8;
	[tilespmem:$0x11200] =	vst v63  }
0xa1: {  	s11 =	simm.s32 $0x9200;
	s23 =	simm.s32 $0x200;
	s21 =	sld [smem:$0x7EE]  }
0xa2: {  	[tilespmem:s11], [sflag:$0x2] =	stream.indirect.gather [hbm4b:s2+s3], $0x40, s23, s3, $0xb8;
	[tilespmem:$0x11200] =	vst v63  }
0xa3: {  	_ = 	snop  }
0xa4: {  	[tilespmem:s22], [sflag:$0x2] =	stream.indirect.gather [hbm4b:s2+s3], $0x40, s21, s3, $0xb8;
	[tilespmem:$0x11200] =	vst v63  }
0xa5: {  	s11 =	simm.s32 $0xD200;
	s21 =	sld [smem:$0x7EF]  }
0xa6: {  	[tilespmem:s11], [sflag:$0x2] =	stream.indirect.gather [hbm4b:s2+s3], $0x40, s10, s3, $0xb8;
	[tilespmem:$0x11200] =	vst v63  }
0xa7: {  	s19 =	simm.s32 $0xF200  }
0xa8: {  	[tilespmem:s19], [sflag:$0x2] =	stream.indirect.gather [hbm4b:s2+s3], $0x40, s21, s3, $0xb8;
	[tilespmem:$0x11200] =	vst v63  }
0xa9: {  	_ =	swait.ge [sflag:s4], $0x2000  }
0xaa: {  	[sflag:s4] =	ssyncset.done $0x0  }
0xab: {  	[sflag:s4] =	ssyncadd.s32 $0xFFFFE000  }
0xac: {  	_ =	swait.ge [sflag:s4], $0x2000  }
0xad: {  	[sflag:s4] =	ssyncset.done $0x0  }
0xae: {  	[sflag:s4] =	ssyncadd.s32 $0xFFFFE000  }
0xaf: {  	_ =	swait.ge [sflag:s4], $0x2000  }
0xb0: {  	[sflag:s4] =	ssyncset.done $0x0  }
0xb1: {  	[sflag:s4] =	ssyncadd.s32 $0xFFFFE000  }
0xb2: {  	_ =	swait.ge [sflag:s4], $0x2000  }
0xb3: {  	[sflag:s4] =	ssyncset.done $0x0  }
0xb4: {  	s18 =	rddreg [dreg:$0x14];
	[sflag:s4] =	ssyncadd.s32 $0xFFFFE000  }
0xb5: {  	[hbm4b:s18+s9] =	stream.strided.scatter [tilespmem:s5], [sflag:$0x3], $0x4000, s3, s9, $0x38;
	[tilespmem:$0x11200] =	vst v63  }
0xb6: {  	s21 =	rddreg [dreg:$0x15]  }
0xb7: {  	[hbm4b:s21+s9] =	stream.strided.scatter [tilespmem:s7], [sflag:$0x3], $0x4000, s3, s9, $0x38;
	[tilespmem:$0x11200] =	vst v63  }
0xb8: {  	_ =	swait.ge [sflag:s8], $0x4000  }
0xb9: {  	[sflag:s8] =	ssyncset.done $0x0  }
0xba: {  	[sflag:s8] =	ssyncadd.s32 $0xFFFFC000  }
0xbb: {  	_ =	swait.ge [sflag:s8], $0x4000  }
0xbc: {  	[sflag:s8] =	ssyncset.done $0x0  }
0xbd: {  	s1 =	simm.s32 $0x400;
	s21 =	sld [smem:$0x7F0];
	[sflag:s8] =	ssyncadd.s32 $0xFFFFC000  }
0xbe: {  	[tilespmem:s5], [sflag:$0x1] =	stream.indirect.gather [hbm4b:s2+s3], $0x40, s1, s3, $0xb8;
	[tilespmem:$0x11200] =	vst v63  }
0xbf: {  	_ = 	snop  }
0xc0: {  	[tilespmem:s16], [sflag:$0x1] =	stream.indirect.gather [hbm4b:s2+s3], $0x40, s21, s3, $0xb8;
	[tilespmem:$0x11200] =	vst v63  }
0xc1: {  	s12 =	simm.s32 $0x500;
	s1 =	sld [smem:$0x7F1]  }
0xc2: {  	[tilespmem:s7], [sflag:$0x1] =	stream.indirect.gather [hbm4b:s2+s3], $0x40, s12, s3, $0xb8;
	[tilespmem:$0x11200] =	vst v63  }
0xc3: {  	_ = 	snop  }
0xc4: {  	[tilespmem:s31], [sflag:$0x1] =	stream.indirect.gather [hbm4b:s2+s3], $0x40, s1, s3, $0xb8;
	[tilespmem:$0x11200] =	vst v63  }
0xc5: {  	_ =	swait.ge [sflag:s14], $0x2000  }
0xc6: {  	[sflag:s14] =	ssyncset.done $0x0  }
0xc7: {  	[sflag:s14] =	ssyncadd.s32 $0xFFFFE000  }
0xc8: {  	_ =	swait.ge [sflag:s14], $0x2000  }
0xc9: {  	[sflag:s14] =	ssyncset.done $0x0  }
0xca: {  	[sflag:s14] =	ssyncadd.s32 $0xFFFFE000  }
0xcb: {  	_ =	swait.ge [sflag:s14], $0x2000  }
0xcc: {  	[sflag:s14] =	ssyncset.done $0x0  }
0xcd: {  	[sflag:s14] =	ssyncadd.s32 $0xFFFFE000  }
0xce: {  	_ =	swait.ge [sflag:s14], $0x2000  }
0xcf: {  	[sflag:s14] =	ssyncset.done $0x0  }
0xd0: {  	s23 =	simm.s32 $0x9200;
	s10 =	rddreg [dreg:$0x16];
	[sflag:s14] =	ssyncadd.s32 $0xFFFFE000  }
0xd1: {  	[hbm4b:s10+s9] =	stream.strided.scatter [tilespmem:s23], [sflag:$0x4], $0x4000, s3, s9, $0x38;
	[tilespmem:$0x11200] =	vst v63  }
0xd2: {  	s12 =	rddreg [dreg:$0x17]  }
0xd3: {  	[hbm4b:s12+s9] =	stream.strided.scatter [tilespmem:s11], [sflag:$0x4], $0x4000, s3, s9, $0x38;
	[tilespmem:$0x11200] =	vst v63  }
0xd4: {  	_ =	swait.ge [sflag:s6], $0x4000  }
0xd5: {  	[sflag:s6] =	ssyncset.done $0x0  }
0xd6: {  	[sflag:s6] =	ssyncadd.s32 $0xFFFFC000  }
0xd7: {  	_ =	swait.ge [sflag:s6], $0x4000  }
0xd8: {  	[sflag:s6] =	ssyncset.done $0x0  }
0xd9: {  	s13 =	simm.s32 $0x600;
	s21 =	sld [smem:$0x7F2];
	[sflag:s6] =	ssyncadd.s32 $0xFFFFC000  }
0xda: {  	[tilespmem:s23], [sflag:$0x2] =	stream.indirect.gather [hbm4b:s2+s3], $0x40, s13, s3, $0xb8;
	[tilespmem:$0x11200] =	vst v63  }
0xdb: {  	_ = 	snop  }
0xdc: {  	[tilespmem:s22], [sflag:$0x2] =	stream.indirect.gather [hbm4b:s2+s3], $0x40, s21, s3, $0xb8;
	[tilespmem:$0x11200] =	vst v63  }
0xdd: {  	s0 =	simm.s32 $0x700;
	s1 =	sld [smem:$0x7F3]  }
0xde: {  	[tilespmem:s11], [sflag:$0x2] =	stream.indirect.gather [hbm4b:s2+s3], $0x40, s0, s3, $0xb8;
	[tilespmem:$0x11200] =	vst v63  }
0xdf: {  	_ = 	snop  }
0xe0: {  	[tilespmem:s19], [sflag:$0x2] =	stream.indirect.gather [hbm4b:s2+s3], $0x40, s1, s3, $0xb8;
	[tilespmem:$0x11200] =	vst v63  }
0xe1: {  	_ =	swait.ge [sflag:s4], $0x2000  }
0xe2: {  	[sflag:s4] =	ssyncset.done $0x0  }
0xe3: {  	[sflag:s4] =	ssyncadd.s32 $0xFFFFE000  }
0xe4: {  	_ =	swait.ge [sflag:s4], $0x2000  }
0xe5: {  	[sflag:s4] =	ssyncset.done $0x0  }
0xe6: {  	[sflag:s4] =	ssyncadd.s32 $0xFFFFE000  }
0xe7: {  	_ =	swait.ge [sflag:s4], $0x2000  }
0xe8: {  	[sflag:s4] =	ssyncset.done $0x0  }
0xe9: {  	[sflag:s4] =	ssyncadd.s32 $0xFFFFE000  }
0xea: {  	_ =	swait.ge [sflag:s4], $0x2000  }
0xeb: {  	[sflag:s4] =	ssyncset.done $0x0  }
0xec: {  	s10 =	rddreg [dreg:$0x18];
	[sflag:s4] =	ssyncadd.s32 $0xFFFFE000  }
0xed: {  	[hbm4b:s10+s9] =	stream.strided.scatter [tilespmem:s5], [sflag:$0x3], $0x4000, s3, s9, $0x38;
	[tilespmem:$0x11200] =	vst v63  }
0xee: {  	s12 =	rddreg [dreg:$0x19]  }
0xef: {  	[hbm4b:s12+s9] =	stream.strided.scatter [tilespmem:s7], [sflag:$0x3], $0x4000, s3, s9, $0x38;
	[tilespmem:$0x11200] =	vst v63  }
0xf0: {  	_ =	swait.ge [sflag:s8], $0x4000  }
0xf1: {  	[sflag:s8] =	ssyncset.done $0x0  }
0xf2: {  	[sflag:s8] =	ssyncadd.s32 $0xFFFFC000  }
0xf3: {  	_ =	swait.ge [sflag:s8], $0x4000  }
0xf4: {  	[sflag:s8] =	ssyncset.done $0x0  }
0xf5: {  	s21 =	simm.s32 $0x800;
	s13 =	sld [smem:$0x7F4];
	[sflag:s8] =	ssyncadd.s32 $0xFFFFC000  }
0xf6: {  	[tilespmem:s5], [sflag:$0x1] =	stream.indirect.gather [hbm4b:s2+s3], $0x40, s21, s3, $0xb8;
	[tilespmem:$0x11200] =	vst v63  }
0xf7: {  	_ = 	snop  }
0xf8: {  	[tilespmem:s16], [sflag:$0x1] =	stream.indirect.gather [hbm4b:s2+s3], $0x40, s13, s3, $0xb8;
	[tilespmem:$0x11200] =	vst v63  }
0xf9: {  	s10 =	simm.s32 $0x900;
	s1 =	sld [smem:$0x7F5]  }
0xfa: {  	[tilespmem:s7], [sflag:$0x1] =	stream.indirect.gather [hbm4b:s2+s3], $0x40, s10, s3, $0xb8;
	[tilespmem:$0x11200] =	vst v63  }
0xfb: {  	_ = 	snop  }
0xfc: {  	[tilespmem:s31], [sflag:$0x1] =	stream.indirect.gather [hbm4b:s2+s3], $0x40, s1, s3, $0xb8;
	[tilespmem:$0x11200] =	vst v63  }
0xfd: {  	_ =	swait.ge [sflag:s14], $0x2000  }
0xfe: {  	[sflag:s14] =	ssyncset.done $0x0  }
0xff: {  	[sflag:s14] =	ssyncadd.s32 $0xFFFFE000  }
0x100: {  	_ =	swait.ge [sflag:s14], $0x2000  }
0x101: {  	[sflag:s14] =	ssyncset.done $0x0  }
0x102: {  	[sflag:s14] =	ssyncadd.s32 $0xFFFFE000  }
0x103: {  	_ =	swait.ge [sflag:s14], $0x2000  }
0x104: {  	[sflag:s14] =	ssyncset.done $0x0  }
0x105: {  	[sflag:s14] =	ssyncadd.s32 $0xFFFFE000  }
0x106: {  	_ =	swait.ge [sflag:s14], $0x2000  }
0x107: {  	[sflag:s14] =	ssyncset.done $0x0  }
0x108: {  	s12 =	rddreg [dreg:$0x1a];
	[sflag:s14] =	ssyncadd.s32 $0xFFFFE000  }
0x109: {  	[hbm4b:s12+s9] =	stream.strided.scatter [tilespmem:s23], [sflag:$0x4], $0x4000, s3, s9, $0x38;
	[tilespmem:$0x11200] =	vst v63  }
0x10a: {  	s13 =	rddreg [dreg:$0x1b]  }
0x10b: {  	[hbm4b:s13+s9] =	stream.strided.scatter [tilespmem:s11], [sflag:$0x4], $0x4000, s3, s9, $0x38;
	[tilespmem:$0x11200] =	vst v63  }
0x10c: {  	_ =	swait.ge [sflag:s6], $0x4000  }
0x10d: {  	[sflag:s6] =	ssyncset.done $0x0  }
0x10e: {  	[sflag:s6] =	ssyncadd.s32 $0xFFFFC000  }
0x10f: {  	_ =	swait.ge [sflag:s6], $0x4000  }
0x110: {  	[sflag:s6] =	ssyncset.done $0x0  }
0x111: {  	s21 =	sld [smem:$0x7F6];
	[sflag:s6] =	ssyncadd.s32 $0xFFFFC000  }
0x112: {  	[tilespmem:s23], [sflag:$0x2] =	stream.indirect.gather [hbm4b:s2+s3], $0x40, s29, s3, $0xb8;
	[tilespmem:$0x11200] =	vst v63  }
0x113: {  	_ = 	snop  }
0x114: {  	[tilespmem:s22], [sflag:$0x2] =	stream.indirect.gather [hbm4b:s2+s3], $0x40, s21, s3, $0xb8;
	[tilespmem:$0x11200] =	vst v63  }
0x115: {  	s0 =	sld [smem:$0x7F7]  }
0x116: {  	[tilespmem:s11], [sflag:$0x2] =	stream.indirect.gather [hbm4b:s2+s3], $0x40, s30, s3, $0xb8;
	[tilespmem:$0x11200] =	vst v63  }
0x117: {  	_ = 	snop  }
0x118: {  	[tilespmem:s19], [sflag:$0x2] =	stream.indirect.gather [hbm4b:s2+s3], $0x40, s0, s3, $0xb8;
	[tilespmem:$0x11200] =	vst v63  }
0x119: {  	_ =	swait.ge [sflag:s4], $0x2000  }
0x11a: {  	[sflag:s4] =	ssyncset.done $0x0  }
0x11b: {  	[sflag:s4] =	ssyncadd.s32 $0xFFFFE000  }
0x11c: {  	_ =	swait.ge [sflag:s4], $0x2000  }
0x11d: {  	[sflag:s4] =	ssyncset.done $0x0  }
0x11e: {  	[sflag:s4] =	ssyncadd.s32 $0xFFFFE000  }
0x11f: {  	_ =	swait.ge [sflag:s4], $0x2000  }
0x120: {  	[sflag:s4] =	ssyncset.done $0x0  }
0x121: {  	[sflag:s4] =	ssyncadd.s32 $0xFFFFE000  }
0x122: {  	_ =	swait.ge [sflag:s4], $0x2000  }
0x123: {  	[sflag:s4] =	ssyncset.done $0x0  }
0x124: {  	s1 =	rddreg [dreg:$0x1c];
	[sflag:s4] =	ssyncadd.s32 $0xFFFFE000  }
0x125: {  	[hbm4b:s1+s9] =	stream.strided.scatter [tilespmem:s5], [sflag:$0x3], $0x4000, s3, s9, $0x38;
	[tilespmem:$0x11200] =	vst v63  }
0x126: {  	s10 =	rddreg [dreg:$0x1d]  }
0x127: {  	[hbm4b:s10+s9] =	stream.strided.scatter [tilespmem:s7], [sflag:$0x3], $0x4000, s3, s9, $0x38;
	[tilespmem:$0x11200] =	vst v63  }
0x128: {  	_ =	swait.ge [sflag:s8], $0x4000  }
0x129: {  	[sflag:s8] =	ssyncset.done $0x0  }
0x12a: {  	[sflag:s8] =	ssyncadd.s32 $0xFFFFC000  }
0x12b: {  	_ =	swait.ge [sflag:s8], $0x4000  }
0x12c: {  	[sflag:s8] =	ssyncset.done $0x0  }
0x12d: {  	s12 =	sld [smem:$0x7F8];
	[sflag:s8] =	ssyncadd.s32 $0xFFFFC000  }
0x12e: {  	[tilespmem:s5], [sflag:$0x1] =	stream.indirect.gather [hbm4b:s2+s3], $0x40, s26, s3, $0xb8;
	[tilespmem:$0x11200] =	vst v63  }
0x12f: {  	_ = 	snop  }
0x130: {  	[tilespmem:s16], [sflag:$0x1] =	stream.indirect.gather [hbm4b:s2+s3], $0x40, s12, s3, $0xb8;
	[tilespmem:$0x11200] =	vst v63  }
0x131: {  	s13 =	sld [smem:$0x7F9]  }
0x132: {  	[tilespmem:s7], [sflag:$0x1] =	stream.indirect.gather [hbm4b:s2+s3], $0x40, s28, s3, $0xb8;
	[tilespmem:$0x11200] =	vst v63  }
0x133: {  	_ = 	snop  }
0x134: {  	[tilespmem:s31], [sflag:$0x1] =	stream.indirect.gather [hbm4b:s2+s3], $0x40, s13, s3, $0xb8;
	[tilespmem:$0x11200] =	vst v63  }
0x135: {  	_ =	swait.ge [sflag:s14], $0x2000  }
0x136: {  	[sflag:s14] =	ssyncset.done $0x0  }
0x137: {  	[sflag:s14] =	ssyncadd.s32 $0xFFFFE000  }
0x138: {  	_ =	swait.ge [sflag:s14], $0x2000  }
0x139: {  	[sflag:s14] =	ssyncset.done $0x0  }
0x13a: {  	[sflag:s14] =	ssyncadd.s32 $0xFFFFE000  }
0x13b: {  	_ =	swait.ge [sflag:s14], $0x2000  }
0x13c: {  	[sflag:s14] =	ssyncset.done $0x0  }
0x13d: {  	[sflag:s14] =	ssyncadd.s32 $0xFFFFE000  }
0x13e: {  	_ =	swait.ge [sflag:s14], $0x2000  }
0x13f: {  	[sflag:s14] =	ssyncset.done $0x0  }
0x140: {  	s18 =	rddreg [dreg:$0x1e];
	[sflag:s14] =	ssyncadd.s32 $0xFFFFE000  }
0x141: {  	[hbm4b:s18+s9] =	stream.strided.scatter [tilespmem:s23], [sflag:$0x4], $0x4000, s3, s9, $0x38;
	[tilespmem:$0x11200] =	vst v63  }
0x142: {  	s21 =	rddreg [dreg:$0x1f]  }
0x143: {  	[hbm4b:s21+s9] =	stream.strided.scatter [tilespmem:s11], [sflag:$0x4], $0x4000, s3, s9, $0x38;
	[tilespmem:$0x11200] =	vst v63  }
0x144: {  	_ =	swait.ge [sflag:s6], $0x4000  }
0x145: {  	[sflag:s6] =	ssyncset.done $0x0  }
0x146: {  	[sflag:s6] =	ssyncadd.s32 $0xFFFFC000  }
0x147: {  	_ =	swait.ge [sflag:s6], $0x4000  }
0x148: {  	[sflag:s6] =	ssyncset.done $0x0  }
0x149: {  	s29 =	sld [smem:$0x7FA];
	[sflag:s6] =	ssyncadd.s32 $0xFFFFC000  }
0x14a: {  	[tilespmem:s23], [sflag:$0x2] =	stream.indirect.gather [hbm4b:s2+s3], $0x40, s24, s3, $0xb8;
	[tilespmem:$0x11200] =	vst v63  }
0x14b: {  	_ = 	snop  }
0x14c: {  	[tilespmem:s22], [sflag:$0x2] =	stream.indirect.gather [hbm4b:s2+s3], $0x40, s29, s3, $0xb8;
	[tilespmem:$0x11200] =	vst v63  }
0x14d: {  	s1 =	simm.s32 $0xF00;
	s30 =	sld [smem:$0x7FB]  }
0x14e: {  	[tilespmem:s11], [sflag:$0x2] =	stream.indirect.gather [hbm4b:s2+s3], $0x40, s1, s3, $0xb8;
	[tilespmem:$0x11200] =	vst v63  }
0x14f: {  	_ = 	snop  }
0x150: {  	[tilespmem:s19], [sflag:$0x2] =	stream.indirect.gather [hbm4b:s2+s3], $0x40, s30, s3, $0xb8;
	[tilespmem:$0x11200] =	vst v63  }
0x151: {  	_ =	swait.ge [sflag:s4], $0x2000  }
0x152: {  	[sflag:s4] =	ssyncset.done $0x0  }
0x153: {  	[sflag:s4] =	ssyncadd.s32 $0xFFFFE000  }
0x154: {  	_ =	swait.ge [sflag:s4], $0x2000  }
0x155: {  	[sflag:s4] =	ssyncset.done $0x0  }
0x156: {  	[sflag:s4] =	ssyncadd.s32 $0xFFFFE000  }
0x157: {  	_ =	swait.ge [sflag:s4], $0x2000  }
0x158: {  	[sflag:s4] =	ssyncset.done $0x0  }
0x159: {  	[sflag:s4] =	ssyncadd.s32 $0xFFFFE000  }
0x15a: {  	_ =	swait.ge [sflag:s4], $0x2000  }
0x15b: {  	s10 =	sld [smem:$0x7E7]  }
0x15c: {  	[sflag:s4] =	ssyncset.done $0x0  }
0x15d: {  	s12 =	sld [smem:$0x7E8];
	[sflag:s4] =	ssyncadd.s32 $0xFFFFE000  }
0x15e: {  	[hbm4b:s10+s9] =	stream.strided.scatter [tilespmem:s5], [sflag:$0x3], $0x4000, s3, s9, $0x38;
	[tilespmem:$0x11200] =	vst v63  }
0x15f: {  	_ = 	snop  }
0x160: {  	[hbm4b:s12+s9] =	stream.strided.scatter [tilespmem:s7], [sflag:$0x3], $0x4000, s3, s9, $0x38;
	[tilespmem:$0x11200] =	vst v63  }
0x161: {  	_ =	swait.ge [sflag:s8], $0x4000  }
0x162: {  	[sflag:s8] =	ssyncset.done $0x0  }
0x163: {  	[sflag:s8] =	ssyncadd.s32 $0xFFFFC000  }
0x164: {  	_ =	swait.ge [sflag:s8], $0x4000  }
0x165: {  	[sflag:s8] =	ssyncset.done $0x0  }
0x166: {  	s20 =	simm.s32 $0x1000;
	s13 =	sld [smem:$0x7FC];
	[sflag:s8] =	ssyncadd.s32 $0xFFFFC000  }
0x167: {  	[tilespmem:s5], [sflag:$0x1] =	stream.indirect.gather [hbm4b:s2+s3], $0x40, s20, s3, $0xb8;
	[tilespmem:$0x11200] =	vst v63  }
0x168: {  	_ = 	snop  }
0x169: {  	[tilespmem:s16], [sflag:$0x1] =	stream.indirect.gather [hbm4b:s2+s3], $0x40, s13, s3, $0xb8;
	[tilespmem:$0x11200] =	vst v63  }
0x16a: {  	s15 =	simm.s32 $0x1100;
	s21 =	sld [smem:$0x7FD]  }
0x16b: {  	[tilespmem:s7], [sflag:$0x1] =	stream.indirect.gather [hbm4b:s2+s3], $0x40, s15, s3, $0xb8;
	[tilespmem:$0x11200] =	vst v63  }
0x16c: {  	_ = 	snop  }
0x16d: {  	[tilespmem:s31], [sflag:$0x1] =	stream.indirect.gather [hbm4b:s2+s3], $0x40, s21, s3, $0xb8;
	[tilespmem:$0x11200] =	vst v63  }
0x16e: {  	_ =	swait.ge [sflag:s14], $0x2000  }
0x16f: {  	[sflag:s14] =	ssyncset.done $0x0  }
0x170: {  	[sflag:s14] =	ssyncadd.s32 $0xFFFFE000  }
0x171: {  	_ =	swait.ge [sflag:s14], $0x2000  }
0x172: {  	[sflag:s14] =	ssyncset.done $0x0  }
0x173: {  	[sflag:s14] =	ssyncadd.s32 $0xFFFFE000  }
0x174: {  	_ =	swait.ge [sflag:s14], $0x2000  }
0x175: {  	[sflag:s14] =	ssyncset.done $0x0  }
0x176: {  	[sflag:s14] =	ssyncadd.s32 $0xFFFFE000  }
0x177: {  	_ =	swait.ge [sflag:s14], $0x2000  }
0x178: {  	s22 =	sld [smem:$0x7E9]  }
0x179: {  	[sflag:s14] =	ssyncset.done $0x0  }
0x17a: {  	s29 =	sld [smem:$0x7EA];
	[sflag:s14] =	ssyncadd.s32 $0xFFFFE000  }
0x17b: {  	[hbm4b:s22+s9] =	stream.strided.scatter [tilespmem:s23], [sflag:$0x4], $0x4000, s3, s9, $0x38;
	[tilespmem:$0x11200] =	vst v63  }
0x17c: {  	_ = 	snop  }
0x17d: {  	[hbm4b:s29+s9] =	stream.strided.scatter [tilespmem:s11], [sflag:$0x4], $0x4000, s3, s9, $0x38;
	[tilespmem:$0x11200] =	vst v63  }
0x17e: {  	_ =	swait.ge [sflag:s4], $0x2000  }
0x17f: {  	[sflag:s4] =	ssyncset.done $0x0  }
0x180: {  	[sflag:s4] =	ssyncadd.s32 $0xFFFFE000  }
0x181: {  	_ =	swait.ge [sflag:s4], $0x2000  }
0x182: {  	[sflag:s4] =	ssyncset.done $0x0  }
0x183: {  	[sflag:s4] =	ssyncadd.s32 $0xFFFFE000  }
0x184: {  	_ =	swait.ge [sflag:s4], $0x2000  }
0x185: {  	[sflag:s4] =	ssyncset.done $0x0  }
0x186: {  	[sflag:s4] =	ssyncadd.s32 $0xFFFFE000  }
0x187: {  	_ =	swait.ge [sflag:s4], $0x2000  }
0x188: {  	s30 =	sld [smem:$0x7EB]  }
0x189: {  	[sflag:s4] =	ssyncset.done $0x0  }
0x18a: {  	s31 =	sld [smem:$0x7EC];
	[sflag:s4] =	ssyncadd.s32 $0xFFFFE000  }
0x18b: {  	[hbm4b:s30+s9] =	stream.strided.scatter [tilespmem:s5], [sflag:$0x3], $0x4000, s3, s9, $0x38;
	[tilespmem:$0x11200] =	vst v63  }
0x18c: {  	_ = 	snop  }
0x18d: {  	[hbm4b:s31+s9] =	stream.strided.scatter [tilespmem:s7], [sflag:$0x3], $0x4000, s3, s9, $0x38;
	[tilespmem:$0x11200] =	vst v63  }
0x18e: {  	_ =	swait.ge [sflag:s8], $0x4000  }
0x18f: {  	[sflag:s8] =	ssyncset.done $0x0  }
0x190: {  	[sflag:s8] =	ssyncadd.s32 $0xFFFFC000  }
0x191: {  	_ =	swait.ge [sflag:s8], $0x4000  }
0x192: {  	[sflag:s8] =	ssyncset.done $0x0  }
0x193: {  	p1 =	sne.s32 s17, $0x1;
	[sflag:s8] =	ssyncadd.s32 $0xFFFFC000  }
.Ltmp1:
0x194: {  	_ =	swait.ge [sflag:s6], $0x4000;
	(pc) =	sbr.rel @!p1 .LBB2_6-.Ltmp1, $4  }
0x195: {  	[sflag:s6] =	ssyncset.done $0x0  }
0x196: {  	[sflag:s6] =	ssyncadd.s32 $0xFFFFC000  }
0x197: {  	_ =	swait.ge [sflag:s6], $0x4000  }
0x198: {  	p0 =	por $0x1, $0x1;
	s18 =	sadd.s32 $0xFFFFFFFF, s17;
	[sflag:s6] =	ssyncset.done $0x0  }
0x199: {  	s12 =	simm.s32 $0x500;
	s17 =	simm.s32 $0x600  }
0x19a: {  	s15 =	simm.s32 $0xB200;
	s31 =	simm.s32 $0x700;
	s13 =	simm.s32 $0x800  }
0x19b: {  	s22 =	simm.s32 $0x900;
	s29 =	simm.s32 $0xA00;
	s30 =	simm.s32 $0xB00  }
.LBB2_3:
0x19c: {  	s0 =	sld [smem:$0x7E5];
	_ =	sdelay $0x1  }
0x19d: {  	[sflag:s6] =	ssyncadd.s32 $0xFFFFC000  }
0x19e: {  	[tilespmem:s25], [sflag:$0x1] =	stream.linear.gather [hbm4b:s0+s25], $0x100, $0x38;
	[tilespmem:$0x11200] =	vst v63  }
0x19f: {  	s20 =	rddreg [dreg:$0x3];
	s19 =	simm.s32 $0x100  }
0x1a0: {  	[tilespmem:s19], [sflag:$0x1] =	stream.linear.gather [hbm4b:s20+s25], $0x100, $0x38;
	[tilespmem:$0x11200] =	vst v63  }
0x1a1: {  	s21 =	rddreg [dreg:$0x4];
	s23 =	simm.s32 $0x200  }
0x1a2: {  	[tilespmem:s23], [sflag:$0x1] =	stream.linear.gather [hbm4b:s21+s25], $0x100, $0x38;
	[tilespmem:$0x11200] =	vst v63  }
0x1a3: {  	s10 =	rddreg [dreg:$0x5];
	s0 =	simm.s32 $0x300  }
0x1a4: {  	[tilespmem:s0], [sflag:$0x1] =	stream.linear.gather [hbm4b:s10+s25], $0x100, $0x38;
	[tilespmem:$0x11200] =	vst v63  }
0x1a5: {  	s16 =	rddreg [dreg:$0x6];
	s1 =	simm.s32 $0x400  }
0x1a6: {  	[tilespmem:s1], [sflag:$0x1] =	stream.linear.gather [hbm4b:s16+s25], $0x100, $0x38;
	[tilespmem:$0x11200] =	vst v63  }
0x1a7: {  	s10 =	rddreg [dreg:$0x7]  }
0x1a8: {  	[tilespmem:s12], [sflag:$0x1] =	stream.linear.gather [hbm4b:s10+s25], $0x100, $0x38;
	[tilespmem:$0x11200] =	vst v63  }
0x1a9: {  	s16 =	rddreg [dreg:$0x8]  }
0x1aa: {  	[tilespmem:s17], [sflag:$0x1] =	stream.linear.gather [hbm4b:s16+s25], $0x100, $0x38;
	[tilespmem:$0x11200] =	vst v63  }
0x1ab: {  	s20 =	rddreg [dreg:$0x9]  }
0x1ac: {  	[tilespmem:s31], [sflag:$0x1] =	stream.linear.gather [hbm4b:s20+s25], $0x100, $0x38;
	[tilespmem:$0x11200] =	vst v63  }
0x1ad: {  	s21 =	rddreg [dreg:$0xa]  }
0x1ae: {  	[tilespmem:s13], [sflag:$0x1] =	stream.linear.gather [hbm4b:s21+s25], $0x100, $0x38;
	[tilespmem:$0x11200] =	vst v63  }
0x1af: {  	s20 =	rddreg [dreg:$0xb]  }
0x1b0: {  	[tilespmem:s22], [sflag:$0x1] =	stream.linear.gather [hbm4b:s20+s25], $0x100, $0x38;
	[tilespmem:$0x11200] =	vst v63  }
0x1b1: {  	s21 =	rddreg [dreg:$0xc]  }
0x1b2: {  	[tilespmem:s29], [sflag:$0x1] =	stream.linear.gather [hbm4b:s21+s25], $0x100, $0x38;
	[tilespmem:$0x11200] =	vst v63  }
0x1b3: {  	s20 =	rddreg [dreg:$0xd]  }
0x1b4: {  	[tilespmem:s30], [sflag:$0x1] =	stream.linear.gather [hbm4b:s20+s25], $0x100, $0x38;
	[tilespmem:$0x11200] =	vst v63  }
0x1b5: {  	s21 =	rddreg [dreg:$0xe]  }
0x1b6: {  	[tilespmem:s26], [sflag:$0x1] =	stream.linear.gather [hbm4b:s21+s25], $0x100, $0x38;
	[tilespmem:$0x11200] =	vst v63  }
0x1b7: {  	s20 =	rddreg [dreg:$0xf]  }
0x1b8: {  	[tilespmem:s28], [sflag:$0x1] =	stream.linear.gather [hbm4b:s20+s25], $0x100, $0x38;
	[tilespmem:$0x11200] =	vst v63  }
0x1b9: {  	s26 =	rddreg [dreg:$0x10]  }
0x1ba: {  	[tilespmem:s24], [sflag:$0x1] =	stream.linear.gather [hbm4b:s26+s25], $0x100, $0x38;
	[tilespmem:$0x11200] =	vst v63  }
0x1bb: {  	s20 =	rddreg [dreg:$0x11];
	s26 =	simm.s32 $0xF00  }
0x1bc: {  	[tilespmem:s26], [sflag:$0x1] =	stream.linear.gather [hbm4b:s20+s25], $0x100, $0x38;
	[tilespmem:$0x11200] =	vst v63  }
0x1bd: {  	s21 =	rddreg [dreg:$0x12];
	s28 =	simm.s32 $0x1000  }
0x1be: {  	[tilespmem:s28], [sflag:$0x1] =	stream.linear.gather [hbm4b:s21+s25], $0x100, $0x38;
	[tilespmem:$0x11200] =	vst v63  }
0x1bf: {  	s24 =	simm.s32 $0x1100;
	s20 =	rddreg [dreg:$0x13]  }
0x1c0: {  	[tilespmem:s24], [sflag:$0x1] =	stream.linear.gather [hbm4b:s20+s25], $0x100, $0x38;
	[tilespmem:$0x11200] =	vst v63  }
0x1c1: {  	_ =	swait.ge [sflag:s4], $0x100  }
0x1c2: {  	[sflag:s4] =	ssyncset.done $0x0  }
0x1c3: {  	[sflag:s4] =	ssyncadd.s32 $0xFFFFFF00  }
0x1c4: {  	_ =	swait.ge [sflag:s4], $0x100  }
0x1c5: {  	[sflag:s4] =	ssyncset.done $0x0  }
0x1c6: {  	[sflag:s4] =	ssyncadd.s32 $0xFFFFFF00  }
0x1c7: {  	_ =	swait.ge [sflag:s4], $0x100  }
0x1c8: {  	[sflag:s4] =	ssyncset.done $0x0  }
0x1c9: {  	[sflag:s4] =	ssyncadd.s32 $0xFFFFFF00  }
0x1ca: {  	_ =	swait.ge [sflag:s4], $0x100  }
0x1cb: {  	[sflag:s4] =	ssyncset.done $0x0  }
0x1cc: {  	[sflag:s4] =	ssyncadd.s32 $0xFFFFFF00  }
0x1cd: {  	_ =	swait.ge [sflag:s4], $0x100  }
0x1ce: {  	[sflag:s4] =	ssyncset.done $0x0  }
0x1cf: {  	[sflag:s4] =	ssyncadd.s32 $0xFFFFFF00  }
0x1d0: {  	_ =	swait.ge [sflag:s4], $0x100  }
0x1d1: {  	[sflag:s4] =	ssyncset.done $0x0  }
0x1d2: {  	[sflag:s4] =	ssyncadd.s32 $0xFFFFFF00  }
0x1d3: {  	_ =	swait.ge [sflag:s4], $0x100  }
0x1d4: {  	[sflag:s4] =	ssyncset.done $0x0  }
0x1d5: {  	[sflag:s4] =	ssyncadd.s32 $0xFFFFFF00  }
0x1d6: {  	_ =	swait.ge [sflag:s4], $0x100  }
0x1d7: {  	[sflag:s4] =	ssyncset.done $0x0  }
0x1d8: {  	[sflag:s4] =	ssyncadd.s32 $0xFFFFFF00  }
0x1d9: {  	_ =	swait.ge [sflag:s4], $0x100  }
0x1da: {  	[sflag:s4] =	ssyncset.done $0x0  }
0x1db: {  	[sflag:s4] =	ssyncadd.s32 $0xFFFFFF00  }
0x1dc: {  	_ =	swait.ge [sflag:s4], $0x100  }
0x1dd: {  	[sflag:s4] =	ssyncset.done $0x0  }
0x1de: {  	[sflag:s4] =	ssyncadd.s32 $0xFFFFFF00  }
0x1df: {  	_ =	swait.ge [sflag:s4], $0x100  }
0x1e0: {  	[sflag:s4] =	ssyncset.done $0x0  }
0x1e1: {  	[sflag:s4] =	ssyncadd.s32 $0xFFFFFF00  }
0x1e2: {  	_ =	swait.ge [sflag:s4], $0x100  }
0x1e3: {  	[sflag:s4] =	ssyncset.done $0x0  }
0x1e4: {  	[sflag:s4] =	ssyncadd.s32 $0xFFFFFF00  }
0x1e5: {  	_ =	swait.ge [sflag:s4], $0x100  }
0x1e6: {  	[sflag:s4] =	ssyncset.done $0x0  }
0x1e7: {  	[sflag:s4] =	ssyncadd.s32 $0xFFFFFF00  }
0x1e8: {  	_ =	swait.ge [sflag:s4], $0x100  }
0x1e9: {  	[sflag:s4] =	ssyncset.done $0x0  }
0x1ea: {  	[sflag:s4] =	ssyncadd.s32 $0xFFFFFF00  }
0x1eb: {  	_ =	swait.ge [sflag:s4], $0x100  }
0x1ec: {  	[sflag:s4] =	ssyncset.done $0x0  }
0x1ed: {  	[sflag:s4] =	ssyncadd.s32 $0xFFFFFF00  }
0x1ee: {  	_ =	swait.ge [sflag:s4], $0x100  }
0x1ef: {  	[sflag:s4] =	ssyncset.done $0x0  }
0x1f0: {  	[sflag:s4] =	ssyncadd.s32 $0xFFFFFF00  }
0x1f1: {  	_ =	swait.ge [sflag:s4], $0x100  }
0x1f2: {  	[sflag:s4] =	ssyncset.done $0x0  }
0x1f3: {  	[sflag:s4] =	ssyncadd.s32 $0xFFFFFF00  }
0x1f4: {  	_ =	swait.ge [sflag:s4], $0x100  }
0x1f5: {  	[sflag:s4] =	ssyncset.done $0x0  }
0x1f6: {  	[sflag:s4] =	ssyncadd.s32 $0xFFFFFF00  }
0x1f7: {  	[tilespmem:s5], [sflag:$0x1] =	stream.indirect.gather [hbm4b:s2+s3], $0x40, s25, s3, $0xb8;
	[tilespmem:$0x11200] =	vst v63  }
0x1f8: {  	s10 =	simm.s32 $0x3200  }
0x1f9: {  	[tilespmem:s10], [sflag:$0x1] =	stream.indirect.gather [hbm4b:s2+s3], $0x40, s3, s3, $0xb8;
	[tilespmem:$0x11200] =	vst v63  }
0x1fa: {  	s21 =	sld [smem:$0x7ED]  }
0x1fb: {  	[tilespmem:s7], [sflag:$0x1] =	stream.indirect.gather [hbm4b:s2+s3], $0x40, s19, s3, $0xb8;
	[tilespmem:$0x11200] =	vst v63  }
0x1fc: {  	s16 =	simm.s32 $0x7200  }
0x1fd: {  	[tilespmem:s16], [sflag:$0x1] =	stream.indirect.gather [hbm4b:s2+s3], $0x40, s21, s3, $0xb8;
	[tilespmem:$0x11200] =	vst v63  }
0x1fe: {  	s11 =	simm.s32 $0x9200;
	s21 =	sld [smem:$0x7EE]  }
0x1ff: {  	[tilespmem:s11], [sflag:$0x2] =	stream.indirect.gather [hbm4b:s2+s3], $0x40, s23, s3, $0xb8;
	[tilespmem:$0x11200] =	vst v63  }
0x200: {  	_ = 	snop  }
0x201: {  	[tilespmem:s15], [sflag:$0x2] =	stream.indirect.gather [hbm4b:s2+s3], $0x40, s21, s3, $0xb8;
	[tilespmem:$0x11200] =	vst v63  }
0x202: {  	s11 =	simm.s32 $0xD200;
	s21 =	sld [smem:$0x7EF]  }
0x203: {  	[tilespmem:s11], [sflag:$0x2] =	stream.indirect.gather [hbm4b:s2+s3], $0x40, s0, s3, $0xb8;
	[tilespmem:$0x11200] =	vst v63  }
0x204: {  	s19 =	simm.s32 $0xF200  }
0x205: {  	[tilespmem:s19], [sflag:$0x2] =	stream.indirect.gather [hbm4b:s2+s3], $0x40, s21, s3, $0xb8;
	[tilespmem:$0x11200] =	vst v63  }
0x206: {  	_ =	swait.ge [sflag:s4], $0x2000  }
0x207: {  	[sflag:s4] =	ssyncset.done $0x0  }
0x208: {  	[sflag:s4] =	ssyncadd.s32 $0xFFFFE000  }
0x209: {  	_ =	swait.ge [sflag:s4], $0x2000  }
0x20a: {  	[sflag:s4] =	ssyncset.done $0x0  }
0x20b: {  	[sflag:s4] =	ssyncadd.s32 $0xFFFFE000  }
0x20c: {  	_ =	swait.ge [sflag:s4], $0x2000  }
0x20d: {  	[sflag:s4] =	ssyncset.done $0x0  }
0x20e: {  	[sflag:s4] =	ssyncadd.s32 $0xFFFFE000  }
0x20f: {  	_ =	swait.ge [sflag:s4], $0x2000  }
0x210: {  	[sflag:s4] =	ssyncset.done $0x0  }
0x211: {  	s21 =	rddreg [dreg:$0x14];
	[sflag:s4] =	ssyncadd.s32 $0xFFFFE000  }
0x212: {  	[hbm4b:s21+s9] =	stream.strided.scatter [tilespmem:s5], [sflag:$0x3], $0x4000, s3, s9, $0x38;
	[tilespmem:$0x11200] =	vst v63  }
0x213: {  	s0 =	rddreg [dreg:$0x15]  }
0x214: {  	[hbm4b:s0+s9] =	stream.strided.scatter [tilespmem:s7], [sflag:$0x3], $0x4000, s3, s9, $0x38;
	[tilespmem:$0x11200] =	vst v63  }
0x215: {  	_ =	swait.ge [sflag:s8], $0x4000  }
0x216: {  	[sflag:s8] =	ssyncset.done $0x0  }
0x217: {  	[sflag:s8] =	ssyncadd.s32 $0xFFFFC000  }
0x218: {  	_ =	swait.ge [sflag:s8], $0x4000  }
0x219: {  	[sflag:s8] =	ssyncset.done $0x0  }
0x21a: {  	s0 =	sld [smem:$0x7F0];
	[sflag:s8] =	ssyncadd.s32 $0xFFFFC000  }
0x21b: {  	[tilespmem:s5], [sflag:$0x1] =	stream.indirect.gather [hbm4b:s2+s3], $0x40, s1, s3, $0xb8;
	[tilespmem:$0x11200] =	vst v63  }
0x21c: {  	_ = 	snop  }
0x21d: {  	[tilespmem:s10], [sflag:$0x1] =	stream.indirect.gather [hbm4b:s2+s3], $0x40, s0, s3, $0xb8;
	[tilespmem:$0x11200] =	vst v63  }
0x21e: {  	s10 =	sld [smem:$0x7F1]  }
0x21f: {  	[tilespmem:s7], [sflag:$0x1] =	stream.indirect.gather [hbm4b:s2+s3], $0x40, s12, s3, $0xb8;
	[tilespmem:$0x11200] =	vst v63  }
0x220: {  	_ = 	snop  }
0x221: {  	[tilespmem:s16], [sflag:$0x1] =	stream.indirect.gather [hbm4b:s2+s3], $0x40, s10, s3, $0xb8;
	[tilespmem:$0x11200] =	vst v63  }
0x222: {  	_ =	swait.ge [sflag:s14], $0x2000  }
0x223: {  	[sflag:s14] =	ssyncset.done $0x0  }
0x224: {  	[sflag:s14] =	ssyncadd.s32 $0xFFFFE000  }
0x225: {  	_ =	swait.ge [sflag:s14], $0x2000  }
0x226: {  	[sflag:s14] =	ssyncset.done $0x0  }
0x227: {  	[sflag:s14] =	ssyncadd.s32 $0xFFFFE000  }
0x228: {  	_ =	swait.ge [sflag:s14], $0x2000  }
0x229: {  	[sflag:s14] =	ssyncset.done $0x0  }
0x22a: {  	[sflag:s14] =	ssyncadd.s32 $0xFFFFE000  }
0x22b: {  	_ =	swait.ge [sflag:s14], $0x2000  }
0x22c: {  	[sflag:s14] =	ssyncset.done $0x0  }
0x22d: {  	s23 =	simm.s32 $0x9200;
	s21 =	rddreg [dreg:$0x16];
	[sflag:s14] =	ssyncadd.s32 $0xFFFFE000  }
0x22e: {  	[hbm4b:s21+s9] =	stream.strided.scatter [tilespmem:s23], [sflag:$0x4], $0x4000, s3, s9, $0x38;
	[tilespmem:$0x11200] =	vst v63  }
0x22f: {  	s0 =	rddreg [dreg:$0x17]  }
0x230: {  	[hbm4b:s0+s9] =	stream.strided.scatter [tilespmem:s11], [sflag:$0x4], $0x4000, s3, s9, $0x38;
	[tilespmem:$0x11200] =	vst v63  }
0x231: {  	_ =	swait.ge [sflag:s6], $0x4000  }
0x232: {  	[sflag:s6] =	ssyncset.done $0x0  }
0x233: {  	[sflag:s6] =	ssyncadd.s32 $0xFFFFC000  }
0x234: {  	_ =	swait.ge [sflag:s6], $0x4000  }
0x235: {  	[sflag:s6] =	ssyncset.done $0x0  }
0x236: {  	s1 =	sld [smem:$0x7F2];
	[sflag:s6] =	ssyncadd.s32 $0xFFFFC000  }
0x237: {  	[tilespmem:s23], [sflag:$0x2] =	stream.indirect.gather [hbm4b:s2+s3], $0x40, s17, s3, $0xb8;
	[tilespmem:$0x11200] =	vst v63  }
0x238: {  	_ = 	snop  }
0x239: {  	[tilespmem:s15], [sflag:$0x2] =	stream.indirect.gather [hbm4b:s2+s3], $0x40, s1, s3, $0xb8;
	[tilespmem:$0x11200] =	vst v63  }
0x23a: {  	s10 =	sld [smem:$0x7F3]  }
0x23b: {  	[tilespmem:s11], [sflag:$0x2] =	stream.indirect.gather [hbm4b:s2+s3], $0x40, s31, s3, $0xb8;
	[tilespmem:$0x11200] =	vst v63  }
0x23c: {  	_ = 	snop  }
0x23d: {  	[tilespmem:s19], [sflag:$0x2] =	stream.indirect.gather [hbm4b:s2+s3], $0x40, s10, s3, $0xb8;
	[tilespmem:$0x11200] =	vst v63  }
0x23e: {  	_ =	swait.ge [sflag:s4], $0x2000  }
0x23f: {  	[sflag:s4] =	ssyncset.done $0x0  }
0x240: {  	[sflag:s4] =	ssyncadd.s32 $0xFFFFE000  }
0x241: {  	_ =	swait.ge [sflag:s4], $0x2000  }
0x242: {  	[sflag:s4] =	ssyncset.done $0x0  }
0x243: {  	[sflag:s4] =	ssyncadd.s32 $0xFFFFE000  }
0x244: {  	_ =	swait.ge [sflag:s4], $0x2000  }
0x245: {  	[sflag:s4] =	ssyncset.done $0x0  }
0x246: {  	[sflag:s4] =	ssyncadd.s32 $0xFFFFE000  }
0x247: {  	_ =	swait.ge [sflag:s4], $0x2000  }
0x248: {  	[sflag:s4] =	ssyncset.done $0x0  }
0x249: {  	s21 =	rddreg [dreg:$0x18];
	[sflag:s4] =	ssyncadd.s32 $0xFFFFE000  }
0x24a: {  	[hbm4b:s21+s9] =	stream.strided.scatter [tilespmem:s5], [sflag:$0x3], $0x4000, s3, s9, $0x38;
	[tilespmem:$0x11200] =	vst v63  }
0x24b: {  	s10 =	rddreg [dreg:$0x19]  }
0x24c: {  	[hbm4b:s10+s9] =	stream.strided.scatter [tilespmem:s7], [sflag:$0x3], $0x4000, s3, s9, $0x38;
	[tilespmem:$0x11200] =	vst v63  }
0x24d: {  	_ =	swait.ge [sflag:s8], $0x4000  }
0x24e: {  	[sflag:s8] =	ssyncset.done $0x0  }
0x24f: {  	[sflag:s8] =	ssyncadd.s32 $0xFFFFC000  }
0x250: {  	_ =	swait.ge [sflag:s8], $0x4000  }
0x251: {  	[sflag:s8] =	ssyncset.done $0x0  }
0x252: {  	s21 =	sld [smem:$0x7F4];
	[sflag:s8] =	ssyncadd.s32 $0xFFFFC000  }
0x253: {  	[tilespmem:s5], [sflag:$0x1] =	stream.indirect.gather [hbm4b:s2+s3], $0x40, s13, s3, $0xb8;
	[tilespmem:$0x11200] =	vst v63  }
0x254: {  	s16 =	simm.s32 $0x3200  }
0x255: {  	[tilespmem:s16], [sflag:$0x1] =	stream.indirect.gather [hbm4b:s2+s3], $0x40, s21, s3, $0xb8;
	[tilespmem:$0x11200] =	vst v63  }
0x256: {  	s10 =	sld [smem:$0x7F5]  }
0x257: {  	[tilespmem:s7], [sflag:$0x1] =	stream.indirect.gather [hbm4b:s2+s3], $0x40, s22, s3, $0xb8;
	[tilespmem:$0x11200] =	vst v63  }
0x258: {  	s1 =	simm.s32 $0x7200  }
0x259: {  	[tilespmem:s1], [sflag:$0x1] =	stream.indirect.gather [hbm4b:s2+s3], $0x40, s10, s3, $0xb8;
	[tilespmem:$0x11200] =	vst v63  }
0x25a: {  	_ =	swait.ge [sflag:s14], $0x2000  }
0x25b: {  	[sflag:s14] =	ssyncset.done $0x0  }
0x25c: {  	[sflag:s14] =	ssyncadd.s32 $0xFFFFE000  }
0x25d: {  	_ =	swait.ge [sflag:s14], $0x2000  }
0x25e: {  	[sflag:s14] =	ssyncset.done $0x0  }
0x25f: {  	[sflag:s14] =	ssyncadd.s32 $0xFFFFE000  }
0x260: {  	_ =	swait.ge [sflag:s14], $0x2000  }
0x261: {  	[sflag:s14] =	ssyncset.done $0x0  }
0x262: {  	[sflag:s14] =	ssyncadd.s32 $0xFFFFE000  }
0x263: {  	_ =	swait.ge [sflag:s14], $0x2000  }
0x264: {  	[sflag:s14] =	ssyncset.done $0x0  }
0x265: {  	s21 =	rddreg [dreg:$0x1a];
	[sflag:s14] =	ssyncadd.s32 $0xFFFFE000  }
0x266: {  	[hbm4b:s21+s9] =	stream.strided.scatter [tilespmem:s23], [sflag:$0x4], $0x4000, s3, s9, $0x38;
	[tilespmem:$0x11200] =	vst v63  }
0x267: {  	s10 =	rddreg [dreg:$0x1b]  }
0x268: {  	[hbm4b:s10+s9] =	stream.strided.scatter [tilespmem:s11], [sflag:$0x4], $0x4000, s3, s9, $0x38;
	[tilespmem:$0x11200] =	vst v63  }
0x269: {  	_ =	swait.ge [sflag:s6], $0x4000  }
0x26a: {  	[sflag:s6] =	ssyncset.done $0x0  }
0x26b: {  	[sflag:s6] =	ssyncadd.s32 $0xFFFFC000  }
0x26c: {  	_ =	swait.ge [sflag:s6], $0x4000  }
0x26d: {  	[sflag:s6] =	ssyncset.done $0x0  }
0x26e: {  	s21 =	sld [smem:$0x7F6];
	[sflag:s6] =	ssyncadd.s32 $0xFFFFC000  }
0x26f: {  	[tilespmem:s23], [sflag:$0x2] =	stream.indirect.gather [hbm4b:s2+s3], $0x40, s29, s3, $0xb8;
	[tilespmem:$0x11200] =	vst v63  }
0x270: {  	s0 =	simm.s32 $0xB200  }
0x271: {  	[tilespmem:s0], [sflag:$0x2] =	stream.indirect.gather [hbm4b:s2+s3], $0x40, s21, s3, $0xb8;
	[tilespmem:$0x11200] =	vst v63  }
0x272: {  	s10 =	sld [smem:$0x7F7]  }
0x273: {  	[tilespmem:s11], [sflag:$0x2] =	stream.indirect.gather [hbm4b:s2+s3], $0x40, s30, s3, $0xb8;
	[tilespmem:$0x11200] =	vst v63  }
0x274: {  	_ = 	snop  }
0x275: {  	[tilespmem:s19], [sflag:$0x2] =	stream.indirect.gather [hbm4b:s2+s3], $0x40, s10, s3, $0xb8;
	[tilespmem:$0x11200] =	vst v63  }
0x276: {  	_ =	swait.ge [sflag:s4], $0x2000  }
0x277: {  	[sflag:s4] =	ssyncset.done $0x0  }
0x278: {  	[sflag:s4] =	ssyncadd.s32 $0xFFFFE000  }
0x279: {  	_ =	swait.ge [sflag:s4], $0x2000  }
0x27a: {  	[sflag:s4] =	ssyncset.done $0x0  }
0x27b: {  	[sflag:s4] =	ssyncadd.s32 $0xFFFFE000  }
0x27c: {  	_ =	swait.ge [sflag:s4], $0x2000  }
0x27d: {  	[sflag:s4] =	ssyncset.done $0x0  }
0x27e: {  	[sflag:s4] =	ssyncadd.s32 $0xFFFFE000  }
0x27f: {  	_ =	swait.ge [sflag:s4], $0x2000  }
0x280: {  	[sflag:s4] =	ssyncset.done $0x0  }
0x281: {  	s21 =	rddreg [dreg:$0x1c];
	[sflag:s4] =	ssyncadd.s32 $0xFFFFE000  }
0x282: {  	[hbm4b:s21+s9] =	stream.strided.scatter [tilespmem:s5], [sflag:$0x3], $0x4000, s3, s9, $0x38;
	[tilespmem:$0x11200] =	vst v63  }
0x283: {  	s10 =	rddreg [dreg:$0x1d]  }
0x284: {  	[hbm4b:s10+s9] =	stream.strided.scatter [tilespmem:s7], [sflag:$0x3], $0x4000, s3, s9, $0x38;
	[tilespmem:$0x11200] =	vst v63  }
0x285: {  	_ =	swait.ge [sflag:s8], $0x4000  }
0x286: {  	[sflag:s8] =	ssyncset.done $0x0  }
0x287: {  	[sflag:s8] =	ssyncadd.s32 $0xFFFFC000  }
0x288: {  	_ =	swait.ge [sflag:s8], $0x4000  }
0x289: {  	[sflag:s8] =	ssyncset.done $0x0  }
0x28a: {  	s21 =	simm.s32 $0xC00;
	s20 =	sld [smem:$0x7F8];
	[sflag:s8] =	ssyncadd.s32 $0xFFFFC000  }
0x28b: {  	[tilespmem:s5], [sflag:$0x1] =	stream.indirect.gather [hbm4b:s2+s3], $0x40, s21, s3, $0xb8;
	[tilespmem:$0x11200] =	vst v63  }
0x28c: {  	_ = 	snop  }
0x28d: {  	[tilespmem:s16], [sflag:$0x1] =	stream.indirect.gather [hbm4b:s2+s3], $0x40, s20, s3, $0xb8;
	[tilespmem:$0x11200] =	vst v63  }
0x28e: {  	s28 =	simm.s32 $0xD00;
	s10 =	sld [smem:$0x7F9]  }
0x28f: {  	[tilespmem:s7], [sflag:$0x1] =	stream.indirect.gather [hbm4b:s2+s3], $0x40, s28, s3, $0xb8;
	[tilespmem:$0x11200] =	vst v63  }
0x290: {  	_ = 	snop  }
0x291: {  	[tilespmem:s1], [sflag:$0x1] =	stream.indirect.gather [hbm4b:s2+s3], $0x40, s10, s3, $0xb8;
	[tilespmem:$0x11200] =	vst v63  }
0x292: {  	_ =	swait.ge [sflag:s14], $0x2000  }
0x293: {  	[sflag:s14] =	ssyncset.done $0x0  }
0x294: {  	[sflag:s14] =	ssyncadd.s32 $0xFFFFE000  }
0x295: {  	_ =	swait.ge [sflag:s14], $0x2000  }
0x296: {  	[sflag:s14] =	ssyncset.done $0x0  }
0x297: {  	[sflag:s14] =	ssyncadd.s32 $0xFFFFE000  }
0x298: {  	_ =	swait.ge [sflag:s14], $0x2000  }
0x299: {  	[sflag:s14] =	ssyncset.done $0x0  }
0x29a: {  	[sflag:s14] =	ssyncadd.s32 $0xFFFFE000  }
0x29b: {  	_ =	swait.ge [sflag:s14], $0x2000  }
0x29c: {  	[sflag:s14] =	ssyncset.done $0x0  }
0x29d: {  	s21 =	rddreg [dreg:$0x1e];
	[sflag:s14] =	ssyncadd.s32 $0xFFFFE000  }
0x29e: {  	[hbm4b:s21+s9] =	stream.strided.scatter [tilespmem:s23], [sflag:$0x4], $0x4000, s3, s9, $0x38;
	[tilespmem:$0x11200] =	vst v63  }
0x29f: {  	s10 =	rddreg [dreg:$0x1f]  }
0x2a0: {  	[hbm4b:s10+s9] =	stream.strided.scatter [tilespmem:s11], [sflag:$0x4], $0x4000, s3, s9, $0x38;
	[tilespmem:$0x11200] =	vst v63  }
0x2a1: {  	_ =	swait.ge [sflag:s6], $0x4000  }
0x2a2: {  	[sflag:s6] =	ssyncset.done $0x0  }
0x2a3: {  	[sflag:s6] =	ssyncadd.s32 $0xFFFFC000  }
0x2a4: {  	_ =	swait.ge [sflag:s6], $0x4000  }
0x2a5: {  	[sflag:s6] =	ssyncset.done $0x0  }
0x2a6: {  	s24 =	simm.s32 $0xE00;
	s21 =	sld [smem:$0x7FA];
	[sflag:s6] =	ssyncadd.s32 $0xFFFFC000  }
0x2a7: {  	[tilespmem:s23], [sflag:$0x2] =	stream.indirect.gather [hbm4b:s2+s3], $0x40, s24, s3, $0xb8;
	[tilespmem:$0x11200] =	vst v63  }
0x2a8: {  	_ = 	snop  }
0x2a9: {  	[tilespmem:s0], [sflag:$0x2] =	stream.indirect.gather [hbm4b:s2+s3], $0x40, s21, s3, $0xb8;
	[tilespmem:$0x11200] =	vst v63  }
0x2aa: {  	s10 =	sld [smem:$0x7FB]  }
0x2ab: {  	[tilespmem:s11], [sflag:$0x2] =	stream.indirect.gather [hbm4b:s2+s3], $0x40, s26, s3, $0xb8;
	[tilespmem:$0x11200] =	vst v63  }
0x2ac: {  	_ = 	snop  }
0x2ad: {  	[tilespmem:s19], [sflag:$0x2] =	stream.indirect.gather [hbm4b:s2+s3], $0x40, s10, s3, $0xb8;
	[tilespmem:$0x11200] =	vst v63  }
0x2ae: {  	_ =	swait.ge [sflag:s4], $0x2000  }
0x2af: {  	[sflag:s4] =	ssyncset.done $0x0  }
0x2b0: {  	[sflag:s4] =	ssyncadd.s32 $0xFFFFE000  }
0x2b1: {  	_ =	swait.ge [sflag:s4], $0x2000  }
0x2b2: {  	[sflag:s4] =	ssyncset.done $0x0  }
0x2b3: {  	[sflag:s4] =	ssyncadd.s32 $0xFFFFE000  }
0x2b4: {  	_ =	swait.ge [sflag:s4], $0x2000  }
0x2b5: {  	[sflag:s4] =	ssyncset.done $0x0  }
0x2b6: {  	[sflag:s4] =	ssyncadd.s32 $0xFFFFE000  }
0x2b7: {  	_ =	swait.ge [sflag:s4], $0x2000  }
0x2b8: {  	s21 =	sld [smem:$0x7E7]  }
0x2b9: {  	[sflag:s4] =	ssyncset.done $0x0  }
0x2ba: {  	s0 =	sld [smem:$0x7E8];
	[sflag:s4] =	ssyncadd.s32 $0xFFFFE000  }
0x2bb: {  	[hbm4b:s21+s9] =	stream.strided.scatter [tilespmem:s5], [sflag:$0x3], $0x4000, s3, s9, $0x38;
	[tilespmem:$0x11200] =	vst v63  }
0x2bc: {  	_ = 	snop  }
0x2bd: {  	[hbm4b:s0+s9] =	stream.strided.scatter [tilespmem:s7], [sflag:$0x3], $0x4000, s3, s9, $0x38;
	[tilespmem:$0x11200] =	vst v63  }
0x2be: {  	_ =	swait.ge [sflag:s8], $0x4000  }
0x2bf: {  	[sflag:s8] =	ssyncset.done $0x0  }
0x2c0: {  	[sflag:s8] =	ssyncadd.s32 $0xFFFFC000  }
0x2c1: {  	_ =	swait.ge [sflag:s8], $0x4000  }
0x2c2: {  	[sflag:s8] =	ssyncset.done $0x0  }
0x2c3: {  	s21 =	simm.s32 $0x1000;
	s10 =	sld [smem:$0x7FC];
	[sflag:s8] =	ssyncadd.s32 $0xFFFFC000  }
0x2c4: {  	[tilespmem:s5], [sflag:$0x1] =	stream.indirect.gather [hbm4b:s2+s3], $0x40, s21, s3, $0xb8;
	[tilespmem:$0x11200] =	vst v63  }
0x2c5: {  	_ = 	snop  }
0x2c6: {  	[tilespmem:s16], [sflag:$0x1] =	stream.indirect.gather [hbm4b:s2+s3], $0x40, s10, s3, $0xb8;
	[tilespmem:$0x11200] =	vst v63  }
0x2c7: {  	s0 =	simm.s32 $0x1100;
	s10 =	sld [smem:$0x7FD]  }
0x2c8: {  	[tilespmem:s7], [sflag:$0x1] =	stream.indirect.gather [hbm4b:s2+s3], $0x40, s0, s3, $0xb8;
	[tilespmem:$0x11200] =	vst v63  }
0x2c9: {  	_ = 	snop  }
0x2ca: {  	[tilespmem:s1], [sflag:$0x1] =	stream.indirect.gather [hbm4b:s2+s3], $0x40, s10, s3, $0xb8;
	[tilespmem:$0x11200] =	vst v63  }
0x2cb: {  	_ =	swait.ge [sflag:s14], $0x2000  }
0x2cc: {  	[sflag:s14] =	ssyncset.done $0x0  }
0x2cd: {  	[sflag:s14] =	ssyncadd.s32 $0xFFFFE000  }
0x2ce: {  	_ =	swait.ge [sflag:s14], $0x2000  }
0x2cf: {  	[sflag:s14] =	ssyncset.done $0x0  }
0x2d0: {  	[sflag:s14] =	ssyncadd.s32 $0xFFFFE000  }
0x2d1: {  	_ =	swait.ge [sflag:s14], $0x2000  }
0x2d2: {  	[sflag:s14] =	ssyncset.done $0x0  }
0x2d3: {  	[sflag:s14] =	ssyncadd.s32 $0xFFFFE000  }
0x2d4: {  	_ =	swait.ge [sflag:s14], $0x2000  }
0x2d5: {  	s21 =	sld [smem:$0x7E9]  }
0x2d6: {  	[sflag:s14] =	ssyncset.done $0x0  }
0x2d7: {  	s0 =	sld [smem:$0x7EA];
	[sflag:s14] =	ssyncadd.s32 $0xFFFFE000  }
0x2d8: {  	[hbm4b:s21+s9] =	stream.strided.scatter [tilespmem:s23], [sflag:$0x4], $0x4000, s3, s9, $0x38;
	[tilespmem:$0x11200] =	vst v63  }
0x2d9: {  	_ = 	snop  }
0x2da: {  	[hbm4b:s0+s9] =	stream.strided.scatter [tilespmem:s11], [sflag:$0x4], $0x4000, s3, s9, $0x38;
	[tilespmem:$0x11200] =	vst v63  }
0x2db: {  	_ =	swait.ge [sflag:s4], $0x2000  }
0x2dc: {  	[sflag:s4] =	ssyncset.done $0x0  }
0x2dd: {  	[sflag:s4] =	ssyncadd.s32 $0xFFFFE000  }
0x2de: {  	_ =	swait.ge [sflag:s4], $0x2000  }
0x2df: {  	[sflag:s4] =	ssyncset.done $0x0  }
0x2e0: {  	[sflag:s4] =	ssyncadd.s32 $0xFFFFE000  }
0x2e1: {  	_ =	swait.ge [sflag:s4], $0x2000  }
0x2e2: {  	[sflag:s4] =	ssyncset.done $0x0  }
0x2e3: {  	[sflag:s4] =	ssyncadd.s32 $0xFFFFE000  }
0x2e4: {  	_ =	swait.ge [sflag:s4], $0x2000  }
0x2e5: {  	s1 =	sld [smem:$0x7EB]  }
0x2e6: {  	[sflag:s4] =	ssyncset.done $0x0  }
0x2e7: {  	s10 =	sld [smem:$0x7EC];
	[sflag:s4] =	ssyncadd.s32 $0xFFFFE000  }
0x2e8: {  	[hbm4b:s1+s9] =	stream.strided.scatter [tilespmem:s5], [sflag:$0x3], $0x4000, s3, s9, $0x38;
	[tilespmem:$0x11200] =	vst v63  }
0x2e9: {  	_ = 	snop  }
0x2ea: {  	[hbm4b:s10+s9] =	stream.strided.scatter [tilespmem:s7], [sflag:$0x3], $0x4000, s3, s9, $0x38;
	[tilespmem:$0x11200] =	vst v63  }
0x2eb: {  	_ =	swait.ge [sflag:s8], $0x4000  }
0x2ec: {  	[sflag:s8] =	ssyncset.done $0x0  }
0x2ed: {  	[sflag:s8] =	ssyncadd.s32 $0xFFFFC000  }
0x2ee: {  	_ =	swait.ge [sflag:s8], $0x4000  }
0x2ef: {  	[sflag:s8] =	ssyncset.done $0x0  }
0x2f0: {  	p1 =	sne.s32 s18, $0x1;
	[sflag:s8] =	ssyncadd.s32 $0xFFFFC000  }
.Ltmp2:
0x2f1: {  	_ =	swait.ge [sflag:s6], $0x4000;
	(pc) =	sbr.rel @p1 .LBB2_3-.Ltmp2, $4  }
0x2f2: {  	[sflag:s6] =	ssyncset.done $0x0  }
0x2f3: {  	[sflag:s6] =	ssyncadd.s32 $0xFFFFC000  }
0x2f4: {  	_ =	swait.ge [sflag:s6], $0x4000  }
0x2f5: {  	s18 =	sadd.s32 $0xFFFFFFFF, s18;
	s26 =	simm.s32 $0xC00;
	[sflag:s6] =	ssyncset.done $0x0  }
0x2f6: {  	s1 =	simm.s32 $0x800;
	s29 =	simm.s32 $0x900;
	s0 =	simm.s32 $0x600  }
0x2f7: {  	s21 =	simm.s32 $0x700;
	s13 =	simm.s32 $0x400;
	s20 =	simm.s32 $0x500  }
0x2f8: {  	s30 =	simm.s32 $0x200;
	s10 =	simm.s32 $0x100;
	s12 =	sld [smem:$0x7E5]  }
.LBB2_5:
0x2f9: {  	_ = 	snop  }
0x2fa: {  	[sflag:s6] =	ssyncadd.s32 @p0 $0xFFFFC000  }
0x2fb: {  	[tilespmem:s25], [sflag:$0x1] =	stream.linear.gather [hbm4b:s12+s25], $0x100, $0x38;
	[tilespmem:$0x11200] =	vst v63  }
0x2fc: {  	s18 =	rddreg [dreg:$0x3]  }
0x2fd: {  	[tilespmem:s10], [sflag:$0x1] =	stream.linear.gather [hbm4b:s18+s25], $0x100, $0x38;
	[tilespmem:$0x11200] =	vst v63  }
0x2fe: {  	s17 =	rddreg [dreg:$0x4]  }
0x2ff: {  	[tilespmem:s30], [sflag:$0x1] =	stream.linear.gather [hbm4b:s17+s25], $0x100, $0x38;
	[tilespmem:$0x11200] =	vst v63  }
0x300: {  	s31 =	simm.s32 $0x300;
	s18 =	rddreg [dreg:$0x5]  }
0x301: {  	[tilespmem:s31], [sflag:$0x1] =	stream.linear.gather [hbm4b:s18+s25], $0x100, $0x38;
	[tilespmem:$0x11200] =	vst v63  }
0x302: {  	s12 =	rddreg [dreg:$0x6]  }
0x303: {  	[tilespmem:s13], [sflag:$0x1] =	stream.linear.gather [hbm4b:s12+s25], $0x100, $0x38;
	[tilespmem:$0x11200] =	vst v63  }
0x304: {  	s30 =	rddreg [dreg:$0x7]  }
0x305: {  	[tilespmem:s20], [sflag:$0x1] =	stream.linear.gather [hbm4b:s30+s25], $0x100, $0x38;
	[tilespmem:$0x11200] =	vst v63  }
0x306: {  	s12 =	rddreg [dreg:$0x8]  }
0x307: {  	[tilespmem:s0], [sflag:$0x1] =	stream.linear.gather [hbm4b:s12+s25], $0x100, $0x38;
	[tilespmem:$0x11200] =	vst v63  }
0x308: {  	s13 =	rddreg [dreg:$0x9]  }
0x309: {  	[tilespmem:s21], [sflag:$0x1] =	stream.linear.gather [hbm4b:s13+s25], $0x100, $0x38;
	[tilespmem:$0x11200] =	vst v63  }
0x30a: {  	s20 =	rddreg [dreg:$0xa]  }
0x30b: {  	[tilespmem:s1], [sflag:$0x1] =	stream.linear.gather [hbm4b:s20+s25], $0x100, $0x38;
	[tilespmem:$0x11200] =	vst v63  }
0x30c: {  	s30 =	rddreg [dreg:$0xb]  }
0x30d: {  	[tilespmem:s29], [sflag:$0x1] =	stream.linear.gather [hbm4b:s30+s25], $0x100, $0x38;
	[tilespmem:$0x11200] =	vst v63  }
0x30e: {  	s0 =	rddreg [dreg:$0xc];
	s29 =	simm.s32 $0xA00  }
0x30f: {  	[tilespmem:s29], [sflag:$0x1] =	stream.linear.gather [hbm4b:s0+s25], $0x100, $0x38;
	[tilespmem:$0x11200] =	vst v63  }
0x310: {  	s12 =	rddreg [dreg:$0xd];
	s30 =	simm.s32 $0xB00  }
0x311: {  	[tilespmem:s30], [sflag:$0x1] =	stream.linear.gather [hbm4b:s12+s25], $0x100, $0x38;
	[tilespmem:$0x11200] =	vst v63  }
0x312: {  	s13 =	rddreg [dreg:$0xe]  }
0x313: {  	[tilespmem:s26], [sflag:$0x1] =	stream.linear.gather [hbm4b:s13+s25], $0x100, $0x38;
	[tilespmem:$0x11200] =	vst v63  }
0x314: {  	s21 =	rddreg [dreg:$0xf]  }
0x315: {  	[tilespmem:s28], [sflag:$0x1] =	stream.linear.gather [hbm4b:s21+s25], $0x100, $0x38;
	[tilespmem:$0x11200] =	vst v63  }
0x316: {  	s26 =	rddreg [dreg:$0x10]  }
0x317: {  	[tilespmem:s24], [sflag:$0x1] =	stream.linear.gather [hbm4b:s26+s25], $0x100, $0x38;
	[tilespmem:$0x11200] =	vst v63  }
0x318: {  	s28 =	rddreg [dreg:$0x11];
	s26 =	simm.s32 $0xF00  }
0x319: {  	[tilespmem:s26], [sflag:$0x1] =	stream.linear.gather [hbm4b:s28+s25], $0x100, $0x38;
	[tilespmem:$0x11200] =	vst v63  }
0x31a: {  	s12 =	rddreg [dreg:$0x12];
	s28 =	simm.s32 $0x1000  }
0x31b: {  	[tilespmem:s28], [sflag:$0x1] =	stream.linear.gather [hbm4b:s12+s25], $0x100, $0x38;
	[tilespmem:$0x11200] =	vst v63  }
0x31c: {  	s13 =	rddreg [dreg:$0x13];
	s21 =	simm.s32 $0x1100  }
0x31d: {  	[tilespmem:s21], [sflag:$0x1] =	stream.linear.gather [hbm4b:s13+s25], $0x100, $0x38;
	[tilespmem:$0x11200] =	vst v63  }
0x31e: {  	_ =	swait.ge [sflag:s4], $0x100  }
0x31f: {  	[sflag:s4] =	ssyncset.done $0x0  }
0x320: {  	[sflag:s4] =	ssyncadd.s32 $0xFFFFFF00  }
0x321: {  	_ =	swait.ge [sflag:s4], $0x100  }
0x322: {  	[sflag:s4] =	ssyncset.done $0x0  }
0x323: {  	[sflag:s4] =	ssyncadd.s32 $0xFFFFFF00  }
0x324: {  	_ =	swait.ge [sflag:s4], $0x100  }
0x325: {  	[sflag:s4] =	ssyncset.done $0x0  }
0x326: {  	[sflag:s4] =	ssyncadd.s32 $0xFFFFFF00  }
0x327: {  	_ =	swait.ge [sflag:s4], $0x100  }
0x328: {  	[sflag:s4] =	ssyncset.done $0x0  }
0x329: {  	[sflag:s4] =	ssyncadd.s32 $0xFFFFFF00  }
0x32a: {  	_ =	swait.ge [sflag:s4], $0x100  }
0x32b: {  	[sflag:s4] =	ssyncset.done $0x0  }
0x32c: {  	[sflag:s4] =	ssyncadd.s32 $0xFFFFFF00  }
0x32d: {  	_ =	swait.ge [sflag:s4], $0x100  }
0x32e: {  	[sflag:s4] =	ssyncset.done $0x0  }
0x32f: {  	[sflag:s4] =	ssyncadd.s32 $0xFFFFFF00  }
0x330: {  	_ =	swait.ge [sflag:s4], $0x100  }
0x331: {  	[sflag:s4] =	ssyncset.done $0x0  }
0x332: {  	[sflag:s4] =	ssyncadd.s32 $0xFFFFFF00  }
0x333: {  	_ =	swait.ge [sflag:s4], $0x100  }
0x334: {  	[sflag:s4] =	ssyncset.done $0x0  }
0x335: {  	[sflag:s4] =	ssyncadd.s32 $0xFFFFFF00  }
0x336: {  	_ =	swait.ge [sflag:s4], $0x100  }
0x337: {  	[sflag:s4] =	ssyncset.done $0x0  }
0x338: {  	[sflag:s4] =	ssyncadd.s32 $0xFFFFFF00  }
0x339: {  	_ =	swait.ge [sflag:s4], $0x100  }
0x33a: {  	[sflag:s4] =	ssyncset.done $0x0  }
0x33b: {  	[sflag:s4] =	ssyncadd.s32 $0xFFFFFF00  }
0x33c: {  	_ =	swait.ge [sflag:s4], $0x100  }
0x33d: {  	[sflag:s4] =	ssyncset.done $0x0  }
0x33e: {  	[sflag:s4] =	ssyncadd.s32 $0xFFFFFF00  }
0x33f: {  	_ =	swait.ge [sflag:s4], $0x100  }
0x340: {  	[sflag:s4] =	ssyncset.done $0x0  }
0x341: {  	[sflag:s4] =	ssyncadd.s32 $0xFFFFFF00  }
0x342: {  	_ =	swait.ge [sflag:s4], $0x100  }
0x343: {  	[sflag:s4] =	ssyncset.done $0x0  }
0x344: {  	[sflag:s4] =	ssyncadd.s32 $0xFFFFFF00  }
0x345: {  	_ =	swait.ge [sflag:s4], $0x100  }
0x346: {  	[sflag:s4] =	ssyncset.done $0x0  }
0x347: {  	[sflag:s4] =	ssyncadd.s32 $0xFFFFFF00  }
0x348: {  	_ =	swait.ge [sflag:s4], $0x100  }
0x349: {  	[sflag:s4] =	ssyncset.done $0x0  }
0x34a: {  	[sflag:s4] =	ssyncadd.s32 $0xFFFFFF00  }
0x34b: {  	_ =	swait.ge [sflag:s4], $0x100  }
0x34c: {  	[sflag:s4] =	ssyncset.done $0x0  }
0x34d: {  	[sflag:s4] =	ssyncadd.s32 $0xFFFFFF00  }
0x34e: {  	_ =	swait.ge [sflag:s4], $0x100  }
0x34f: {  	[sflag:s4] =	ssyncset.done $0x0  }
0x350: {  	[sflag:s4] =	ssyncadd.s32 $0xFFFFFF00  }
0x351: {  	_ =	swait.ge [sflag:s4], $0x100  }
0x352: {  	[sflag:s4] =	ssyncset.done $0x0  }
0x353: {  	[sflag:s4] =	ssyncadd.s32 $0xFFFFFF00  }
0x354: {  	[tilespmem:s5], [sflag:$0x1] =	stream.indirect.gather [hbm4b:s2+s3], $0x40, s25, s3, $0xb8;
	[tilespmem:$0x11200] =	vst v63  }
0x355: {  	_ = 	snop  }
0x356: {  	[tilespmem:s16], [sflag:$0x1] =	stream.indirect.gather [hbm4b:s2+s3], $0x40, s3, s3, $0xb8;
	[tilespmem:$0x11200] =	vst v63  }
0x357: {  	s10 =	simm.s32 $0x100;
	s18 =	sld [smem:$0x7ED]  }
0x358: {  	[tilespmem:s7], [sflag:$0x1] =	stream.indirect.gather [hbm4b:s2+s3], $0x40, s10, s3, $0xb8;
	[tilespmem:$0x11200] =	vst v63  }
0x359: {  	s22 =	simm.s32 $0x7200  }
0x35a: {  	[tilespmem:s22], [sflag:$0x1] =	stream.indirect.gather [hbm4b:s2+s3], $0x40, s18, s3, $0xb8;
	[tilespmem:$0x11200] =	vst v63  }
0x35b: {  	s0 =	simm.s32 $0x200;
	s25 =	sld [smem:$0x7EE]  }
0x35c: {  	[tilespmem:s23], [sflag:$0x2] =	stream.indirect.gather [hbm4b:s2+s3], $0x40, s0, s3, $0xb8;
	[tilespmem:$0x11200] =	vst v63  }
0x35d: {  	s15 =	simm.s32 $0xB200  }
0x35e: {  	[tilespmem:s15], [sflag:$0x2] =	stream.indirect.gather [hbm4b:s2+s3], $0x40, s25, s3, $0xb8;
	[tilespmem:$0x11200] =	vst v63  }
0x35f: {  	s10 =	sld [smem:$0x7EF]  }
0x360: {  	[tilespmem:s11], [sflag:$0x2] =	stream.indirect.gather [hbm4b:s2+s3], $0x40, s31, s3, $0xb8;
	[tilespmem:$0x11200] =	vst v63  }
0x361: {  	_ = 	snop  }
0x362: {  	[tilespmem:s19], [sflag:$0x2] =	stream.indirect.gather [hbm4b:s2+s3], $0x40, s10, s3, $0xb8;
	[tilespmem:$0x11200] =	vst v63  }
0x363: {  	_ =	swait.ge [sflag:s4], $0x2000  }
0x364: {  	[sflag:s4] =	ssyncset.done $0x0  }
0x365: {  	[sflag:s4] =	ssyncadd.s32 $0xFFFFE000  }
0x366: {  	_ =	swait.ge [sflag:s4], $0x2000  }
0x367: {  	[sflag:s4] =	ssyncset.done $0x0  }
0x368: {  	[sflag:s4] =	ssyncadd.s32 $0xFFFFE000  }
0x369: {  	_ =	swait.ge [sflag:s4], $0x2000  }
0x36a: {  	[sflag:s4] =	ssyncset.done $0x0  }
0x36b: {  	[sflag:s4] =	ssyncadd.s32 $0xFFFFE000  }
0x36c: {  	_ =	swait.ge [sflag:s4], $0x2000  }
0x36d: {  	[sflag:s4] =	ssyncset.done $0x0  }
0x36e: {  	s12 =	rddreg [dreg:$0x14];
	[sflag:s4] =	ssyncadd.s32 $0xFFFFE000  }
0x36f: {  	[hbm4b:s12+s9] =	stream.strided.scatter [tilespmem:s5], [sflag:$0x3], $0x4000, s3, s9, $0x38;
	[tilespmem:$0x11200] =	vst v63  }
0x370: {  	s13 =	rddreg [dreg:$0x15]  }
0x371: {  	[hbm4b:s13+s9] =	stream.strided.scatter [tilespmem:s7], [sflag:$0x3], $0x4000, s3, s9, $0x38;
	[tilespmem:$0x11200] =	vst v63  }
0x372: {  	_ =	swait.ge [sflag:s8], $0x4000  }
0x373: {  	[sflag:s8] =	ssyncset.done $0x0  }
0x374: {  	[sflag:s8] =	ssyncadd.s32 $0xFFFFC000  }
0x375: {  	_ =	swait.ge [sflag:s8], $0x4000  }
0x376: {  	[sflag:s8] =	ssyncset.done $0x0  }
0x377: {  	s1 =	simm.s32 $0x400;
	s17 =	sld [smem:$0x7F0];
	[sflag:s8] =	ssyncadd.s32 $0xFFFFC000  }
0x378: {  	[tilespmem:s5], [sflag:$0x1] =	stream.indirect.gather [hbm4b:s2+s3], $0x40, s1, s3, $0xb8;
	[tilespmem:$0x11200] =	vst v63  }
0x379: {  	_ = 	snop  }
0x37a: {  	[tilespmem:s16], [sflag:$0x1] =	stream.indirect.gather [hbm4b:s2+s3], $0x40, s17, s3, $0xb8;
	[tilespmem:$0x11200] =	vst v63  }
0x37b: {  	s20 =	simm.s32 $0x500;
	s18 =	sld [smem:$0x7F1]  }
0x37c: {  	[tilespmem:s7], [sflag:$0x1] =	stream.indirect.gather [hbm4b:s2+s3], $0x40, s20, s3, $0xb8;
	[tilespmem:$0x11200] =	vst v63  }
0x37d: {  	_ = 	snop  }
0x37e: {  	[tilespmem:s22], [sflag:$0x1] =	stream.indirect.gather [hbm4b:s2+s3], $0x40, s18, s3, $0xb8;
	[tilespmem:$0x11200] =	vst v63  }
0x37f: {  	_ =	swait.ge [sflag:s14], $0x2000  }
0x380: {  	[sflag:s14] =	ssyncset.done $0x0  }
0x381: {  	[sflag:s14] =	ssyncadd.s32 $0xFFFFE000  }
0x382: {  	_ =	swait.ge [sflag:s14], $0x2000  }
0x383: {  	[sflag:s14] =	ssyncset.done $0x0  }
0x384: {  	[sflag:s14] =	ssyncadd.s32 $0xFFFFE000  }
0x385: {  	_ =	swait.ge [sflag:s14], $0x2000  }
0x386: {  	[sflag:s14] =	ssyncset.done $0x0  }
0x387: {  	[sflag:s14] =	ssyncadd.s32 $0xFFFFE000  }
0x388: {  	_ =	swait.ge [sflag:s14], $0x2000  }
0x389: {  	[sflag:s14] =	ssyncset.done $0x0  }
0x38a: {  	s20 =	rddreg [dreg:$0x16];
	[sflag:s14] =	ssyncadd.s32 $0xFFFFE000  }
0x38b: {  	[hbm4b:s20+s9] =	stream.strided.scatter [tilespmem:s23], [sflag:$0x4], $0x4000, s3, s9, $0x38;
	[tilespmem:$0x11200] =	vst v63  }
0x38c: {  	s25 =	rddreg [dreg:$0x17]  }
0x38d: {  	[hbm4b:s25+s9] =	stream.strided.scatter [tilespmem:s11], [sflag:$0x4], $0x4000, s3, s9, $0x38;
	[tilespmem:$0x11200] =	vst v63  }
0x38e: {  	_ =	swait.ge [sflag:s6], $0x4000  }
0x38f: {  	[sflag:s6] =	ssyncset.done $0x0  }
0x390: {  	[sflag:s6] =	ssyncadd.s32 $0xFFFFC000  }
0x391: {  	_ =	swait.ge [sflag:s6], $0x4000  }
0x392: {  	[sflag:s6] =	ssyncset.done $0x0  }
0x393: {  	s10 =	simm.s32 $0x600;
	s31 =	sld [smem:$0x7F2];
	[sflag:s6] =	ssyncadd.s32 $0xFFFFC000  }
0x394: {  	[tilespmem:s23], [sflag:$0x2] =	stream.indirect.gather [hbm4b:s2+s3], $0x40, s10, s3, $0xb8;
	[tilespmem:$0x11200] =	vst v63  }
0x395: {  	_ = 	snop  }
0x396: {  	[tilespmem:s15], [sflag:$0x2] =	stream.indirect.gather [hbm4b:s2+s3], $0x40, s31, s3, $0xb8;
	[tilespmem:$0x11200] =	vst v63  }
0x397: {  	s13 =	simm.s32 $0x700;
	s12 =	sld [smem:$0x7F3]  }
0x398: {  	[tilespmem:s11], [sflag:$0x2] =	stream.indirect.gather [hbm4b:s2+s3], $0x40, s13, s3, $0xb8;
	[tilespmem:$0x11200] =	vst v63  }
0x399: {  	_ = 	snop  }
0x39a: {  	[tilespmem:s19], [sflag:$0x2] =	stream.indirect.gather [hbm4b:s2+s3], $0x40, s12, s3, $0xb8;
	[tilespmem:$0x11200] =	vst v63  }
0x39b: {  	_ =	swait.ge [sflag:s4], $0x2000  }
0x39c: {  	[sflag:s4] =	ssyncset.done $0x0  }
0x39d: {  	[sflag:s4] =	ssyncadd.s32 $0xFFFFE000  }
0x39e: {  	_ =	swait.ge [sflag:s4], $0x2000  }
0x39f: {  	[sflag:s4] =	ssyncset.done $0x0  }
0x3a0: {  	[sflag:s4] =	ssyncadd.s32 $0xFFFFE000  }
0x3a1: {  	_ =	swait.ge [sflag:s4], $0x2000  }
0x3a2: {  	[sflag:s4] =	ssyncset.done $0x0  }
0x3a3: {  	[sflag:s4] =	ssyncadd.s32 $0xFFFFE000  }
0x3a4: {  	_ =	swait.ge [sflag:s4], $0x2000  }
0x3a5: {  	[sflag:s4] =	ssyncset.done $0x0  }
0x3a6: {  	s17 =	rddreg [dreg:$0x18];
	[sflag:s4] =	ssyncadd.s32 $0xFFFFE000  }
0x3a7: {  	[hbm4b:s17+s9] =	stream.strided.scatter [tilespmem:s5], [sflag:$0x3], $0x4000, s3, s9, $0x38;
	[tilespmem:$0x11200] =	vst v63  }
0x3a8: {  	s18 =	rddreg [dreg:$0x19]  }
0x3a9: {  	[hbm4b:s18+s9] =	stream.strided.scatter [tilespmem:s7], [sflag:$0x3], $0x4000, s3, s9, $0x38;
	[tilespmem:$0x11200] =	vst v63  }
0x3aa: {  	_ =	swait.ge [sflag:s8], $0x4000  }
0x3ab: {  	[sflag:s8] =	ssyncset.done $0x0  }
0x3ac: {  	[sflag:s8] =	ssyncadd.s32 $0xFFFFC000  }
0x3ad: {  	_ =	swait.ge [sflag:s8], $0x4000  }
0x3ae: {  	[sflag:s8] =	ssyncset.done $0x0  }
0x3af: {  	s25 =	simm.s32 $0x800;
	s20 =	sld [smem:$0x7F4];
	[sflag:s8] =	ssyncadd.s32 $0xFFFFC000  }
0x3b0: {  	[tilespmem:s5], [sflag:$0x1] =	stream.indirect.gather [hbm4b:s2+s3], $0x40, s25, s3, $0xb8;
	[tilespmem:$0x11200] =	vst v63  }
0x3b1: {  	_ = 	snop  }
0x3b2: {  	[tilespmem:s16], [sflag:$0x1] =	stream.indirect.gather [hbm4b:s2+s3], $0x40, s20, s3, $0xb8;
	[tilespmem:$0x11200] =	vst v63  }
0x3b3: {  	s10 =	simm.s32 $0x900;
	s31 =	sld [smem:$0x7F5]  }
0x3b4: {  	[tilespmem:s7], [sflag:$0x1] =	stream.indirect.gather [hbm4b:s2+s3], $0x40, s10, s3, $0xb8;
	[tilespmem:$0x11200] =	vst v63  }
0x3b5: {  	_ = 	snop  }
0x3b6: {  	[tilespmem:s22], [sflag:$0x1] =	stream.indirect.gather [hbm4b:s2+s3], $0x40, s31, s3, $0xb8;
	[tilespmem:$0x11200] =	vst v63  }
0x3b7: {  	_ =	swait.ge [sflag:s14], $0x2000  }
0x3b8: {  	[sflag:s14] =	ssyncset.done $0x0  }
0x3b9: {  	[sflag:s14] =	ssyncadd.s32 $0xFFFFE000  }
0x3ba: {  	_ =	swait.ge [sflag:s14], $0x2000  }
0x3bb: {  	[sflag:s14] =	ssyncset.done $0x0  }
0x3bc: {  	[sflag:s14] =	ssyncadd.s32 $0xFFFFE000  }
0x3bd: {  	_ =	swait.ge [sflag:s14], $0x2000  }
0x3be: {  	[sflag:s14] =	ssyncset.done $0x0  }
0x3bf: {  	[sflag:s14] =	ssyncadd.s32 $0xFFFFE000  }
0x3c0: {  	_ =	swait.ge [sflag:s14], $0x2000  }
0x3c1: {  	[sflag:s14] =	ssyncset.done $0x0  }
0x3c2: {  	s12 =	rddreg [dreg:$0x1a];
	[sflag:s14] =	ssyncadd.s32 $0xFFFFE000  }
0x3c3: {  	[hbm4b:s12+s9] =	stream.strided.scatter [tilespmem:s23], [sflag:$0x4], $0x4000, s3, s9, $0x38;
	[tilespmem:$0x11200] =	vst v63  }
0x3c4: {  	s13 =	rddreg [dreg:$0x1b]  }
0x3c5: {  	[hbm4b:s13+s9] =	stream.strided.scatter [tilespmem:s11], [sflag:$0x4], $0x4000, s3, s9, $0x38;
	[tilespmem:$0x11200] =	vst v63  }
0x3c6: {  	_ =	swait.ge [sflag:s6], $0x4000  }
0x3c7: {  	[sflag:s6] =	ssyncset.done $0x0  }
0x3c8: {  	[sflag:s6] =	ssyncadd.s32 $0xFFFFC000  }
0x3c9: {  	_ =	swait.ge [sflag:s6], $0x4000  }
0x3ca: {  	[sflag:s6] =	ssyncset.done $0x0  }
0x3cb: {  	s17 =	sld [smem:$0x7F6];
	[sflag:s6] =	ssyncadd.s32 $0xFFFFC000  }
0x3cc: {  	[tilespmem:s23], [sflag:$0x2] =	stream.indirect.gather [hbm4b:s2+s3], $0x40, s29, s3, $0xb8;
	[tilespmem:$0x11200] =	vst v63  }
0x3cd: {  	_ = 	snop  }
0x3ce: {  	[tilespmem:s15], [sflag:$0x2] =	stream.indirect.gather [hbm4b:s2+s3], $0x40, s17, s3, $0xb8;
	[tilespmem:$0x11200] =	vst v63  }
0x3cf: {  	s18 =	sld [smem:$0x7F7]  }
0x3d0: {  	[tilespmem:s11], [sflag:$0x2] =	stream.indirect.gather [hbm4b:s2+s3], $0x40, s30, s3, $0xb8;
	[tilespmem:$0x11200] =	vst v63  }
0x3d1: {  	_ = 	snop  }
0x3d2: {  	[tilespmem:s19], [sflag:$0x2] =	stream.indirect.gather [hbm4b:s2+s3], $0x40, s18, s3, $0xb8;
	[tilespmem:$0x11200] =	vst v63  }
0x3d3: {  	_ =	swait.ge [sflag:s4], $0x2000  }
0x3d4: {  	[sflag:s4] =	ssyncset.done $0x0  }
0x3d5: {  	[sflag:s4] =	ssyncadd.s32 $0xFFFFE000  }
0x3d6: {  	_ =	swait.ge [sflag:s4], $0x2000  }
0x3d7: {  	[sflag:s4] =	ssyncset.done $0x0  }
0x3d8: {  	[sflag:s4] =	ssyncadd.s32 $0xFFFFE000  }
0x3d9: {  	_ =	swait.ge [sflag:s4], $0x2000  }
0x3da: {  	[sflag:s4] =	ssyncset.done $0x0  }
0x3db: {  	[sflag:s4] =	ssyncadd.s32 $0xFFFFE000  }
0x3dc: {  	_ =	swait.ge [sflag:s4], $0x2000  }
0x3dd: {  	[sflag:s4] =	ssyncset.done $0x0  }
0x3de: {  	s20 =	rddreg [dreg:$0x1c];
	[sflag:s4] =	ssyncadd.s32 $0xFFFFE000  }
0x3df: {  	[hbm4b:s20+s9] =	stream.strided.scatter [tilespmem:s5], [sflag:$0x3], $0x4000, s3, s9, $0x38;
	[tilespmem:$0x11200] =	vst v63  }
0x3e0: {  	s25 =	rddreg [dreg:$0x1d]  }
0x3e1: {  	[hbm4b:s25+s9] =	stream.strided.scatter [tilespmem:s7], [sflag:$0x3], $0x4000, s3, s9, $0x38;
	[tilespmem:$0x11200] =	vst v63  }
0x3e2: {  	_ =	swait.ge [sflag:s8], $0x4000  }
0x3e3: {  	[sflag:s8] =	ssyncset.done $0x0  }
0x3e4: {  	[sflag:s8] =	ssyncadd.s32 $0xFFFFC000  }
0x3e5: {  	_ =	swait.ge [sflag:s8], $0x4000  }
0x3e6: {  	[sflag:s8] =	ssyncset.done $0x0  }
0x3e7: {  	s30 =	simm.s32 $0xC00;
	s29 =	sld [smem:$0x7F8];
	[sflag:s8] =	ssyncadd.s32 $0xFFFFC000  }
0x3e8: {  	[tilespmem:s5], [sflag:$0x1] =	stream.indirect.gather [hbm4b:s2+s3], $0x40, s30, s3, $0xb8;
	[tilespmem:$0x11200] =	vst v63  }
0x3e9: {  	_ = 	snop  }
0x3ea: {  	[tilespmem:s16], [sflag:$0x1] =	stream.indirect.gather [hbm4b:s2+s3], $0x40, s29, s3, $0xb8;
	[tilespmem:$0x11200] =	vst v63  }
0x3eb: {  	s10 =	simm.s32 $0xD00;
	s31 =	sld [smem:$0x7F9]  }
0x3ec: {  	[tilespmem:s7], [sflag:$0x1] =	stream.indirect.gather [hbm4b:s2+s3], $0x40, s10, s3, $0xb8;
	[tilespmem:$0x11200] =	vst v63  }
0x3ed: {  	_ = 	snop  }
0x3ee: {  	[tilespmem:s22], [sflag:$0x1] =	stream.indirect.gather [hbm4b:s2+s3], $0x40, s31, s3, $0xb8;
	[tilespmem:$0x11200] =	vst v63  }
0x3ef: {  	_ =	swait.ge [sflag:s14], $0x2000  }
0x3f0: {  	[sflag:s14] =	ssyncset.done $0x0  }
0x3f1: {  	[sflag:s14] =	ssyncadd.s32 $0xFFFFE000  }
0x3f2: {  	_ =	swait.ge [sflag:s14], $0x2000  }
0x3f3: {  	[sflag:s14] =	ssyncset.done $0x0  }
0x3f4: {  	[sflag:s14] =	ssyncadd.s32 $0xFFFFE000  }
0x3f5: {  	_ =	swait.ge [sflag:s14], $0x2000  }
0x3f6: {  	[sflag:s14] =	ssyncset.done $0x0  }
0x3f7: {  	[sflag:s14] =	ssyncadd.s32 $0xFFFFE000  }
0x3f8: {  	_ =	swait.ge [sflag:s14], $0x2000  }
0x3f9: {  	[sflag:s14] =	ssyncset.done $0x0  }
0x3fa: {  	s12 =	rddreg [dreg:$0x1e];
	[sflag:s14] =	ssyncadd.s32 $0xFFFFE000  }
0x3fb: {  	[hbm4b:s12+s9] =	stream.strided.scatter [tilespmem:s23], [sflag:$0x4], $0x4000, s3, s9, $0x38;
	[tilespmem:$0x11200] =	vst v63  }
0x3fc: {  	s13 =	rddreg [dreg:$0x1f]  }
0x3fd: {  	[hbm4b:s13+s9] =	stream.strided.scatter [tilespmem:s11], [sflag:$0x4], $0x4000, s3, s9, $0x38;
	[tilespmem:$0x11200] =	vst v63  }
0x3fe: {  	_ =	swait.ge [sflag:s6], $0x4000  }
0x3ff: {  	[sflag:s6] =	ssyncset.done $0x0  }
0x400: {  	[sflag:s6] =	ssyncadd.s32 $0xFFFFC000  }
0x401: {  	_ =	swait.ge [sflag:s6], $0x4000  }
0x402: {  	[sflag:s6] =	ssyncset.done $0x0  }
0x403: {  	s17 =	sld [smem:$0x7FA];
	[sflag:s6] =	ssyncadd.s32 $0xFFFFC000  }
0x404: {  	[tilespmem:s23], [sflag:$0x2] =	stream.indirect.gather [hbm4b:s2+s3], $0x40, s24, s3, $0xb8;
	[tilespmem:$0x11200] =	vst v63  }
0x405: {  	_ = 	snop  }
0x406: {  	[tilespmem:s15], [sflag:$0x2] =	stream.indirect.gather [hbm4b:s2+s3], $0x40, s17, s3, $0xb8;
	[tilespmem:$0x11200] =	vst v63  }
0x407: {  	s18 =	sld [smem:$0x7FB]  }
0x408: {  	[tilespmem:s11], [sflag:$0x2] =	stream.indirect.gather [hbm4b:s2+s3], $0x40, s26, s3, $0xb8;
	[tilespmem:$0x11200] =	vst v63  }
0x409: {  	_ = 	snop  }
0x40a: {  	[tilespmem:s19], [sflag:$0x2] =	stream.indirect.gather [hbm4b:s2+s3], $0x40, s18, s3, $0xb8;
	[tilespmem:$0x11200] =	vst v63  }
0x40b: {  	_ =	swait.ge [sflag:s4], $0x2000  }
0x40c: {  	[sflag:s4] =	ssyncset.done $0x0  }
0x40d: {  	[sflag:s4] =	ssyncadd.s32 $0xFFFFE000  }
0x40e: {  	_ =	swait.ge [sflag:s4], $0x2000  }
0x40f: {  	[sflag:s4] =	ssyncset.done $0x0  }
0x410: {  	[sflag:s4] =	ssyncadd.s32 $0xFFFFE000  }
0x411: {  	_ =	swait.ge [sflag:s4], $0x2000  }
0x412: {  	[sflag:s4] =	ssyncset.done $0x0  }
0x413: {  	[sflag:s4] =	ssyncadd.s32 $0xFFFFE000  }
0x414: {  	_ =	swait.ge [sflag:s4], $0x2000  }
0x415: {  	s19 =	sld [smem:$0x7E7]  }
0x416: {  	[sflag:s4] =	ssyncset.done $0x0  }
0x417: {  	s20 =	sld [smem:$0x7E8];
	[sflag:s4] =	ssyncadd.s32 $0xFFFFE000  }
0x418: {  	[hbm4b:s19+s9] =	stream.strided.scatter [tilespmem:s5], [sflag:$0x3], $0x4000, s3, s9, $0x38;
	[tilespmem:$0x11200] =	vst v63  }
0x419: {  	_ = 	snop  }
0x41a: {  	[hbm4b:s20+s9] =	stream.strided.scatter [tilespmem:s7], [sflag:$0x3], $0x4000, s3, s9, $0x38;
	[tilespmem:$0x11200] =	vst v63  }
0x41b: {  	_ =	swait.ge [sflag:s8], $0x4000  }
0x41c: {  	[sflag:s8] =	ssyncset.done $0x0  }
0x41d: {  	[sflag:s8] =	ssyncadd.s32 $0xFFFFC000  }
0x41e: {  	_ =	swait.ge [sflag:s8], $0x4000  }
0x41f: {  	[sflag:s8] =	ssyncset.done $0x0  }
0x420: {  	s24 =	sld [smem:$0x7FC];
	[sflag:s8] =	ssyncadd.s32 $0xFFFFC000  }
0x421: {  	[tilespmem:s5], [sflag:$0x1] =	stream.indirect.gather [hbm4b:s2+s3], $0x40, s28, s3, $0xb8;
	[tilespmem:$0x11200] =	vst v63  }
0x422: {  	_ = 	snop  }
0x423: {  	[tilespmem:s16], [sflag:$0x1] =	stream.indirect.gather [hbm4b:s2+s3], $0x40, s24, s3, $0xb8;
	[tilespmem:$0x11200] =	vst v63  }
0x424: {  	s25 =	sld [smem:$0x7FD]  }
0x425: {  	[tilespmem:s7], [sflag:$0x1] =	stream.indirect.gather [hbm4b:s2+s3], $0x40, s21, s3, $0xb8;
	[tilespmem:$0x11200] =	vst v63  }
0x426: {  	_ = 	snop  }
0x427: {  	[tilespmem:s22], [sflag:$0x1] =	stream.indirect.gather [hbm4b:s2+s3], $0x40, s25, s3, $0xb8;
	[tilespmem:$0x11200] =	vst v63  }
0x428: {  	_ =	swait.ge [sflag:s14], $0x2000  }
0x429: {  	[sflag:s14] =	ssyncset.done $0x0  }
0x42a: {  	[sflag:s14] =	ssyncadd.s32 $0xFFFFE000  }
0x42b: {  	_ =	swait.ge [sflag:s14], $0x2000  }
0x42c: {  	[sflag:s14] =	ssyncset.done $0x0  }
0x42d: {  	[sflag:s14] =	ssyncadd.s32 $0xFFFFE000  }
0x42e: {  	_ =	swait.ge [sflag:s14], $0x2000  }
0x42f: {  	[sflag:s14] =	ssyncset.done $0x0  }
0x430: {  	[sflag:s14] =	ssyncadd.s32 $0xFFFFE000  }
0x431: {  	_ =	swait.ge [sflag:s14], $0x2000  }
0x432: {  	s26 =	sld [smem:$0x7E9]  }
0x433: {  	[sflag:s14] =	ssyncset.done $0x0  }
0x434: {  	s28 =	sld [smem:$0x7EA];
	[sflag:s14] =	ssyncadd.s32 $0xFFFFE000  }
0x435: {  	[hbm4b:s26+s9] =	stream.strided.scatter [tilespmem:s23], [sflag:$0x4], $0x4000, s3, s9, $0x38;
	[tilespmem:$0x11200] =	vst v63  }
0x436: {  	_ = 	snop  }
0x437: {  	[hbm4b:s28+s9] =	stream.strided.scatter [tilespmem:s11], [sflag:$0x4], $0x4000, s3, s9, $0x38;
	[tilespmem:$0x11200] =	vst v63  }
0x438: {  	_ =	swait.ge [sflag:s4], $0x2000  }
0x439: {  	[sflag:s4] =	ssyncset.done $0x0  }
0x43a: {  	[sflag:s4] =	ssyncadd.s32 $0xFFFFE000  }
0x43b: {  	_ =	swait.ge [sflag:s4], $0x2000  }
0x43c: {  	[sflag:s4] =	ssyncset.done $0x0  }
0x43d: {  	[sflag:s4] =	ssyncadd.s32 $0xFFFFE000  }
0x43e: {  	_ =	swait.ge [sflag:s4], $0x2000  }
0x43f: {  	[sflag:s4] =	ssyncset.done $0x0  }
0x440: {  	[sflag:s4] =	ssyncadd.s32 $0xFFFFE000  }
0x441: {  	_ =	swait.ge [sflag:s4], $0x2000  }
0x442: {  	s29 =	sld [smem:$0x7EB]  }
0x443: {  	[sflag:s4] =	ssyncset.done $0x0  }
0x444: {  	s30 =	sld [smem:$0x7EC];
	[sflag:s4] =	ssyncadd.s32 $0xFFFFE000  }
0x445: {  	[hbm4b:s29+s9] =	stream.strided.scatter [tilespmem:s5], [sflag:$0x3], $0x4000, s3, s9, $0x38;
	[tilespmem:$0x11200] =	vst v63  }
0x446: {  	_ = 	snop  }
0x447: {  	[hbm4b:s30+s9] =	stream.strided.scatter [tilespmem:s7], [sflag:$0x3], $0x4000, s3, s9, $0x38;
	[tilespmem:$0x11200] =	vst v63  }
0x448: {  	_ =	swait.ge [sflag:s8], $0x4000  }
0x449: {  	[sflag:s8] =	ssyncset.done $0x0  }
0x44a: {  	[sflag:s8] =	ssyncadd.s32 $0xFFFFC000  }
0x44b: {  	_ =	swait.ge [sflag:s8], $0x4000  }
0x44c: {  	[sflag:s8] =	ssyncset.done $0x0  }
0x44d: {  	[sflag:s8] =	ssyncadd.s32 $0xFFFFC000  }
0x44e: {  	_ =	swait.ge [sflag:s6], $0x4000  }
0x44f: {  	[sflag:s6] =	ssyncset.done $0x0  }
0x450: {  	[sflag:s6] =	ssyncadd.s32 $0xFFFFC000  }
0x451: {  	_ =	swait.ge [sflag:s6], $0x4000  }
0x452: {  	[sflag:s6] =	ssyncset.done $0x0  }
0x453: {  	[sflag:s6] =	ssyncadd.s32 $0xFFFFC000  }
0x454: {  	_ =	sfence.sel $0x180000  }
0x455: {  	[bflag:$0x0] =	sbarrier.arrive $0xFFFF  }
0x456: {  	_ =	strace $0x90000047  }
0x457: {  	s31 =	stileid.u32;
	[bflag:$0x2] =	sbarrier.arrive $0xFFFF  }
0x458: {  	p0 =	sne.s32 s31, $0x0;
	s0 =	rddreg [dreg:$0x2]  }
0x459: {  	s0 =	sadd.s32 @!p0 $0x100000, s0  }
0x45a: {  	[sflag:s0] =	ssyncadd.tile.s32 @!p0 $0x1;
	_ =	shalt  }
.LBB2_6:
.Ltmp3:
0x45b: {  	(pc) =	sbr.rel .LBB2_5-.Ltmp3, $4  }
0x45c: {  	_ = 	snop  }
0x45d: {  	s1 =	simm.s32 $0x800;
	s29 =	simm.s32 $0x900;
	s0 =	simm.s32 $0x600  }
0x45e: {  	s21 =	simm.s32 $0x700;
	s13 =	simm.s32 $0x400;
	s20 =	simm.s32 $0x500  }
0x45f: {  	s30 =	simm.s32 $0x200;
	s10 =	simm.s32 $0x100;
	s12 =	sld [smem:$0x7E5]  }
.Lfunc_end2:
_tile_overlayer_lowered:
.L_overlay_start_2:
0x460: {  	(tag) =	ssettag $0x2  }
0x461: {  	s0 =	rddreg [dreg:$0x0];
	s2 =	stileid.u32  }
0x462: {  	s1 =	rddreg [dreg:$0x1];
	p0 =	sne.s32 s2, $0x0  }
0x463: {  	s3 =	rddreg [dreg:$0x2];
	[bflag:$0x3] =	sbarrier.arrive $0xFFFF;
	s2 =	simm.s32 @!p0 $0x1C05  }
0x464: {  	[timem:s3], [sflag:s2] =	dma.local @!p0 [hbm:s0], s1  }
0x465: {  	s0 =	simm.s32 @!p0 $0x5  }
0x466: {  	_ =	swait.ge @!p0 [sflag:s0], s1  }
0x467: {  	s1 =	ssub.s32 @!p0 $0x0, s1;
	[sflag:s0] =	ssyncset.done @!p0 $0x0  }
0x468: {  	[sflag:s0] =	ssyncadd.s32 @!p0 s1  }
0x469: {  	[bflag:$0x3] =	sbarrier.arrive $0xFFFF  }
0x46a: {  	_ =	shalt  }

</sc_bundles>
